<compile_context>
chip_gen: v7x
topology: tpu7x:2x2x1
jax: 0.10.2.dev20260603
libtpu: 0.0.44.dev20260713+nightly
codegen_flags: <defaults>
</compile_context>

<pallas_src>
import functools

import jax
import jax.numpy as jnp
from jax import lax
from jax.experimental import pallas as pl
from jax.experimental.pallas import tpu as pltpu
from jax.experimental.pallas import tpu_sc as plsc

_EPS = 1e-6
_SIGMA_BOOST = 2.0
_B = 64
_K = 16384
_IN = 4096
_OUT = 4096
_NC, _NS, _L = 2, 16, 16
_NW = _NC * _NS

_BH = 32
_NH = _B // _BH
_NR = _BH * _K // 128
_RB = 1024


def _hyper_body(r0_ref, r1_ref, r2_ref, r3_ref, pk0, w0, w1, w2, w3):
    m0 = jax.nn.sigmoid(r0_ref[0]) * (_OUT - 1.0)
    m1 = jax.nn.sigmoid(r1_ref[0]) * (_IN - 1.0)
    sg = jax.nn.softplus(r2_ref[0] + _SIGMA_BOOST) + _EPS
    v = r3_ref[0]
    m0, m1, sg, v = (a.reshape(_RB, 128) for a in (m0, m1, sg, v))
    inv = 1.0 / (sg * float(_OUT) + _EPS)

    f0 = jnp.floor(m0)
    f1 = jnp.floor(m1)
    p0a = f0
    p0b = jnp.minimum(f0 + 1.0, _OUT - 1.0)
    p1a = f1
    p1b = jnp.minimum(f1 + 1.0, _IN - 1.0)

    q0a = (p0a - m0) * (p0a - m0)
    q0b = (p0b - m0) * (p0b - m0)
    q1a = (p1a - m1) * (p1a - m1)
    q1b = (p1b - m1) * (p1b - m1)

    e00 = jnp.exp(-0.5 * (q0a + q1a) * inv)
    e01 = jnp.exp(-0.5 * (q0a + q1b) * inv)
    e10 = jnp.exp(-0.5 * (q0b + q1a) * inv)
    e11 = jnp.exp(-0.5 * (q0b + q1b) * inv)
    scale = v / (e00 + e01 + e10 + e11 + _EPS)

    i0a = p0a.astype(jnp.int32) * _IN
    i1a = p1a.astype(jnp.int32)

    pk0[...] = i0a + i1a
    w0[...] = e00 * scale
    w1[...] = e01 * scale
    w2[...] = e10 * scale
    w3[...] = e11 * scale


_BB = _RB * 128 // _K


def _in_spec(c, h):
    boff = h * _BH // _BB
    return pl.BlockSpec((1, _BB, _K), lambda j, c=c, boff=boff: (c, boff + j, 0))


def _hyper_tc(rt3, h, interpret=False):
    ospec = pl.BlockSpec((_RB, 128), lambda j: (j, 0))
    oshape = jax.ShapeDtypeStruct((_NR, 128), jnp.int32)
    wshape = jax.ShapeDtypeStruct((_NR, 128), jnp.float32)
    return pl.pallas_call(
        _hyper_body,
        grid=(_NR // _RB,),
        in_specs=[_in_spec(c, h) for c in range(4)],
        out_specs=[ospec] * 5,
        out_shape=[oshape] + [wshape] * 4,
        interpret=interpret,
    )(rt3, rt3, rt3, rt3)


_CH = 4096
_NCHUNK = _K // _CH


_UNROLL = 8


def _scatter_body(
    h,
    x_hbm,
    pk_hbm,
    w_hbm0,
    w_hbm1,
    w_hbm2,
    w_hbm3,
    y_hbm,
    acc_v,
    x_v,
    pk_v0,
    wa_v0,
    wb_v0,
    wc_v0,
    wd_v0,
    pk_v1,
    wa_v1,
    wb_v1,
    wc_v1,
    wd_v1,
    y_v,
    sem0,
    sem1,
):
    w_planes = (w_hbm0, w_hbm1, w_hbm2, w_hbm3)
    cid = lax.axis_index("c")
    sid = lax.axis_index("s")
    wid = sid * _NC + cid
    lane = lax.iota(jnp.int32, _L)
    bank = lane * _OUT
    zero16 = jnp.zeros((_L,), jnp.float32)
    bufs = (
        (pk_v0, (wa_v0, wb_v0, wc_v0, wd_v0), sem0),
        (pk_v1, (wa_v1, wb_v1, wc_v1, wd_v1), sem1),
    )

    def _start(b, ch, buf):
        pk_v, wv, sem = bufs[buf]
        base = b * _K + ch * _CH
        hs = [pltpu.async_copy(pk_hbm.at[pl.ds(base, _CH)], pk_v, sem)]
        for c in range(4):
            hs.append(pltpu.async_copy(w_planes[c].at[pl.ds(base, _CH)], wv[c], sem))
        return hs

    @plsc.parallel_loop(0, (_OUT * _L) // _L, 1, unroll=16)
    def _zero(i):
        acc_v[pl.ds(i * _L, _L)] = zero16

    for bi in range(_BH // _NW):
        b = wid * (_BH // _NW) + bi
        pltpu.sync_copy(x_hbm.at[pl.ds((h * _BH + b) * _IN, _IN)], x_v)

        pend = {0: _start(b, 0, 0)}
        for ch in range(_NCHUNK):
            buf = ch % 2
            if ch + 1 < _NCHUNK:
                pend[ch + 1] = _start(b, ch + 1, 1 - buf)
            for hcopy in pend.pop(ch):
                hcopy.wait()
            pk_v, wv, _ = bufs[buf]
            wa_v, wb_v, wc_v, wd_v = wv

            @plsc.parallel_loop(0, _CH // _L, 1, unroll=_UNROLL)
            def _accum(i):
                off = i * _L
                pk = pk_v[pl.ds(off, _L)]
                oid0 = jnp.right_shift(pk, 12)
                iid0 = jnp.bitwise_and(pk, _IN - 1)
                iid1 = jnp.minimum(iid0 + 1, _IN - 1)
                oid1 = jnp.minimum(oid0 + 1, _OUT - 1)
                xa = plsc.load_gather(x_v, [iid0])
                xb = plsc.load_gather(x_v, [iid1])
                c0 = wa_v[pl.ds(off, _L)] * xa + wb_v[pl.ds(off, _L)] * xb
                c1 = wc_v[pl.ds(off, _L)] * xa + wd_v[pl.ds(off, _L)] * xb
                plsc.addupdate_scatter(acc_v, [bank + oid0], c0)
                plsc.addupdate_scatter(acc_v, [bank + oid1], c1)

        @plsc.parallel_loop(0, _OUT // _L, 1, unroll=2)
        def _reduce(g):
            s = acc_v[pl.ds(g * _L, _L)]
            acc_v[pl.ds(g * _L, _L)] = zero16
            for l in range(1, _L):
                off = l * _OUT + g * _L
                s = s + acc_v[pl.ds(off, _L)]
                acc_v[pl.ds(off, _L)] = zero16
            y_v[pl.ds(g * _L, _L)] = s
        pltpu.sync_copy(y_v, y_hbm.at[pl.ds(b * _OUT, _OUT)])


@functools.cache
def _scatter_sc(h):
    chunk_bufs = [
        pltpu.VMEM((_CH,), jnp.int32),
        pltpu.VMEM((_CH,), jnp.float32),
        pltpu.VMEM((_CH,), jnp.float32),
        pltpu.VMEM((_CH,), jnp.float32),
        pltpu.VMEM((_CH,), jnp.float32),
    ]
    return pl.kernel(
        functools.partial(_scatter_body, h),
        out_type=jax.ShapeDtypeStruct((_BH * _OUT,), jnp.float32),
        compiler_params=pltpu.CompilerParams(needs_layout_passes=False),
        mesh=plsc.VectorSubcoreMesh(
            core_axis_name="c", subcore_axis_name="s", num_cores=_NC, num_subcores=_NS
        ),
        scratch_types=[
            pltpu.VMEM((_OUT * _L,), jnp.float32),
            pltpu.VMEM((_IN,), jnp.float32),
        ]
        + chunk_bufs
        + chunk_bufs
        + [
            pltpu.VMEM((_OUT,), jnp.float32),
            pltpu.SemaphoreType.DMA,
            pltpu.SemaphoreType.DMA,
        ],
    )


def kernel(x, res):
    xf = x.reshape(-1)
    rt3 = jnp.transpose(res, (2, 0, 1))
    ys = []
    for h in range(_NH):
        planes = _hyper_tc(rt3, h)
        flat = [p.reshape(-1) for p in planes]
        ys.append(_scatter_sc(h)(xf, *flat))
    return jnp.concatenate(ys).reshape(_B, _OUT)

# --- scband reference (transcript-rebuilt; emitter-appended) ---
"""Pipeline reference for scband-hyper-layer-24446953849354 (READ-ONLY COPY).

The authoritative reference and input builder live on the scoring server;
editing this copy changes nothing except your own understanding.
"""

import jax, jax.numpy as jnp
import numpy as np

EPSILON = 1e-06
SIGMA_BOOST = 2.0
OUT_SIZE = 4096


def setup_inputs(seed: int = 0) -> dict:
    key = jax.random.key(seed)
    k1, k2 = jax.random.split(key)
    x = jax.random.normal(k1, (64, 4096), dtype=jnp.float32)
    res = jax.random.normal(k2, (64, 16384, 4), dtype=jnp.float32)
    return {"x": x, "res": res}


def _split_out(res, in_size, out_size):
    # Faithful port of HyperLayer.split_out
    b, k, width = res.shape
    w_rank = width - 2  # = 2 (out rank 1 + in rank 1)
    s = jnp.array([float(out_size), float(in_size)], dtype=jnp.float32)
    means = jax.nn.sigmoid(res[:, :, 0:w_rank])
    means = means * (s - 1.0)[None, None, :]
    sigmas = jax.nn.softplus(res[:, :, w_rank] + SIGMA_BOOST) + EPSILON
    values = res[:, :, w_rank + 1]
    sigmas = sigmas[:, :, None] * s[None, None, :]
    return means, sigmas, values


def _densities(points, means, sigmas):
    # Faithful port of densities(): unnormalized diagonal-MVN pdfs
    # points: [B, K, D, R]; means/sigmas: [B, K, R]
    m = means[:, :, None, :]
    sg = sigmas[:, :, None, :]
    sig_sq = jnp.sqrt(1.0 / (EPSILON + sg))
    diff = (points - m) * sig_sq
    products = jnp.sum(diff * diff, axis=-1)  # [B, K, D]
    return jnp.exp(-0.5 * products)


def reference(x, res):
    B, in_size = x.shape
    out_size = OUT_SIZE
    _, K, width = res.shape
    w_rank = width - 2
    s = jnp.array([float(out_size), float(in_size)], dtype=jnp.float32)

    means, sigmas, values = _split_out(res, in_size, out_size)

    # floor_mask: all 2^rank floor/ceil combinations (itertools.product over rank=2)
    mask = jnp.array([[1.0, 1.0], [1.0, 0.0], [0.0, 1.0], [0.0, 0.0]], dtype=jnp.float32)  # [4, 2]; 1 -> floor, 0 -> ceil
    fl = jnp.floor(means)  # [B, K, 2]
    ints = fl[:, :, None, :] + (1.0 - mask)[None, None, :, :]  # [B, K, 4, 2]
    ints = jnp.clip(ints, 0.0, (s - 1.0)[None, None, None, :])

    props = _densities(ints, means, sigmas)  # [B, K, 4]
    props = props / (jnp.sum(props, axis=2, keepdims=True) + EPSILON)
    vals = values[:, :, None] * props  # [B, K, 4]

    ii = ints.astype(jnp.int32)
    out_idx = ii[..., 0].reshape(B, K * 4)  # [B, K*4]
    in_idx = ii[..., 1].reshape(B, K * 4)

    # sparse matmul: y[b, o] += val * x[b, i]  (gather + scatter-add)
    xg = jnp.take_along_axis(x, in_idx, axis=1)  # [B, K*4]
    contrib = vals.reshape(B, K * 4) * xg

    flat_idx = (jnp.arange(B, dtype=jnp.int32)[:, None] * out_size + out_idx).reshape(-1)
    y = jnp.zeros((B * out_size,), dtype=jnp.float32).at[flat_idx].add(contrib.reshape(-1))
    return y.reshape(B, out_size)

if __name__ == "__main__":
    import jax
    _d = setup_inputs()
    print(jax.jit(kernel)(*tuple(_d.values())))

</pallas_src>

<mosaic_0001>
#map = affine_map<(d0, d1) -> (0)>
module attributes {stable_mosaic.version = 14 : i64} {
  func.func @_scatter_body(%arg0: i32, %arg1: i32, %arg2: memref<262144xf32, #tpu.memory_space<hbm>>, %arg3: memref<524288xi32, #tpu.memory_space<hbm>>, %arg4: memref<524288xf32, #tpu.memory_space<hbm>>, %arg5: memref<524288xf32, #tpu.memory_space<hbm>>, %arg6: memref<524288xf32, #tpu.memory_space<hbm>>, %arg7: memref<524288xf32, #tpu.memory_space<hbm>>, %arg8: memref<131072xf32, #tpu.memory_space<hbm>>, %arg9: memref<65536xf32, #tpu.memory_space<vmem>>, %arg10: memref<4096xf32, #tpu.memory_space<vmem>>, %arg11: memref<4096xi32, #tpu.memory_space<vmem>>, %arg12: memref<4096xf32, #tpu.memory_space<vmem>>, %arg13: memref<4096xf32, #tpu.memory_space<vmem>>, %arg14: memref<4096xf32, #tpu.memory_space<vmem>>, %arg15: memref<4096xf32, #tpu.memory_space<vmem>>, %arg16: memref<4096xi32, #tpu.memory_space<vmem>>, %arg17: memref<4096xf32, #tpu.memory_space<vmem>>, %arg18: memref<4096xf32, #tpu.memory_space<vmem>>, %arg19: memref<4096xf32, #tpu.memory_space<vmem>>, %arg20: memref<4096xf32, #tpu.memory_space<vmem>>, %arg21: memref<4096xf32, #tpu.memory_space<vmem>>, %arg22: memref<!tpu.dma_semaphore, #tpu.memory_space<semaphore_mem>>, %arg23: memref<!tpu.dma_semaphore, #tpu.memory_space<semaphore_mem>>) attributes {dimension_semantics = [#tpu.dimension_semantics<core_parallel>, #tpu.dimension_semantics<subcore_parallel>], iteration_bounds = array<i64: 2, 16>, scalar_prefetch = 0 : i64, scratch_operands = 15 : i64, tpu.core_type = #tpu.core_type<sc_vector_subcore>, window_params = [{transform_indices = #map}, {transform_indices = #map}, {transform_indices = #map}, {transform_indices = #map}, {transform_indices = #map}, {transform_indices = #map}, {transform_indices = #map}]} {
    %mul3A = arith.constant 2 : i32
    %mul3A_0 = arith.muli %arg1, %mul3A : i32
    %add3A = arith.addi %mul3A_0, %arg0 : i32
    %iota3A = tpu.iota {dimensions = array<i32: 0>} : vector<16xi32>
    %mul3A_1 = arith.constant 4096 : i32
    %mul3A_2 = vector.broadcast %mul3A_1 : i32 to vector<16xi32>
    %mul3A_3 = arith.muli %iota3A, %mul3A_2 : vector<16xi32>
    %broadcast_in_dim3A = arith.constant 0.000000e+00 : f32
    %broadcast_in_dim3A_4 = vector.broadcast %broadcast_in_dim3A : f32 to vector<16xf32>
    %parallel_loop3A = arith.constant 0 : i32
    %parallel_loop3A_5 = arith.constant 4096 : i32
    %parallel_loop3A_6 = arith.constant 1 : i32
    scf.for %parallel_loop3A_126 = %parallel_loop3A to %parallel_loop3A_5 step %parallel_loop3A_6  : i32 {
      %parallel_loop3A_127 = arith.constant 16 : i32
      %parallel_loop3A_128 = arith.muli %parallel_loop3A_126, %parallel_loop3A_127 : i32
      %parallel_loop3A_129 = arith.index_cast %parallel_loop3A_128 : i32 to index
      %parallel_loop3A_130 = tpu.vector_load %arg9[%parallel_loop3A_129] {strides = array<i32>} : memref<65536xf32, #tpu.memory_space<vmem>>, vector<16xf32>,
      tpu.vector_store %arg9[%parallel_loop3A_129], %broadcast_in_dim3A_4 {strides = array<i32>} : memref<65536xf32, #tpu.memory_space<vmem>>, vector<16xf32>,
    } {sc.loop_unroll_factor = 16 : i64, sc.parallel_access}
    %mul3A_7 = arith.constant 1 : i32
    %mul3A_8 = arith.muli %add3A, %mul3A_7 : i32
    %add3A_9 = arith.constant 0 : i32
    %add3A_10 = arith.addi %mul3A_8, %add3A_9 : i32
    %add3A_11 = arith.constant 32 : i32
    %add3A_12 = arith.addi %add3A_11, %add3A_10 : i32
    %mul3A_13 = arith.constant 4096 : i32
    %mul3A_14 = arith.muli %add3A_12, %mul3A_13 : i32
    "tpu.region"() ({
      %run_scoped3A = tpu.sem_alloc : memref<!tpu.dma_semaphore, #tpu.memory_space<semaphore_mem>>
      %dma_start3A_126 = tpu.memref_slice %arg2[%mul3A_14] : memref<262144xf32, #tpu.memory_space<hbm>> -> memref<4096xf32, #tpu.memory_space<hbm>>
      %dma_start3A_127 = tpu.memref_slice %arg2[%mul3A_14] : memref<262144xf32, #tpu.memory_space<hbm>> -> memref<4096xf32, #tpu.memory_space<hbm>>
      tpu.enqueue_dma source(%dma_start3A_127 : memref<4096xf32, #tpu.memory_space<hbm>>) target(%arg10 : memref<4096xf32, #tpu.memory_space<vmem>>) target_semaphore(%run_scoped3A : memref<!tpu.dma_semaphore, #tpu.memory_space<semaphore_mem>>)
      %dma_wait3A_128 = tpu.memref_slice %arg2[%mul3A_14] : memref<262144xf32, #tpu.memory_space<hbm>> -> memref<4096xf32, #tpu.memory_space<hbm>>
      %dma_wait3A_129 = tpu.memref_slice %arg2[%mul3A_14] : memref<262144xf32, #tpu.memory_space<hbm>> -> memref<4096xf32, #tpu.memory_space<hbm>>
      tpu.wait_dma2 semaphore(%run_scoped3A : memref<!tpu.dma_semaphore, #tpu.memory_space<semaphore_mem>>) src(%dma_wait3A_129 : memref<4096xf32, #tpu.memory_space<hbm>>) dst(%arg10 : memref<4096xf32, #tpu.memory_space<vmem>>)
      tpu.yield
    }) : () -> ()
    %mul3A_15 = arith.constant 16384 : i32
    %mul3A_16 = arith.muli %add3A_10, %mul3A_15 : i32
    %add3A_17 = arith.constant 0 : i32
    %add3A_18 = arith.addi %mul3A_16, %add3A_17 : i32
    %dma_start3A = tpu.memref_slice %arg3[%add3A_18] : memref<524288xi32, #tpu.memory_space<hbm>> -> memref<4096xi32, #tpu.memory_space<hbm>>
    %dma_start3A_19 = tpu.memref_slice %arg3[%add3A_18] : memref<524288xi32, #tpu.memory_space<hbm>> -> memref<4096xi32, #tpu.memory_space<hbm>>
    tpu.enqueue_dma source(%dma_start3A_19 : memref<4096xi32, #tpu.memory_space<hbm>>) target(%arg11 : memref<4096xi32, #tpu.memory_space<vmem>>) target_semaphore(%arg22 : memref<!tpu.dma_semaphore, #tpu.memory_space<semaphore_mem>>)
    %dma_start3A_20 = tpu.memref_slice %arg4[%add3A_18] : memref<524288xf32, #tpu.memory_space<hbm>> -> memref<4096xf32, #tpu.memory_space<hbm>>
    %dma_start3A_21 = tpu.memref_slice %arg4[%add3A_18] : memref<524288xf32, #tpu.memory_space<hbm>> -> memref<4096xf32, #tpu.memory_space<hbm>>
    tpu.enqueue_dma source(%dma_start3A_21 : memref<4096xf32, #tpu.memory_space<hbm>>) target(%arg12 : memref<4096xf32, #tpu.memory_space<vmem>>) target_semaphore(%arg22 : memref<!tpu.dma_semaphore, #tpu.memory_space<semaphore_mem>>)
    %dma_start3A_22 = tpu.memref_slice %arg5[%add3A_18] : memref<524288xf32, #tpu.memory_space<hbm>> -> memref<4096xf32, #tpu.memory_space<hbm>>
    %dma_start3A_23 = tpu.memref_slice %arg5[%add3A_18] : memref<524288xf32, #tpu.memory_space<hbm>> -> memref<4096xf32, #tpu.memory_space<hbm>>
    tpu.enqueue_dma source(%dma_start3A_23 : memref<4096xf32, #tpu.memory_space<hbm>>) target(%arg13 : memref<4096xf32, #tpu.memory_space<vmem>>) target_semaphore(%arg22 : memref<!tpu.dma_semaphore, #tpu.memory_space<semaphore_mem>>)
    %dma_start3A_24 = tpu.memref_slice %arg6[%add3A_18] : memref<524288xf32, #tpu.memory_space<hbm>> -> memref<4096xf32, #tpu.memory_space<hbm>>
    %dma_start3A_25 = tpu.memref_slice %arg6[%add3A_18] : memref<524288xf32, #tpu.memory_space<hbm>> -> memref<4096xf32, #tpu.memory_space<hbm>>
    tpu.enqueue_dma source(%dma_start3A_25 : memref<4096xf32, #tpu.memory_space<hbm>>) target(%arg14 : memref<4096xf32, #tpu.memory_space<vmem>>) target_semaphore(%arg22 : memref<!tpu.dma_semaphore, #tpu.memory_space<semaphore_mem>>)
    %dma_start3A_26 = tpu.memref_slice %arg7[%add3A_18] : memref<524288xf32, #tpu.memory_space<hbm>> -> memref<4096xf32, #tpu.memory_space<hbm>>
    %dma_start3A_27 = tpu.memref_slice %arg7[%add3A_18] : memref<524288xf32, #tpu.memory_space<hbm>> -> memref<4096xf32, #tpu.memory_space<hbm>>
    tpu.enqueue_dma source(%dma_start3A_27 : memref<4096xf32, #tpu.memory_space<hbm>>) target(%arg15 : memref<4096xf32, #tpu.memory_space<vmem>>) target_semaphore(%arg22 : memref<!tpu.dma_semaphore, #tpu.memory_space<semaphore_mem>>)
    %mul3A_28 = arith.constant 16384 : i32
    %mul3A_29 = arith.muli %add3A_10, %mul3A_28 : i32
    %add3A_30 = arith.constant 4096 : i32
    %add3A_31 = arith.addi %mul3A_29, %add3A_30 : i32
    %dma_start3A_32 = tpu.memref_slice %arg3[%add3A_31] : memref<524288xi32, #tpu.memory_space<hbm>> -> memref<4096xi32, #tpu.memory_space<hbm>>
    %dma_start3A_33 = tpu.memref_slice %arg3[%add3A_31] : memref<524288xi32, #tpu.memory_space<hbm>> -> memref<4096xi32, #tpu.memory_space<hbm>>
    tpu.enqueue_dma source(%dma_start3A_33 : memref<4096xi32, #tpu.memory_space<hbm>>) target(%arg16 : memref<4096xi32, #tpu.memory_space<vmem>>) target_semaphore(%arg23 : memref<!tpu.dma_semaphore, #tpu.memory_space<semaphore_mem>>)
    %dma_start3A_34 = tpu.memref_slice %arg4[%add3A_31] : memref<524288xf32, #tpu.memory_space<hbm>> -> memref<4096xf32, #tpu.memory_space<hbm>>
    %dma_start3A_35 = tpu.memref_slice %arg4[%add3A_31] : memref<524288xf32, #tpu.memory_space<hbm>> -> memref<4096xf32, #tpu.memory_space<hbm>>
    tpu.enqueue_dma source(%dma_start3A_35 : memref<4096xf32, #tpu.memory_space<hbm>>) target(%arg17 : memref<4096xf32, #tpu.memory_space<vmem>>) target_semaphore(%arg23 : memref<!tpu.dma_semaphore, #tpu.memory_space<semaphore_mem>>)
    %dma_start3A_36 = tpu.memref_slice %arg5[%add3A_31] : memref<524288xf32, #tpu.memory_space<hbm>> -> memref<4096xf32, #tpu.memory_space<hbm>>
    %dma_start3A_37 = tpu.memref_slice %arg5[%add3A_31] : memref<524288xf32, #tpu.memory_space<hbm>> -> memref<4096xf32, #tpu.memory_space<hbm>>
    tpu.enqueue_dma source(%dma_start3A_37 : memref<4096xf32, #tpu.memory_space<hbm>>) target(%arg18 : memref<4096xf32, #tpu.memory_space<vmem>>) target_semaphore(%arg23 : memref<!tpu.dma_semaphore, #tpu.memory_space<semaphore_mem>>)
    %dma_start3A_38 = tpu.memref_slice %arg6[%add3A_31] : memref<524288xf32, #tpu.memory_space<hbm>> -> memref<4096xf32, #tpu.memory_space<hbm>>
    %dma_start3A_39 = tpu.memref_slice %arg6[%add3A_31] : memref<524288xf32, #tpu.memory_space<hbm>> -> memref<4096xf32, #tpu.memory_space<hbm>>
    tpu.enqueue_dma source(%dma_start3A_39 : memref<4096xf32, #tpu.memory_space<hbm>>) target(%arg19 : memref<4096xf32, #tpu.memory_space<vmem>>) target_semaphore(%arg23 : memref<!tpu.dma_semaphore, #tpu.memory_space<semaphore_mem>>)
    %dma_start3A_40 = tpu.memref_slice %arg7[%add3A_31] : memref<524288xf32, #tpu.memory_space<hbm>> -> memref<4096xf32, #tpu.memory_space<hbm>>
    %dma_start3A_41 = tpu.memref_slice %arg7[%add3A_31] : memref<524288xf32, #tpu.memory_space<hbm>> -> memref<4096xf32, #tpu.memory_space<hbm>>
    tpu.enqueue_dma source(%dma_start3A_41 : memref<4096xf32, #tpu.memory_space<hbm>>) target(%arg20 : memref<4096xf32, #tpu.memory_space<vmem>>) target_semaphore(%arg23 : memref<!tpu.dma_semaphore, #tpu.memory_space<semaphore_mem>>)
    %dma_wait3A = tpu.memref_slice %arg3[%add3A_18] : memref<524288xi32, #tpu.memory_space<hbm>> -> memref<4096xi32, #tpu.memory_space<hbm>>
    %dma_wait3A_42 = tpu.memref_slice %arg3[%add3A_18] : memref<524288xi32, #tpu.memory_space<hbm>> -> memref<4096xi32, #tpu.memory_space<hbm>>
    tpu.wait_dma2 semaphore(%arg22 : memref<!tpu.dma_semaphore, #tpu.memory_space<semaphore_mem>>) src(%dma_wait3A_42 : memref<4096xi32, #tpu.memory_space<hbm>>) dst(%arg11 : memref<4096xi32, #tpu.memory_space<vmem>>)
    %dma_wait3A_43 = tpu.memref_slice %arg4[%add3A_18] : memref<524288xf32, #tpu.memory_space<hbm>> -> memref<4096xf32, #tpu.memory_space<hbm>>
    %dma_wait3A_44 = tpu.memref_slice %arg4[%add3A_18] : memref<524288xf32, #tpu.memory_space<hbm>> -> memref<4096xf32, #tpu.memory_space<hbm>>
    tpu.wait_dma2 semaphore(%arg22 : memref<!tpu.dma_semaphore, #tpu.memory_space<semaphore_mem>>) src(%dma_wait3A_44 : memref<4096xf32, #tpu.memory_space<hbm>>) dst(%arg12 : memref<4096xf32, #tpu.memory_space<vmem>>)
    %dma_wait3A_45 = tpu.memref_slice %arg5[%add3A_18] : memref<524288xf32, #tpu.memory_space<hbm>> -> memref<4096xf32, #tpu.memory_space<hbm>>
    %dma_wait3A_46 = tpu.memref_slice %arg5[%add3A_18] : memref<524288xf32, #tpu.memory_space<hbm>> -> memref<4096xf32, #tpu.memory_space<hbm>>
    tpu.wait_dma2 semaphore(%arg22 : memref<!tpu.dma_semaphore, #tpu.memory_space<semaphore_mem>>) src(%dma_wait3A_46 : memref<4096xf32, #tpu.memory_space<hbm>>) dst(%arg13 : memref<4096xf32, #tpu.memory_space<vmem>>)
    %dma_wait3A_47 = tpu.memref_slice %arg6[%add3A_18] : memref<524288xf32, #tpu.memory_space<hbm>> -> memref<4096xf32, #tpu.memory_space<hbm>>
    %dma_wait3A_48 = tpu.memref_slice %arg6[%add3A_18] : memref<524288xf32, #tpu.memory_space<hbm>> -> memref<4096xf32, #tpu.memory_space<hbm>>
    tpu.wait_dma2 semaphore(%arg22 : memref<!tpu.dma_semaphore, #tpu.memory_space<semaphore_mem>>) src(%dma_wait3A_48 : memref<4096xf32, #tpu.memory_space<hbm>>) dst(%arg14 : memref<4096xf32, #tpu.memory_space<vmem>>)
    %dma_wait3A_49 = tpu.memref_slice %arg7[%add3A_18] : memref<524288xf32, #tpu.memory_space<hbm>> -> memref<4096xf32, #tpu.memory_space<hbm>>
    %dma_wait3A_50 = tpu.memref_slice %arg7[%add3A_18] : memref<524288xf32, #tpu.memory_space<hbm>> -> memref<4096xf32, #tpu.memory_space<hbm>>
    tpu.wait_dma2 semaphore(%arg22 : memref<!tpu.dma_semaphore, #tpu.memory_space<semaphore_mem>>) src(%dma_wait3A_50 : memref<4096xf32, #tpu.memory_space<hbm>>) dst(%arg15 : memref<4096xf32, #tpu.memory_space<vmem>>)
    %parallel_loop3A_51 = arith.constant 0 : i32
    %parallel_loop3A_52 = arith.constant 256 : i32
    %parallel_loop3A_53 = arith.constant 1 : i32
    scf.for %parallel_loop3A_126 = %parallel_loop3A_51 to %parallel_loop3A_52 step %parallel_loop3A_53  : i32 {
      %parallel_loop3A_127 = arith.constant 16 : i32
      %parallel_loop3A_128 = arith.muli %parallel_loop3A_126, %parallel_loop3A_127 : i32
      %parallel_loop3A_129 = arith.index_cast %parallel_loop3A_128 : i32 to index
      %parallel_loop3A_130 = tpu.vector_load %arg11[%parallel_loop3A_129] {strides = array<i32>} : memref<4096xi32, #tpu.memory_space<vmem>>, vector<16xi32>,
      %parallel_loop3A_131 = arith.constant 12 : i32
      %parallel_loop3A_132 = vector.broadcast %parallel_loop3A_131 : i32 to vector<16xi32>
      %parallel_loop3A_133 = arith.shrsi %parallel_loop3A_130, %parallel_loop3A_132 : vector<16xi32>
      %parallel_loop3A_134 = arith.constant 4095 : i32
      %parallel_loop3A_135 = vector.broadcast %parallel_loop3A_134 : i32 to vector<16xi32>
      %parallel_loop3A_136 = arith.andi %parallel_loop3A_130, %parallel_loop3A_135 : vector<16xi32>
      %parallel_loop3A_137 = arith.constant 1 : i32
      %parallel_loop3A_138 = vector.broadcast %parallel_loop3A_137 : i32 to vector<16xi32>
      %parallel_loop3A_139 = arith.addi %parallel_loop3A_136, %parallel_loop3A_138 : vector<16xi32>
      %parallel_loop3A_140 = arith.constant 4095 : i32
      %parallel_loop3A_141 = vector.broadcast %parallel_loop3A_140 : i32 to vector<16xi32>
      %parallel_loop3A_142 = arith.minsi %parallel_loop3A_139, %parallel_loop3A_141 : vector<16xi32>
      %parallel_loop3A_143 = arith.constant 1 : i32
      %parallel_loop3A_144 = vector.broadcast %parallel_loop3A_143 : i32 to vector<16xi32>
      %parallel_loop3A_145 = arith.addi %parallel_loop3A_133, %parallel_loop3A_144 : vector<16xi32>
      %parallel_loop3A_146 = arith.constant 4095 : i32
      %parallel_loop3A_147 = vector.broadcast %parallel_loop3A_146 : i32 to vector<16xi32>
      %parallel_loop3A_148 = arith.minsi %parallel_loop3A_145, %parallel_loop3A_147 : vector<16xi32>
      %parallel_loop3A_149 = tpu.vector_load_idx %arg10[%parallel_loop3A_136] : memref<4096xf32, #tpu.memory_space<vmem>>[vector<16xi32>], vector<16xf32>,
      %parallel_loop3A_150 = tpu.vector_load_idx %arg10[%parallel_loop3A_142] : memref<4096xf32, #tpu.memory_space<vmem>>[vector<16xi32>], vector<16xf32>,
      %parallel_loop3A_151 = arith.index_cast %parallel_loop3A_128 : i32 to index
      %parallel_loop3A_152 = tpu.vector_load %arg12[%parallel_loop3A_151] {strides = array<i32>} : memref<4096xf32, #tpu.memory_space<vmem>>, vector<16xf32>,
      %parallel_loop3A_153 = arith.mulf %parallel_loop3A_152, %parallel_loop3A_149 : vector<16xf32>
      %parallel_loop3A_154 = arith.index_cast %parallel_loop3A_128 : i32 to index
      %parallel_loop3A_155 = tpu.vector_load %arg13[%parallel_loop3A_154] {strides = array<i32>} : memref<4096xf32, #tpu.memory_space<vmem>>, vector<16xf32>,
      %parallel_loop3A_156 = arith.mulf %parallel_loop3A_155, %parallel_loop3A_150 : vector<16xf32>
      %parallel_loop3A_157 = arith.addf %parallel_loop3A_153, %parallel_loop3A_156 : vector<16xf32>
      %parallel_loop3A_158 = arith.index_cast %parallel_loop3A_128 : i32 to index
      %parallel_loop3A_159 = tpu.vector_load %arg14[%parallel_loop3A_158] {strides = array<i32>} : memref<4096xf32, #tpu.memory_space<vmem>>, vector<16xf32>,
      %parallel_loop3A_160 = arith.mulf %parallel_loop3A_159, %parallel_loop3A_149 : vector<16xf32>
      %parallel_loop3A_161 = arith.index_cast %parallel_loop3A_128 : i32 to index
      %parallel_loop3A_162 = tpu.vector_load %arg15[%parallel_loop3A_161] {strides = array<i32>} : memref<4096xf32, #tpu.memory_space<vmem>>, vector<16xf32>,
      %parallel_loop3A_163 = arith.mulf %parallel_loop3A_162, %parallel_loop3A_150 : vector<16xf32>
      %parallel_loop3A_164 = arith.addf %parallel_loop3A_160, %parallel_loop3A_163 : vector<16xf32>
      %parallel_loop3A_165 = arith.addi %mul3A_3, %parallel_loop3A_133 : vector<16xi32>
      tpu.vector_store_idx %arg9[%parallel_loop3A_165], %parallel_loop3A_157 {add = true} : memref<65536xf32, #tpu.memory_space<vmem>>[vector<16xi32>], vector<16xf32>,
      %parallel_loop3A_166 = arith.addi %mul3A_3, %parallel_loop3A_148 : vector<16xi32>
      tpu.vector_store_idx %arg9[%parallel_loop3A_166], %parallel_loop3A_164 {add = true} : memref<65536xf32, #tpu.memory_space<vmem>>[vector<16xi32>], vector<16xf32>,
    } {sc.loop_unroll_factor = 8 : i64, sc.parallel_access}
    %mul3A_54 = arith.constant 16384 : i32
    %mul3A_55 = arith.muli %add3A_10, %mul3A_54 : i32
    %add3A_56 = arith.constant 8192 : i32
    %add3A_57 = arith.addi %mul3A_55, %add3A_56 : i32
    %dma_start3A_58 = tpu.memref_slice %arg3[%add3A_57] : memref<524288xi32, #tpu.memory_space<hbm>> -> memref<4096xi32, #tpu.memory_space<hbm>>
    %dma_start3A_59 = tpu.memref_slice %arg3[%add3A_57] : memref<524288xi32, #tpu.memory_space<hbm>> -> memref<4096xi32, #tpu.memory_space<hbm>>
    tpu.enqueue_dma source(%dma_start3A_59 : memref<4096xi32, #tpu.memory_space<hbm>>) target(%arg11 : memref<4096xi32, #tpu.memory_space<vmem>>) target_semaphore(%arg22 : memref<!tpu.dma_semaphore, #tpu.memory_space<semaphore_mem>>)
    %dma_start3A_60 = tpu.memref_slice %arg4[%add3A_57] : memref<524288xf32, #tpu.memory_space<hbm>> -> memref<4096xf32, #tpu.memory_space<hbm>>
    %dma_start3A_61 = tpu.memref_slice %arg4[%add3A_57] : memref<524288xf32, #tpu.memory_space<hbm>> -> memref<4096xf32, #tpu.memory_space<hbm>>
    tpu.enqueue_dma source(%dma_start3A_61 : memref<4096xf32, #tpu.memory_space<hbm>>) target(%arg12 : memref<4096xf32, #tpu.memory_space<vmem>>) target_semaphore(%arg22 : memref<!tpu.dma_semaphore, #tpu.memory_space<semaphore_mem>>)
    %dma_start3A_62 = tpu.memref_slice %arg5[%add3A_57] : memref<524288xf32, #tpu.memory_space<hbm>> -> memref<4096xf32, #tpu.memory_space<hbm>>
    %dma_start3A_63 = tpu.memref_slice %arg5[%add3A_57] : memref<524288xf32, #tpu.memory_space<hbm>> -> memref<4096xf32, #tpu.memory_space<hbm>>
    tpu.enqueue_dma source(%dma_start3A_63 : memref<4096xf32, #tpu.memory_space<hbm>>) target(%arg13 : memref<4096xf32, #tpu.memory_space<vmem>>) target_semaphore(%arg22 : memref<!tpu.dma_semaphore, #tpu.memory_space<semaphore_mem>>)
    %dma_start3A_64 = tpu.memref_slice %arg6[%add3A_57] : memref<524288xf32, #tpu.memory_space<hbm>> -> memref<4096xf32, #tpu.memory_space<hbm>>
    %dma_start3A_65 = tpu.memref_slice %arg6[%add3A_57] : memref<524288xf32, #tpu.memory_space<hbm>> -> memref<4096xf32, #tpu.memory_space<hbm>>
    tpu.enqueue_dma source(%dma_start3A_65 : memref<4096xf32, #tpu.memory_space<hbm>>) target(%arg14 : memref<4096xf32, #tpu.memory_space<vmem>>) target_semaphore(%arg22 : memref<!tpu.dma_semaphore, #tpu.memory_space<semaphore_mem>>)
    %dma_start3A_66 = tpu.memref_slice %arg7[%add3A_57] : memref<524288xf32, #tpu.memory_space<hbm>> -> memref<4096xf32, #tpu.memory_space<hbm>>
    %dma_start3A_67 = tpu.memref_slice %arg7[%add3A_57] : memref<524288xf32, #tpu.memory_space<hbm>> -> memref<4096xf32, #tpu.memory_space<hbm>>
    tpu.enqueue_dma source(%dma_start3A_67 : memref<4096xf32, #tpu.memory_space<hbm>>) target(%arg15 : memref<4096xf32, #tpu.memory_space<vmem>>) target_semaphore(%arg22 : memref<!tpu.dma_semaphore, #tpu.memory_space<semaphore_mem>>)
    %dma_wait3A_68 = tpu.memref_slice %arg3[%add3A_31] : memref<524288xi32, #tpu.memory_space<hbm>> -> memref<4096xi32, #tpu.memory_space<hbm>>
    %dma_wait3A_69 = tpu.memref_slice %arg3[%add3A_31] : memref<524288xi32, #tpu.memory_space<hbm>> -> memref<4096xi32, #tpu.memory_space<hbm>>
    tpu.wait_dma2 semaphore(%arg23 : memref<!tpu.dma_semaphore, #tpu.memory_space<semaphore_mem>>) src(%dma_wait3A_69 : memref<4096xi32, #tpu.memory_space<hbm>>) dst(%arg16 : memref<4096xi32, #tpu.memory_space<vmem>>)
    %dma_wait3A_70 = tpu.memref_slice %arg4[%add3A_31] : memref<524288xf32, #tpu.memory_space<hbm>> -> memref<4096xf32, #tpu.memory_space<hbm>>
    %dma_wait3A_71 = tpu.memref_slice %arg4[%add3A_31] : memref<524288xf32, #tpu.memory_space<hbm>> -> memref<4096xf32, #tpu.memory_space<hbm>>
    tpu.wait_dma2 semaphore(%arg23 : memref<!tpu.dma_semaphore, #tpu.memory_space<semaphore_mem>>) src(%dma_wait3A_71 : memref<4096xf32, #tpu.memory_space<hbm>>) dst(%arg17 : memref<4096xf32, #tpu.memory_space<vmem>>)
    %dma_wait3A_72 = tpu.memref_slice %arg5[%add3A_31] : memref<524288xf32, #tpu.memory_space<hbm>> -> memref<4096xf32, #tpu.memory_space<hbm>>
    %dma_wait3A_73 = tpu.memref_slice %arg5[%add3A_31] : memref<524288xf32, #tpu.memory_space<hbm>> -> memref<4096xf32, #tpu.memory_space<hbm>>
    tpu.wait_dma2 semaphore(%arg23 : memref<!tpu.dma_semaphore, #tpu.memory_space<semaphore_mem>>) src(%dma_wait3A_73 : memref<4096xf32, #tpu.memory_space<hbm>>) dst(%arg18 : memref<4096xf32, #tpu.memory_space<vmem>>)
    %dma_wait3A_74 = tpu.memref_slice %arg6[%add3A_31] : memref<524288xf32, #tpu.memory_space<hbm>> -> memref<4096xf32, #tpu.memory_space<hbm>>
    %dma_wait3A_75 = tpu.memref_slice %arg6[%add3A_31] : memref<524288xf32, #tpu.memory_space<hbm>> -> memref<4096xf32, #tpu.memory_space<hbm>>
    tpu.wait_dma2 semaphore(%arg23 : memref<!tpu.dma_semaphore, #tpu.memory_space<semaphore_mem>>) src(%dma_wait3A_75 : memref<4096xf32, #tpu.memory_space<hbm>>) dst(%arg19 : memref<4096xf32, #tpu.memory_space<vmem>>)
    %dma_wait3A_76 = tpu.memref_slice %arg7[%add3A_31] : memref<524288xf32, #tpu.memory_space<hbm>> -> memref<4096xf32, #tpu.memory_space<hbm>>
    %dma_wait3A_77 = tpu.memref_slice %arg7[%add3A_31] : memref<524288xf32, #tpu.memory_space<hbm>> -> memref<4096xf32, #tpu.memory_space<hbm>>
    tpu.wait_dma2 semaphore(%arg23 : memref<!tpu.dma_semaphore, #tpu.memory_space<semaphore_mem>>) src(%dma_wait3A_77 : memref<4096xf32, #tpu.memory_space<hbm>>) dst(%arg20 : memref<4096xf32, #tpu.memory_space<vmem>>)
    %parallel_loop3A_78 = arith.constant 0 : i32
    %parallel_loop3A_79 = arith.constant 256 : i32
    %parallel_loop3A_80 = arith.constant 1 : i32
    scf.for %parallel_loop3A_126 = %parallel_loop3A_78 to %parallel_loop3A_79 step %parallel_loop3A_80  : i32 {
      %parallel_loop3A_127 = arith.constant 16 : i32
      %parallel_loop3A_128 = arith.muli %parallel_loop3A_126, %parallel_loop3A_127 : i32
      %parallel_loop3A_129 = arith.index_cast %parallel_loop3A_128 : i32 to index
      %parallel_loop3A_130 = tpu.vector_load %arg16[%parallel_loop3A_129] {strides = array<i32>} : memref<4096xi32, #tpu.memory_space<vmem>>, vector<16xi32>,
      %parallel_loop3A_131 = arith.constant 12 : i32
      %parallel_loop3A_132 = vector.broadcast %parallel_loop3A_131 : i32 to vector<16xi32>
      %parallel_loop3A_133 = arith.shrsi %parallel_loop3A_130, %parallel_loop3A_132 : vector<16xi32>
      %parallel_loop3A_134 = arith.constant 4095 : i32
      %parallel_loop3A_135 = vector.broadcast %parallel_loop3A_134 : i32 to vector<16xi32>
      %parallel_loop3A_136 = arith.andi %parallel_loop3A_130, %parallel_loop3A_135 : vector<16xi32>
      %parallel_loop3A_137 = arith.constant 1 : i32
      %parallel_loop3A_138 = vector.broadcast %parallel_loop3A_137 : i32 to vector<16xi32>
      %parallel_loop3A_139 = arith.addi %parallel_loop3A_136, %parallel_loop3A_138 : vector<16xi32>
      %parallel_loop3A_140 = arith.constant 4095 : i32
      %parallel_loop3A_141 = vector.broadcast %parallel_loop3A_140 : i32 to vector<16xi32>
      %parallel_loop3A_142 = arith.minsi %parallel_loop3A_139, %parallel_loop3A_141 : vector<16xi32>
      %parallel_loop3A_143 = arith.constant 1 : i32
      %parallel_loop3A_144 = vector.broadcast %parallel_loop3A_143 : i32 to vector<16xi32>
      %parallel_loop3A_145 = arith.addi %parallel_loop3A_133, %parallel_loop3A_144 : vector<16xi32>
      %parallel_loop3A_146 = arith.constant 4095 : i32
      %parallel_loop3A_147 = vector.broadcast %parallel_loop3A_146 : i32 to vector<16xi32>
      %parallel_loop3A_148 = arith.minsi %parallel_loop3A_145, %parallel_loop3A_147 : vector<16xi32>
      %parallel_loop3A_149 = tpu.vector_load_idx %arg10[%parallel_loop3A_136] : memref<4096xf32, #tpu.memory_space<vmem>>[vector<16xi32>], vector<16xf32>,
      %parallel_loop3A_150 = tpu.vector_load_idx %arg10[%parallel_loop3A_142] : memref<4096xf32, #tpu.memory_space<vmem>>[vector<16xi32>], vector<16xf32>,
      %parallel_loop3A_151 = arith.index_cast %parallel_loop3A_128 : i32 to index
      %parallel_loop3A_152 = tpu.vector_load %arg17[%parallel_loop3A_151] {strides = array<i32>} : memref<4096xf32, #tpu.memory_space<vmem>>, vector<16xf32>,
      %parallel_loop3A_153 = arith.mulf %parallel_loop3A_152, %parallel_loop3A_149 : vector<16xf32>
      %parallel_loop3A_154 = arith.index_cast %parallel_loop3A_128 : i32 to index
      %parallel_loop3A_155 = tpu.vector_load %arg18[%parallel_loop3A_154] {strides = array<i32>} : memref<4096xf32, #tpu.memory_space<vmem>>, vector<16xf32>,
      %parallel_loop3A_156 = arith.mulf %parallel_loop3A_155, %parallel_loop3A_150 : vector<16xf32>
      %parallel_loop3A_157 = arith.addf %parallel_loop3A_153, %parallel_loop3A_156 : vector<16xf32>
      %parallel_loop3A_158 = arith.index_cast %parallel_loop3A_128 : i32 to index
      %parallel_loop3A_159 = tpu.vector_load %arg19[%parallel_loop3A_158] {strides = array<i32>} : memref<4096xf32, #tpu.memory_space<vmem>>, vector<16xf32>,
      %parallel_loop3A_160 = arith.mulf %parallel_loop3A_159, %parallel_loop3A_149 : vector<16xf32>
      %parallel_loop3A_161 = arith.index_cast %parallel_loop3A_128 : i32 to index
      %parallel_loop3A_162 = tpu.vector_load %arg20[%parallel_loop3A_161] {strides = array<i32>} : memref<4096xf32, #tpu.memory_space<vmem>>, vector<16xf32>,
      %parallel_loop3A_163 = arith.mulf %parallel_loop3A_162, %parallel_loop3A_150 : vector<16xf32>
      %parallel_loop3A_164 = arith.addf %parallel_loop3A_160, %parallel_loop3A_163 : vector<16xf32>
      %parallel_loop3A_165 = arith.addi %mul3A_3, %parallel_loop3A_133 : vector<16xi32>
      tpu.vector_store_idx %arg9[%parallel_loop3A_165], %parallel_loop3A_157 {add = true} : memref<65536xf32, #tpu.memory_space<vmem>>[vector<16xi32>], vector<16xf32>,
      %parallel_loop3A_166 = arith.addi %mul3A_3, %parallel_loop3A_148 : vector<16xi32>
      tpu.vector_store_idx %arg9[%parallel_loop3A_166], %parallel_loop3A_164 {add = true} : memref<65536xf32, #tpu.memory_space<vmem>>[vector<16xi32>], vector<16xf32>,
    } {sc.loop_unroll_factor = 8 : i64, sc.parallel_access}
    %mul3A_81 = arith.constant 16384 : i32
    %mul3A_82 = arith.muli %add3A_10, %mul3A_81 : i32
    %add3A_83 = arith.constant 12288 : i32
    %add3A_84 = arith.addi %mul3A_82, %add3A_83 : i32
    %dma_start3A_85 = tpu.memref_slice %arg3[%add3A_84] : memref<524288xi32, #tpu.memory_space<hbm>> -> memref<4096xi32, #tpu.memory_space<hbm>>
    %dma_start3A_86 = tpu.memref_slice %arg3[%add3A_84] : memref<524288xi32, #tpu.memory_space<hbm>> -> memref<4096xi32, #tpu.memory_space<hbm>>
    tpu.enqueue_dma source(%dma_start3A_86 : memref<4096xi32, #tpu.memory_space<hbm>>) target(%arg16 : memref<4096xi32, #tpu.memory_space<vmem>>) target_semaphore(%arg23 : memref<!tpu.dma_semaphore, #tpu.memory_space<semaphore_mem>>)
    %dma_start3A_87 = tpu.memref_slice %arg4[%add3A_84] : memref<524288xf32, #tpu.memory_space<hbm>> -> memref<4096xf32, #tpu.memory_space<hbm>>
    %dma_start3A_88 = tpu.memref_slice %arg4[%add3A_84] : memref<524288xf32, #tpu.memory_space<hbm>> -> memref<4096xf32, #tpu.memory_space<hbm>>
    tpu.enqueue_dma source(%dma_start3A_88 : memref<4096xf32, #tpu.memory_space<hbm>>) target(%arg17 : memref<4096xf32, #tpu.memory_space<vmem>>) target_semaphore(%arg23 : memref<!tpu.dma_semaphore, #tpu.memory_space<semaphore_mem>>)
    %dma_start3A_89 = tpu.memref_slice %arg5[%add3A_84] : memref<524288xf32, #tpu.memory_space<hbm>> -> memref<4096xf32, #tpu.memory_space<hbm>>
    %dma_start3A_90 = tpu.memref_slice %arg5[%add3A_84] : memref<524288xf32, #tpu.memory_space<hbm>> -> memref<4096xf32, #tpu.memory_space<hbm>>
    tpu.enqueue_dma source(%dma_start3A_90 : memref<4096xf32, #tpu.memory_space<hbm>>) target(%arg18 : memref<4096xf32, #tpu.memory_space<vmem>>) target_semaphore(%arg23 : memref<!tpu.dma_semaphore, #tpu.memory_space<semaphore_mem>>)
    %dma_start3A_91 = tpu.memref_slice %arg6[%add3A_84] : memref<524288xf32, #tpu.memory_space<hbm>> -> memref<4096xf32, #tpu.memory_space<hbm>>
    %dma_start3A_92 = tpu.memref_slice %arg6[%add3A_84] : memref<524288xf32, #tpu.memory_space<hbm>> -> memref<4096xf32, #tpu.memory_space<hbm>>
    tpu.enqueue_dma source(%dma_start3A_92 : memref<4096xf32, #tpu.memory_space<hbm>>) target(%arg19 : memref<4096xf32, #tpu.memory_space<vmem>>) target_semaphore(%arg23 : memref<!tpu.dma_semaphore, #tpu.memory_space<semaphore_mem>>)
    %dma_start3A_93 = tpu.memref_slice %arg7[%add3A_84] : memref<524288xf32, #tpu.memory_space<hbm>> -> memref<4096xf32, #tpu.memory_space<hbm>>
    %dma_start3A_94 = tpu.memref_slice %arg7[%add3A_84] : memref<524288xf32, #tpu.memory_space<hbm>> -> memref<4096xf32, #tpu.memory_space<hbm>>
    tpu.enqueue_dma source(%dma_start3A_94 : memref<4096xf32, #tpu.memory_space<hbm>>) target(%arg20 : memref<4096xf32, #tpu.memory_space<vmem>>) target_semaphore(%arg23 : memref<!tpu.dma_semaphore, #tpu.memory_space<semaphore_mem>>)
    %dma_wait3A_95 = tpu.memref_slice %arg3[%add3A_57] : memref<524288xi32, #tpu.memory_space<hbm>> -> memref<4096xi32, #tpu.memory_space<hbm>>
    %dma_wait3A_96 = tpu.memref_slice %arg3[%add3A_57] : memref<524288xi32, #tpu.memory_space<hbm>> -> memref<4096xi32, #tpu.memory_space<hbm>>
    tpu.wait_dma2 semaphore(%arg22 : memref<!tpu.dma_semaphore, #tpu.memory_space<semaphore_mem>>) src(%dma_wait3A_96 : memref<4096xi32, #tpu.memory_space<hbm>>) dst(%arg11 : memref<4096xi32, #tpu.memory_space<vmem>>)
    %dma_wait3A_97 = tpu.memref_slice %arg4[%add3A_57] : memref<524288xf32, #tpu.memory_space<hbm>> -> memref<4096xf32, #tpu.memory_space<hbm>>
    %dma_wait3A_98 = tpu.memref_slice %arg4[%add3A_57] : memref<524288xf32, #tpu.memory_space<hbm>> -> memref<4096xf32, #tpu.memory_space<hbm>>
    tpu.wait_dma2 semaphore(%arg22 : memref<!tpu.dma_semaphore, #tpu.memory_space<semaphore_mem>>) src(%dma_wait3A_98 : memref<4096xf32, #tpu.memory_space<hbm>>) dst(%arg12 : memref<4096xf32, #tpu.memory_space<vmem>>)
    %dma_wait3A_99 = tpu.memref_slice %arg5[%add3A_57] : memref<524288xf32, #tpu.memory_space<hbm>> -> memref<4096xf32, #tpu.memory_space<hbm>>
    %dma_wait3A_100 = tpu.memref_slice %arg5[%add3A_57] : memref<524288xf32, #tpu.memory_space<hbm>> -> memref<4096xf32, #tpu.memory_space<hbm>>
    tpu.wait_dma2 semaphore(%arg22 : memref<!tpu.dma_semaphore, #tpu.memory_space<semaphore_mem>>) src(%dma_wait3A_100 : memref<4096xf32, #tpu.memory_space<hbm>>) dst(%arg13 : memref<4096xf32, #tpu.memory_space<vmem>>)
    %dma_wait3A_101 = tpu.memref_slice %arg6[%add3A_57] : memref<524288xf32, #tpu.memory_space<hbm>> -> memref<4096xf32, #tpu.memory_space<hbm>>
    %dma_wait3A_102 = tpu.memref_slice %arg6[%add3A_57] : memref<524288xf32, #tpu.memory_space<hbm>> -> memref<4096xf32, #tpu.memory_space<hbm>>
    tpu.wait_dma2 semaphore(%arg22 : memref<!tpu.dma_semaphore, #tpu.memory_space<semaphore_mem>>) src(%dma_wait3A_102 : memref<4096xf32, #tpu.memory_space<hbm>>) dst(%arg14 : memref<4096xf32, #tpu.memory_space<vmem>>)
    %dma_wait3A_103 = tpu.memref_slice %arg7[%add3A_57] : memref<524288xf32, #tpu.memory_space<hbm>> -> memref<4096xf32, #tpu.memory_space<hbm>>
    %dma_wait3A_104 = tpu.memref_slice %arg7[%add3A_57] : memref<524288xf32, #tpu.memory_space<hbm>> -> memref<4096xf32, #tpu.memory_space<hbm>>
    tpu.wait_dma2 semaphore(%arg22 : memref<!tpu.dma_semaphore, #tpu.memory_space<semaphore_mem>>) src(%dma_wait3A_104 : memref<4096xf32, #tpu.memory_space<hbm>>) dst(%arg15 : memref<4096xf32, #tpu.memory_space<vmem>>)
    %parallel_loop3A_105 = arith.constant 0 : i32
    %parallel_loop3A_106 = arith.constant 256 : i32
    %parallel_loop3A_107 = arith.constant 1 : i32
    scf.for %parallel_loop3A_126 = %parallel_loop3A_105 to %parallel_loop3A_106 step %parallel_loop3A_107  : i32 {
      %parallel_loop3A_127 = arith.constant 16 : i32
      %parallel_loop3A_128 = arith.muli %parallel_loop3A_126, %parallel_loop3A_127 : i32
      %parallel_loop3A_129 = arith.index_cast %parallel_loop3A_128 : i32 to index
      %parallel_loop3A_130 = tpu.vector_load %arg11[%parallel_loop3A_129] {strides = array<i32>} : memref<4096xi32, #tpu.memory_space<vmem>>, vector<16xi32>,
      %parallel_loop3A_131 = arith.constant 12 : i32
      %parallel_loop3A_132 = vector.broadcast %parallel_loop3A_131 : i32 to vector<16xi32>
      %parallel_loop3A_133 = arith.shrsi %parallel_loop3A_130, %parallel_loop3A_132 : vector<16xi32>
      %parallel_loop3A_134 = arith.constant 4095 : i32
      %parallel_loop3A_135 = vector.broadcast %parallel_loop3A_134 : i32 to vector<16xi32>
      %parallel_loop3A_136 = arith.andi %parallel_loop3A_130, %parallel_loop3A_135 : vector<16xi32>
      %parallel_loop3A_137 = arith.constant 1 : i32
      %parallel_loop3A_138 = vector.broadcast %parallel_loop3A_137 : i32 to vector<16xi32>
      %parallel_loop3A_139 = arith.addi %parallel_loop3A_136, %parallel_loop3A_138 : vector<16xi32>
      %parallel_loop3A_140 = arith.constant 4095 : i32
      %parallel_loop3A_141 = vector.broadcast %parallel_loop3A_140 : i32 to vector<16xi32>
      %parallel_loop3A_142 = arith.minsi %parallel_loop3A_139, %parallel_loop3A_141 : vector<16xi32>
      %parallel_loop3A_143 = arith.constant 1 : i32
      %parallel_loop3A_144 = vector.broadcast %parallel_loop3A_143 : i32 to vector<16xi32>
      %parallel_loop3A_145 = arith.addi %parallel_loop3A_133, %parallel_loop3A_144 : vector<16xi32>
      %parallel_loop3A_146 = arith.constant 4095 : i32
      %parallel_loop3A_147 = vector.broadcast %parallel_loop3A_146 : i32 to vector<16xi32>
      %parallel_loop3A_148 = arith.minsi %parallel_loop3A_145, %parallel_loop3A_147 : vector<16xi32>
      %parallel_loop3A_149 = tpu.vector_load_idx %arg10[%parallel_loop3A_136] : memref<4096xf32, #tpu.memory_space<vmem>>[vector<16xi32>], vector<16xf32>,
      %parallel_loop3A_150 = tpu.vector_load_idx %arg10[%parallel_loop3A_142] : memref<4096xf32, #tpu.memory_space<vmem>>[vector<16xi32>], vector<16xf32>,
      %parallel_loop3A_151 = arith.index_cast %parallel_loop3A_128 : i32 to index
      %parallel_loop3A_152 = tpu.vector_load %arg12[%parallel_loop3A_151] {strides = array<i32>} : memref<4096xf32, #tpu.memory_space<vmem>>, vector<16xf32>,
      %parallel_loop3A_153 = arith.mulf %parallel_loop3A_152, %parallel_loop3A_149 : vector<16xf32>
      %parallel_loop3A_154 = arith.index_cast %parallel_loop3A_128 : i32 to index
      %parallel_loop3A_155 = tpu.vector_load %arg13[%parallel_loop3A_154] {strides = array<i32>} : memref<4096xf32, #tpu.memory_space<vmem>>, vector<16xf32>,
      %parallel_loop3A_156 = arith.mulf %parallel_loop3A_155, %parallel_loop3A_150 : vector<16xf32>
      %parallel_loop3A_157 = arith.addf %parallel_loop3A_153, %parallel_loop3A_156 : vector<16xf32>
      %parallel_loop3A_158 = arith.index_cast %parallel_loop3A_128 : i32 to index
      %parallel_loop3A_159 = tpu.vector_load %arg14[%parallel_loop3A_158] {strides = array<i32>} : memref<4096xf32, #tpu.memory_space<vmem>>, vector<16xf32>,
      %parallel_loop3A_160 = arith.mulf %parallel_loop3A_159, %parallel_loop3A_149 : vector<16xf32>
      %parallel_loop3A_161 = arith.index_cast %parallel_loop3A_128 : i32 to index
      %parallel_loop3A_162 = tpu.vector_load %arg15[%parallel_loop3A_161] {strides = array<i32>} : memref<4096xf32, #tpu.memory_space<vmem>>, vector<16xf32>,
      %parallel_loop3A_163 = arith.mulf %parallel_loop3A_162, %parallel_loop3A_150 : vector<16xf32>
      %parallel_loop3A_164 = arith.addf %parallel_loop3A_160, %parallel_loop3A_163 : vector<16xf32>
      %parallel_loop3A_165 = arith.addi %mul3A_3, %parallel_loop3A_133 : vector<16xi32>
      tpu.vector_store_idx %arg9[%parallel_loop3A_165], %parallel_loop3A_157 {add = true} : memref<65536xf32, #tpu.memory_space<vmem>>[vector<16xi32>], vector<16xf32>,
      %parallel_loop3A_166 = arith.addi %mul3A_3, %parallel_loop3A_148 : vector<16xi32>
      tpu.vector_store_idx %arg9[%parallel_loop3A_166], %parallel_loop3A_164 {add = true} : memref<65536xf32, #tpu.memory_space<vmem>>[vector<16xi32>], vector<16xf32>,
    } {sc.loop_unroll_factor = 8 : i64, sc.parallel_access}
    %dma_wait3A_108 = tpu.memref_slice %arg3[%add3A_84] : memref<524288xi32, #tpu.memory_space<hbm>> -> memref<4096xi32, #tpu.memory_space<hbm>>
    %dma_wait3A_109 = tpu.memref_slice %arg3[%add3A_84] : memref<524288xi32, #tpu.memory_space<hbm>> -> memref<4096xi32, #tpu.memory_space<hbm>>
    tpu.wait_dma2 semaphore(%arg23 : memref<!tpu.dma_semaphore, #tpu.memory_space<semaphore_mem>>) src(%dma_wait3A_109 : memref<4096xi32, #tpu.memory_space<hbm>>) dst(%arg16 : memref<4096xi32, #tpu.memory_space<vmem>>)
    %dma_wait3A_110 = tpu.memref_slice %arg4[%add3A_84] : memref<524288xf32, #tpu.memory_space<hbm>> -> memref<4096xf32, #tpu.memory_space<hbm>>
    %dma_wait3A_111 = tpu.memref_slice %arg4[%add3A_84] : memref<524288xf32, #tpu.memory_space<hbm>> -> memref<4096xf32, #tpu.memory_space<hbm>>
    tpu.wait_dma2 semaphore(%arg23 : memref<!tpu.dma_semaphore, #tpu.memory_space<semaphore_mem>>) src(%dma_wait3A_111 : memref<4096xf32, #tpu.memory_space<hbm>>) dst(%arg17 : memref<4096xf32, #tpu.memory_space<vmem>>)
    %dma_wait3A_112 = tpu.memref_slice %arg5[%add3A_84] : memref<524288xf32, #tpu.memory_space<hbm>> -> memref<4096xf32, #tpu.memory_space<hbm>>
    %dma_wait3A_113 = tpu.memref_slice %arg5[%add3A_84] : memref<524288xf32, #tpu.memory_space<hbm>> -> memref<4096xf32, #tpu.memory_space<hbm>>
    tpu.wait_dma2 semaphore(%arg23 : memref<!tpu.dma_semaphore, #tpu.memory_space<semaphore_mem>>) src(%dma_wait3A_113 : memref<4096xf32, #tpu.memory_space<hbm>>) dst(%arg18 : memref<4096xf32, #tpu.memory_space<vmem>>)
    %dma_wait3A_114 = tpu.memref_slice %arg6[%add3A_84] : memref<524288xf32, #tpu.memory_space<hbm>> -> memref<4096xf32, #tpu.memory_space<hbm>>
    %dma_wait3A_115 = tpu.memref_slice %arg6[%add3A_84] : memref<524288xf32, #tpu.memory_space<hbm>> -> memref<4096xf32, #tpu.memory_space<hbm>>
    tpu.wait_dma2 semaphore(%arg23 : memref<!tpu.dma_semaphore, #tpu.memory_space<semaphore_mem>>) src(%dma_wait3A_115 : memref<4096xf32, #tpu.memory_space<hbm>>) dst(%arg19 : memref<4096xf32, #tpu.memory_space<vmem>>)
    %dma_wait3A_116 = tpu.memref_slice %arg7[%add3A_84] : memref<524288xf32, #tpu.memory_space<hbm>> -> memref<4096xf32, #tpu.memory_space<hbm>>
    %dma_wait3A_117 = tpu.memref_slice %arg7[%add3A_84] : memref<524288xf32, #tpu.memory_space<hbm>> -> memref<4096xf32, #tpu.memory_space<hbm>>
    tpu.wait_dma2 semaphore(%arg23 : memref<!tpu.dma_semaphore, #tpu.memory_space<semaphore_mem>>) src(%dma_wait3A_117 : memref<4096xf32, #tpu.memory_space<hbm>>) dst(%arg20 : memref<4096xf32, #tpu.memory_space<vmem>>)
    %parallel_loop3A_118 = arith.constant 0 : i32
    %parallel_loop3A_119 = arith.constant 256 : i32
    %parallel_loop3A_120 = arith.constant 1 : i32
    scf.for %parallel_loop3A_126 = %parallel_loop3A_118 to %parallel_loop3A_119 step %parallel_loop3A_120  : i32 {
      %parallel_loop3A_127 = arith.constant 16 : i32
      %parallel_loop3A_128 = arith.muli %parallel_loop3A_126, %parallel_loop3A_127 : i32
      %parallel_loop3A_129 = arith.index_cast %parallel_loop3A_128 : i32 to index
      %parallel_loop3A_130 = tpu.vector_load %arg16[%parallel_loop3A_129] {strides = array<i32>} : memref<4096xi32, #tpu.memory_space<vmem>>, vector<16xi32>,
      %parallel_loop3A_131 = arith.constant 12 : i32
      %parallel_loop3A_132 = vector.broadcast %parallel_loop3A_131 : i32 to vector<16xi32>
      %parallel_loop3A_133 = arith.shrsi %parallel_loop3A_130, %parallel_loop3A_132 : vector<16xi32>
      %parallel_loop3A_134 = arith.constant 4095 : i32
      %parallel_loop3A_135 = vector.broadcast %parallel_loop3A_134 : i32 to vector<16xi32>
      %parallel_loop3A_136 = arith.andi %parallel_loop3A_130, %parallel_loop3A_135 : vector<16xi32>
      %parallel_loop3A_137 = arith.constant 1 : i32
      %parallel_loop3A_138 = vector.broadcast %parallel_loop3A_137 : i32 to vector<16xi32>
      %parallel_loop3A_139 = arith.addi %parallel_loop3A_136, %parallel_loop3A_138 : vector<16xi32>
      %parallel_loop3A_140 = arith.constant 4095 : i32
      %parallel_loop3A_141 = vector.broadcast %parallel_loop3A_140 : i32 to vector<16xi32>
      %parallel_loop3A_142 = arith.minsi %parallel_loop3A_139, %parallel_loop3A_141 : vector<16xi32>
      %parallel_loop3A_143 = arith.constant 1 : i32
      %parallel_loop3A_144 = vector.broadcast %parallel_loop3A_143 : i32 to vector<16xi32>
      %parallel_loop3A_145 = arith.addi %parallel_loop3A_133, %parallel_loop3A_144 : vector<16xi32>
      %parallel_loop3A_146 = arith.constant 4095 : i32
      %parallel_loop3A_147 = vector.broadcast %parallel_loop3A_146 : i32 to vector<16xi32>
      %parallel_loop3A_148 = arith.minsi %parallel_loop3A_145, %parallel_loop3A_147 : vector<16xi32>
      %parallel_loop3A_149 = tpu.vector_load_idx %arg10[%parallel_loop3A_136] : memref<4096xf32, #tpu.memory_space<vmem>>[vector<16xi32>], vector<16xf32>,
      %parallel_loop3A_150 = tpu.vector_load_idx %arg10[%parallel_loop3A_142] : memref<4096xf32, #tpu.memory_space<vmem>>[vector<16xi32>], vector<16xf32>,
      %parallel_loop3A_151 = arith.index_cast %parallel_loop3A_128 : i32 to index
      %parallel_loop3A_152 = tpu.vector_load %arg17[%parallel_loop3A_151] {strides = array<i32>} : memref<4096xf32, #tpu.memory_space<vmem>>, vector<16xf32>,
      %parallel_loop3A_153 = arith.mulf %parallel_loop3A_152, %parallel_loop3A_149 : vector<16xf32>
      %parallel_loop3A_154 = arith.index_cast %parallel_loop3A_128 : i32 to index
      %parallel_loop3A_155 = tpu.vector_load %arg18[%parallel_loop3A_154] {strides = array<i32>} : memref<4096xf32, #tpu.memory_space<vmem>>, vector<16xf32>,
      %parallel_loop3A_156 = arith.mulf %parallel_loop3A_155, %parallel_loop3A_150 : vector<16xf32>
      %parallel_loop3A_157 = arith.addf %parallel_loop3A_153, %parallel_loop3A_156 : vector<16xf32>
      %parallel_loop3A_158 = arith.index_cast %parallel_loop3A_128 : i32 to index
      %parallel_loop3A_159 = tpu.vector_load %arg19[%parallel_loop3A_158] {strides = array<i32>} : memref<4096xf32, #tpu.memory_space<vmem>>, vector<16xf32>,
      %parallel_loop3A_160 = arith.mulf %parallel_loop3A_159, %parallel_loop3A_149 : vector<16xf32>
      %parallel_loop3A_161 = arith.index_cast %parallel_loop3A_128 : i32 to index
      %parallel_loop3A_162 = tpu.vector_load %arg20[%parallel_loop3A_161] {strides = array<i32>} : memref<4096xf32, #tpu.memory_space<vmem>>, vector<16xf32>,
      %parallel_loop3A_163 = arith.mulf %parallel_loop3A_162, %parallel_loop3A_150 : vector<16xf32>
      %parallel_loop3A_164 = arith.addf %parallel_loop3A_160, %parallel_loop3A_163 : vector<16xf32>
      %parallel_loop3A_165 = arith.addi %mul3A_3, %parallel_loop3A_133 : vector<16xi32>
      tpu.vector_store_idx %arg9[%parallel_loop3A_165], %parallel_loop3A_157 {add = true} : memref<65536xf32, #tpu.memory_space<vmem>>[vector<16xi32>], vector<16xf32>,
      %parallel_loop3A_166 = arith.addi %mul3A_3, %parallel_loop3A_148 : vector<16xi32>
      tpu.vector_store_idx %arg9[%parallel_loop3A_166], %parallel_loop3A_164 {add = true} : memref<65536xf32, #tpu.memory_space<vmem>>[vector<16xi32>], vector<16xf32>,
    } {sc.loop_unroll_factor = 8 : i64, sc.parallel_access}
    %parallel_loop3A_121 = arith.constant 0 : i32
    %parallel_loop3A_122 = arith.constant 256 : i32
    %parallel_loop3A_123 = arith.constant 1 : i32
    scf.for %parallel_loop3A_126 = %parallel_loop3A_121 to %parallel_loop3A_122 step %parallel_loop3A_123  : i32 {
      %parallel_loop3A_127 = arith.constant 16 : i32
      %parallel_loop3A_128 = arith.muli %parallel_loop3A_126, %parallel_loop3A_127 : i32
      %parallel_loop3A_129 = arith.index_cast %parallel_loop3A_128 : i32 to index
      %parallel_loop3A_130 = tpu.vector_load %arg9[%parallel_loop3A_129] {strides = array<i32>} : memref<65536xf32, #tpu.memory_space<vmem>>, vector<16xf32>,
      %parallel_loop3A_131 = arith.constant 16 : i32
      %parallel_loop3A_132 = arith.muli %parallel_loop3A_126, %parallel_loop3A_131 : i32
      %parallel_loop3A_133 = arith.index_cast %parallel_loop3A_132 : i32 to index
      %parallel_loop3A_134 = tpu.vector_load %arg9[%parallel_loop3A_133] {strides = array<i32>} : memref<65536xf32, #tpu.memory_space<vmem>>, vector<16xf32>,
      tpu.vector_store %arg9[%parallel_loop3A_133], %broadcast_in_dim3A_4 {strides = array<i32>} : memref<65536xf32, #tpu.memory_space<vmem>>, vector<16xf32>,
      %parallel_loop3A_135 = arith.constant 16 : i32
      %parallel_loop3A_136 = arith.muli %parallel_loop3A_126, %parallel_loop3A_135 : i32
      %parallel_loop3A_137 = arith.constant 4096 : i32
      %parallel_loop3A_138 = arith.addi %parallel_loop3A_137, %parallel_loop3A_136 : i32
      %parallel_loop3A_139 = arith.index_cast %parallel_loop3A_138 : i32 to index
      %parallel_loop3A_140 = tpu.vector_load %arg9[%parallel_loop3A_139] {strides = array<i32>} : memref<65536xf32, #tpu.memory_space<vmem>>, vector<16xf32>,
      %parallel_loop3A_141 = arith.addf %parallel_loop3A_130, %parallel_loop3A_140 : vector<16xf32>
      %parallel_loop3A_142 = arith.index_cast %parallel_loop3A_138 : i32 to index
      %parallel_loop3A_143 = tpu.vector_load %arg9[%parallel_loop3A_142] {strides = array<i32>} : memref<65536xf32, #tpu.memory_space<vmem>>, vector<16xf32>,
      tpu.vector_store %arg9[%parallel_loop3A_142], %broadcast_in_dim3A_4 {strides = array<i32>} : memref<65536xf32, #tpu.memory_space<vmem>>, vector<16xf32>,
      %parallel_loop3A_144 = arith.constant 16 : i32
      %parallel_loop3A_145 = arith.muli %parallel_loop3A_126, %parallel_loop3A_144 : i32
      %parallel_loop3A_146 = arith.constant 8192 : i32
      %parallel_loop3A_147 = arith.addi %parallel_loop3A_146, %parallel_loop3A_145 : i32
      %parallel_loop3A_148 = arith.index_cast %parallel_loop3A_147 : i32 to index
      %parallel_loop3A_149 = tpu.vector_load %arg9[%parallel_loop3A_148] {strides = array<i32>} : memref<65536xf32, #tpu.memory_space<vmem>>, vector<16xf32>,
      %parallel_loop3A_150 = arith.addf %parallel_loop3A_141, %parallel_loop3A_149 : vector<16xf32>
      %parallel_loop3A_151 = arith.index_cast %parallel_loop3A_147 : i32 to index
      %parallel_loop3A_152 = tpu.vector_load %arg9[%parallel_loop3A_151] {strides = array<i32>} : memref<65536xf32, #tpu.memory_space<vmem>>, vector<16xf32>,
      tpu.vector_store %arg9[%parallel_loop3A_151], %broadcast_in_dim3A_4 {strides = array<i32>} : memref<65536xf32, #tpu.memory_space<vmem>>, vector<16xf32>,
      %parallel_loop3A_153 = arith.constant 16 : i32
      %parallel_loop3A_154 = arith.muli %parallel_loop3A_126, %parallel_loop3A_153 : i32
      %parallel_loop3A_155 = arith.constant 12288 : i32
      %parallel_loop3A_156 = arith.addi %parallel_loop3A_155, %parallel_loop3A_154 : i32
      %parallel_loop3A_157 = arith.index_cast %parallel_loop3A_156 : i32 to index
      %parallel_loop3A_158 = tpu.vector_load %arg9[%parallel_loop3A_157] {strides = array<i32>} : memref<65536xf32, #tpu.memory_space<vmem>>, vector<16xf32>,
      %parallel_loop3A_159 = arith.addf %parallel_loop3A_150, %parallel_loop3A_158 : vector<16xf32>
      %parallel_loop3A_160 = arith.index_cast %parallel_loop3A_156 : i32 to index
      %parallel_loop3A_161 = tpu.vector_load %arg9[%parallel_loop3A_160] {strides = array<i32>} : memref<65536xf32, #tpu.memory_space<vmem>>, vector<16xf32>,
      tpu.vector_store %arg9[%parallel_loop3A_160], %broadcast_in_dim3A_4 {strides = array<i32>} : memref<65536xf32, #tpu.memory_space<vmem>>, vector<16xf32>,
      %parallel_loop3A_162 = arith.constant 16 : i32
      %parallel_loop3A_163 = arith.muli %parallel_loop3A_126, %parallel_loop3A_162 : i32
      %parallel_loop3A_164 = arith.constant 16384 : i32
      %parallel_loop3A_165 = arith.addi %parallel_loop3A_164, %parallel_loop3A_163 : i32
      %parallel_loop3A_166 = arith.index_cast %parallel_loop3A_165 : i32 to index
      %parallel_loop3A_167 = tpu.vector_load %arg9[%parallel_loop3A_166] {strides = array<i32>} : memref<65536xf32, #tpu.memory_space<vmem>>, vector<16xf32>,
      %parallel_loop3A_168 = arith.addf %parallel_loop3A_159, %parallel_loop3A_167 : vector<16xf32>
      %parallel_loop3A_169 = arith.index_cast %parallel_loop3A_165 : i32 to index
      %parallel_loop3A_170 = tpu.vector_load %arg9[%parallel_loop3A_169] {strides = array<i32>} : memref<65536xf32, #tpu.memory_space<vmem>>, vector<16xf32>,
      tpu.vector_store %arg9[%parallel_loop3A_169], %broadcast_in_dim3A_4 {strides = array<i32>} : memref<65536xf32, #tpu.memory_space<vmem>>, vector<16xf32>,
      %parallel_loop3A_171 = arith.constant 16 : i32
      %parallel_loop3A_172 = arith.muli %parallel_loop3A_126, %parallel_loop3A_171 : i32
      %parallel_loop3A_173 = arith.constant 20480 : i32
      %parallel_loop3A_174 = arith.addi %parallel_loop3A_173, %parallel_loop3A_172 : i32
      %parallel_loop3A_175 = arith.index_cast %parallel_loop3A_174 : i32 to index
      %parallel_loop3A_176 = tpu.vector_load %arg9[%parallel_loop3A_175] {strides = array<i32>} : memref<65536xf32, #tpu.memory_space<vmem>>, vector<16xf32>,
      %parallel_loop3A_177 = arith.addf %parallel_loop3A_168, %parallel_loop3A_176 : vector<16xf32>
      %parallel_loop3A_178 = arith.index_cast %parallel_loop3A_174 : i32 to index
      %parallel_loop3A_179 = tpu.vector_load %arg9[%parallel_loop3A_178] {strides = array<i32>} : memref<65536xf32, #tpu.memory_space<vmem>>, vector<16xf32>,
      tpu.vector_store %arg9[%parallel_loop3A_178], %broadcast_in_dim3A_4 {strides = array<i32>} : memref<65536xf32, #tpu.memory_space<vmem>>, vector<16xf32>,
      %parallel_loop3A_180 = arith.constant 16 : i32
      %parallel_loop3A_181 = arith.muli %parallel_loop3A_126, %parallel_loop3A_180 : i32
      %parallel_loop3A_182 = arith.constant 24576 : i32
      %parallel_loop3A_183 = arith.addi %parallel_loop3A_182, %parallel_loop3A_181 : i32
      %parallel_loop3A_184 = arith.index_cast %parallel_loop3A_183 : i32 to index
      %parallel_loop3A_185 = tpu.vector_load %arg9[%parallel_loop3A_184] {strides = array<i32>} : memref<65536xf32, #tpu.memory_space<vmem>>, vector<16xf32>,
      %parallel_loop3A_186 = arith.addf %parallel_loop3A_177, %parallel_loop3A_185 : vector<16xf32>
      %parallel_loop3A_187 = arith.index_cast %parallel_loop3A_183 : i32 to index
      %parallel_loop3A_188 = tpu.vector_load %arg9[%parallel_loop3A_187] {strides = array<i32>} : memref<65536xf32, #tpu.memory_space<vmem>>, vector<16xf32>,
      tpu.vector_store %arg9[%parallel_loop3A_187], %broadcast_in_dim3A_4 {strides = array<i32>} : memref<65536xf32, #tpu.memory_space<vmem>>, vector<16xf32>,
      %parallel_loop3A_189 = arith.constant 16 : i32
      %parallel_loop3A_190 = arith.muli %parallel_loop3A_126, %parallel_loop3A_189 : i32
      %parallel_loop3A_191 = arith.constant 28672 : i32
      %parallel_loop3A_192 = arith.addi %parallel_loop3A_191, %parallel_loop3A_190 : i32
      %parallel_loop3A_193 = arith.index_cast %parallel_loop3A_192 : i32 to index
      %parallel_loop3A_194 = tpu.vector_load %arg9[%parallel_loop3A_193] {strides = array<i32>} : memref<65536xf32, #tpu.memory_space<vmem>>, vector<16xf32>,
      %parallel_loop3A_195 = arith.addf %parallel_loop3A_186, %parallel_loop3A_194 : vector<16xf32>
      %parallel_loop3A_196 = arith.index_cast %parallel_loop3A_192 : i32 to index
      %parallel_loop3A_197 = tpu.vector_load %arg9[%parallel_loop3A_196] {strides = array<i32>} : memref<65536xf32, #tpu.memory_space<vmem>>, vector<16xf32>,
      tpu.vector_store %arg9[%parallel_loop3A_196], %broadcast_in_dim3A_4 {strides = array<i32>} : memref<65536xf32, #tpu.memory_space<vmem>>, vector<16xf32>,
      %parallel_loop3A_198 = arith.constant 16 : i32
      %parallel_loop3A_199 = arith.muli %parallel_loop3A_126, %parallel_loop3A_198 : i32
      %parallel_loop3A_200 = arith.constant 32768 : i32
      %parallel_loop3A_201 = arith.addi %parallel_loop3A_200, %parallel_loop3A_199 : i32
      %parallel_loop3A_202 = arith.index_cast %parallel_loop3A_201 : i32 to index
      %parallel_loop3A_203 = tpu.vector_load %arg9[%parallel_loop3A_202] {strides = array<i32>} : memref<65536xf32, #tpu.memory_space<vmem>>, vector<16xf32>,
      %parallel_loop3A_204 = arith.addf %parallel_loop3A_195, %parallel_loop3A_203 : vector<16xf32>
      %parallel_loop3A_205 = arith.index_cast %parallel_loop3A_201 : i32 to index
      %parallel_loop3A_206 = tpu.vector_load %arg9[%parallel_loop3A_205] {strides = array<i32>} : memref<65536xf32, #tpu.memory_space<vmem>>, vector<16xf32>,
      tpu.vector_store %arg9[%parallel_loop3A_205], %broadcast_in_dim3A_4 {strides = array<i32>} : memref<65536xf32, #tpu.memory_space<vmem>>, vector<16xf32>,
      %parallel_loop3A_207 = arith.constant 16 : i32
      %parallel_loop3A_208 = arith.muli %parallel_loop3A_126, %parallel_loop3A_207 : i32
      %parallel_loop3A_209 = arith.constant 36864 : i32
      %parallel_loop3A_210 = arith.addi %parallel_loop3A_209, %parallel_loop3A_208 : i32
      %parallel_loop3A_211 = arith.index_cast %parallel_loop3A_210 : i32 to index
      %parallel_loop3A_212 = tpu.vector_load %arg9[%parallel_loop3A_211] {strides = array<i32>} : memref<65536xf32, #tpu.memory_space<vmem>>, vector<16xf32>,
      %parallel_loop3A_213 = arith.addf %parallel_loop3A_204, %parallel_loop3A_212 : vector<16xf32>
      %parallel_loop3A_214 = arith.index_cast %parallel_loop3A_210 : i32 to index
      %parallel_loop3A_215 = tpu.vector_load %arg9[%parallel_loop3A_214] {strides = array<i32>} : memref<65536xf32, #tpu.memory_space<vmem>>, vector<16xf32>,
      tpu.vector_store %arg9[%parallel_loop3A_214], %broadcast_in_dim3A_4 {strides = array<i32>} : memref<65536xf32, #tpu.memory_space<vmem>>, vector<16xf32>,
      %parallel_loop3A_216 = arith.constant 16 : i32
      %parallel_loop3A_217 = arith.muli %parallel_loop3A_126, %parallel_loop3A_216 : i32
      %parallel_loop3A_218 = arith.constant 40960 : i32
      %parallel_loop3A_219 = arith.addi %parallel_loop3A_218, %parallel_loop3A_217 : i32
      %parallel_loop3A_220 = arith.index_cast %parallel_loop3A_219 : i32 to index
      %parallel_loop3A_221 = tpu.vector_load %arg9[%parallel_loop3A_220] {strides = array<i32>} : memref<65536xf32, #tpu.memory_space<vmem>>, vector<16xf32>,
      %parallel_loop3A_222 = arith.addf %parallel_loop3A_213, %parallel_loop3A_221 : vector<16xf32>
      %parallel_loop3A_223 = arith.index_cast %parallel_loop3A_219 : i32 to index
      %parallel_loop3A_224 = tpu.vector_load %arg9[%parallel_loop3A_223] {strides = array<i32>} : memref<65536xf32, #tpu.memory_space<vmem>>, vector<16xf32>,
      tpu.vector_store %arg9[%parallel_loop3A_223], %broadcast_in_dim3A_4 {strides = array<i32>} : memref<65536xf32, #tpu.memory_space<vmem>>, vector<16xf32>,
      %parallel_loop3A_225 = arith.constant 16 : i32
      %parallel_loop3A_226 = arith.muli %parallel_loop3A_126, %parallel_loop3A_225 : i32
      %parallel_loop3A_227 = arith.constant 45056 : i32
      %parallel_loop3A_228 = arith.addi %parallel_loop3A_227, %parallel_loop3A_226 : i32
      %parallel_loop3A_229 = arith.index_cast %parallel_loop3A_228 : i32 to index
      %parallel_loop3A_230 = tpu.vector_load %arg9[%parallel_loop3A_229] {strides = array<i32>} : memref<65536xf32, #tpu.memory_space<vmem>>, vector<16xf32>,
      %parallel_loop3A_231 = arith.addf %parallel_loop3A_222, %parallel_loop3A_230 : vector<16xf32>
      %parallel_loop3A_232 = arith.index_cast %parallel_loop3A_228 : i32 to index
      %parallel_loop3A_233 = tpu.vector_load %arg9[%parallel_loop3A_232] {strides = array<i32>} : memref<65536xf32, #tpu.memory_space<vmem>>, vector<16xf32>,
      tpu.vector_store %arg9[%parallel_loop3A_232], %broadcast_in_dim3A_4 {strides = array<i32>} : memref<65536xf32, #tpu.memory_space<vmem>>, vector<16xf32>,
      %parallel_loop3A_234 = arith.constant 16 : i32
      %parallel_loop3A_235 = arith.muli %parallel_loop3A_126, %parallel_loop3A_234 : i32
      %parallel_loop3A_236 = arith.constant 49152 : i32
      %parallel_loop3A_237 = arith.addi %parallel_loop3A_236, %parallel_loop3A_235 : i32
      %parallel_loop3A_238 = arith.index_cast %parallel_loop3A_237 : i32 to index
      %parallel_loop3A_239 = tpu.vector_load %arg9[%parallel_loop3A_238] {strides = array<i32>} : memref<65536xf32, #tpu.memory_space<vmem>>, vector<16xf32>,
      %parallel_loop3A_240 = arith.addf %parallel_loop3A_231, %parallel_loop3A_239 : vector<16xf32>
      %parallel_loop3A_241 = arith.index_cast %parallel_loop3A_237 : i32 to index
      %parallel_loop3A_242 = tpu.vector_load %arg9[%parallel_loop3A_241] {strides = array<i32>} : memref<65536xf32, #tpu.memory_space<vmem>>, vector<16xf32>,
      tpu.vector_store %arg9[%parallel_loop3A_241], %broadcast_in_dim3A_4 {strides = array<i32>} : memref<65536xf32, #tpu.memory_space<vmem>>, vector<16xf32>,
      %parallel_loop3A_243 = arith.constant 16 : i32
      %parallel_loop3A_244 = arith.muli %parallel_loop3A_126, %parallel_loop3A_243 : i32
      %parallel_loop3A_245 = arith.constant 53248 : i32
      %parallel_loop3A_246 = arith.addi %parallel_loop3A_245, %parallel_loop3A_244 : i32
      %parallel_loop3A_247 = arith.index_cast %parallel_loop3A_246 : i32 to index
      %parallel_loop3A_248 = tpu.vector_load %arg9[%parallel_loop3A_247] {strides = array<i32>} : memref<65536xf32, #tpu.memory_space<vmem>>, vector<16xf32>,
      %parallel_loop3A_249 = arith.addf %parallel_loop3A_240, %parallel_loop3A_248 : vector<16xf32>
      %parallel_loop3A_250 = arith.index_cast %parallel_loop3A_246 : i32 to index
      %parallel_loop3A_251 = tpu.vector_load %arg9[%parallel_loop3A_250] {strides = array<i32>} : memref<65536xf32, #tpu.memory_space<vmem>>, vector<16xf32>,
      tpu.vector_store %arg9[%parallel_loop3A_250], %broadcast_in_dim3A_4 {strides = array<i32>} : memref<65536xf32, #tpu.memory_space<vmem>>, vector<16xf32>,
      %parallel_loop3A_252 = arith.constant 16 : i32
      %parallel_loop3A_253 = arith.muli %parallel_loop3A_126, %parallel_loop3A_252 : i32
      %parallel_loop3A_254 = arith.constant 57344 : i32
      %parallel_loop3A_255 = arith.addi %parallel_loop3A_254, %parallel_loop3A_253 : i32
      %parallel_loop3A_256 = arith.index_cast %parallel_loop3A_255 : i32 to index
      %parallel_loop3A_257 = tpu.vector_load %arg9[%parallel_loop3A_256] {strides = array<i32>} : memref<65536xf32, #tpu.memory_space<vmem>>, vector<16xf32>,
      %parallel_loop3A_258 = arith.addf %parallel_loop3A_249, %parallel_loop3A_257 : vector<16xf32>
      %parallel_loop3A_259 = arith.index_cast %parallel_loop3A_255 : i32 to index
      %parallel_loop3A_260 = tpu.vector_load %arg9[%parallel_loop3A_259] {strides = array<i32>} : memref<65536xf32, #tpu.memory_space<vmem>>, vector<16xf32>,
      tpu.vector_store %arg9[%parallel_loop3A_259], %broadcast_in_dim3A_4 {strides = array<i32>} : memref<65536xf32, #tpu.memory_space<vmem>>, vector<16xf32>,
      %parallel_loop3A_261 = arith.constant 16 : i32
      %parallel_loop3A_262 = arith.muli %parallel_loop3A_126, %parallel_loop3A_261 : i32
      %parallel_loop3A_263 = arith.constant 61440 : i32
      %parallel_loop3A_264 = arith.addi %parallel_loop3A_263, %parallel_loop3A_262 : i32
      %parallel_loop3A_265 = arith.index_cast %parallel_loop3A_264 : i32 to index
      %parallel_loop3A_266 = tpu.vector_load %arg9[%parallel_loop3A_265] {strides = array<i32>} : memref<65536xf32, #tpu.memory_space<vmem>>, vector<16xf32>,
      %parallel_loop3A_267 = arith.addf %parallel_loop3A_258, %parallel_loop3A_266 : vector<16xf32>
      %parallel_loop3A_268 = arith.index_cast %parallel_loop3A_264 : i32 to index
      %parallel_loop3A_269 = tpu.vector_load %arg9[%parallel_loop3A_268] {strides = array<i32>} : memref<65536xf32, #tpu.memory_space<vmem>>, vector<16xf32>,
      tpu.vector_store %arg9[%parallel_loop3A_268], %broadcast_in_dim3A_4 {strides = array<i32>} : memref<65536xf32, #tpu.memory_space<vmem>>, vector<16xf32>,
      %parallel_loop3A_270 = arith.constant 16 : i32
      %parallel_loop3A_271 = arith.muli %parallel_loop3A_126, %parallel_loop3A_270 : i32
      %parallel_loop3A_272 = arith.index_cast %parallel_loop3A_271 : i32 to index
      %parallel_loop3A_273 = tpu.vector_load %arg21[%parallel_loop3A_272] {strides = array<i32>} : memref<4096xf32, #tpu.memory_space<vmem>>, vector<16xf32>,
      tpu.vector_store %arg21[%parallel_loop3A_272], %parallel_loop3A_267 {strides = array<i32>} : memref<4096xf32, #tpu.memory_space<vmem>>, vector<16xf32>,
    } {sc.loop_unroll_factor = 2 : i64, sc.parallel_access}
    %mul3A_124 = arith.constant 4096 : i32
    %mul3A_125 = arith.muli %add3A_10, %mul3A_124 : i32
    "tpu.region"() ({
      %run_scoped3A = tpu.sem_alloc : memref<!tpu.dma_semaphore, #tpu.memory_space<semaphore_mem>>
      %dma_start3A_126 = tpu.memref_slice %arg8[%mul3A_125] : memref<131072xf32, #tpu.memory_space<hbm>> -> memref<4096xf32, #tpu.memory_space<hbm>>
      %dma_start3A_127 = tpu.memref_slice %arg8[%mul3A_125] : memref<131072xf32, #tpu.memory_space<hbm>> -> memref<4096xf32, #tpu.memory_space<hbm>>
      tpu.enqueue_dma source(%arg21 : memref<4096xf32, #tpu.memory_space<vmem>>) target(%dma_start3A_127 : memref<4096xf32, #tpu.memory_space<hbm>>) target_semaphore(%run_scoped3A : memref<!tpu.dma_semaphore, #tpu.memory_space<semaphore_mem>>)
      %dma_wait3A_128 = tpu.memref_slice %arg8[%mul3A_125] : memref<131072xf32, #tpu.memory_space<hbm>> -> memref<4096xf32, #tpu.memory_space<hbm>>
      %dma_wait3A_129 = tpu.memref_slice %arg8[%mul3A_125] : memref<131072xf32, #tpu.memory_space<hbm>> -> memref<4096xf32, #tpu.memory_space<hbm>>
      tpu.wait_dma2 semaphore(%run_scoped3A : memref<!tpu.dma_semaphore, #tpu.memory_space<semaphore_mem>>) src(%arg21 : memref<4096xf32, #tpu.memory_space<vmem>>) dst(%dma_wait3A_129 : memref<4096xf32, #tpu.memory_space<hbm>>)
      tpu.yield
    }) : () -> ()
    return
  }
}

#map = affine_map<(d0, d1) -> (0)>
module attributes {stable_mosaic.version = 14 : i64} {
  func.func @_scatter_body(%arg0: i32, %arg1: i32, %arg2: memref<262144xf32, #tpu.memory_space<hbm>>, %arg3: memref<524288xi32, #tpu.memory_space<hbm>>, %arg4: memref<524288xf32, #tpu.memory_space<hbm>>, %arg5: memref<524288xf32, #tpu.memory_space<hbm>>, %arg6: memref<524288xf32, #tpu.memory_space<hbm>>, %arg7: memref<524288xf32, #tpu.memory_space<hbm>>, %arg8: memref<131072xf32, #tpu.memory_space<hbm>>, %arg9: memref<65536xf32, #tpu.memory_space<vmem>>, %arg10: memref<4096xf32, #tpu.memory_space<vmem>>, %arg11: memref<4096xi32, #tpu.memory_space<vmem>>, %arg12: memref<4096xf32, #tpu.memory_space<vmem>>, %arg13: memref<4096xf32, #tpu.memory_space<vmem>>, %arg14: memref<4096xf32, #tpu.memory_space<vmem>>, %arg15: memref<4096xf32, #tpu.memory_space<vmem>>, %arg16: memref<4096xi32, #tpu.memory_space<vmem>>, %arg17: memref<4096xf32, #tpu.memory_space<vmem>>, %arg18: memref<4096xf32, #tpu.memory_space<vmem>>, %arg19: memref<4096xf32, #tpu.memory_space<vmem>>, %arg20: memref<4096xf32, #tpu.memory_space<vmem>>, %arg21: memref<4096xf32, #tpu.memory_space<vmem>>, %arg22: memref<!tpu.dma_semaphore, #tpu.memory_space<semaphore_mem>>, %arg23: memref<!tpu.dma_semaphore, #tpu.memory_space<semaphore_mem>>) attributes {dimension_semantics = [#tpu.dimension_semantics<core_parallel>, #tpu.dimension_semantics<subcore_parallel>], iteration_bounds = array<i64: 2, 16>, scalar_prefetch = 0 : i64, scratch_operands = 15 : i64, tpu.core_type = #tpu.core_type<sc_vector_subcore>, window_params = [{transform_indices = #map}, {transform_indices = #map}, {transform_indices = #map}, {transform_indices = #map}, {transform_indices = #map}, {transform_indices = #map}, {transform_indices = #map}]} {
    %mul3A = arith.constant 2 : i32
    %mul3A_0 = arith.muli %arg1, %mul3A : i32
    %add3A = arith.addi %mul3A_0, %arg0 : i32
    %iota3A = tpu.iota {dimensions = array<i32: 0>} : vector<16xi32>
    %mul3A_1 = arith.constant 4096 : i32
    %mul3A_2 = vector.broadcast %mul3A_1 : i32 to vector<16xi32>
    %mul3A_3 = arith.muli %iota3A, %mul3A_2 : vector<16xi32>
    %broadcast_in_dim3A = arith.constant 0.000000e+00 : f32
    %broadcast_in_dim3A_4 = vector.broadcast %broadcast_in_dim3A : f32 to vector<16xf32>
    %parallel_loop3A = arith.constant 0 : i32
    %parallel_loop3A_5 = arith.constant 4096 : i32
    %parallel_loop3A_6 = arith.constant 1 : i32
    scf.for %parallel_loop3A_126 = %parallel_loop3A to %parallel_loop3A_5 step %parallel_loop3A_6  : i32 {
      %parallel_loop3A_127 = arith.constant 16 : i32
      %parallel_loop3A_128 = arith.muli %parallel_loop3A_126, %parallel_loop3A_127 : i32
      %parallel_loop3A_129 = arith.index_cast %parallel_loop3A_128 : i32 to index
      %parallel_loop3A_130 = tpu.vector_load %arg9[%parallel_loop3A_129] {strides = array<i32>} : memref<65536xf32, #tpu.memory_space<vmem>>, vector<16xf32>,
      tpu.vector_store %arg9[%parallel_loop3A_129], %broadcast_in_dim3A_4 {strides = array<i32>} : memref<65536xf32, #tpu.memory_space<vmem>>, vector<16xf32>,
    } {sc.loop_unroll_factor = 16 : i64, sc.parallel_access}
    %mul3A_7 = arith.constant 1 : i32
    %mul3A_8 = arith.muli %add3A, %mul3A_7 : i32
    %add3A_9 = arith.constant 0 : i32
    %add3A_10 = arith.addi %mul3A_8, %add3A_9 : i32
    %add3A_11 = arith.constant 0 : i32
    %add3A_12 = arith.addi %add3A_11, %add3A_10 : i32
    %mul3A_13 = arith.constant 4096 : i32
    %mul3A_14 = arith.muli %add3A_12, %mul3A_13 : i32
    "tpu.region"() ({
      %run_scoped3A = tpu.sem_alloc : memref<!tpu.dma_semaphore, #tpu.memory_space<semaphore_mem>>
      %dma_start3A_126 = tpu.memref_slice %arg2[%mul3A_14] : memref<262144xf32, #tpu.memory_space<hbm>> -> memref<4096xf32, #tpu.memory_space<hbm>>
      %dma_start3A_127 = tpu.memref_slice %arg2[%mul3A_14] : memref<262144xf32, #tpu.memory_space<hbm>> -> memref<4096xf32, #tpu.memory_space<hbm>>
      tpu.enqueue_dma source(%dma_start3A_127 : memref<4096xf32, #tpu.memory_space<hbm>>) target(%arg10 : memref<4096xf32, #tpu.memory_space<vmem>>) target_semaphore(%run_scoped3A : memref<!tpu.dma_semaphore, #tpu.memory_space<semaphore_mem>>)
      %dma_wait3A_128 = tpu.memref_slice %arg2[%mul3A_14] : memref<262144xf32, #tpu.memory_space<hbm>> -> memref<4096xf32, #tpu.memory_space<hbm>>
      %dma_wait3A_129 = tpu.memref_slice %arg2[%mul3A_14] : memref<262144xf32, #tpu.memory_space<hbm>> -> memref<4096xf32, #tpu.memory_space<hbm>>
      tpu.wait_dma2 semaphore(%run_scoped3A : memref<!tpu.dma_semaphore, #tpu.memory_space<semaphore_mem>>) src(%dma_wait3A_129 : memref<4096xf32, #tpu.memory_space<hbm>>) dst(%arg10 : memref<4096xf32, #tpu.memory_space<vmem>>)
      tpu.yield
    }) : () -> ()
    %mul3A_15 = arith.constant 16384 : i32
    %mul3A_16 = arith.muli %add3A_10, %mul3A_15 : i32
    %add3A_17 = arith.constant 0 : i32
    %add3A_18 = arith.addi %mul3A_16, %add3A_17 : i32
    %dma_start3A = tpu.memref_slice %arg3[%add3A_18] : memref<524288xi32, #tpu.memory_space<hbm>> -> memref<4096xi32, #tpu.memory_space<hbm>>
    %dma_start3A_19 = tpu.memref_slice %arg3[%add3A_18] : memref<524288xi32, #tpu.memory_space<hbm>> -> memref<4096xi32, #tpu.memory_space<hbm>>
    tpu.enqueue_dma source(%dma_start3A_19 : memref<4096xi32, #tpu.memory_space<hbm>>) target(%arg11 : memref<4096xi32, #tpu.memory_space<vmem>>) target_semaphore(%arg22 : memref<!tpu.dma_semaphore, #tpu.memory_space<semaphore_mem>>)
    %dma_start3A_20 = tpu.memref_slice %arg4[%add3A_18] : memref<524288xf32, #tpu.memory_space<hbm>> -> memref<4096xf32, #tpu.memory_space<hbm>>
    %dma_start3A_21 = tpu.memref_slice %arg4[%add3A_18] : memref<524288xf32, #tpu.memory_space<hbm>> -> memref<4096xf32, #tpu.memory_space<hbm>>
    tpu.enqueue_dma source(%dma_start3A_21 : memref<4096xf32, #tpu.memory_space<hbm>>) target(%arg12 : memref<4096xf32, #tpu.memory_space<vmem>>) target_semaphore(%arg22 : memref<!tpu.dma_semaphore, #tpu.memory_space<semaphore_mem>>)
    %dma_start3A_22 = tpu.memref_slice %arg5[%add3A_18] : memref<524288xf32, #tpu.memory_space<hbm>> -> memref<4096xf32, #tpu.memory_space<hbm>>
    %dma_start3A_23 = tpu.memref_slice %arg5[%add3A_18] : memref<524288xf32, #tpu.memory_space<hbm>> -> memref<4096xf32, #tpu.memory_space<hbm>>
    tpu.enqueue_dma source(%dma_start3A_23 : memref<4096xf32, #tpu.memory_space<hbm>>) target(%arg13 : memref<4096xf32, #tpu.memory_space<vmem>>) target_semaphore(%arg22 : memref<!tpu.dma_semaphore, #tpu.memory_space<semaphore_mem>>)
    %dma_start3A_24 = tpu.memref_slice %arg6[%add3A_18] : memref<524288xf32, #tpu.memory_space<hbm>> -> memref<4096xf32, #tpu.memory_space<hbm>>
    %dma_start3A_25 = tpu.memref_slice %arg6[%add3A_18] : memref<524288xf32, #tpu.memory_space<hbm>> -> memref<4096xf32, #tpu.memory_space<hbm>>
    tpu.enqueue_dma source(%dma_start3A_25 : memref<4096xf32, #tpu.memory_space<hbm>>) target(%arg14 : memref<4096xf32, #tpu.memory_space<vmem>>) target_semaphore(%arg22 : memref<!tpu.dma_semaphore, #tpu.memory_space<semaphore_mem>>)
    %dma_start3A_26 = tpu.memref_slice %arg7[%add3A_18] : memref<524288xf32, #tpu.memory_space<hbm>> -> memref<4096xf32, #tpu.memory_space<hbm>>
    %dma_start3A_27 = tpu.memref_slice %arg7[%add3A_18] : memref<524288xf32, #tpu.memory_space<hbm>> -> memref<4096xf32, #tpu.memory_space<hbm>>
    tpu.enqueue_dma source(%dma_start3A_27 : memref<4096xf32, #tpu.memory_space<hbm>>) target(%arg15 : memref<4096xf32, #tpu.memory_space<vmem>>) target_semaphore(%arg22 : memref<!tpu.dma_semaphore, #tpu.memory_space<semaphore_mem>>)
    %mul3A_28 = arith.constant 16384 : i32
    %mul3A_29 = arith.muli %add3A_10, %mul3A_28 : i32
    %add3A_30 = arith.constant 4096 : i32
    %add3A_31 = arith.addi %mul3A_29, %add3A_30 : i32
    %dma_start3A_32 = tpu.memref_slice %arg3[%add3A_31] : memref<524288xi32, #tpu.memory_space<hbm>> -> memref<4096xi32, #tpu.memory_space<hbm>>
    %dma_start3A_33 = tpu.memref_slice %arg3[%add3A_31] : memref<524288xi32, #tpu.memory_space<hbm>> -> memref<4096xi32, #tpu.memory_space<hbm>>
    tpu.enqueue_dma source(%dma_start3A_33 : memref<4096xi32, #tpu.memory_space<hbm>>) target(%arg16 : memref<4096xi32, #tpu.memory_space<vmem>>) target_semaphore(%arg23 : memref<!tpu.dma_semaphore, #tpu.memory_space<semaphore_mem>>)
    %dma_start3A_34 = tpu.memref_slice %arg4[%add3A_31] : memref<524288xf32, #tpu.memory_space<hbm>> -> memref<4096xf32, #tpu.memory_space<hbm>>
    %dma_start3A_35 = tpu.memref_slice %arg4[%add3A_31] : memref<524288xf32, #tpu.memory_space<hbm>> -> memref<4096xf32, #tpu.memory_space<hbm>>
    tpu.enqueue_dma source(%dma_start3A_35 : memref<4096xf32, #tpu.memory_space<hbm>>) target(%arg17 : memref<4096xf32, #tpu.memory_space<vmem>>) target_semaphore(%arg23 : memref<!tpu.dma_semaphore, #tpu.memory_space<semaphore_mem>>)
    %dma_start3A_36 = tpu.memref_slice %arg5[%add3A_31] : memref<524288xf32, #tpu.memory_space<hbm>> -> memref<4096xf32, #tpu.memory_space<hbm>>
    %dma_start3A_37 = tpu.memref_slice %arg5[%add3A_31] : memref<524288xf32, #tpu.memory_space<hbm>> -> memref<4096xf32, #tpu.memory_space<hbm>>
    tpu.enqueue_dma source(%dma_start3A_37 : memref<4096xf32, #tpu.memory_space<hbm>>) target(%arg18 : memref<4096xf32, #tpu.memory_space<vmem>>) target_semaphore(%arg23 : memref<!tpu.dma_semaphore, #tpu.memory_space<semaphore_mem>>)
    %dma_start3A_38 = tpu.memref_slice %arg6[%add3A_31] : memref<524288xf32, #tpu.memory_space<hbm>> -> memref<4096xf32, #tpu.memory_space<hbm>>
    %dma_start3A_39 = tpu.memref_slice %arg6[%add3A_31] : memref<524288xf32, #tpu.memory_space<hbm>> -> memref<4096xf32, #tpu.memory_space<hbm>>
    tpu.enqueue_dma source(%dma_start3A_39 : memref<4096xf32, #tpu.memory_space<hbm>>) target(%arg19 : memref<4096xf32, #tpu.memory_space<vmem>>) target_semaphore(%arg23 : memref<!tpu.dma_semaphore, #tpu.memory_space<semaphore_mem>>)
    %dma_start3A_40 = tpu.memref_slice %arg7[%add3A_31] : memref<524288xf32, #tpu.memory_space<hbm>> -> memref<4096xf32, #tpu.memory_space<hbm>>
    %dma_start3A_41 = tpu.memref_slice %arg7[%add3A_31] : memref<524288xf32, #tpu.memory_space<hbm>> -> memref<4096xf32, #tpu.memory_space<hbm>>
    tpu.enqueue_dma source(%dma_start3A_41 : memref<4096xf32, #tpu.memory_space<hbm>>) target(%arg20 : memref<4096xf32, #tpu.memory_space<vmem>>) target_semaphore(%arg23 : memref<!tpu.dma_semaphore, #tpu.memory_space<semaphore_mem>>)
    %dma_wait3A = tpu.memref_slice %arg3[%add3A_18] : memref<524288xi32, #tpu.memory_space<hbm>> -> memref<4096xi32, #tpu.memory_space<hbm>>
    %dma_wait3A_42 = tpu.memref_slice %arg3[%add3A_18] : memref<524288xi32, #tpu.memory_space<hbm>> -> memref<4096xi32, #tpu.memory_space<hbm>>
    tpu.wait_dma2 semaphore(%arg22 : memref<!tpu.dma_semaphore, #tpu.memory_space<semaphore_mem>>) src(%dma_wait3A_42 : memref<4096xi32, #tpu.memory_space<hbm>>) dst(%arg11 : memref<4096xi32, #tpu.memory_space<vmem>>)
    %dma_wait3A_43 = tpu.memref_slice %arg4[%add3A_18] : memref<524288xf32, #tpu.memory_space<hbm>> -> memref<4096xf32, #tpu.memory_space<hbm>>
    %dma_wait3A_44 = tpu.memref_slice %arg4[%add3A_18] : memref<524288xf32, #tpu.memory_space<hbm>> -> memref<4096xf32, #tpu.memory_space<hbm>>
    tpu.wait_dma2 semaphore(%arg22 : memref<!tpu.dma_semaphore, #tpu.memory_space<semaphore_mem>>) src(%dma_wait3A_44 : memref<4096xf32, #tpu.memory_space<hbm>>) dst(%arg12 : memref<4096xf32, #tpu.memory_space<vmem>>)
    %dma_wait3A_45 = tpu.memref_slice %arg5[%add3A_18] : memref<524288xf32, #tpu.memory_space<hbm>> -> memref<4096xf32, #tpu.memory_space<hbm>>
    %dma_wait3A_46 = tpu.memref_slice %arg5[%add3A_18] : memref<524288xf32, #tpu.memory_space<hbm>> -> memref<4096xf32, #tpu.memory_space<hbm>>
    tpu.wait_dma2 semaphore(%arg22 : memref<!tpu.dma_semaphore, #tpu.memory_space<semaphore_mem>>) src(%dma_wait3A_46 : memref<4096xf32, #tpu.memory_space<hbm>>) dst(%arg13 : memref<4096xf32, #tpu.memory_space<vmem>>)
    %dma_wait3A_47 = tpu.memref_slice %arg6[%add3A_18] : memref<524288xf32, #tpu.memory_space<hbm>> -> memref<4096xf32, #tpu.memory_space<hbm>>
    %dma_wait3A_48 = tpu.memref_slice %arg6[%add3A_18] : memref<524288xf32, #tpu.memory_space<hbm>> -> memref<4096xf32, #tpu.memory_space<hbm>>
    tpu.wait_dma2 semaphore(%arg22 : memref<!tpu.dma_semaphore, #tpu.memory_space<semaphore_mem>>) src(%dma_wait3A_48 : memref<4096xf32, #tpu.memory_space<hbm>>) dst(%arg14 : memref<4096xf32, #tpu.memory_space<vmem>>)
    %dma_wait3A_49 = tpu.memref_slice %arg7[%add3A_18] : memref<524288xf32, #tpu.memory_space<hbm>> -> memref<4096xf32, #tpu.memory_space<hbm>>
    %dma_wait3A_50 = tpu.memref_slice %arg7[%add3A_18] : memref<524288xf32, #tpu.memory_space<hbm>> -> memref<4096xf32, #tpu.memory_space<hbm>>
    tpu.wait_dma2 semaphore(%arg22 : memref<!tpu.dma_semaphore, #tpu.memory_space<semaphore_mem>>) src(%dma_wait3A_50 : memref<4096xf32, #tpu.memory_space<hbm>>) dst(%arg15 : memref<4096xf32, #tpu.memory_space<vmem>>)
    %parallel_loop3A_51 = arith.constant 0 : i32
    %parallel_loop3A_52 = arith.constant 256 : i32
    %parallel_loop3A_53 = arith.constant 1 : i32
    scf.for %parallel_loop3A_126 = %parallel_loop3A_51 to %parallel_loop3A_52 step %parallel_loop3A_53  : i32 {
      %parallel_loop3A_127 = arith.constant 16 : i32
      %parallel_loop3A_128 = arith.muli %parallel_loop3A_126, %parallel_loop3A_127 : i32
      %parallel_loop3A_129 = arith.index_cast %parallel_loop3A_128 : i32 to index
      %parallel_loop3A_130 = tpu.vector_load %arg11[%parallel_loop3A_129] {strides = array<i32>} : memref<4096xi32, #tpu.memory_space<vmem>>, vector<16xi32>,
      %parallel_loop3A_131 = arith.constant 12 : i32
      %parallel_loop3A_132 = vector.broadcast %parallel_loop3A_131 : i32 to vector<16xi32>
      %parallel_loop3A_133 = arith.shrsi %parallel_loop3A_130, %parallel_loop3A_132 : vector<16xi32>
      %parallel_loop3A_134 = arith.constant 4095 : i32
      %parallel_loop3A_135 = vector.broadcast %parallel_loop3A_134 : i32 to vector<16xi32>
      %parallel_loop3A_136 = arith.andi %parallel_loop3A_130, %parallel_loop3A_135 : vector<16xi32>
      %parallel_loop3A_137 = arith.constant 1 : i32
      %parallel_loop3A_138 = vector.broadcast %parallel_loop3A_137 : i32 to vector<16xi32>
      %parallel_loop3A_139 = arith.addi %parallel_loop3A_136, %parallel_loop3A_138 : vector<16xi32>
      %parallel_loop3A_140 = arith.constant 4095 : i32
      %parallel_loop3A_141 = vector.broadcast %parallel_loop3A_140 : i32 to vector<16xi32>
      %parallel_loop3A_142 = arith.minsi %parallel_loop3A_139, %parallel_loop3A_141 : vector<16xi32>
      %parallel_loop3A_143 = arith.constant 1 : i32
      %parallel_loop3A_144 = vector.broadcast %parallel_loop3A_143 : i32 to vector<16xi32>
      %parallel_loop3A_145 = arith.addi %parallel_loop3A_133, %parallel_loop3A_144 : vector<16xi32>
      %parallel_loop3A_146 = arith.constant 4095 : i32
      %parallel_loop3A_147 = vector.broadcast %parallel_loop3A_146 : i32 to vector<16xi32>
      %parallel_loop3A_148 = arith.minsi %parallel_loop3A_145, %parallel_loop3A_147 : vector<16xi32>
      %parallel_loop3A_149 = tpu.vector_load_idx %arg10[%parallel_loop3A_136] : memref<4096xf32, #tpu.memory_space<vmem>>[vector<16xi32>], vector<16xf32>,
      %parallel_loop3A_150 = tpu.vector_load_idx %arg10[%parallel_loop3A_142] : memref<4096xf32, #tpu.memory_space<vmem>>[vector<16xi32>], vector<16xf32>,
      %parallel_loop3A_151 = arith.index_cast %parallel_loop3A_128 : i32 to index
      %parallel_loop3A_152 = tpu.vector_load %arg12[%parallel_loop3A_151] {strides = array<i32>} : memref<4096xf32, #tpu.memory_space<vmem>>, vector<16xf32>,
      %parallel_loop3A_153 = arith.mulf %parallel_loop3A_152, %parallel_loop3A_149 : vector<16xf32>
      %parallel_loop3A_154 = arith.index_cast %parallel_loop3A_128 : i32 to index
      %parallel_loop3A_155 = tpu.vector_load %arg13[%parallel_loop3A_154] {strides = array<i32>} : memref<4096xf32, #tpu.memory_space<vmem>>, vector<16xf32>,
      %parallel_loop3A_156 = arith.mulf %parallel_loop3A_155, %parallel_loop3A_150 : vector<16xf32>
      %parallel_loop3A_157 = arith.addf %parallel_loop3A_153, %parallel_loop3A_156 : vector<16xf32>
      %parallel_loop3A_158 = arith.index_cast %parallel_loop3A_128 : i32 to index
      %parallel_loop3A_159 = tpu.vector_load %arg14[%parallel_loop3A_158] {strides = array<i32>} : memref<4096xf32, #tpu.memory_space<vmem>>, vector<16xf32>,
      %parallel_loop3A_160 = arith.mulf %parallel_loop3A_159, %parallel_loop3A_149 : vector<16xf32>
      %parallel_loop3A_161 = arith.index_cast %parallel_loop3A_128 : i32 to index
      %parallel_loop3A_162 = tpu.vector_load %arg15[%parallel_loop3A_161] {strides = array<i32>} : memref<4096xf32, #tpu.memory_space<vmem>>, vector<16xf32>,
      %parallel_loop3A_163 = arith.mulf %parallel_loop3A_162, %parallel_loop3A_150 : vector<16xf32>
      %parallel_loop3A_164 = arith.addf %parallel_loop3A_160, %parallel_loop3A_163 : vector<16xf32>
      %parallel_loop3A_165 = arith.addi %mul3A_3, %parallel_loop3A_133 : vector<16xi32>
      tpu.vector_store_idx %arg9[%parallel_loop3A_165], %parallel_loop3A_157 {add = true} : memref<65536xf32, #tpu.memory_space<vmem>>[vector<16xi32>], vector<16xf32>,
      %parallel_loop3A_166 = arith.addi %mul3A_3, %parallel_loop3A_148 : vector<16xi32>
      tpu.vector_store_idx %arg9[%parallel_loop3A_166], %parallel_loop3A_164 {add = true} : memref<65536xf32, #tpu.memory_space<vmem>>[vector<16xi32>], vector<16xf32>,
    } {sc.loop_unroll_factor = 8 : i64, sc.parallel_access}
    %mul3A_54 = arith.constant 16384 : i32
    %mul3A_55 = arith.muli %add3A_10, %mul3A_54 : i32
    %add3A_56 = arith.constant 8192 : i32
    %add3A_57 = arith.addi %mul3A_55, %add3A_56 : i32
    %dma_start3A_58 = tpu.memref_slice %arg3[%add3A_57] : memref<524288xi32, #tpu.memory_space<hbm>> -> memref<4096xi32, #tpu.memory_space<hbm>>
    %dma_start3A_59 = tpu.memref_slice %arg3[%add3A_57] : memref<524288xi32, #tpu.memory_space<hbm>> -> memref<4096xi32, #tpu.memory_space<hbm>>
    tpu.enqueue_dma source(%dma_start3A_59 : memref<4096xi32, #tpu.memory_space<hbm>>) target(%arg11 : memref<4096xi32, #tpu.memory_space<vmem>>) target_semaphore(%arg22 : memref<!tpu.dma_semaphore, #tpu.memory_space<semaphore_mem>>)
    %dma_start3A_60 = tpu.memref_slice %arg4[%add3A_57] : memref<524288xf32, #tpu.memory_space<hbm>> -> memref<4096xf32, #tpu.memory_space<hbm>>
    %dma_start3A_61 = tpu.memref_slice %arg4[%add3A_57] : memref<524288xf32, #tpu.memory_space<hbm>> -> memref<4096xf32, #tpu.memory_space<hbm>>
    tpu.enqueue_dma source(%dma_start3A_61 : memref<4096xf32, #tpu.memory_space<hbm>>) target(%arg12 : memref<4096xf32, #tpu.memory_space<vmem>>) target_semaphore(%arg22 : memref<!tpu.dma_semaphore, #tpu.memory_space<semaphore_mem>>)
    %dma_start3A_62 = tpu.memref_slice %arg5[%add3A_57] : memref<524288xf32, #tpu.memory_space<hbm>> -> memref<4096xf32, #tpu.memory_space<hbm>>
    %dma_start3A_63 = tpu.memref_slice %arg5[%add3A_57] : memref<524288xf32, #tpu.memory_space<hbm>> -> memref<4096xf32, #tpu.memory_space<hbm>>
    tpu.enqueue_dma source(%dma_start3A_63 : memref<4096xf32, #tpu.memory_space<hbm>>) target(%arg13 : memref<4096xf32, #tpu.memory_space<vmem>>) target_semaphore(%arg22 : memref<!tpu.dma_semaphore, #tpu.memory_space<semaphore_mem>>)
    %dma_start3A_64 = tpu.memref_slice %arg6[%add3A_57] : memref<524288xf32, #tpu.memory_space<hbm>> -> memref<4096xf32, #tpu.memory_space<hbm>>
    %dma_start3A_65 = tpu.memref_slice %arg6[%add3A_57] : memref<524288xf32, #tpu.memory_space<hbm>> -> memref<4096xf32, #tpu.memory_space<hbm>>
    tpu.enqueue_dma source(%dma_start3A_65 : memref<4096xf32, #tpu.memory_space<hbm>>) target(%arg14 : memref<4096xf32, #tpu.memory_space<vmem>>) target_semaphore(%arg22 : memref<!tpu.dma_semaphore, #tpu.memory_space<semaphore_mem>>)
    %dma_start3A_66 = tpu.memref_slice %arg7[%add3A_57] : memref<524288xf32, #tpu.memory_space<hbm>> -> memref<4096xf32, #tpu.memory_space<hbm>>
    %dma_start3A_67 = tpu.memref_slice %arg7[%add3A_57] : memref<524288xf32, #tpu.memory_space<hbm>> -> memref<4096xf32, #tpu.memory_space<hbm>>
    tpu.enqueue_dma source(%dma_start3A_67 : memref<4096xf32, #tpu.memory_space<hbm>>) target(%arg15 : memref<4096xf32, #tpu.memory_space<vmem>>) target_semaphore(%arg22 : memref<!tpu.dma_semaphore, #tpu.memory_space<semaphore_mem>>)
    %dma_wait3A_68 = tpu.memref_slice %arg3[%add3A_31] : memref<524288xi32, #tpu.memory_space<hbm>> -> memref<4096xi32, #tpu.memory_space<hbm>>
    %dma_wait3A_69 = tpu.memref_slice %arg3[%add3A_31] : memref<524288xi32, #tpu.memory_space<hbm>> -> memref<4096xi32, #tpu.memory_space<hbm>>
    tpu.wait_dma2 semaphore(%arg23 : memref<!tpu.dma_semaphore, #tpu.memory_space<semaphore_mem>>) src(%dma_wait3A_69 : memref<4096xi32, #tpu.memory_space<hbm>>) dst(%arg16 : memref<4096xi32, #tpu.memory_space<vmem>>)
    %dma_wait3A_70 = tpu.memref_slice %arg4[%add3A_31] : memref<524288xf32, #tpu.memory_space<hbm>> -> memref<4096xf32, #tpu.memory_space<hbm>>
    %dma_wait3A_71 = tpu.memref_slice %arg4[%add3A_31] : memref<524288xf32, #tpu.memory_space<hbm>> -> memref<4096xf32, #tpu.memory_space<hbm>>
    tpu.wait_dma2 semaphore(%arg23 : memref<!tpu.dma_semaphore, #tpu.memory_space<semaphore_mem>>) src(%dma_wait3A_71 : memref<4096xf32, #tpu.memory_space<hbm>>) dst(%arg17 : memref<4096xf32, #tpu.memory_space<vmem>>)
    %dma_wait3A_72 = tpu.memref_slice %arg5[%add3A_31] : memref<524288xf32, #tpu.memory_space<hbm>> -> memref<4096xf32, #tpu.memory_space<hbm>>
    %dma_wait3A_73 = tpu.memref_slice %arg5[%add3A_31] : memref<524288xf32, #tpu.memory_space<hbm>> -> memref<4096xf32, #tpu.memory_space<hbm>>
    tpu.wait_dma2 semaphore(%arg23 : memref<!tpu.dma_semaphore, #tpu.memory_space<semaphore_mem>>) src(%dma_wait3A_73 : memref<4096xf32, #tpu.memory_space<hbm>>) dst(%arg18 : memref<4096xf32, #tpu.memory_space<vmem>>)
    %dma_wait3A_74 = tpu.memref_slice %arg6[%add3A_31] : memref<524288xf32, #tpu.memory_space<hbm>> -> memref<4096xf32, #tpu.memory_space<hbm>>
    %dma_wait3A_75 = tpu.memref_slice %arg6[%add3A_31] : memref<524288xf32, #tpu.memory_space<hbm>> -> memref<4096xf32, #tpu.memory_space<hbm>>
    tpu.wait_dma2 semaphore(%arg23 : memref<!tpu.dma_semaphore, #tpu.memory_space<semaphore_mem>>) src(%dma_wait3A_75 : memref<4096xf32, #tpu.memory_space<hbm>>) dst(%arg19 : memref<4096xf32, #tpu.memory_space<vmem>>)
    %dma_wait3A_76 = tpu.memref_slice %arg7[%add3A_31] : memref<524288xf32, #tpu.memory_space<hbm>> -> memref<4096xf32, #tpu.memory_space<hbm>>
    %dma_wait3A_77 = tpu.memref_slice %arg7[%add3A_31] : memref<524288xf32, #tpu.memory_space<hbm>> -> memref<4096xf32, #tpu.memory_space<hbm>>
    tpu.wait_dma2 semaphore(%arg23 : memref<!tpu.dma_semaphore, #tpu.memory_space<semaphore_mem>>) src(%dma_wait3A_77 : memref<4096xf32, #tpu.memory_space<hbm>>) dst(%arg20 : memref<4096xf32, #tpu.memory_space<vmem>>)
    %parallel_loop3A_78 = arith.constant 0 : i32
    %parallel_loop3A_79 = arith.constant 256 : i32
    %parallel_loop3A_80 = arith.constant 1 : i32
    scf.for %parallel_loop3A_126 = %parallel_loop3A_78 to %parallel_loop3A_79 step %parallel_loop3A_80  : i32 {
      %parallel_loop3A_127 = arith.constant 16 : i32
      %parallel_loop3A_128 = arith.muli %parallel_loop3A_126, %parallel_loop3A_127 : i32
      %parallel_loop3A_129 = arith.index_cast %parallel_loop3A_128 : i32 to index
      %parallel_loop3A_130 = tpu.vector_load %arg16[%parallel_loop3A_129] {strides = array<i32>} : memref<4096xi32, #tpu.memory_space<vmem>>, vector<16xi32>,
      %parallel_loop3A_131 = arith.constant 12 : i32
      %parallel_loop3A_132 = vector.broadcast %parallel_loop3A_131 : i32 to vector<16xi32>
      %parallel_loop3A_133 = arith.shrsi %parallel_loop3A_130, %parallel_loop3A_132 : vector<16xi32>
      %parallel_loop3A_134 = arith.constant 4095 : i32
      %parallel_loop3A_135 = vector.broadcast %parallel_loop3A_134 : i32 to vector<16xi32>
      %parallel_loop3A_136 = arith.andi %parallel_loop3A_130, %parallel_loop3A_135 : vector<16xi32>
      %parallel_loop3A_137 = arith.constant 1 : i32
      %parallel_loop3A_138 = vector.broadcast %parallel_loop3A_137 : i32 to vector<16xi32>
      %parallel_loop3A_139 = arith.addi %parallel_loop3A_136, %parallel_loop3A_138 : vector<16xi32>
      %parallel_loop3A_140 = arith.constant 4095 : i32
      %parallel_loop3A_141 = vector.broadcast %parallel_loop3A_140 : i32 to vector<16xi32>
      %parallel_loop3A_142 = arith.minsi %parallel_loop3A_139, %parallel_loop3A_141 : vector<16xi32>
      %parallel_loop3A_143 = arith.constant 1 : i32
      %parallel_loop3A_144 = vector.broadcast %parallel_loop3A_143 : i32 to vector<16xi32>
      %parallel_loop3A_145 = arith.addi %parallel_loop3A_133, %parallel_loop3A_144 : vector<16xi32>
      %parallel_loop3A_146 = arith.constant 4095 : i32
      %parallel_loop3A_147 = vector.broadcast %parallel_loop3A_146 : i32 to vector<16xi32>
      %parallel_loop3A_148 = arith.minsi %parallel_loop3A_145, %parallel_loop3A_147 : vector<16xi32>
      %parallel_loop3A_149 = tpu.vector_load_idx %arg10[%parallel_loop3A_136] : memref<4096xf32, #tpu.memory_space<vmem>>[vector<16xi32>], vector<16xf32>,
      %parallel_loop3A_150 = tpu.vector_load_idx %arg10[%parallel_loop3A_142] : memref<4096xf32, #tpu.memory_space<vmem>>[vector<16xi32>], vector<16xf32>,
      %parallel_loop3A_151 = arith.index_cast %parallel_loop3A_128 : i32 to index
      %parallel_loop3A_152 = tpu.vector_load %arg17[%parallel_loop3A_151] {strides = array<i32>} : memref<4096xf32, #tpu.memory_space<vmem>>, vector<16xf32>,
      %parallel_loop3A_153 = arith.mulf %parallel_loop3A_152, %parallel_loop3A_149 : vector<16xf32>
      %parallel_loop3A_154 = arith.index_cast %parallel_loop3A_128 : i32 to index
      %parallel_loop3A_155 = tpu.vector_load %arg18[%parallel_loop3A_154] {strides = array<i32>} : memref<4096xf32, #tpu.memory_space<vmem>>, vector<16xf32>,
      %parallel_loop3A_156 = arith.mulf %parallel_loop3A_155, %parallel_loop3A_150 : vector<16xf32>
      %parallel_loop3A_157 = arith.addf %parallel_loop3A_153, %parallel_loop3A_156 : vector<16xf32>
      %parallel_loop3A_158 = arith.index_cast %parallel_loop3A_128 : i32 to index
      %parallel_loop3A_159 = tpu.vector_load %arg19[%parallel_loop3A_158] {strides = array<i32>} : memref<4096xf32, #tpu.memory_space<vmem>>, vector<16xf32>,
      %parallel_loop3A_160 = arith.mulf %parallel_loop3A_159, %parallel_loop3A_149 : vector<16xf32>
      %parallel_loop3A_161 = arith.index_cast %parallel_loop3A_128 : i32 to index
      %parallel_loop3A_162 = tpu.vector_load %arg20[%parallel_loop3A_161] {strides = array<i32>} : memref<4096xf32, #tpu.memory_space<vmem>>, vector<16xf32>,
      %parallel_loop3A_163 = arith.mulf %parallel_loop3A_162, %parallel_loop3A_150 : vector<16xf32>
      %parallel_loop3A_164 = arith.addf %parallel_loop3A_160, %parallel_loop3A_163 : vector<16xf32>
      %parallel_loop3A_165 = arith.addi %mul3A_3, %parallel_loop3A_133 : vector<16xi32>
      tpu.vector_store_idx %arg9[%parallel_loop3A_165], %parallel_loop3A_157 {add = true} : memref<65536xf32, #tpu.memory_space<vmem>>[vector<16xi32>], vector<16xf32>,
      %parallel_loop3A_166 = arith.addi %mul3A_3, %parallel_loop3A_148 : vector<16xi32>
      tpu.vector_store_idx %arg9[%parallel_loop3A_166], %parallel_loop3A_164 {add = true} : memref<65536xf32, #tpu.memory_space<vmem>>[vector<16xi32>], vector<16xf32>,
    } {sc.loop_unroll_factor = 8 : i64, sc.parallel_access}
    %mul3A_81 = arith.constant 16384 : i32
    %mul3A_82 = arith.muli %add3A_10, %mul3A_81 : i32
    %add3A_83 = arith.constant 12288 : i32
    %add3A_84 = arith.addi %mul3A_82, %add3A_83 : i32
    %dma_start3A_85 = tpu.memref_slice %arg3[%add3A_84] : memref<524288xi32, #tpu.memory_space<hbm>> -> memref<4096xi32, #tpu.memory_space<hbm>>
    %dma_start3A_86 = tpu.memref_slice %arg3[%add3A_84] : memref<524288xi32, #tpu.memory_space<hbm>> -> memref<4096xi32, #tpu.memory_space<hbm>>
    tpu.enqueue_dma source(%dma_start3A_86 : memref<4096xi32, #tpu.memory_space<hbm>>) target(%arg16 : memref<4096xi32, #tpu.memory_space<vmem>>) target_semaphore(%arg23 : memref<!tpu.dma_semaphore, #tpu.memory_space<semaphore_mem>>)
    %dma_start3A_87 = tpu.memref_slice %arg4[%add3A_84] : memref<524288xf32, #tpu.memory_space<hbm>> -> memref<4096xf32, #tpu.memory_space<hbm>>
    %dma_start3A_88 = tpu.memref_slice %arg4[%add3A_84] : memref<524288xf32, #tpu.memory_space<hbm>> -> memref<4096xf32, #tpu.memory_space<hbm>>
    tpu.enqueue_dma source(%dma_start3A_88 : memref<4096xf32, #tpu.memory_space<hbm>>) target(%arg17 : memref<4096xf32, #tpu.memory_space<vmem>>) target_semaphore(%arg23 : memref<!tpu.dma_semaphore, #tpu.memory_space<semaphore_mem>>)
    %dma_start3A_89 = tpu.memref_slice %arg5[%add3A_84] : memref<524288xf32, #tpu.memory_space<hbm>> -> memref<4096xf32, #tpu.memory_space<hbm>>
    %dma_start3A_90 = tpu.memref_slice %arg5[%add3A_84] : memref<524288xf32, #tpu.memory_space<hbm>> -> memref<4096xf32, #tpu.memory_space<hbm>>
    tpu.enqueue_dma source(%dma_start3A_90 : memref<4096xf32, #tpu.memory_space<hbm>>) target(%arg18 : memref<4096xf32, #tpu.memory_space<vmem>>) target_semaphore(%arg23 : memref<!tpu.dma_semaphore, #tpu.memory_space<semaphore_mem>>)
    %dma_start3A_91 = tpu.memref_slice %arg6[%add3A_84] : memref<524288xf32, #tpu.memory_space<hbm>> -> memref<4096xf32, #tpu.memory_space<hbm>>
    %dma_start3A_92 = tpu.memref_slice %arg6[%add3A_84] : memref<524288xf32, #tpu.memory_space<hbm>> -> memref<4096xf32, #tpu.memory_space<hbm>>
    tpu.enqueue_dma source(%dma_start3A_92 : memref<4096xf32, #tpu.memory_space<hbm>>) target(%arg19 : memref<4096xf32, #tpu.memory_space<vmem>>) target_semaphore(%arg23 : memref<!tpu.dma_semaphore, #tpu.memory_space<semaphore_mem>>)
    %dma_start3A_93 = tpu.memref_slice %arg7[%add3A_84] : memref<524288xf32, #tpu.memory_space<hbm>> -> memref<4096xf32, #tpu.memory_space<hbm>>
    %dma_start3A_94 = tpu.memref_slice %arg7[%add3A_84] : memref<524288xf32, #tpu.memory_space<hbm>> -> memref<4096xf32, #tpu.memory_space<hbm>>
    tpu.enqueue_dma source(%dma_start3A_94 : memref<4096xf32, #tpu.memory_space<hbm>>) target(%arg20 : memref<4096xf32, #tpu.memory_space<vmem>>) target_semaphore(%arg23 : memref<!tpu.dma_semaphore, #tpu.memory_space<semaphore_mem>>)
    %dma_wait3A_95 = tpu.memref_slice %arg3[%add3A_57] : memref<524288xi32, #tpu.memory_space<hbm>> -> memref<4096xi32, #tpu.memory_space<hbm>>
    %dma_wait3A_96 = tpu.memref_slice %arg3[%add3A_57] : memref<524288xi32, #tpu.memory_space<hbm>> -> memref<4096xi32, #tpu.memory_space<hbm>>
    tpu.wait_dma2 semaphore(%arg22 : memref<!tpu.dma_semaphore, #tpu.memory_space<semaphore_mem>>) src(%dma_wait3A_96 : memref<4096xi32, #tpu.memory_space<hbm>>) dst(%arg11 : memref<4096xi32, #tpu.memory_space<vmem>>)
    %dma_wait3A_97 = tpu.memref_slice %arg4[%add3A_57] : memref<524288xf32, #tpu.memory_space<hbm>> -> memref<4096xf32, #tpu.memory_space<hbm>>
    %dma_wait3A_98 = tpu.memref_slice %arg4[%add3A_57] : memref<524288xf32, #tpu.memory_space<hbm>> -> memref<4096xf32, #tpu.memory_space<hbm>>
    tpu.wait_dma2 semaphore(%arg22 : memref<!tpu.dma_semaphore, #tpu.memory_space<semaphore_mem>>) src(%dma_wait3A_98 : memref<4096xf32, #tpu.memory_space<hbm>>) dst(%arg12 : memref<4096xf32, #tpu.memory_space<vmem>>)
    %dma_wait3A_99 = tpu.memref_slice %arg5[%add3A_57] : memref<524288xf32, #tpu.memory_space<hbm>> -> memref<4096xf32, #tpu.memory_space<hbm>>
    %dma_wait3A_100 = tpu.memref_slice %arg5[%add3A_57] : memref<524288xf32, #tpu.memory_space<hbm>> -> memref<4096xf32, #tpu.memory_space<hbm>>
    tpu.wait_dma2 semaphore(%arg22 : memref<!tpu.dma_semaphore, #tpu.memory_space<semaphore_mem>>) src(%dma_wait3A_100 : memref<4096xf32, #tpu.memory_space<hbm>>) dst(%arg13 : memref<4096xf32, #tpu.memory_space<vmem>>)
    %dma_wait3A_101 = tpu.memref_slice %arg6[%add3A_57] : memref<524288xf32, #tpu.memory_space<hbm>> -> memref<4096xf32, #tpu.memory_space<hbm>>
    %dma_wait3A_102 = tpu.memref_slice %arg6[%add3A_57] : memref<524288xf32, #tpu.memory_space<hbm>> -> memref<4096xf32, #tpu.memory_space<hbm>>
    tpu.wait_dma2 semaphore(%arg22 : memref<!tpu.dma_semaphore, #tpu.memory_space<semaphore_mem>>) src(%dma_wait3A_102 : memref<4096xf32, #tpu.memory_space<hbm>>) dst(%arg14 : memref<4096xf32, #tpu.memory_space<vmem>>)
    %dma_wait3A_103 = tpu.memref_slice %arg7[%add3A_57] : memref<524288xf32, #tpu.memory_space<hbm>> -> memref<4096xf32, #tpu.memory_space<hbm>>
    %dma_wait3A_104 = tpu.memref_slice %arg7[%add3A_57] : memref<524288xf32, #tpu.memory_space<hbm>> -> memref<4096xf32, #tpu.memory_space<hbm>>
    tpu.wait_dma2 semaphore(%arg22 : memref<!tpu.dma_semaphore, #tpu.memory_space<semaphore_mem>>) src(%dma_wait3A_104 : memref<4096xf32, #tpu.memory_space<hbm>>) dst(%arg15 : memref<4096xf32, #tpu.memory_space<vmem>>)
    %parallel_loop3A_105 = arith.constant 0 : i32
    %parallel_loop3A_106 = arith.constant 256 : i32
    %parallel_loop3A_107 = arith.constant 1 : i32
    scf.for %parallel_loop3A_126 = %parallel_loop3A_105 to %parallel_loop3A_106 step %parallel_loop3A_107  : i32 {
      %parallel_loop3A_127 = arith.constant 16 : i32
      %parallel_loop3A_128 = arith.muli %parallel_loop3A_126, %parallel_loop3A_127 : i32
      %parallel_loop3A_129 = arith.index_cast %parallel_loop3A_128 : i32 to index
      %parallel_loop3A_130 = tpu.vector_load %arg11[%parallel_loop3A_129] {strides = array<i32>} : memref<4096xi32, #tpu.memory_space<vmem>>, vector<16xi32>,
      %parallel_loop3A_131 = arith.constant 12 : i32
      %parallel_loop3A_132 = vector.broadcast %parallel_loop3A_131 : i32 to vector<16xi32>
      %parallel_loop3A_133 = arith.shrsi %parallel_loop3A_130, %parallel_loop3A_132 : vector<16xi32>
      %parallel_loop3A_134 = arith.constant 4095 : i32
      %parallel_loop3A_135 = vector.broadcast %parallel_loop3A_134 : i32 to vector<16xi32>
      %parallel_loop3A_136 = arith.andi %parallel_loop3A_130, %parallel_loop3A_135 : vector<16xi32>
      %parallel_loop3A_137 = arith.constant 1 : i32
      %parallel_loop3A_138 = vector.broadcast %parallel_loop3A_137 : i32 to vector<16xi32>
      %parallel_loop3A_139 = arith.addi %parallel_loop3A_136, %parallel_loop3A_138 : vector<16xi32>
      %parallel_loop3A_140 = arith.constant 4095 : i32
      %parallel_loop3A_141 = vector.broadcast %parallel_loop3A_140 : i32 to vector<16xi32>
      %parallel_loop3A_142 = arith.minsi %parallel_loop3A_139, %parallel_loop3A_141 : vector<16xi32>
      %parallel_loop3A_143 = arith.constant 1 : i32
      %parallel_loop3A_144 = vector.broadcast %parallel_loop3A_143 : i32 to vector<16xi32>
      %parallel_loop3A_145 = arith.addi %parallel_loop3A_133, %parallel_loop3A_144 : vector<16xi32>
      %parallel_loop3A_146 = arith.constant 4095 : i32
      %parallel_loop3A_147 = vector.broadcast %parallel_loop3A_146 : i32 to vector<16xi32>
      %parallel_loop3A_148 = arith.minsi %parallel_loop3A_145, %parallel_loop3A_147 : vector<16xi32>
      %parallel_loop3A_149 = tpu.vector_load_idx %arg10[%parallel_loop3A_136] : memref<4096xf32, #tpu.memory_space<vmem>>[vector<16xi32>], vector<16xf32>,
      %parallel_loop3A_150 = tpu.vector_load_idx %arg10[%parallel_loop3A_142] : memref<4096xf32, #tpu.memory_space<vmem>>[vector<16xi32>], vector<16xf32>,
      %parallel_loop3A_151 = arith.index_cast %parallel_loop3A_128 : i32 to index
      %parallel_loop3A_152 = tpu.vector_load %arg12[%parallel_loop3A_151] {strides = array<i32>} : memref<4096xf32, #tpu.memory_space<vmem>>, vector<16xf32>,
      %parallel_loop3A_153 = arith.mulf %parallel_loop3A_152, %parallel_loop3A_149 : vector<16xf32>
      %parallel_loop3A_154 = arith.index_cast %parallel_loop3A_128 : i32 to index
      %parallel_loop3A_155 = tpu.vector_load %arg13[%parallel_loop3A_154] {strides = array<i32>} : memref<4096xf32, #tpu.memory_space<vmem>>, vector<16xf32>,
      %parallel_loop3A_156 = arith.mulf %parallel_loop3A_155, %parallel_loop3A_150 : vector<16xf32>
      %parallel_loop3A_157 = arith.addf %parallel_loop3A_153, %parallel_loop3A_156 : vector<16xf32>
      %parallel_loop3A_158 = arith.index_cast %parallel_loop3A_128 : i32 to index
      %parallel_loop3A_159 = tpu.vector_load %arg14[%parallel_loop3A_158] {strides = array<i32>} : memref<4096xf32, #tpu.memory_space<vmem>>, vector<16xf32>,
      %parallel_loop3A_160 = arith.mulf %parallel_loop3A_159, %parallel_loop3A_149 : vector<16xf32>
      %parallel_loop3A_161 = arith.index_cast %parallel_loop3A_128 : i32 to index
      %parallel_loop3A_162 = tpu.vector_load %arg15[%parallel_loop3A_161] {strides = array<i32>} : memref<4096xf32, #tpu.memory_space<vmem>>, vector<16xf32>,
      %parallel_loop3A_163 = arith.mulf %parallel_loop3A_162, %parallel_loop3A_150 : vector<16xf32>
      %parallel_loop3A_164 = arith.addf %parallel_loop3A_160, %parallel_loop3A_163 : vector<16xf32>
      %parallel_loop3A_165 = arith.addi %mul3A_3, %parallel_loop3A_133 : vector<16xi32>
      tpu.vector_store_idx %arg9[%parallel_loop3A_165], %parallel_loop3A_157 {add = true} : memref<65536xf32, #tpu.memory_space<vmem>>[vector<16xi32>], vector<16xf32>,
      %parallel_loop3A_166 = arith.addi %mul3A_3, %parallel_loop3A_148 : vector<16xi32>
      tpu.vector_store_idx %arg9[%parallel_loop3A_166], %parallel_loop3A_164 {add = true} : memref<65536xf32, #tpu.memory_space<vmem>>[vector<16xi32>], vector<16xf32>,
    } {sc.loop_unroll_factor = 8 : i64, sc.parallel_access}
    %dma_wait3A_108 = tpu.memref_slice %arg3[%add3A_84] : memref<524288xi32, #tpu.memory_space<hbm>> -> memref<4096xi32, #tpu.memory_space<hbm>>
    %dma_wait3A_109 = tpu.memref_slice %arg3[%add3A_84] : memref<524288xi32, #tpu.memory_space<hbm>> -> memref<4096xi32, #tpu.memory_space<hbm>>
    tpu.wait_dma2 semaphore(%arg23 : memref<!tpu.dma_semaphore, #tpu.memory_space<semaphore_mem>>) src(%dma_wait3A_109 : memref<4096xi32, #tpu.memory_space<hbm>>) dst(%arg16 : memref<4096xi32, #tpu.memory_space<vmem>>)
    %dma_wait3A_110 = tpu.memref_slice %arg4[%add3A_84] : memref<524288xf32, #tpu.memory_space<hbm>> -> memref<4096xf32, #tpu.memory_space<hbm>>
    %dma_wait3A_111 = tpu.memref_slice %arg4[%add3A_84] : memref<524288xf32, #tpu.memory_space<hbm>> -> memref<4096xf32, #tpu.memory_space<hbm>>
    tpu.wait_dma2 semaphore(%arg23 : memref<!tpu.dma_semaphore, #tpu.memory_space<semaphore_mem>>) src(%dma_wait3A_111 : memref<4096xf32, #tpu.memory_space<hbm>>) dst(%arg17 : memref<4096xf32, #tpu.memory_space<vmem>>)
    %dma_wait3A_112 = tpu.memref_slice %arg5[%add3A_84] : memref<524288xf32, #tpu.memory_space<hbm>> -> memref<4096xf32, #tpu.memory_space<hbm>>
    %dma_wait3A_113 = tpu.memref_slice %arg5[%add3A_84] : memref<524288xf32, #tpu.memory_space<hbm>> -> memref<4096xf32, #tpu.memory_space<hbm>>
    tpu.wait_dma2 semaphore(%arg23 : memref<!tpu.dma_semaphore, #tpu.memory_space<semaphore_mem>>) src(%dma_wait3A_113 : memref<4096xf32, #tpu.memory_space<hbm>>) dst(%arg18 : memref<4096xf32, #tpu.memory_space<vmem>>)
    %dma_wait3A_114 = tpu.memref_slice %arg6[%add3A_84] : memref<524288xf32, #tpu.memory_space<hbm>> -> memref<4096xf32, #tpu.memory_space<hbm>>
    %dma_wait3A_115 = tpu.memref_slice %arg6[%add3A_84] : memref<524288xf32, #tpu.memory_space<hbm>> -> memref<4096xf32, #tpu.memory_space<hbm>>
    tpu.wait_dma2 semaphore(%arg23 : memref<!tpu.dma_semaphore, #tpu.memory_space<semaphore_mem>>) src(%dma_wait3A_115 : memref<4096xf32, #tpu.memory_space<hbm>>) dst(%arg19 : memref<4096xf32, #tpu.memory_space<vmem>>)
    %dma_wait3A_116 = tpu.memref_slice %arg7[%add3A_84] : memref<524288xf32, #tpu.memory_space<hbm>> -> memref<4096xf32, #tpu.memory_space<hbm>>
    %dma_wait3A_117 = tpu.memref_slice %arg7[%add3A_84] : memref<524288xf32, #tpu.memory_space<hbm>> -> memref<4096xf32, #tpu.memory_space<hbm>>
    tpu.wait_dma2 semaphore(%arg23 : memref<!tpu.dma_semaphore, #tpu.memory_space<semaphore_mem>>) src(%dma_wait3A_117 : memref<4096xf32, #tpu.memory_space<hbm>>) dst(%arg20 : memref<4096xf32, #tpu.memory_space<vmem>>)
    %parallel_loop3A_118 = arith.constant 0 : i32
    %parallel_loop3A_119 = arith.constant 256 : i32
    %parallel_loop3A_120 = arith.constant 1 : i32
    scf.for %parallel_loop3A_126 = %parallel_loop3A_118 to %parallel_loop3A_119 step %parallel_loop3A_120  : i32 {
      %parallel_loop3A_127 = arith.constant 16 : i32
      %parallel_loop3A_128 = arith.muli %parallel_loop3A_126, %parallel_loop3A_127 : i32
      %parallel_loop3A_129 = arith.index_cast %parallel_loop3A_128 : i32 to index
      %parallel_loop3A_130 = tpu.vector_load %arg16[%parallel_loop3A_129] {strides = array<i32>} : memref<4096xi32, #tpu.memory_space<vmem>>, vector<16xi32>,
      %parallel_loop3A_131 = arith.constant 12 : i32
      %parallel_loop3A_132 = vector.broadcast %parallel_loop3A_131 : i32 to vector<16xi32>
      %parallel_loop3A_133 = arith.shrsi %parallel_loop3A_130, %parallel_loop3A_132 : vector<16xi32>
      %parallel_loop3A_134 = arith.constant 4095 : i32
      %parallel_loop3A_135 = vector.broadcast %parallel_loop3A_134 : i32 to vector<16xi32>
      %parallel_loop3A_136 = arith.andi %parallel_loop3A_130, %parallel_loop3A_135 : vector<16xi32>
      %parallel_loop3A_137 = arith.constant 1 : i32
      %parallel_loop3A_138 = vector.broadcast %parallel_loop3A_137 : i32 to vector<16xi32>
      %parallel_loop3A_139 = arith.addi %parallel_loop3A_136, %parallel_loop3A_138 : vector<16xi32>
      %parallel_loop3A_140 = arith.constant 4095 : i32
      %parallel_loop3A_141 = vector.broadcast %parallel_loop3A_140 : i32 to vector<16xi32>
      %parallel_loop3A_142 = arith.minsi %parallel_loop3A_139, %parallel_loop3A_141 : vector<16xi32>
      %parallel_loop3A_143 = arith.constant 1 : i32
      %parallel_loop3A_144 = vector.broadcast %parallel_loop3A_143 : i32 to vector<16xi32>
      %parallel_loop3A_145 = arith.addi %parallel_loop3A_133, %parallel_loop3A_144 : vector<16xi32>
      %parallel_loop3A_146 = arith.constant 4095 : i32
      %parallel_loop3A_147 = vector.broadcast %parallel_loop3A_146 : i32 to vector<16xi32>
      %parallel_loop3A_148 = arith.minsi %parallel_loop3A_145, %parallel_loop3A_147 : vector<16xi32>
      %parallel_loop3A_149 = tpu.vector_load_idx %arg10[%parallel_loop3A_136] : memref<4096xf32, #tpu.memory_space<vmem>>[vector<16xi32>], vector<16xf32>,
      %parallel_loop3A_150 = tpu.vector_load_idx %arg10[%parallel_loop3A_142] : memref<4096xf32, #tpu.memory_space<vmem>>[vector<16xi32>], vector<16xf32>,
      %parallel_loop3A_151 = arith.index_cast %parallel_loop3A_128 : i32 to index
      %parallel_loop3A_152 = tpu.vector_load %arg17[%parallel_loop3A_151] {strides = array<i32>} : memref<4096xf32, #tpu.memory_space<vmem>>, vector<16xf32>,
      %parallel_loop3A_153 = arith.mulf %parallel_loop3A_152, %parallel_loop3A_149 : vector<16xf32>
      %parallel_loop3A_154 = arith.index_cast %parallel_loop3A_128 : i32 to index
      %parallel_loop3A_155 = tpu.vector_load %arg18[%parallel_loop3A_154] {strides = array<i32>} : memref<4096xf32, #tpu.memory_space<vmem>>, vector<16xf32>,
      %parallel_loop3A_156 = arith.mulf %parallel_loop3A_155, %parallel_loop3A_150 : vector<16xf32>
      %parallel_loop3A_157 = arith.addf %parallel_loop3A_153, %parallel_loop3A_156 : vector<16xf32>
      %parallel_loop3A_158 = arith.index_cast %parallel_loop3A_128 : i32 to index
      %parallel_loop3A_159 = tpu.vector_load %arg19[%parallel_loop3A_158] {strides = array<i32>} : memref<4096xf32, #tpu.memory_space<vmem>>, vector<16xf32>,
      %parallel_loop3A_160 = arith.mulf %parallel_loop3A_159, %parallel_loop3A_149 : vector<16xf32>
      %parallel_loop3A_161 = arith.index_cast %parallel_loop3A_128 : i32 to index
      %parallel_loop3A_162 = tpu.vector_load %arg20[%parallel_loop3A_161] {strides = array<i32>} : memref<4096xf32, #tpu.memory_space<vmem>>, vector<16xf32>,
      %parallel_loop3A_163 = arith.mulf %parallel_loop3A_162, %parallel_loop3A_150 : vector<16xf32>
      %parallel_loop3A_164 = arith.addf %parallel_loop3A_160, %parallel_loop3A_163 : vector<16xf32>
      %parallel_loop3A_165 = arith.addi %mul3A_3, %parallel_loop3A_133 : vector<16xi32>
      tpu.vector_store_idx %arg9[%parallel_loop3A_165], %parallel_loop3A_157 {add = true} : memref<65536xf32, #tpu.memory_space<vmem>>[vector<16xi32>], vector<16xf32>,
      %parallel_loop3A_166 = arith.addi %mul3A_3, %parallel_loop3A_148 : vector<16xi32>
      tpu.vector_store_idx %arg9[%parallel_loop3A_166], %parallel_loop3A_164 {add = true} : memref<65536xf32, #tpu.memory_space<vmem>>[vector<16xi32>], vector<16xf32>,
    } {sc.loop_unroll_factor = 8 : i64, sc.parallel_access}
    %parallel_loop3A_121 = arith.constant 0 : i32
    %parallel_loop3A_122 = arith.constant 256 : i32
    %parallel_loop3A_123 = arith.constant 1 : i32
    scf.for %parallel_loop3A_126 = %parallel_loop3A_121 to %parallel_loop3A_122 step %parallel_loop3A_123  : i32 {
      %parallel_loop3A_127 = arith.constant 16 : i32
      %parallel_loop3A_128 = arith.muli %parallel_loop3A_126, %parallel_loop3A_127 : i32
      %parallel_loop3A_129 = arith.index_cast %parallel_loop3A_128 : i32 to index
      %parallel_loop3A_130 = tpu.vector_load %arg9[%parallel_loop3A_129] {strides = array<i32>} : memref<65536xf32, #tpu.memory_space<vmem>>, vector<16xf32>,
      %parallel_loop3A_131 = arith.constant 16 : i32
      %parallel_loop3A_132 = arith.muli %parallel_loop3A_126, %parallel_loop3A_131 : i32
      %parallel_loop3A_133 = arith.index_cast %parallel_loop3A_132 : i32 to index
      %parallel_loop3A_134 = tpu.vector_load %arg9[%parallel_loop3A_133] {strides = array<i32>} : memref<65536xf32, #tpu.memory_space<vmem>>, vector<16xf32>,
      tpu.vector_store %arg9[%parallel_loop3A_133], %broadcast_in_dim3A_4 {strides = array<i32>} : memref<65536xf32, #tpu.memory_space<vmem>>, vector<16xf32>,
      %parallel_loop3A_135 = arith.constant 16 : i32
      %parallel_loop3A_136 = arith.muli %parallel_loop3A_126, %parallel_loop3A_135 : i32
      %parallel_loop3A_137 = arith.constant 4096 : i32
      %parallel_loop3A_138 = arith.addi %parallel_loop3A_137, %parallel_loop3A_136 : i32
      %parallel_loop3A_139 = arith.index_cast %parallel_loop3A_138 : i32 to index
      %parallel_loop3A_140 = tpu.vector_load %arg9[%parallel_loop3A_139] {strides = array<i32>} : memref<65536xf32, #tpu.memory_space<vmem>>, vector<16xf32>,
      %parallel_loop3A_141 = arith.addf %parallel_loop3A_130, %parallel_loop3A_140 : vector<16xf32>
      %parallel_loop3A_142 = arith.index_cast %parallel_loop3A_138 : i32 to index
      %parallel_loop3A_143 = tpu.vector_load %arg9[%parallel_loop3A_142] {strides = array<i32>} : memref<65536xf32, #tpu.memory_space<vmem>>, vector<16xf32>,
      tpu.vector_store %arg9[%parallel_loop3A_142], %broadcast_in_dim3A_4 {strides = array<i32>} : memref<65536xf32, #tpu.memory_space<vmem>>, vector<16xf32>,
      %parallel_loop3A_144 = arith.constant 16 : i32
      %parallel_loop3A_145 = arith.muli %parallel_loop3A_126, %parallel_loop3A_144 : i32
      %parallel_loop3A_146 = arith.constant 8192 : i32
      %parallel_loop3A_147 = arith.addi %parallel_loop3A_146, %parallel_loop3A_145 : i32
      %parallel_loop3A_148 = arith.index_cast %parallel_loop3A_147 : i32 to index
      %parallel_loop3A_149 = tpu.vector_load %arg9[%parallel_loop3A_148] {strides = array<i32>} : memref<65536xf32, #tpu.memory_space<vmem>>, vector<16xf32>,
      %parallel_loop3A_150 = arith.addf %parallel_loop3A_141, %parallel_loop3A_149 : vector<16xf32>
      %parallel_loop3A_151 = arith.index_cast %parallel_loop3A_147 : i32 to index
      %parallel_loop3A_152 = tpu.vector_load %arg9[%parallel_loop3A_151] {strides = array<i32>} : memref<65536xf32, #tpu.memory_space<vmem>>, vector<16xf32>,
      tpu.vector_store %arg9[%parallel_loop3A_151], %broadcast_in_dim3A_4 {strides = array<i32>} : memref<65536xf32, #tpu.memory_space<vmem>>, vector<16xf32>,
      %parallel_loop3A_153 = arith.constant 16 : i32
      %parallel_loop3A_154 = arith.muli %parallel_loop3A_126, %parallel_loop3A_153 : i32
      %parallel_loop3A_155 = arith.constant 12288 : i32
      %parallel_loop3A_156 = arith.addi %parallel_loop3A_155, %parallel_loop3A_154 : i32
      %parallel_loop3A_157 = arith.index_cast %parallel_loop3A_156 : i32 to index
      %parallel_loop3A_158 = tpu.vector_load %arg9[%parallel_loop3A_157] {strides = array<i32>} : memref<65536xf32, #tpu.memory_space<vmem>>, vector<16xf32>,
      %parallel_loop3A_159 = arith.addf %parallel_loop3A_150, %parallel_loop3A_158 : vector<16xf32>
      %parallel_loop3A_160 = arith.index_cast %parallel_loop3A_156 : i32 to index
      %parallel_loop3A_161 = tpu.vector_load %arg9[%parallel_loop3A_160] {strides = array<i32>} : memref<65536xf32, #tpu.memory_space<vmem>>, vector<16xf32>,
      tpu.vector_store %arg9[%parallel_loop3A_160], %broadcast_in_dim3A_4 {strides = array<i32>} : memref<65536xf32, #tpu.memory_space<vmem>>, vector<16xf32>,
      %parallel_loop3A_162 = arith.constant 16 : i32
      %parallel_loop3A_163 = arith.muli %parallel_loop3A_126, %parallel_loop3A_162 : i32
      %parallel_loop3A_164 = arith.constant 16384 : i32
      %parallel_loop3A_165 = arith.addi %parallel_loop3A_164, %parallel_loop3A_163 : i32
      %parallel_loop3A_166 = arith.index_cast %parallel_loop3A_165 : i32 to index
      %parallel_loop3A_167 = tpu.vector_load %arg9[%parallel_loop3A_166] {strides = array<i32>} : memref<65536xf32, #tpu.memory_space<vmem>>, vector<16xf32>,
      %parallel_loop3A_168 = arith.addf %parallel_loop3A_159, %parallel_loop3A_167 : vector<16xf32>
      %parallel_loop3A_169 = arith.index_cast %parallel_loop3A_165 : i32 to index
      %parallel_loop3A_170 = tpu.vector_load %arg9[%parallel_loop3A_169] {strides = array<i32>} : memref<65536xf32, #tpu.memory_space<vmem>>, vector<16xf32>,
      tpu.vector_store %arg9[%parallel_loop3A_169], %broadcast_in_dim3A_4 {strides = array<i32>} : memref<65536xf32, #tpu.memory_space<vmem>>, vector<16xf32>,
      %parallel_loop3A_171 = arith.constant 16 : i32
      %parallel_loop3A_172 = arith.muli %parallel_loop3A_126, %parallel_loop3A_171 : i32
      %parallel_loop3A_173 = arith.constant 20480 : i32
      %parallel_loop3A_174 = arith.addi %parallel_loop3A_173, %parallel_loop3A_172 : i32
      %parallel_loop3A_175 = arith.index_cast %parallel_loop3A_174 : i32 to index
      %parallel_loop3A_176 = tpu.vector_load %arg9[%parallel_loop3A_175] {strides = array<i32>} : memref<65536xf32, #tpu.memory_space<vmem>>, vector<16xf32>,
      %parallel_loop3A_177 = arith.addf %parallel_loop3A_168, %parallel_loop3A_176 : vector<16xf32>
      %parallel_loop3A_178 = arith.index_cast %parallel_loop3A_174 : i32 to index
      %parallel_loop3A_179 = tpu.vector_load %arg9[%parallel_loop3A_178] {strides = array<i32>} : memref<65536xf32, #tpu.memory_space<vmem>>, vector<16xf32>,
      tpu.vector_store %arg9[%parallel_loop3A_178], %broadcast_in_dim3A_4 {strides = array<i32>} : memref<65536xf32, #tpu.memory_space<vmem>>, vector<16xf32>,
      %parallel_loop3A_180 = arith.constant 16 : i32
      %parallel_loop3A_181 = arith.muli %parallel_loop3A_126, %parallel_loop3A_180 : i32
      %parallel_loop3A_182 = arith.constant 24576 : i32
      %parallel_loop3A_183 = arith.addi %parallel_loop3A_182, %parallel_loop3A_181 : i32
      %parallel_loop3A_184 = arith.index_cast %parallel_loop3A_183 : i32 to index
      %parallel_loop3A_185 = tpu.vector_load %arg9[%parallel_loop3A_184] {strides = array<i32>} : memref<65536xf32, #tpu.memory_space<vmem>>, vector<16xf32>,
      %parallel_loop3A_186 = arith.addf %parallel_loop3A_177, %parallel_loop3A_185 : vector<16xf32>
      %parallel_loop3A_187 = arith.index_cast %parallel_loop3A_183 : i32 to index
      %parallel_loop3A_188 = tpu.vector_load %arg9[%parallel_loop3A_187] {strides = array<i32>} : memref<65536xf32, #tpu.memory_space<vmem>>, vector<16xf32>,
      tpu.vector_store %arg9[%parallel_loop3A_187], %broadcast_in_dim3A_4 {strides = array<i32>} : memref<65536xf32, #tpu.memory_space<vmem>>, vector<16xf32>,
      %parallel_loop3A_189 = arith.constant 16 : i32
      %parallel_loop3A_190 = arith.muli %parallel_loop3A_126, %parallel_loop3A_189 : i32
      %parallel_loop3A_191 = arith.constant 28672 : i32
      %parallel_loop3A_192 = arith.addi %parallel_loop3A_191, %parallel_loop3A_190 : i32
      %parallel_loop3A_193 = arith.index_cast %parallel_loop3A_192 : i32 to index
      %parallel_loop3A_194 = tpu.vector_load %arg9[%parallel_loop3A_193] {strides = array<i32>} : memref<65536xf32, #tpu.memory_space<vmem>>, vector<16xf32>,
      %parallel_loop3A_195 = arith.addf %parallel_loop3A_186, %parallel_loop3A_194 : vector<16xf32>
      %parallel_loop3A_196 = arith.index_cast %parallel_loop3A_192 : i32 to index
      %parallel_loop3A_197 = tpu.vector_load %arg9[%parallel_loop3A_196] {strides = array<i32>} : memref<65536xf32, #tpu.memory_space<vmem>>, vector<16xf32>,
      tpu.vector_store %arg9[%parallel_loop3A_196], %broadcast_in_dim3A_4 {strides = array<i32>} : memref<65536xf32, #tpu.memory_space<vmem>>, vector<16xf32>,
      %parallel_loop3A_198 = arith.constant 16 : i32
      %parallel_loop3A_199 = arith.muli %parallel_loop3A_126, %parallel_loop3A_198 : i32
      %parallel_loop3A_200 = arith.constant 32768 : i32
      %parallel_loop3A_201 = arith.addi %parallel_loop3A_200, %parallel_loop3A_199 : i32
      %parallel_loop3A_202 = arith.index_cast %parallel_loop3A_201 : i32 to index
      %parallel_loop3A_203 = tpu.vector_load %arg9[%parallel_loop3A_202] {strides = array<i32>} : memref<65536xf32, #tpu.memory_space<vmem>>, vector<16xf32>,
      %parallel_loop3A_204 = arith.addf %parallel_loop3A_195, %parallel_loop3A_203 : vector<16xf32>
      %parallel_loop3A_205 = arith.index_cast %parallel_loop3A_201 : i32 to index
      %parallel_loop3A_206 = tpu.vector_load %arg9[%parallel_loop3A_205] {strides = array<i32>} : memref<65536xf32, #tpu.memory_space<vmem>>, vector<16xf32>,
      tpu.vector_store %arg9[%parallel_loop3A_205], %broadcast_in_dim3A_4 {strides = array<i32>} : memref<65536xf32, #tpu.memory_space<vmem>>, vector<16xf32>,
      %parallel_loop3A_207 = arith.constant 16 : i32
      %parallel_loop3A_208 = arith.muli %parallel_loop3A_126, %parallel_loop3A_207 : i32
      %parallel_loop3A_209 = arith.constant 36864 : i32
      %parallel_loop3A_210 = arith.addi %parallel_loop3A_209, %parallel_loop3A_208 : i32
      %parallel_loop3A_211 = arith.index_cast %parallel_loop3A_210 : i32 to index
      %parallel_loop3A_212 = tpu.vector_load %arg9[%parallel_loop3A_211] {strides = array<i32>} : memref<65536xf32, #tpu.memory_space<vmem>>, vector<16xf32>,
      %parallel_loop3A_213 = arith.addf %parallel_loop3A_204, %parallel_loop3A_212 : vector<16xf32>
      %parallel_loop3A_214 = arith.index_cast %parallel_loop3A_210 : i32 to index
      %parallel_loop3A_215 = tpu.vector_load %arg9[%parallel_loop3A_214] {strides = array<i32>} : memref<65536xf32, #tpu.memory_space<vmem>>, vector<16xf32>,
      tpu.vector_store %arg9[%parallel_loop3A_214], %broadcast_in_dim3A_4 {strides = array<i32>} : memref<65536xf32, #tpu.memory_space<vmem>>, vector<16xf32>,
      %parallel_loop3A_216 = arith.constant 16 : i32
      %parallel_loop3A_217 = arith.muli %parallel_loop3A_126, %parallel_loop3A_216 : i32
      %parallel_loop3A_218 = arith.constant 40960 : i32
      %parallel_loop3A_219 = arith.addi %parallel_loop3A_218, %parallel_loop3A_217 : i32
      %parallel_loop3A_220 = arith.index_cast %parallel_loop3A_219 : i32 to index
      %parallel_loop3A_221 = tpu.vector_load %arg9[%parallel_loop3A_220] {strides = array<i32>} : memref<65536xf32, #tpu.memory_space<vmem>>, vector<16xf32>,
      %parallel_loop3A_222 = arith.addf %parallel_loop3A_213, %parallel_loop3A_221 : vector<16xf32>
      %parallel_loop3A_223 = arith.index_cast %parallel_loop3A_219 : i32 to index
      %parallel_loop3A_224 = tpu.vector_load %arg9[%parallel_loop3A_223] {strides = array<i32>} : memref<65536xf32, #tpu.memory_space<vmem>>, vector<16xf32>,
      tpu.vector_store %arg9[%parallel_loop3A_223], %broadcast_in_dim3A_4 {strides = array<i32>} : memref<65536xf32, #tpu.memory_space<vmem>>, vector<16xf32>,
      %parallel_loop3A_225 = arith.constant 16 : i32
      %parallel_loop3A_226 = arith.muli %parallel_loop3A_126, %parallel_loop3A_225 : i32
      %parallel_loop3A_227 = arith.constant 45056 : i32
      %parallel_loop3A_228 = arith.addi %parallel_loop3A_227, %parallel_loop3A_226 : i32
      %parallel_loop3A_229 = arith.index_cast %parallel_loop3A_228 : i32 to index
      %parallel_loop3A_230 = tpu.vector_load %arg9[%parallel_loop3A_229] {strides = array<i32>} : memref<65536xf32, #tpu.memory_space<vmem>>, vector<16xf32>,
      %parallel_loop3A_231 = arith.addf %parallel_loop3A_222, %parallel_loop3A_230 : vector<16xf32>
      %parallel_loop3A_232 = arith.index_cast %parallel_loop3A_228 : i32 to index
      %parallel_loop3A_233 = tpu.vector_load %arg9[%parallel_loop3A_232] {strides = array<i32>} : memref<65536xf32, #tpu.memory_space<vmem>>, vector<16xf32>,
      tpu.vector_store %arg9[%parallel_loop3A_232], %broadcast_in_dim3A_4 {strides = array<i32>} : memref<65536xf32, #tpu.memory_space<vmem>>, vector<16xf32>,
      %parallel_loop3A_234 = arith.constant 16 : i32
      %parallel_loop3A_235 = arith.muli %parallel_loop3A_126, %parallel_loop3A_234 : i32
      %parallel_loop3A_236 = arith.constant 49152 : i32
      %parallel_loop3A_237 = arith.addi %parallel_loop3A_236, %parallel_loop3A_235 : i32
      %parallel_loop3A_238 = arith.index_cast %parallel_loop3A_237 : i32 to index
      %parallel_loop3A_239 = tpu.vector_load %arg9[%parallel_loop3A_238] {strides = array<i32>} : memref<65536xf32, #tpu.memory_space<vmem>>, vector<16xf32>,
      %parallel_loop3A_240 = arith.addf %parallel_loop3A_231, %parallel_loop3A_239 : vector<16xf32>
      %parallel_loop3A_241 = arith.index_cast %parallel_loop3A_237 : i32 to index
      %parallel_loop3A_242 = tpu.vector_load %arg9[%parallel_loop3A_241] {strides = array<i32>} : memref<65536xf32, #tpu.memory_space<vmem>>, vector<16xf32>,
      tpu.vector_store %arg9[%parallel_loop3A_241], %broadcast_in_dim3A_4 {strides = array<i32>} : memref<65536xf32, #tpu.memory_space<vmem>>, vector<16xf32>,
      %parallel_loop3A_243 = arith.constant 16 : i32
      %parallel_loop3A_244 = arith.muli %parallel_loop3A_126, %parallel_loop3A_243 : i32
      %parallel_loop3A_245 = arith.constant 53248 : i32
      %parallel_loop3A_246 = arith.addi %parallel_loop3A_245, %parallel_loop3A_244 : i32
      %parallel_loop3A_247 = arith.index_cast %parallel_loop3A_246 : i32 to index
      %parallel_loop3A_248 = tpu.vector_load %arg9[%parallel_loop3A_247] {strides = array<i32>} : memref<65536xf32, #tpu.memory_space<vmem>>, vector<16xf32>,
      %parallel_loop3A_249 = arith.addf %parallel_loop3A_240, %parallel_loop3A_248 : vector<16xf32>
      %parallel_loop3A_250 = arith.index_cast %parallel_loop3A_246 : i32 to index
      %parallel_loop3A_251 = tpu.vector_load %arg9[%parallel_loop3A_250] {strides = array<i32>} : memref<65536xf32, #tpu.memory_space<vmem>>, vector<16xf32>,
      tpu.vector_store %arg9[%parallel_loop3A_250], %broadcast_in_dim3A_4 {strides = array<i32>} : memref<65536xf32, #tpu.memory_space<vmem>>, vector<16xf32>,
      %parallel_loop3A_252 = arith.constant 16 : i32
      %parallel_loop3A_253 = arith.muli %parallel_loop3A_126, %parallel_loop3A_252 : i32
      %parallel_loop3A_254 = arith.constant 57344 : i32
      %parallel_loop3A_255 = arith.addi %parallel_loop3A_254, %parallel_loop3A_253 : i32
      %parallel_loop3A_256 = arith.index_cast %parallel_loop3A_255 : i32 to index
      %parallel_loop3A_257 = tpu.vector_load %arg9[%parallel_loop3A_256] {strides = array<i32>} : memref<65536xf32, #tpu.memory_space<vmem>>, vector<16xf32>,
      %parallel_loop3A_258 = arith.addf %parallel_loop3A_249, %parallel_loop3A_257 : vector<16xf32>
      %parallel_loop3A_259 = arith.index_cast %parallel_loop3A_255 : i32 to index
      %parallel_loop3A_260 = tpu.vector_load %arg9[%parallel_loop3A_259] {strides = array<i32>} : memref<65536xf32, #tpu.memory_space<vmem>>, vector<16xf32>,
      tpu.vector_store %arg9[%parallel_loop3A_259], %broadcast_in_dim3A_4 {strides = array<i32>} : memref<65536xf32, #tpu.memory_space<vmem>>, vector<16xf32>,
      %parallel_loop3A_261 = arith.constant 16 : i32
      %parallel_loop3A_262 = arith.muli %parallel_loop3A_126, %parallel_loop3A_261 : i32
      %parallel_loop3A_263 = arith.constant 61440 : i32
      %parallel_loop3A_264 = arith.addi %parallel_loop3A_263, %parallel_loop3A_262 : i32
      %parallel_loop3A_265 = arith.index_cast %parallel_loop3A_264 : i32 to index
      %parallel_loop3A_266 = tpu.vector_load %arg9[%parallel_loop3A_265] {strides = array<i32>} : memref<65536xf32, #tpu.memory_space<vmem>>, vector<16xf32>,
      %parallel_loop3A_267 = arith.addf %parallel_loop3A_258, %parallel_loop3A_266 : vector<16xf32>
      %parallel_loop3A_268 = arith.index_cast %parallel_loop3A_264 : i32 to index
      %parallel_loop3A_269 = tpu.vector_load %arg9[%parallel_loop3A_268] {strides = array<i32>} : memref<65536xf32, #tpu.memory_space<vmem>>, vector<16xf32>,
      tpu.vector_store %arg9[%parallel_loop3A_268], %broadcast_in_dim3A_4 {strides = array<i32>} : memref<65536xf32, #tpu.memory_space<vmem>>, vector<16xf32>,
      %parallel_loop3A_270 = arith.constant 16 : i32
      %parallel_loop3A_271 = arith.muli %parallel_loop3A_126, %parallel_loop3A_270 : i32
      %parallel_loop3A_272 = arith.index_cast %parallel_loop3A_271 : i32 to index
      %parallel_loop3A_273 = tpu.vector_load %arg21[%parallel_loop3A_272] {strides = array<i32>} : memref<4096xf32, #tpu.memory_space<vmem>>, vector<16xf32>,
      tpu.vector_store %arg21[%parallel_loop3A_272], %parallel_loop3A_267 {strides = array<i32>} : memref<4096xf32, #tpu.memory_space<vmem>>, vector<16xf32>,
    } {sc.loop_unroll_factor = 2 : i64, sc.parallel_access}
    %mul3A_124 = arith.constant 4096 : i32
    %mul3A_125 = arith.muli %add3A_10, %mul3A_124 : i32
    "tpu.region"() ({
      %run_scoped3A = tpu.sem_alloc : memref<!tpu.dma_semaphore, #tpu.memory_space<semaphore_mem>>
      %dma_start3A_126 = tpu.memref_slice %arg8[%mul3A_125] : memref<131072xf32, #tpu.memory_space<hbm>> -> memref<4096xf32, #tpu.memory_space<hbm>>
      %dma_start3A_127 = tpu.memref_slice %arg8[%mul3A_125] : memref<131072xf32, #tpu.memory_space<hbm>> -> memref<4096xf32, #tpu.memory_space<hbm>>
      tpu.enqueue_dma source(%arg21 : memref<4096xf32, #tpu.memory_space<vmem>>) target(%dma_start3A_127 : memref<4096xf32, #tpu.memory_space<hbm>>) target_semaphore(%run_scoped3A : memref<!tpu.dma_semaphore, #tpu.memory_space<semaphore_mem>>)
      %dma_wait3A_128 = tpu.memref_slice %arg8[%mul3A_125] : memref<131072xf32, #tpu.memory_space<hbm>> -> memref<4096xf32, #tpu.memory_space<hbm>>
      %dma_wait3A_129 = tpu.memref_slice %arg8[%mul3A_125] : memref<131072xf32, #tpu.memory_space<hbm>> -> memref<4096xf32, #tpu.memory_space<hbm>>
      tpu.wait_dma2 semaphore(%run_scoped3A : memref<!tpu.dma_semaphore, #tpu.memory_space<semaphore_mem>>) src(%arg21 : memref<4096xf32, #tpu.memory_space<vmem>>) dst(%dma_wait3A_129 : memref<4096xf32, #tpu.memory_space<hbm>>)
      tpu.yield
    }) : () -> ()
    return
  }
}

module attributes {stable_mosaic.version = 14 : i64} {
  func.func @_hyper_body(%arg0: i32, %arg1: memref<1x8x16384xf32, #tpu.memory_space<vmem>>, %arg2: memref<1x8x16384xf32, #tpu.memory_space<vmem>>, %arg3: memref<1x8x16384xf32, #tpu.memory_space<vmem>>, %arg4: memref<1x8x16384xf32, #tpu.memory_space<vmem>>, %arg5: memref<1024x128xi32, #tpu.memory_space<vmem>>, %arg6: memref<1024x128xf32, #tpu.memory_space<vmem>>, %arg7: memref<1024x128xf32, #tpu.memory_space<vmem>>, %arg8: memref<1024x128xf32, #tpu.memory_space<vmem>>, %arg9: memref<1024x128xf32, #tpu.memory_space<vmem>>) attributes {dimension_semantics = [#tpu.dimension_semantics<arbitrary>], iteration_bounds = array<i64: 4>, scalar_prefetch = 0 : i64, scratch_operands = 0 : i64, tpu.core_type = #tpu.core_type<tc>, window_params = [{transform_indices = @transform_0, window_bounds = array<i64: 1, 8, 16384>}, {transform_indices = @transform_1, window_bounds = array<i64: 1, 8, 16384>}, {transform_indices = @transform_2, window_bounds = array<i64: 1, 8, 16384>}, {transform_indices = @transform_3, window_bounds = array<i64: 1, 8, 16384>}, {transform_indices = @transform_4, window_bounds = array<i64: 1024, 128>}, {transform_indices = @transform_5, window_bounds = array<i64: 1024, 128>}, {transform_indices = @transform_6, window_bounds = array<i64: 1024, 128>}, {transform_indices = @transform_7, window_bounds = array<i64: 1024, 128>}, {transform_indices = @transform_8, window_bounds = array<i64: 1024, 128>}]} {
    %get3A = arith.constant 0 : index
    %get3A_0 = arith.constant 0 : index
    %get3A_1 = arith.constant 0 : index
    %get3A_2 = vector.load %arg1[%get3A, %get3A_0, %get3A_1] : memref<1x8x16384xf32, #tpu.memory_space<vmem>>, vector<1x8x16384xf32>
    %get3A_3 = vector.shape_cast %get3A_2 : vector<1x8x16384xf32> to vector<8x16384xf32>
    %logistic3A = arith.negf %get3A_3 : vector<8x16384xf32>
    %logistic3A_4 = math.exp %logistic3A : vector<8x16384xf32>
    %logistic3A_5 = arith.constant 1.000000e+00 : f32
    %logistic3A_6 = vector.broadcast %logistic3A_5 : f32 to vector<8x16384xf32>
    %logistic3A_7 = arith.addf %logistic3A_6, %logistic3A_4 : vector<8x16384xf32>
    %logistic3A_8 = arith.divf %logistic3A_6, %logistic3A_7 : vector<8x16384xf32>
    %mul3A = arith.constant 4.095000e+03 : f32
    %mul3A_9 = vector.broadcast %mul3A : f32 to vector<8x16384xf32>
    %mul3A_10 = arith.mulf %logistic3A_8, %mul3A_9 : vector<8x16384xf32>
    %get3A_11 = arith.constant 0 : index
    %get3A_12 = arith.constant 0 : index
    %get3A_13 = arith.constant 0 : index
    %get3A_14 = vector.load %arg2[%get3A_11, %get3A_12, %get3A_13] : memref<1x8x16384xf32, #tpu.memory_space<vmem>>, vector<1x8x16384xf32>
    %get3A_15 = vector.shape_cast %get3A_14 : vector<1x8x16384xf32> to vector<8x16384xf32>
    %logistic3A_16 = arith.negf %get3A_15 : vector<8x16384xf32>
    %logistic3A_17 = math.exp %logistic3A_16 : vector<8x16384xf32>
    %logistic3A_18 = arith.constant 1.000000e+00 : f32
    %logistic3A_19 = vector.broadcast %logistic3A_18 : f32 to vector<8x16384xf32>
    %logistic3A_20 = arith.addf %logistic3A_19, %logistic3A_17 : vector<8x16384xf32>
    %logistic3A_21 = arith.divf %logistic3A_19, %logistic3A_20 : vector<8x16384xf32>
    %mul3A_22 = arith.constant 4.095000e+03 : f32
    %mul3A_23 = vector.broadcast %mul3A_22 : f32 to vector<8x16384xf32>
    %mul3A_24 = arith.mulf %logistic3A_21, %mul3A_23 : vector<8x16384xf32>
    %get3A_25 = arith.constant 0 : index
    %get3A_26 = arith.constant 0 : index
    %get3A_27 = arith.constant 0 : index
    %get3A_28 = vector.load %arg3[%get3A_25, %get3A_26, %get3A_27] : memref<1x8x16384xf32, #tpu.memory_space<vmem>>, vector<1x8x16384xf32>
    %get3A_29 = vector.shape_cast %get3A_28 : vector<1x8x16384xf32> to vector<8x16384xf32>
    %add3A = arith.constant 2.000000e+00 : f32
    %add3A_30 = vector.broadcast %add3A : f32 to vector<8x16384xf32>
    %add3A_31 = arith.addf %get3A_29, %add3A_30 : vector<8x16384xf32>
    %custom_jvp_call3A = arith.constant 0.000000e+00 : f32
    %max3A = vector.broadcast %custom_jvp_call3A : f32 to vector<8x16384xf32>
    %max3A_32 = arith.maximumf %add3A_31, %max3A : vector<8x16384xf32>
    %sub3A = vector.broadcast %custom_jvp_call3A : f32 to vector<8x16384xf32>
    %sub3A_33 = arith.subf %add3A_31, %sub3A : vector<8x16384xf32>
    %ne3A = arith.cmpf one, %sub3A_33, %sub3A_33 : vector<8x16384xf32>
    %add3A_34 = vector.broadcast %custom_jvp_call3A : f32 to vector<8x16384xf32>
    %add3A_35 = arith.addf %add3A_31, %add3A_34 : vector<8x16384xf32>
    %abs3A = math.absf %sub3A_33 : vector<8x16384xf32>
    %neg3A = arith.constant 0.000000e+00 : f32
    %neg3A_36 = vector.broadcast %neg3A : f32 to vector<8x16384xf32>
    %neg3A_37 = arith.subf %neg3A_36, %abs3A : vector<8x16384xf32>
    %exp3A = math.exp %neg3A_37 : vector<8x16384xf32>
    %log1p3A = math.log1p %exp3A : vector<8x16384xf32>
    %add3A_38 = arith.addf %max3A_32, %log1p3A : vector<8x16384xf32>
    %select_n3A = arith.select %ne3A, %add3A_35, %add3A_38 : vector<8x16384xi1>, vector<8x16384xf32>
    %add3A_39 = arith.constant 9.99999997E-7 : f32
    %add3A_40 = vector.broadcast %add3A_39 : f32 to vector<8x16384xf32>
    %add3A_41 = arith.addf %select_n3A, %add3A_40 : vector<8x16384xf32>
    %get3A_42 = arith.constant 0 : index
    %get3A_43 = arith.constant 0 : index
    %get3A_44 = arith.constant 0 : index
    %get3A_45 = vector.load %arg4[%get3A_42, %get3A_43, %get3A_44] : memref<1x8x16384xf32, #tpu.memory_space<vmem>>, vector<1x8x16384xf32>
    %get3A_46 = vector.shape_cast %get3A_45 : vector<1x8x16384xf32> to vector<8x16384xf32>
    %reshape3A = vector.shape_cast %mul3A_10 : vector<8x16384xf32> to vector<1024x128xf32>
    %reshape3A_47 = vector.shape_cast %mul3A_24 : vector<8x16384xf32> to vector<1024x128xf32>
    %reshape3A_48 = vector.shape_cast %add3A_41 : vector<8x16384xf32> to vector<1024x128xf32>
    %reshape3A_49 = vector.shape_cast %get3A_46 : vector<8x16384xf32> to vector<1024x128xf32>
    %mul3A_50 = arith.constant 4.096000e+03 : f32
    %mul3A_51 = vector.broadcast %mul3A_50 : f32 to vector<1024x128xf32>
    %mul3A_52 = arith.mulf %reshape3A_48, %mul3A_51 : vector<1024x128xf32>
    %add3A_53 = arith.constant 9.99999997E-7 : f32
    %add3A_54 = vector.broadcast %add3A_53 : f32 to vector<1024x128xf32>
    %add3A_55 = arith.addf %mul3A_52, %add3A_54 : vector<1024x128xf32>
    %div3A = arith.constant 1.000000e+00 : f32
    %div3A_56 = vector.broadcast %div3A : f32 to vector<1024x128xf32>
    %div3A_57 = arith.divf %div3A_56, %add3A_55 : vector<1024x128xf32>
    %floor3A = math.floor %reshape3A : vector<1024x128xf32>
    %floor3A_58 = math.floor %reshape3A_47 : vector<1024x128xf32>
    %add3A_59 = arith.constant 1.000000e+00 : f32
    %add3A_60 = vector.broadcast %add3A_59 : f32 to vector<1024x128xf32>
    %add3A_61 = arith.addf %floor3A, %add3A_60 : vector<1024x128xf32>
    %min3A = arith.constant 4.095000e+03 : f32
    %min3A_62 = vector.broadcast %min3A : f32 to vector<1024x128xf32>
    %min3A_63 = arith.minimumf %add3A_61, %min3A_62 : vector<1024x128xf32>
    %add3A_64 = arith.constant 1.000000e+00 : f32
    %add3A_65 = vector.broadcast %add3A_64 : f32 to vector<1024x128xf32>
    %add3A_66 = arith.addf %floor3A_58, %add3A_65 : vector<1024x128xf32>
    %min3A_67 = arith.constant 4.095000e+03 : f32
    %min3A_68 = vector.broadcast %min3A_67 : f32 to vector<1024x128xf32>
    %min3A_69 = arith.minimumf %add3A_66, %min3A_68 : vector<1024x128xf32>
    %sub3A_70 = arith.subf %floor3A, %reshape3A : vector<1024x128xf32>
    %sub3A_71 = arith.subf %floor3A, %reshape3A : vector<1024x128xf32>
    %mul3A_72 = arith.mulf %sub3A_70, %sub3A_71 : vector<1024x128xf32>
    %sub3A_73 = arith.subf %min3A_63, %reshape3A : vector<1024x128xf32>
    %sub3A_74 = arith.subf %min3A_63, %reshape3A : vector<1024x128xf32>
    %mul3A_75 = arith.mulf %sub3A_73, %sub3A_74 : vector<1024x128xf32>
    %sub3A_76 = arith.subf %floor3A_58, %reshape3A_47 : vector<1024x128xf32>
    %sub3A_77 = arith.subf %floor3A_58, %reshape3A_47 : vector<1024x128xf32>
    %mul3A_78 = arith.mulf %sub3A_76, %sub3A_77 : vector<1024x128xf32>
    %sub3A_79 = arith.subf %min3A_69, %reshape3A_47 : vector<1024x128xf32>
    %sub3A_80 = arith.subf %min3A_69, %reshape3A_47 : vector<1024x128xf32>
    %mul3A_81 = arith.mulf %sub3A_79, %sub3A_80 : vector<1024x128xf32>
    %add3A_82 = arith.addf %mul3A_72, %mul3A_78 : vector<1024x128xf32>
    %mul3A_83 = arith.constant -5.000000e-01 : f32
    %mul3A_84 = vector.broadcast %mul3A_83 : f32 to vector<1024x128xf32>
    %mul3A_85 = arith.mulf %mul3A_84, %add3A_82 : vector<1024x128xf32>
    %mul3A_86 = arith.mulf %mul3A_85, %div3A_57 : vector<1024x128xf32>
    %exp3A_87 = math.exp %mul3A_86 : vector<1024x128xf32>
    %add3A_88 = arith.addf %mul3A_72, %mul3A_81 : vector<1024x128xf32>
    %mul3A_89 = arith.constant -5.000000e-01 : f32
    %mul3A_90 = vector.broadcast %mul3A_89 : f32 to vector<1024x128xf32>
    %mul3A_91 = arith.mulf %mul3A_90, %add3A_88 : vector<1024x128xf32>
    %mul3A_92 = arith.mulf %mul3A_91, %div3A_57 : vector<1024x128xf32>
    %exp3A_93 = math.exp %mul3A_92 : vector<1024x128xf32>
    %add3A_94 = arith.addf %mul3A_75, %mul3A_78 : vector<1024x128xf32>
    %mul3A_95 = arith.constant -5.000000e-01 : f32
    %mul3A_96 = vector.broadcast %mul3A_95 : f32 to vector<1024x128xf32>
    %mul3A_97 = arith.mulf %mul3A_96, %add3A_94 : vector<1024x128xf32>
    %mul3A_98 = arith.mulf %mul3A_97, %div3A_57 : vector<1024x128xf32>
    %exp3A_99 = math.exp %mul3A_98 : vector<1024x128xf32>
    %add3A_100 = arith.addf %mul3A_75, %mul3A_81 : vector<1024x128xf32>
    %mul3A_101 = arith.constant -5.000000e-01 : f32
    %mul3A_102 = vector.broadcast %mul3A_101 : f32 to vector<1024x128xf32>
    %mul3A_103 = arith.mulf %mul3A_102, %add3A_100 : vector<1024x128xf32>
    %mul3A_104 = arith.mulf %mul3A_103, %div3A_57 : vector<1024x128xf32>
    %exp3A_105 = math.exp %mul3A_104 : vector<1024x128xf32>
    %add3A_106 = arith.addf %exp3A_87, %exp3A_93 : vector<1024x128xf32>
    %add3A_107 = arith.addf %add3A_106, %exp3A_99 : vector<1024x128xf32>
    %add3A_108 = arith.addf %add3A_107, %exp3A_105 : vector<1024x128xf32>
    %add3A_109 = arith.constant 9.99999997E-7 : f32
    %add3A_110 = vector.broadcast %add3A_109 : f32 to vector<1024x128xf32>
    %add3A_111 = arith.addf %add3A_108, %add3A_110 : vector<1024x128xf32>
    %div3A_112 = arith.divf %reshape3A_49, %add3A_111 : vector<1024x128xf32>
    %convert_element_type3A = arith.fptosi %floor3A : vector<1024x128xf32> to vector<1024x128xi32>
    %mul3A_113 = arith.constant 4096 : i32
    %mul3A_114 = vector.broadcast %mul3A_113 : i32 to vector<1024x128xi32>
    %mul3A_115 = arith.muli %convert_element_type3A, %mul3A_114 : vector<1024x128xi32>
    %convert_element_type3A_116 = arith.fptosi %floor3A_58 : vector<1024x128xf32> to vector<1024x128xi32>
    %add3A_117 = arith.addi %mul3A_115, %convert_element_type3A_116 : vector<1024x128xi32>
    %swap3A = arith.constant 0 : index
    %swap3A_118 = arith.constant 0 : index
    %swap3A_119 = vector.load %arg5[%swap3A, %swap3A_118] : memref<1024x128xi32, #tpu.memory_space<vmem>>, vector<1024x128xi32>
    tpu.vector_store %arg5[%swap3A, %swap3A_118], %add3A_117 {strides = array<i32>} : memref<1024x128xi32, #tpu.memory_space<vmem>>, vector<1024x128xi32>,
    %mul3A_120 = arith.mulf %exp3A_87, %div3A_112 : vector<1024x128xf32>
    %swap3A_121 = arith.constant 0 : index
    %swap3A_122 = arith.constant 0 : index
    %swap3A_123 = vector.load %arg6[%swap3A_121, %swap3A_122] : memref<1024x128xf32, #tpu.memory_space<vmem>>, vector<1024x128xf32>
    tpu.vector_store %arg6[%swap3A_121, %swap3A_122], %mul3A_120 {strides = array<i32>} : memref<1024x128xf32, #tpu.memory_space<vmem>>, vector<1024x128xf32>,
    %mul3A_124 = arith.mulf %exp3A_93, %div3A_112 : vector<1024x128xf32>
    %swap3A_125 = arith.constant 0 : index
    %swap3A_126 = arith.constant 0 : index
    %swap3A_127 = vector.load %arg7[%swap3A_125, %swap3A_126] : memref<1024x128xf32, #tpu.memory_space<vmem>>, vector<1024x128xf32>
    tpu.vector_store %arg7[%swap3A_125, %swap3A_126], %mul3A_124 {strides = array<i32>} : memref<1024x128xf32, #tpu.memory_space<vmem>>, vector<1024x128xf32>,
    %mul3A_128 = arith.mulf %exp3A_99, %div3A_112 : vector<1024x128xf32>
    %swap3A_129 = arith.constant 0 : index
    %swap3A_130 = arith.constant 0 : index
    %swap3A_131 = vector.load %arg8[%swap3A_129, %swap3A_130] : memref<1024x128xf32, #tpu.memory_space<vmem>>, vector<1024x128xf32>
    tpu.vector_store %arg8[%swap3A_129, %swap3A_130], %mul3A_128 {strides = array<i32>} : memref<1024x128xf32, #tpu.memory_space<vmem>>, vector<1024x128xf32>,
    %mul3A_132 = arith.mulf %exp3A_105, %div3A_112 : vector<1024x128xf32>
    %swap3A_133 = arith.constant 0 : index
    %swap3A_134 = arith.constant 0 : index
    %swap3A_135 = vector.load %arg9[%swap3A_133, %swap3A_134] : memref<1024x128xf32, #tpu.memory_space<vmem>>, vector<1024x128xf32>
    tpu.vector_store %arg9[%swap3A_133, %swap3A_134], %mul3A_132 {strides = array<i32>} : memref<1024x128xf32, #tpu.memory_space<vmem>>, vector<1024x128xf32>,
    return
  }
  func.func @transform_0(%arg0: i32) -> (i32, i32, i32) {
    %add3A = arith.constant 4 : i32
    %add3A_0 = arith.addi %add3A, %arg0 : i32
    %c0_i32 = arith.constant 0 : i32
    %c0_i32_1 = arith.constant 0 : i32
    %c0_i32_2 = arith.constant 0 : i32
    return %c0_i32, %add3A_0, %c0_i32_1 : i32, i32, i32
  }
  func.func @transform_1(%arg0: i32) -> (i32, i32, i32) {
    %add3A = arith.constant 4 : i32
    %add3A_0 = arith.addi %add3A, %arg0 : i32
    %c1_i32 = arith.constant 1 : i32
    %c0_i32 = arith.constant 0 : i32
    %c0_i32_1 = arith.constant 0 : i32
    return %c1_i32, %add3A_0, %c0_i32 : i32, i32, i32
  }
  func.func @transform_2(%arg0: i32) -> (i32, i32, i32) {
    %add3A = arith.constant 4 : i32
    %add3A_0 = arith.addi %add3A, %arg0 : i32
    %c2_i32 = arith.constant 2 : i32
    %c0_i32 = arith.constant 0 : i32
    %c0_i32_1 = arith.constant 0 : i32
    return %c2_i32, %add3A_0, %c0_i32 : i32, i32, i32
  }
  func.func @transform_3(%arg0: i32) -> (i32, i32, i32) {
    %add3A = arith.constant 4 : i32
    %add3A_0 = arith.addi %add3A, %arg0 : i32
    %c3_i32 = arith.constant 3 : i32
    %c0_i32 = arith.constant 0 : i32
    %c0_i32_1 = arith.constant 0 : i32
    return %c3_i32, %add3A_0, %c0_i32 : i32, i32, i32
  }
  func.func @transform_4(%arg0: i32) -> (i32, i32) {
    %c0_i32 = arith.constant 0 : i32
    %c0_i32_0 = arith.constant 0 : i32
    return %arg0, %c0_i32 : i32, i32
  }
  func.func @transform_5(%arg0: i32) -> (i32, i32) {
    %c0_i32 = arith.constant 0 : i32
    %c0_i32_0 = arith.constant 0 : i32
    return %arg0, %c0_i32 : i32, i32
  }
  func.func @transform_6(%arg0: i32) -> (i32, i32) {
    %c0_i32 = arith.constant 0 : i32
    %c0_i32_0 = arith.constant 0 : i32
    return %arg0, %c0_i32 : i32, i32
  }
  func.func @transform_7(%arg0: i32) -> (i32, i32) {
    %c0_i32 = arith.constant 0 : i32
    %c0_i32_0 = arith.constant 0 : i32
    return %arg0, %c0_i32 : i32, i32
  }
  func.func @transform_8(%arg0: i32) -> (i32, i32) {
    %c0_i32 = arith.constant 0 : i32
    %c0_i32_0 = arith.constant 0 : i32
    return %arg0, %c0_i32 : i32, i32
  }
}

module attributes {stable_mosaic.version = 14 : i64} {
  func.func @_hyper_body(%arg0: i32, %arg1: memref<1x8x16384xf32, #tpu.memory_space<vmem>>, %arg2: memref<1x8x16384xf32, #tpu.memory_space<vmem>>, %arg3: memref<1x8x16384xf32, #tpu.memory_space<vmem>>, %arg4: memref<1x8x16384xf32, #tpu.memory_space<vmem>>, %arg5: memref<1024x128xi32, #tpu.memory_space<vmem>>, %arg6: memref<1024x128xf32, #tpu.memory_space<vmem>>, %arg7: memref<1024x128xf32, #tpu.memory_space<vmem>>, %arg8: memref<1024x128xf32, #tpu.memory_space<vmem>>, %arg9: memref<1024x128xf32, #tpu.memory_space<vmem>>) attributes {dimension_semantics = [#tpu.dimension_semantics<arbitrary>], iteration_bounds = array<i64: 4>, scalar_prefetch = 0 : i64, scratch_operands = 0 : i64, tpu.core_type = #tpu.core_type<tc>, window_params = [{transform_indices = @transform_0, window_bounds = array<i64: 1, 8, 16384>}, {transform_indices = @transform_1, window_bounds = array<i64: 1, 8, 16384>}, {transform_indices = @transform_2, window_bounds = array<i64: 1, 8, 16384>}, {transform_indices = @transform_3, window_bounds = array<i64: 1, 8, 16384>}, {transform_indices = @transform_4, window_bounds = array<i64: 1024, 128>}, {transform_indices = @transform_5, window_bounds = array<i64: 1024, 128>}, {transform_indices = @transform_6, window_bounds = array<i64: 1024, 128>}, {transform_indices = @transform_7, window_bounds = array<i64: 1024, 128>}, {transform_indices = @transform_8, window_bounds = array<i64: 1024, 128>}]} {
    %get3A = arith.constant 0 : index
    %get3A_0 = arith.constant 0 : index
    %get3A_1 = arith.constant 0 : index
    %get3A_2 = vector.load %arg1[%get3A, %get3A_0, %get3A_1] : memref<1x8x16384xf32, #tpu.memory_space<vmem>>, vector<1x8x16384xf32>
    %get3A_3 = vector.shape_cast %get3A_2 : vector<1x8x16384xf32> to vector<8x16384xf32>
    %logistic3A = arith.negf %get3A_3 : vector<8x16384xf32>
    %logistic3A_4 = math.exp %logistic3A : vector<8x16384xf32>
    %logistic3A_5 = arith.constant 1.000000e+00 : f32
    %logistic3A_6 = vector.broadcast %logistic3A_5 : f32 to vector<8x16384xf32>
    %logistic3A_7 = arith.addf %logistic3A_6, %logistic3A_4 : vector<8x16384xf32>
    %logistic3A_8 = arith.divf %logistic3A_6, %logistic3A_7 : vector<8x16384xf32>
    %mul3A = arith.constant 4.095000e+03 : f32
    %mul3A_9 = vector.broadcast %mul3A : f32 to vector<8x16384xf32>
    %mul3A_10 = arith.mulf %logistic3A_8, %mul3A_9 : vector<8x16384xf32>
    %get3A_11 = arith.constant 0 : index
    %get3A_12 = arith.constant 0 : index
    %get3A_13 = arith.constant 0 : index
    %get3A_14 = vector.load %arg2[%get3A_11, %get3A_12, %get3A_13] : memref<1x8x16384xf32, #tpu.memory_space<vmem>>, vector<1x8x16384xf32>
    %get3A_15 = vector.shape_cast %get3A_14 : vector<1x8x16384xf32> to vector<8x16384xf32>
    %logistic3A_16 = arith.negf %get3A_15 : vector<8x16384xf32>
    %logistic3A_17 = math.exp %logistic3A_16 : vector<8x16384xf32>
    %logistic3A_18 = arith.constant 1.000000e+00 : f32
    %logistic3A_19 = vector.broadcast %logistic3A_18 : f32 to vector<8x16384xf32>
    %logistic3A_20 = arith.addf %logistic3A_19, %logistic3A_17 : vector<8x16384xf32>
    %logistic3A_21 = arith.divf %logistic3A_19, %logistic3A_20 : vector<8x16384xf32>
    %mul3A_22 = arith.constant 4.095000e+03 : f32
    %mul3A_23 = vector.broadcast %mul3A_22 : f32 to vector<8x16384xf32>
    %mul3A_24 = arith.mulf %logistic3A_21, %mul3A_23 : vector<8x16384xf32>
    %get3A_25 = arith.constant 0 : index
    %get3A_26 = arith.constant 0 : index
    %get3A_27 = arith.constant 0 : index
    %get3A_28 = vector.load %arg3[%get3A_25, %get3A_26, %get3A_27] : memref<1x8x16384xf32, #tpu.memory_space<vmem>>, vector<1x8x16384xf32>
    %get3A_29 = vector.shape_cast %get3A_28 : vector<1x8x16384xf32> to vector<8x16384xf32>
    %add3A = arith.constant 2.000000e+00 : f32
    %add3A_30 = vector.broadcast %add3A : f32 to vector<8x16384xf32>
    %add3A_31 = arith.addf %get3A_29, %add3A_30 : vector<8x16384xf32>
    %custom_jvp_call3A = arith.constant 0.000000e+00 : f32
    %max3A = vector.broadcast %custom_jvp_call3A : f32 to vector<8x16384xf32>
    %max3A_32 = arith.maximumf %add3A_31, %max3A : vector<8x16384xf32>
    %sub3A = vector.broadcast %custom_jvp_call3A : f32 to vector<8x16384xf32>
    %sub3A_33 = arith.subf %add3A_31, %sub3A : vector<8x16384xf32>
    %ne3A = arith.cmpf one, %sub3A_33, %sub3A_33 : vector<8x16384xf32>
    %add3A_34 = vector.broadcast %custom_jvp_call3A : f32 to vector<8x16384xf32>
    %add3A_35 = arith.addf %add3A_31, %add3A_34 : vector<8x16384xf32>
    %abs3A = math.absf %sub3A_33 : vector<8x16384xf32>
    %neg3A = arith.constant 0.000000e+00 : f32
    %neg3A_36 = vector.broadcast %neg3A : f32 to vector<8x16384xf32>
    %neg3A_37 = arith.subf %neg3A_36, %abs3A : vector<8x16384xf32>
    %exp3A = math.exp %neg3A_37 : vector<8x16384xf32>
    %log1p3A = math.log1p %exp3A : vector<8x16384xf32>
    %add3A_38 = arith.addf %max3A_32, %log1p3A : vector<8x16384xf32>
    %select_n3A = arith.select %ne3A, %add3A_35, %add3A_38 : vector<8x16384xi1>, vector<8x16384xf32>
    %add3A_39 = arith.constant 9.99999997E-7 : f32
    %add3A_40 = vector.broadcast %add3A_39 : f32 to vector<8x16384xf32>
    %add3A_41 = arith.addf %select_n3A, %add3A_40 : vector<8x16384xf32>
    %get3A_42 = arith.constant 0 : index
    %get3A_43 = arith.constant 0 : index
    %get3A_44 = arith.constant 0 : index
    %get3A_45 = vector.load %arg4[%get3A_42, %get3A_43, %get3A_44] : memref<1x8x16384xf32, #tpu.memory_space<vmem>>, vector<1x8x16384xf32>
    %get3A_46 = vector.shape_cast %get3A_45 : vector<1x8x16384xf32> to vector<8x16384xf32>
    %reshape3A = vector.shape_cast %mul3A_10 : vector<8x16384xf32> to vector<1024x128xf32>
    %reshape3A_47 = vector.shape_cast %mul3A_24 : vector<8x16384xf32> to vector<1024x128xf32>
    %reshape3A_48 = vector.shape_cast %add3A_41 : vector<8x16384xf32> to vector<1024x128xf32>
    %reshape3A_49 = vector.shape_cast %get3A_46 : vector<8x16384xf32> to vector<1024x128xf32>
    %mul3A_50 = arith.constant 4.096000e+03 : f32
    %mul3A_51 = vector.broadcast %mul3A_50 : f32 to vector<1024x128xf32>
    %mul3A_52 = arith.mulf %reshape3A_48, %mul3A_51 : vector<1024x128xf32>
    %add3A_53 = arith.constant 9.99999997E-7 : f32
    %add3A_54 = vector.broadcast %add3A_53 : f32 to vector<1024x128xf32>
    %add3A_55 = arith.addf %mul3A_52, %add3A_54 : vector<1024x128xf32>
    %div3A = arith.constant 1.000000e+00 : f32
    %div3A_56 = vector.broadcast %div3A : f32 to vector<1024x128xf32>
    %div3A_57 = arith.divf %div3A_56, %add3A_55 : vector<1024x128xf32>
    %floor3A = math.floor %reshape3A : vector<1024x128xf32>
    %floor3A_58 = math.floor %reshape3A_47 : vector<1024x128xf32>
    %add3A_59 = arith.constant 1.000000e+00 : f32
    %add3A_60 = vector.broadcast %add3A_59 : f32 to vector<1024x128xf32>
    %add3A_61 = arith.addf %floor3A, %add3A_60 : vector<1024x128xf32>
    %min3A = arith.constant 4.095000e+03 : f32
    %min3A_62 = vector.broadcast %min3A : f32 to vector<1024x128xf32>
    %min3A_63 = arith.minimumf %add3A_61, %min3A_62 : vector<1024x128xf32>
    %add3A_64 = arith.constant 1.000000e+00 : f32
    %add3A_65 = vector.broadcast %add3A_64 : f32 to vector<1024x128xf32>
    %add3A_66 = arith.addf %floor3A_58, %add3A_65 : vector<1024x128xf32>
    %min3A_67 = arith.constant 4.095000e+03 : f32
    %min3A_68 = vector.broadcast %min3A_67 : f32 to vector<1024x128xf32>
    %min3A_69 = arith.minimumf %add3A_66, %min3A_68 : vector<1024x128xf32>
    %sub3A_70 = arith.subf %floor3A, %reshape3A : vector<1024x128xf32>
    %sub3A_71 = arith.subf %floor3A, %reshape3A : vector<1024x128xf32>
    %mul3A_72 = arith.mulf %sub3A_70, %sub3A_71 : vector<1024x128xf32>
    %sub3A_73 = arith.subf %min3A_63, %reshape3A : vector<1024x128xf32>
    %sub3A_74 = arith.subf %min3A_63, %reshape3A : vector<1024x128xf32>
    %mul3A_75 = arith.mulf %sub3A_73, %sub3A_74 : vector<1024x128xf32>
    %sub3A_76 = arith.subf %floor3A_58, %reshape3A_47 : vector<1024x128xf32>
    %sub3A_77 = arith.subf %floor3A_58, %reshape3A_47 : vector<1024x128xf32>
    %mul3A_78 = arith.mulf %sub3A_76, %sub3A_77 : vector<1024x128xf32>
    %sub3A_79 = arith.subf %min3A_69, %reshape3A_47 : vector<1024x128xf32>
    %sub3A_80 = arith.subf %min3A_69, %reshape3A_47 : vector<1024x128xf32>
    %mul3A_81 = arith.mulf %sub3A_79, %sub3A_80 : vector<1024x128xf32>
    %add3A_82 = arith.addf %mul3A_72, %mul3A_78 : vector<1024x128xf32>
    %mul3A_83 = arith.constant -5.000000e-01 : f32
    %mul3A_84 = vector.broadcast %mul3A_83 : f32 to vector<1024x128xf32>
    %mul3A_85 = arith.mulf %mul3A_84, %add3A_82 : vector<1024x128xf32>
    %mul3A_86 = arith.mulf %mul3A_85, %div3A_57 : vector<1024x128xf32>
    %exp3A_87 = math.exp %mul3A_86 : vector<1024x128xf32>
    %add3A_88 = arith.addf %mul3A_72, %mul3A_81 : vector<1024x128xf32>
    %mul3A_89 = arith.constant -5.000000e-01 : f32
    %mul3A_90 = vector.broadcast %mul3A_89 : f32 to vector<1024x128xf32>
    %mul3A_91 = arith.mulf %mul3A_90, %add3A_88 : vector<1024x128xf32>
    %mul3A_92 = arith.mulf %mul3A_91, %div3A_57 : vector<1024x128xf32>
    %exp3A_93 = math.exp %mul3A_92 : vector<1024x128xf32>
    %add3A_94 = arith.addf %mul3A_75, %mul3A_78 : vector<1024x128xf32>
    %mul3A_95 = arith.constant -5.000000e-01 : f32
    %mul3A_96 = vector.broadcast %mul3A_95 : f32 to vector<1024x128xf32>
    %mul3A_97 = arith.mulf %mul3A_96, %add3A_94 : vector<1024x128xf32>
    %mul3A_98 = arith.mulf %mul3A_97, %div3A_57 : vector<1024x128xf32>
    %exp3A_99 = math.exp %mul3A_98 : vector<1024x128xf32>
    %add3A_100 = arith.addf %mul3A_75, %mul3A_81 : vector<1024x128xf32>
    %mul3A_101 = arith.constant -5.000000e-01 : f32
    %mul3A_102 = vector.broadcast %mul3A_101 : f32 to vector<1024x128xf32>
    %mul3A_103 = arith.mulf %mul3A_102, %add3A_100 : vector<1024x128xf32>
    %mul3A_104 = arith.mulf %mul3A_103, %div3A_57 : vector<1024x128xf32>
    %exp3A_105 = math.exp %mul3A_104 : vector<1024x128xf32>
    %add3A_106 = arith.addf %exp3A_87, %exp3A_93 : vector<1024x128xf32>
    %add3A_107 = arith.addf %add3A_106, %exp3A_99 : vector<1024x128xf32>
    %add3A_108 = arith.addf %add3A_107, %exp3A_105 : vector<1024x128xf32>
    %add3A_109 = arith.constant 9.99999997E-7 : f32
    %add3A_110 = vector.broadcast %add3A_109 : f32 to vector<1024x128xf32>
    %add3A_111 = arith.addf %add3A_108, %add3A_110 : vector<1024x128xf32>
    %div3A_112 = arith.divf %reshape3A_49, %add3A_111 : vector<1024x128xf32>
    %convert_element_type3A = arith.fptosi %floor3A : vector<1024x128xf32> to vector<1024x128xi32>
    %mul3A_113 = arith.constant 4096 : i32
    %mul3A_114 = vector.broadcast %mul3A_113 : i32 to vector<1024x128xi32>
    %mul3A_115 = arith.muli %convert_element_type3A, %mul3A_114 : vector<1024x128xi32>
    %convert_element_type3A_116 = arith.fptosi %floor3A_58 : vector<1024x128xf32> to vector<1024x128xi32>
    %add3A_117 = arith.addi %mul3A_115, %convert_element_type3A_116 : vector<1024x128xi32>
    %swap3A = arith.constant 0 : index
    %swap3A_118 = arith.constant 0 : index
    %swap3A_119 = vector.load %arg5[%swap3A, %swap3A_118] : memref<1024x128xi32, #tpu.memory_space<vmem>>, vector<1024x128xi32>
    tpu.vector_store %arg5[%swap3A, %swap3A_118], %add3A_117 {strides = array<i32>} : memref<1024x128xi32, #tpu.memory_space<vmem>>, vector<1024x128xi32>,
    %mul3A_120 = arith.mulf %exp3A_87, %div3A_112 : vector<1024x128xf32>
    %swap3A_121 = arith.constant 0 : index
    %swap3A_122 = arith.constant 0 : index
    %swap3A_123 = vector.load %arg6[%swap3A_121, %swap3A_122] : memref<1024x128xf32, #tpu.memory_space<vmem>>, vector<1024x128xf32>
    tpu.vector_store %arg6[%swap3A_121, %swap3A_122], %mul3A_120 {strides = array<i32>} : memref<1024x128xf32, #tpu.memory_space<vmem>>, vector<1024x128xf32>,
    %mul3A_124 = arith.mulf %exp3A_93, %div3A_112 : vector<1024x128xf32>
    %swap3A_125 = arith.constant 0 : index
    %swap3A_126 = arith.constant 0 : index
    %swap3A_127 = vector.load %arg7[%swap3A_125, %swap3A_126] : memref<1024x128xf32, #tpu.memory_space<vmem>>, vector<1024x128xf32>
    tpu.vector_store %arg7[%swap3A_125, %swap3A_126], %mul3A_124 {strides = array<i32>} : memref<1024x128xf32, #tpu.memory_space<vmem>>, vector<1024x128xf32>,
    %mul3A_128 = arith.mulf %exp3A_99, %div3A_112 : vector<1024x128xf32>
    %swap3A_129 = arith.constant 0 : index
    %swap3A_130 = arith.constant 0 : index
    %swap3A_131 = vector.load %arg8[%swap3A_129, %swap3A_130] : memref<1024x128xf32, #tpu.memory_space<vmem>>, vector<1024x128xf32>
    tpu.vector_store %arg8[%swap3A_129, %swap3A_130], %mul3A_128 {strides = array<i32>} : memref<1024x128xf32, #tpu.memory_space<vmem>>, vector<1024x128xf32>,
    %mul3A_132 = arith.mulf %exp3A_105, %div3A_112 : vector<1024x128xf32>
    %swap3A_133 = arith.constant 0 : index
    %swap3A_134 = arith.constant 0 : index
    %swap3A_135 = vector.load %arg9[%swap3A_133, %swap3A_134] : memref<1024x128xf32, #tpu.memory_space<vmem>>, vector<1024x128xf32>
    tpu.vector_store %arg9[%swap3A_133, %swap3A_134], %mul3A_132 {strides = array<i32>} : memref<1024x128xf32, #tpu.memory_space<vmem>>, vector<1024x128xf32>,
    return
  }
  func.func @transform_0(%arg0: i32) -> (i32, i32, i32) {
    %add3A = arith.constant 0 : i32
    %add3A_0 = arith.addi %add3A, %arg0 : i32
    %c0_i32 = arith.constant 0 : i32
    %c0_i32_1 = arith.constant 0 : i32
    %c0_i32_2 = arith.constant 0 : i32
    return %c0_i32, %add3A_0, %c0_i32_1 : i32, i32, i32
  }
  func.func @transform_1(%arg0: i32) -> (i32, i32, i32) {
    %add3A = arith.constant 0 : i32
    %add3A_0 = arith.addi %add3A, %arg0 : i32
    %c1_i32 = arith.constant 1 : i32
    %c0_i32 = arith.constant 0 : i32
    %c0_i32_1 = arith.constant 0 : i32
    return %c1_i32, %add3A_0, %c0_i32 : i32, i32, i32
  }
  func.func @transform_2(%arg0: i32) -> (i32, i32, i32) {
    %add3A = arith.constant 0 : i32
    %add3A_0 = arith.addi %add3A, %arg0 : i32
    %c2_i32 = arith.constant 2 : i32
    %c0_i32 = arith.constant 0 : i32
    %c0_i32_1 = arith.constant 0 : i32
    return %c2_i32, %add3A_0, %c0_i32 : i32, i32, i32
  }
  func.func @transform_3(%arg0: i32) -> (i32, i32, i32) {
    %add3A = arith.constant 0 : i32
    %add3A_0 = arith.addi %add3A, %arg0 : i32
    %c3_i32 = arith.constant 3 : i32
    %c0_i32 = arith.constant 0 : i32
    %c0_i32_1 = arith.constant 0 : i32
    return %c3_i32, %add3A_0, %c0_i32 : i32, i32, i32
  }
  func.func @transform_4(%arg0: i32) -> (i32, i32) {
    %c0_i32 = arith.constant 0 : i32
    %c0_i32_0 = arith.constant 0 : i32
    return %arg0, %c0_i32 : i32, i32
  }
  func.func @transform_5(%arg0: i32) -> (i32, i32) {
    %c0_i32 = arith.constant 0 : i32
    %c0_i32_0 = arith.constant 0 : i32
    return %arg0, %c0_i32 : i32, i32
  }
  func.func @transform_6(%arg0: i32) -> (i32, i32) {
    %c0_i32 = arith.constant 0 : i32
    %c0_i32_0 = arith.constant 0 : i32
    return %arg0, %c0_i32 : i32, i32
  }
  func.func @transform_7(%arg0: i32) -> (i32, i32) {
    %c0_i32 = arith.constant 0 : i32
    %c0_i32_0 = arith.constant 0 : i32
    return %arg0, %c0_i32 : i32, i32
  }
  func.func @transform_8(%arg0: i32) -> (i32, i32) {
    %c0_i32 = arith.constant 0 : i32
    %c0_i32_0 = arith.constant 0 : i32
    return %arg0, %c0_i32 : i32, i32
  }
}

</mosaic_0001>

<sc_bundles>
// kernel: kernel.6.cloned.1.call-start
scs
__scs_entry_jumppad:
0x0: {  	(pc) =	sbr.rel $0x88, $3  }
0x1: {  	(tag) =	ssettag $0x0;
	lr =	simm.s32 $0x1  }
0x2: {  	[smem:$0x3F9F] =	sst lr;
	_ =	strace $0xD0000000  }
0x3: {  	_ = 	snop  }
0x4: {  	_ = 	snop  }
0x5: {  	_ = 	snop  }
0x6: {  	_ = 	snop  }
0x7: {  	_ = 	snop  }
__scs_overlays_trampoline_lowered:
0x8: {  	[smem:$0x3FAE] =	sst s0  }
0x9: {  	[smem:$0x3FAF] =	sst s1  }
0xa: {  	[smem:$0x3FB0] =	sst s2  }
0xb: {  	[smem:$0x3FB1] =	sst s3  }
0xc: {  	[smem:$0x3FB2] =	sst s4  }
0xd: {  	[smem:$0x3FB3] =	sst s5  }
0xe: {  	[smem:$0x3FB4] =	sst s6  }
0xf: {  	[smem:$0x3FB5] =	sst s7  }
0x10: {  	[smem:$0x3FB6] =	sst s8  }
0x11: {  	[smem:$0x3FB7] =	sst s9;
	s0 =	simm.s32 @!p0 $0x0  }
0x12: {  	s1 =	sld [smem:$0x3F9D];
	s0 =	simm.s32 @p0 $0x1  }
0x13: {  	[smem:$0x3FB8] =	sst s0;
	s0 =	simm.s32 @!p1 $0x0  }
0x14: {  	s2 =	sld [smem:$0x3F9C];
	s0 =	simm.s32 @p1 $0x1  }
0x15: {  	[smem:$0x3FB9] =	sst s0;
	s0 =	simm.s32 @!p2 $0x0  }
0x16: {  	s3 =	sld [smem:$0x3FDB];
	s0 =	simm.s32 @p2 $0x1  }
0x17: {  	s4 =	simm.s32 $0x1BF5;
	[smem:$0x3FBB] =	sst s0  }
0x18: {  	s0 =	sld [smem:$0x3F9E];
	_ =	swait.ge [sflag:s4], $0x0  }
0x19: {  	s7 =	sld [smem:$0x3F9F]  }
0x1a: {  	s8 =	sadd.s32 $0xFFFFE003, lr  }
0x1b: {  	s9 =	sadd.s32 $0xFFFFFEF7, lr;
	s5 =	simm.s32 $0xFFFFFFFF;
	p2 =	slt.u32 s8, $0xFFFFF086  }
0x1c: {  	p1 =	slt.u32 s9, $0xF7A;
	s5 =	simm.s32 @!p2 $0x0  }
0x1d: {  	s5 =	simm.s32 @p1 $0x1;
	p0 =	seq.s32 s7, s2  }
0x1e: {  	s7 =	smul.u32 @!p0 $0xF7A, s2;
	p2 =	seq.s32 @!p0 s5, $0x0  }
0x1f: {  	s9 =	smul.u32 $0xF7A, s1;
	s8 =	simm.s32 @!p0 $0x1BF5;
	p2 =	por !p2, p0  }
0x20: {  	[sflag:s8] =	ssyncset.s32 @!p0 $0xFFFFF086;
	s6 =	sadd.s32 @!p0 s3, s7;
	s7 =	simm.s32 @!p0 $0x108  }
0x21: {  	s3 =	sadd.s32 s3, s9;
	s6 =	sadd.s32 @!p0 $0x88, s6;
	s7 =	simm.s32 @p2 $0x1082  }
0x22: {  	[simem:s7], [sflag:s8] =	dma.local @!p0 [hbm:s6], $0xF7A  }
0x23: {  	s9 =	sor.u32 $0xD0000000, s2;
	s6 =	simm.s32 $0x108;
	_ =	swait.ge @!p0 [sflag:s8], $0x0  }
0x24: {  	s3 =	sadd.s32 $0x88, s3;
	s6 =	simm.s32 @!p1 $0x1082;
	[sflag:s4] =	ssyncset.s32 $0xFFFFF086  }
0x25: {  	[simem:s6], [sflag:s4] =	dma.local [hbm:s3], $0xF7A  }
0x26: {  	[smem:$0x3F9F] =	sst s1;
	(tag) =	ssettag s2;
	_ =	strace s9  }
0x27: {  	s1 =	sld [smem:$0x3FAF]  }
0x28: {  	s2 =	sld [smem:$0x3FB0]  }
0x29: {  	s4 =	sld [smem:$0x3FB2]  }
0x2a: {  	p0 =	seq.s32 s5, $0x0;
	s5 =	sld [smem:$0x3FB3]  }
0x2b: {  	s6 =	sld [smem:$0x3FB4]  }
0x2c: {  	s7 =	sld [smem:$0x3FB5]  }
0x2d: {  	s3 =	simm.s32 $0x108;
	s8 =	sld [smem:$0x3FB6]  }
0x2e: {  	s3 =	simm.s32 @!p0 $0x1082;
	s9 =	sld [smem:$0x3FB7]  }
0x2f: {  	lr =	sadd.s32 s0, s3;
	s0 =	sld [smem:$0x3FAE]  }
0x30: {  	s3 =	sld [smem:$0x3FB1]  }
0x31: {  	[smem:$0x3FBA] =	sst s10  }
0x32: {  	s10 =	sld [smem:$0x3FB8];
	_ =	sdelay $0x3  }
0x33: {  	p0 =	seq.s32 s10, $0x1;
	s10 =	sld [smem:$0x3FBA];
	_ =	sdelay $0x3  }
0x34: {  	[smem:$0x3FBA] =	sst s10  }
0x35: {  	s10 =	sld [smem:$0x3FB9];
	_ =	sdelay $0x3  }
0x36: {  	p1 =	seq.s32 s10, $0x1;
	s10 =	sld [smem:$0x3FBA];
	_ =	sdelay $0x3  }
0x37: {  	[smem:$0x3FBA] =	sst s10  }
0x38: {  	s10 =	sld [smem:$0x3FBB]  }
0x39: {  	_ = 	snop;
	(pc) =	sbr.ind lr, $3  }
0x3a: {  	_ = 	snop  }
0x3b: {  	_ = 	snop  }
0x3c: {  	p2 =	seq.s32 s10, $0x1;
	s10 =	sld [smem:$0x3FBA]  }
0x3d: {  	_ =	shalt  }
0x3e: {  	_ =	shalt  }
0x3f: {  	_ =	shalt  }
0x40: {  	_ =	shalt  }
0x41: {  	_ =	shalt  }
0x42: {  	_ =	shalt  }
0x43: {  	_ =	shalt  }
0x44: {  	_ =	shalt  }
0x45: {  	_ =	shalt  }
0x46: {  	_ =	shalt  }
0x47: {  	_ =	shalt  }
0x48: {  	_ =	shalt  }
0x49: {  	_ =	shalt  }
0x4a: {  	_ =	shalt  }
0x4b: {  	_ =	shalt  }
0x4c: {  	_ =	shalt  }
0x4d: {  	_ =	shalt  }
0x4e: {  	_ =	shalt  }
0x4f: {  	_ =	shalt  }
0x50: {  	_ =	shalt  }
0x51: {  	_ =	shalt  }
0x52: {  	_ =	shalt  }
0x53: {  	_ =	shalt  }
0x54: {  	_ =	shalt  }
0x55: {  	_ =	shalt  }
0x56: {  	_ =	shalt  }
0x57: {  	_ =	shalt  }
0x58: {  	_ =	shalt  }
0x59: {  	_ =	shalt  }
0x5a: {  	_ =	shalt  }
0x5b: {  	_ =	shalt  }
0x5c: {  	_ =	shalt  }
0x5d: {  	_ =	shalt  }
0x5e: {  	_ =	shalt  }
0x5f: {  	_ =	shalt  }
0x60: {  	_ =	shalt  }
0x61: {  	_ =	shalt  }
0x62: {  	_ =	shalt  }
0x63: {  	_ =	shalt  }
0x64: {  	_ =	shalt  }
0x65: {  	_ =	shalt  }
0x66: {  	_ =	shalt  }
0x67: {  	_ =	shalt  }
0x68: {  	_ =	shalt  }
0x69: {  	_ =	shalt  }
0x6a: {  	_ =	shalt  }
0x6b: {  	_ =	shalt  }
0x6c: {  	_ =	shalt  }
0x6d: {  	_ =	shalt  }
0x6e: {  	_ =	shalt  }
0x6f: {  	_ =	shalt  }
0x70: {  	_ =	shalt  }
0x71: {  	_ =	shalt  }
0x72: {  	_ =	shalt  }
0x73: {  	_ =	shalt  }
0x74: {  	_ =	shalt  }
0x75: {  	_ =	shalt  }
0x76: {  	_ =	shalt  }
0x77: {  	_ =	shalt  }
0x78: {  	_ =	shalt  }
0x79: {  	_ =	shalt  }
0x7a: {  	_ =	shalt  }
0x7b: {  	_ =	shalt  }
0x7c: {  	_ =	shalt  }
0x7d: {  	_ =	shalt  }
0x7e: {  	_ =	shalt  }
0x7f: {  	_ =	shalt  }
0x80: {  	_ =	shalt  }
0x81: {  	_ =	shalt  }
0x82: {  	_ =	shalt  }
0x83: {  	_ =	shalt  }
0x84: {  	_ =	shalt  }
0x85: {  	_ =	shalt  }
0x86: {  	_ =	shalt  }
0x87: {  	_ =	shalt  }
.Lfunc_end0:
.L_simem_size_0:
called_computation_lowered:
.L_overlay_start_0:
0x88: {  	s2 =	sld [smem:$0x3FD9]  }
0x89: {  	s3 =	sld [smem:$0x3FFE];
	_ =	sdelay $0x1  }
0x8a: {  	s1 =	srdreg.scid  }
0x8b: {  	s0 =	sand.u32 $0x1, s1  }
0x8c: {  	s17 =	sshll.u32 s0, $0xA;
	s2 =	sadd.s32 s3, s2  }
0x8d: {  	s2 =	sadd.s32 s2, s17  }
0x8e: {  	[smem:$0x3FC6] =	sst s2  }
0x8f: {  	_ = 	snop  }
0x90: {  	s2 =	sld [smem:$0x3FD0];
	(tm) =	ssettm $0x1  }
0x91: {  	s18 =	sld [smem:$0x3FFB];
	_ =	sdelay $0x3  }
0x92: {  	_ =	strace s18  }
0x93: {  	s3 =	sld [smem:$0x3FFC];
	_ =	sdelay $0x3  }
0x94: {  	_ =	strace s3  }
0x95: {  	s3 =	sld [smem:$0x3FFD];
	_ =	sdelay $0x3  }
0x96: {  	_ =	strace s3  }
0x97: {  	_ =	strace $0x8FFFFFFF  }
0x98: {  	s19 =	sld [smem:$0x3FDB];
	_ =	sdelay $0x1  }
0x99: {  	s4 =	simm.s32 $_scs_section_size  }
0x9a: {  	s5 =	simm.s32 $_size__tile_overlayer_lowered;
	s6 =	simm.s32 $_tile_overlayer_lowered  }
0x9b: {  	s22 =	simm.s32 $0x1BFF;
	s21 =	sshll.u32 s6, $0x1;
	s3 =	sadd.s32 s4, s19  }
0x9c: {  	s7 =	simm.s32 $0x0;
	s20 =	sshll.u32 s5, $0x1;
	s5 =	sadd.s32 s21, s3  }
0x9d: {  	[timem:s7], [sflag:s22] =	dma.local [hbm:s5], s20  }
0x9e: {  	_ =	swait.ge [sflag:s22], s20  }
0x9f: {  	s4 =	ssub.s32 $0x0, s20;
	[sflag:s22] =	ssyncset.done $0x0  }
0xa0: {  	[sflag:s22] =	ssyncadd.s32 s4;
	_ =	sdelay $0x1  }
0xa1: {  	s23 =	simm.s32 $0x1B8B  }
0xa2: {  	_ =	swait.ge [sflag:s23], $0x1  }
0xa3: {  	[sflag:s23] =	ssyncset.done $0x0  }
0xa4: {  	s25 =	simm.s32 $0x1B8E;
	s24 =	sld [smem:$0x3FFE];
	[sflag:s23] =	ssyncadd.s32 $0xFFFFFFFF  }
0xa5: {  	s26 =	simm.s32 $execute0_lowered;
	[smem:$0x3FD2] =	sst s25  }
0xa6: {  	s5 =	sshll.u32 s26, $0x1;
	_ =	strace $0x80000046;
	[dreg:$0x1] =	wrdreg $0xFFFFFFFF  }
0xa7: {  	s28 =	simm.s32 $_size_execute0_lowered;
	s3 =	sadd.s32 s3, s5;
	[dreg:$0x0] =	wrdreg $0x0  }
0xa8: {  	s5 =	sshll.u32 s28, $0x1;
	[dreg:$0x2] =	wrdreg s3  }
0xa9: {  	[dreg:$0x3] =	wrdreg s5  }
0xaa: {  	[dreg:$0x4] =	wrdreg $0xC0  }
0xab: {  	_ =	task [dreg:s7], $0x5FFFF  }
0xac: {  	[dreg:$0x1] =	wrdreg $0xFFFFFFFF  }
0xad: {  	[dreg:$0x0] =	wrdreg $0x60  }
0xae: {  	[dreg:$0x2] =	wrdreg s2  }
0xaf: {  	[dreg:$0x3] =	wrdreg s24  }
0xb0: {  	[dreg:$0x4] =	wrdreg $0x9  }
0xb1: {  	_ =	task.clear_ibuf [dreg:s7], $0x5FFFF;
	_ =	strace $0x90000046  }
0xb2: {  	s29 =	simm.s32 $0x9;
	_ =	strace $0x80000048  }
0xb3: {  	_ =	swait.ge [sflag:s29], $0x1  }
0xb4: {  	[sflag:s29] =	ssyncadd.s32 $0xFFFFFFFF  }
0xb5: {  	_ =	strace $0x90000048  }
0xb6: {  	_ =	sfence  }
0xb7: {  	s30 =	sld [smem:$0x0];
	_ =	sdelay $0x2  }
0xb8: {  	s31 =	sshll.u32 s1, $0xD;
	s1 =	sshrl.u32 s1, $0x2  }
0xb9: {  	s3 =	sand.u32 $0x4000, s31;
	s1 =	sadd.s32 s1, s30  }
0xba: {  	s0 =	sor.u32 s3, s0;
	s1 =	sshll.u32 s1, $0x11  }
0xbb: {  	s0 =	sor.u32 s1, s0  }
0xbc: {  	s0 =	sadd.s32 $0x8F2B, s0  }
0xbd: {  	[sflag:s0] =	ssyncadd.remote.s32 $0x1  }
0xbe: {  	_ =	sfence.sel $0xFFFF  }
0xbf: {  	[dreg:$0x0] =	wrdreg $0xFFFFFFFF;
	(pc) =	sbr.abs _section_cstart, $3  }
0xc0: {  	[dreg:$0x1] =	wrdreg $0xFFFFFFFF  }
0xc1: {  	_ =	task.clear_ibuf [dreg:s7], $0x2FFFF;
	_ =	strace $0x9FFFFFFF  }
0xc2: {  	(tm) =	ssettm $0x7FFFFFFF  }
0xc3: {  	_ =	shalt  }
tec
execute0_lowered:
.L_overlay_start_1:
0x0: {  	(tag) =	ssettag $0x1  }
0x1: {  	s0 =	rddreg [dreg:$0x0]  }
0x2: {  	s2 =	rddreg [dreg:$0x1];
	s1 =	simm.s32 $0x0  }
0x3: {  	s4 =	srdreg.scid;
	s6 =	stileid.u32;
	s28 =	simm.s32 $0x3  }
0x4: {  	[smem:$0x7FF] =	sst s1;
	s4 =	sand.u32 $0x1, s4;
	s6 =	sshll.u32 s6, $0x1  }
0x5: {  	s3 =	sadd.s32 $0xC2200, s2;
	s5 =	sadd.s32 $0x82200, s2;
	s6 =	sor.u32 s4, s6  }
0x6: {  	s7 =	sadd.s32 $0x92200, s2;
	s16 =	sadd.s32 $0xA2200, s2;
	s8 =	sshll.u32 s6, $0x9  }
0x7: {  	s23 =	sadd.s32 $0xB2200, s2;
	s6 =	sshll.u32 s6, $0xB;
	s0 =	sadd.s32 s0, s8  }
0x8: {  	s4 =	ssub.s32 $0x2, s4;
	s22 =	sadd.s32 s3, s6;
	[dreg:$0x3] =	wrdreg s0  }
0x9: {  	s9 =	sshrl.u32 s4, $0x1;
	s24 =	sadd.s32 s5, s6;
	[dreg:$0x4] =	wrdreg s22  }
0xa: {  	s2 =	sadd.s32 s8, s2;
	s25 =	sadd.s32 s7, s6;
	[dreg:$0x5] =	wrdreg s24  }
0xb: {  	s4 =	ssub.s32 s4, s9;
	s29 =	sadd.s32 s16, s6;
	[dreg:$0x6] =	wrdreg s25  }
0xc: {  	s26 =	sor.u32 $0x200, s6;
	s30 =	sadd.s32 s23, s6;
	[dreg:$0x7] =	wrdreg s29  }
0xd: {  	s18 =	sor.u32 $0x400, s6;
	s31 =	sor.u32 $0x600, s6;
	[dreg:$0x8] =	wrdreg s30  }
0xe: {  	s8 =	sadd.s32 s3, s26;
	s9 =	sadd.s32 s5, s26;
	s10 =	sadd.s32 s7, s26  }
0xf: {  	s11 =	sadd.s32 s16, s26;
	s12 =	sadd.s32 s23, s26;
	s13 =	sadd.s32 s3, s18  }
0x10: {  	s14 =	sadd.s32 s5, s18;
	s15 =	sadd.s32 s7, s18;
	s17 =	sadd.s32 s16, s18  }
0x11: {  	s18 =	sadd.s32 s23, s18;
	s19 =	sadd.s32 s3, s31;
	s20 =	sadd.s32 s5, s31  }
0x12: {  	v0 =	vlaneseq.u32;
	s21 =	sadd.s32 s7, s31;
	s22 =	sadd.s32 s16, s31;
	s23 =	sadd.s32 s23, s31  }
0x13: {  	v0 =	vmul.u32 $0x1000, v0;
	s24 =	sadd.s32 $0xD2200, s2;
	s25 =	smax.u32 s4, $0x1;
	s26 =	simm.s32 $0x10000  }
0x14: {  	s7 =	simm.s32 $0x11000;
	s2 =	simm.s32 $0x1A000;
	s0 =	simm.s32 $0x1  }
0x15: {  	v1 =	vimm.f32 $0.0e+00;
	v2 =	vor.u32 $0x1, v0;
	s3 =	simm.s32 $0x2;
	s4 =	simm.s32 $0x0;
	_ =	strace $0x80000047  }
.LBB2_1:
0x16: {  	s5 =	simm.s32 $0x80  }
0x17: {  	[tilespmem:s5+$0xFFFFFF80] =	vst v1  }
0x18: {  	[tilespmem:s5+$0x70] =	vst v1  }
0x19: {  	[tilespmem:s5+$0x60] =	vst v1  }
0x1a: {  	[tilespmem:s5+$0x50] =	vst v1  }
0x1b: {  	[tilespmem:s5+$0x40] =	vst v1  }
0x1c: {  	[tilespmem:s5+$0x30] =	vst v1  }
0x1d: {  	[tilespmem:s5+$0x20] =	vst v1  }
0x1e: {  	[tilespmem:s5+$0x10] =	vst v1  }
0x1f: {  	[tilespmem:s5+$0x0] =	vst v1  }
0x20: {  	[tilespmem:s5+$0xFFFFFFF0] =	vst v1  }
0x21: {  	[tilespmem:s5+$0xFFFFFFE0] =	vst v1  }
0x22: {  	[tilespmem:s5+$0xFFFFFFD0] =	vst v1  }
0x23: {  	[tilespmem:s5+$0xFFFFFFC0] =	vst v1  }
0x24: {  	[tilespmem:s5+$0xFFFFFFB0] =	vst v1  }
0x25: {  	s6 =	simm.s32 $0x0;
	[tilespmem:s5+$0xFFFFFFA0] =	vst v1  }
.LBB2_2:
0x26: {  	s6 =	sadd.s32 $0x10, s6;
	[tilespmem:s5+$0xFFFFFF90] =	vst v1;
	s5 =	sadd.s32 $0x100, s5  }
0x27: {  	[tilespmem:s5+$0xFFFFFF80] =	vst v1;
	p0 =	slt.u32 s6, $0xFF0  }
0x28: {  	[tilespmem:s5+$0x70] =	vst v1  }
0x29: {  	[tilespmem:s5+$0x60] =	vst v1  }
0x2a: {  	[tilespmem:s5+$0x50] =	vst v1  }
0x2b: {  	[tilespmem:s5+$0x40] =	vst v1  }
0x2c: {  	[tilespmem:s5+$0x30] =	vst v1  }
0x2d: {  	[tilespmem:s5+$0x20] =	vst v1  }
0x2e: {  	[tilespmem:s5+$0x10] =	vst v1  }
0x2f: {  	[tilespmem:s5+$0x0] =	vst v1  }
0x30: {  	[tilespmem:s5+$0xFFFFFFF0] =	vst v1  }
.Ltmp0:
0x31: {  	[tilespmem:s5+$0xFFFFFFE0] =	vst v1;
	(pc) =	sbr.rel @p0 .LBB2_2-.Ltmp0, $4  }
0x32: {  	[tilespmem:s5+$0xFFFFFFD0] =	vst v1  }
0x33: {  	[tilespmem:s5+$0xFFFFFFC0] =	vst v1  }
0x34: {  	[tilespmem:s5+$0xFFFFFFB0] =	vst v1  }
0x35: {  	[tilespmem:s5+$0xFFFFFFA0] =	vst v1  }
0x36: {  	[tilespmem:s5+$0xFFFFFF90] =	vst v1  }
0x37: {  	s5 =	rddreg [dreg:$0x3]  }
0x38: {  	[tilespmem:s26], [sflag:$0x3] =	stream.linear.gather [hbm4b:s5+s1], $0x1000, $0x38;
	[tilespmem:$0x1C000] =	vst v63  }
0x39: {  	_ =	swait.ge [sflag:s28], $0x1000  }
0x3a: {  	[sflag:s28] =	ssyncset.done $0x0  }
0x3b: {  	s6 =	rddreg [dreg:$0x4];
	[sflag:s28] =	ssyncadd.s32 $0xFFFFF000  }
0x3c: {  	[tilespmem:s7], [sflag:$0x1] =	stream.linear.gather [hbm4b:s6+s1], $0x1000, $0x38;
	[tilespmem:$0x1C000] =	vst v63  }
0x3d: {  	s16 =	rddreg [dreg:$0x5];
	s6 =	simm.s32 $0x12000  }
0x3e: {  	[tilespmem:s6], [sflag:$0x1] =	stream.linear.gather [hbm4b:s16+s1], $0x1000, $0x38;
	[tilespmem:$0x1C000] =	vst v63  }
0x3f: {  	s6 =	rddreg [dreg:$0x6];
	s16 =	simm.s32 $0x13000  }
0x40: {  	[tilespmem:s16], [sflag:$0x1] =	stream.linear.gather [hbm4b:s6+s1], $0x1000, $0x38;
	[tilespmem:$0x1C000] =	vst v63  }
0x41: {  	s6 =	rddreg [dreg:$0x7];
	s16 =	simm.s32 $0x14000  }
0x42: {  	[tilespmem:s16], [sflag:$0x1] =	stream.linear.gather [hbm4b:s6+s1], $0x1000, $0x38;
	[tilespmem:$0x1C000] =	vst v63  }
0x43: {  	s6 =	rddreg [dreg:$0x8];
	s16 =	simm.s32 $0x15000  }
0x44: {  	[tilespmem:s16], [sflag:$0x1] =	stream.linear.gather [hbm4b:s6+s1], $0x1000, $0x38;
	[tilespmem:$0x1C000] =	vst v63  }
0x45: {  	s16 =	simm.s32 $0x16000  }
0x46: {  	[tilespmem:s16], [sflag:$0x2] =	stream.linear.gather [hbm4b:s8+s1], $0x1000, $0x38;
	[tilespmem:$0x1C000] =	vst v63  }
0x47: {  	s6 =	simm.s32 $0x17000  }
0x48: {  	[tilespmem:s6], [sflag:$0x2] =	stream.linear.gather [hbm4b:s9+s1], $0x1000, $0x38;
	[tilespmem:$0x1C000] =	vst v63  }
0x49: {  	s16 =	simm.s32 $0x18000  }
0x4a: {  	[tilespmem:s16], [sflag:$0x2] =	stream.linear.gather [hbm4b:s10+s1], $0x1000, $0x38;
	[tilespmem:$0x1C000] =	vst v63  }
0x4b: {  	s6 =	simm.s32 $0x19000  }
0x4c: {  	[tilespmem:s6], [sflag:$0x2] =	stream.linear.gather [hbm4b:s11+s1], $0x1000, $0x38;
	[tilespmem:$0x1C000] =	vst v63  }
0x4d: {  	_ = 	snop  }
0x4e: {  	[tilespmem:s2], [sflag:$0x2] =	stream.linear.gather [hbm4b:s12+s1], $0x1000, $0x38;
	[tilespmem:$0x1C000] =	vst v63  }
0x4f: {  	_ =	swait.ge [sflag:s0], $0x1000  }
0x50: {  	[sflag:s0] =	ssyncset.done $0x0  }
0x51: {  	[sflag:s0] =	ssyncadd.s32 $0xFFFFF000  }
0x52: {  	_ =	swait.ge [sflag:s0], $0x1000  }
0x53: {  	[sflag:s0] =	ssyncset.done $0x0  }
0x54: {  	[sflag:s0] =	ssyncadd.s32 $0xFFFFF000  }
0x55: {  	_ =	swait.ge [sflag:s0], $0x1000  }
0x56: {  	[sflag:s0] =	ssyncset.done $0x0  }
0x57: {  	[sflag:s0] =	ssyncadd.s32 $0xFFFFF000  }
0x58: {  	_ =	swait.ge [sflag:s0], $0x1000  }
0x59: {  	[sflag:s0] =	ssyncset.done $0x0  }
0x5a: {  	[sflag:s0] =	ssyncadd.s32 $0xFFFFF000  }
0x5b: {  	_ =	swait.ge [sflag:s0], $0x1000  }
0x5c: {  	[sflag:s0] =	ssyncset.done $0x0  }
0x5d: {  	s16 =	simm.s32 $0x11040;
	[sflag:s0] =	ssyncadd.s32 $0xFFFFF000  }
0x5e: {  	v3 =	vld [tilespmem:s16+$0x30]  }
0x5f: {  	v4 =	vld [tilespmem:s16+$0xFFFFFFD0]  }
0x60: {  	v5 =	vld [tilespmem:s16+$0xFFFFFFE0]  }
0x61: {  	v6 =	vld [tilespmem:s16+$0xFFFFFFF0]  }
0x62: {  	v7 =	vld [tilespmem:s16+$0x0]  }
0x63: {  	v9 =	vld [tilespmem:s16+$0x10]  }
0x64: {  	v11 =	vld [tilespmem:s16+$0xFFFFFFC0]  }
0x65: {  	s5 =	simm.s32 $0x12040;
	v13 =	vld [tilespmem:s16+$0x20]  }
0x66: {  	s29 =	simm.s32 $0x13040;
	v16 =	vld [tilespmem:s5+$0x30]  }
0x67: {  	s30 =	simm.s32 $0x14040;
	v19 =	vld [tilespmem:s29+$0x30]  }
0x68: {  	s6 =	simm.s32 $0x15040;
	v26 =	vld [tilespmem:s30+$0x30]  }
0x69: {  	v29 =	vld [tilespmem:s6+$0x30]  }
0x6a: {  	v53 =	vld [tilespmem:s5+$0xFFFFFFC0]  }
0x6b: {  	v54 =	vld [tilespmem:s29+$0xFFFFFFC0]  }
0x6c: {  	v55 =	vld [tilespmem:s30+$0xFFFFFFC0]  }
0x6d: {  	v56 =	vld [tilespmem:s6+$0xFFFFFFC0]  }
0x6e: {  	v57 =	vld [tilespmem:s5+$0xFFFFFFD0]  }
0x6f: {  	v58 =	vld [tilespmem:s29+$0xFFFFFFD0]  }
0x70: {  	v59 =	vld [tilespmem:s30+$0xFFFFFFD0]  }
0x71: {  	v60 =	vld [tilespmem:s6+$0xFFFFFFD0]  }
0x72: {  	v32 =	vld [tilespmem:s5+$0xFFFFFFE0]  }
0x73: {  	v33 =	vld [tilespmem:s29+$0xFFFFFFE0]  }
0x74: {  	v34 =	vld [tilespmem:s30+$0xFFFFFFE0]  }
0x75: {  	v35 =	vld [tilespmem:s6+$0xFFFFFFE0]  }
0x76: {  	v37 =	vld [tilespmem:s5+$0xFFFFFFF0]  }
0x77: {  	v38 =	vld [tilespmem:s29+$0xFFFFFFF0]  }
0x78: {  	v62 =	vld [tilespmem:s30+$0xFFFFFFF0]  }
0x79: {  	v40 =	vld [tilespmem:s6+$0xFFFFFFF0]  }
0x7a: {  	v41 =	vld [tilespmem:s5+$0x0];
	v8 =	vand.u32 $0xFFF, v3  }
0x7b: {  	v46 =	vld [tilespmem:s30+$0x0];
	v12 =	vand.u32 $0xFFF, v4  }
0x7c: {  	v48 =	vld [tilespmem:s6+$0x0];
	v15 =	vand.u32 $0xFFF, v5;
	v18 =	vand.u32 $0xFFF, v6;
	v10 =	vmin.u32 v8, $0xFFE  }
0x7d: {  	v49 =	vld [tilespmem:s5+$0x10];
	v21 =	vand.u32 $0xFFF, v7;
	v23 =	vand.u32 $0xFFF, v11;
	v10 =	vadd.s32 $0x1, v10  }
0x7e: {  	v50 =	vld [tilespmem:s29+$0x10];
	v24 =	vand.u32 $0xFFF, v9;
	v28 =	vand.u32 $0xFFF, v13;
	v3 =	vshra.s32 v3, $0xC  }
0x7f: {  	v11 =	vshra.s32 v11, $0xC;
	v4 =	vshra.s32 v4, $0xC;
	v5 =	vshra.s32 v5, $0xC;
	v8 =	vld.idx.msk [tilespmem:v8+s26+$0x0], $0xffff  }
0x80: {  	v6 =	vshra.s32 v6, $0xC;
	v7 =	vshra.s32 v7, $0xC;
	v14 =	vmin.u32 v12, $0xFFE;
	v51 =	vld.idx.msk [tilespmem:v12+s26+$0x0], $0xffff  }
0x81: {  	v9 =	vshra.s32 v9, $0xC;
	v17 =	vmin.u32 v15, $0xFFE;
	v14 =	vadd.s32 $0x1, v14;
	v52 =	vld.idx.msk [tilespmem:v15+s26+$0x0], $0xffff  }
0x82: {  	v42 =	vshra.s32 v13, $0xC;
	v20 =	vmin.u32 v18, $0xFFE;
	v17 =	vadd.s32 $0x1, v17;
	v10 =	vld.idx.msk [tilespmem:v10+s26+$0x0], $0xffff  }
0x83: {  	v22 =	vmin.u32 v21, $0xFFE;
	v25 =	vmin.u32 v23, $0xFFE;
	v20 =	vadd.s32 $0x1, v20;
	v12 =	vld.idx.msk [tilespmem:v18+s26+$0x0], $0xffff  }
0x84: {  	v27 =	vmin.u32 v24, $0xFFE;
	v30 =	vmin.u32 v28, $0xFFE;
	v22 =	vadd.s32 $0x1, v22;
	v15 =	vld.idx.msk [tilespmem:v21+s26+$0x0], $0xffff  }
0x85: {  	vm0 =	vlt.s32 v3, $0xFFE;
	vm13 =	vlt.s32 v11, $0xFFE;
	v25 =	vadd.s32 $0x1, v25;
	v18 =	vld.idx.msk [tilespmem:v28+s26+$0x0], $0xffff  }
0x86: {  	v61 =	vadd.s32 v0, v4;
	v31 =	vnsel vm0, $0xFFE, v3;
	v3 =	vadd.s32 v0, v3;
	v14 =	vld.idx.msk [tilespmem:v14+s26+$0x0], $0xffff  }
0x87: {  	vm1 =	vlt.s32 v5, $0xFFE;
	v17 =	vld.idx.msk [tilespmem:v17+s26+$0x0], $0xffff;
	v16 =	vmul.f32 v16, v8;
	v19 =	vmul.f32 v19, v10  }
0x88: {  	vm2 =	vlt.s32 v6, $0xFFE;
	vm3 =	vlt.s32 v7, $0xFFE;
	v27 =	vadd.s32 $0x1, v27;
	v20 =	vld.idx.msk [tilespmem:v20+s26+$0x0], $0xffff  }
0x89: {  	vm4 =	vlt.s32 v9, $0xFFE;
	v30 =	vadd.s32 $0x1, v30;
	v22 =	vld.idx.msk [tilespmem:v22+s26+$0x0], $0xffff;
	v16 =	vadd.f32 v19, v16  }
0x8a: {  	v36 =	vnsel vm13, $0xFFE, v11;
	v11 =	vadd.s32 v0, v11;
	v43 =	vnsel vm1, $0xFFE, v5;
	v25 =	vld.idx.msk [tilespmem:v25+s26+$0x0], $0xffff  }
0x8b: {  	v44 =	vnsel vm2, $0xFFE, v6;
	v45 =	vnsel vm3, $0xFFE, v7;
	v47 =	vnsel vm4, $0xFFE, v9;
	[tilespmem:v3+s1+$0x0] =	vst.idx.add.f32.msk $0xffff, v16  }
0x8c: {  	v5 =	vadd.s32 v0, v5;
	v6 =	vadd.s32 v0, v6;
	v7 =	vadd.s32 v0, v7;
	v3 =	vld.idx.msk [tilespmem:v23+s26+$0x0], $0xffff  }
0x8d: {  	v9 =	vadd.s32 v0, v9;
	v31 =	vadd.s32 v2, v31;
	v8 =	vmul.f32 v26, v8;
	v26 =	vld.idx.msk [tilespmem:v27+s26+$0x0], $0xffff  }
0x8e: {  	v36 =	vadd.s32 v2, v36;
	v10 =	vmul.f32 v29, v10;
	v39 =	vmul.f32 v58, v14;
	v58 =	vld [tilespmem:s30+$0x20]  }
0x8f: {  	v13 =	vadd.s32 v2, v43;
	v32 =	vmul.f32 v32, v52;
	v33 =	vmul.f32 v33, v17;
	v19 =	vld.idx.msk [tilespmem:v30+s26+$0x0], $0xffff  }
0x90: {  	v63 =	vmul.f32 v57, v51;
	v8 =	vadd.f32 v10, v8;
	v10 =	vmul.f32 v34, v52;
	v52 =	vld [tilespmem:s6+$0x10]  }
0x91: {  	v32 =	vadd.f32 v33, v32;
	v16 =	vld.idx.msk [tilespmem:v24+s26+$0x0], $0xffff;
	v23 =	vmul.f32 v54, v25;
	v21 =	vmul.f32 v53, v3  }
0x92: {  	v28 =	vadd.s32 v2, v47;
	v25 =	vmul.f32 v56, v25;
	v56 =	vld [tilespmem:s29+$0x20];
	v3 =	vmul.f32 v55, v3  }
0x93: {  	v57 =	vadd.s32 v0, v42;
	[tilespmem:v5+s1+$0x0] =	vst.idx.add.f32.msk $0xffff, v32;
	v21 =	vadd.f32 v23, v21  }
0x94: {  	v17 =	vmul.f32 v35, v17;
	[tilespmem:v31+s1+$0x0] =	vst.idx.add.f32.msk $0xffff, v8;
	v3 =	vadd.f32 v25, v3  }
0x95: {  	v14 =	vmul.f32 v60, v14;
	v60 =	vmul.f32 v50, v26;
	[tilespmem:v11+s1+$0x0] =	vst.idx.add.f32.msk $0xffff, v21  }
0x96: {  	vm14 =	vlt.s32 v4, $0xFFE;
	v10 =	vadd.f32 v17, v10;
	v8 =	vmul.f32 v59, v51;
	[tilespmem:v36+s1+$0x0] =	vst.idx.add.f32.msk $0xffff, v3  }
0x97: {  	v54 =	vmul.f32 v37, v12;
	v12 =	vmul.f32 v62, v12;
	v3 =	vnsel vm14, $0xFFE, v4;
	v4 =	vld [tilespmem:s29+$0x0]  }
0x98: {  	[tilespmem:v13+s1+$0x0] =	vst.idx.add.f32.msk $0xffff, v10;
	v8 =	vadd.f32 v14, v8;
	v55 =	vmul.f32 v38, v20  }
0x99: {  	v51 =	vld [tilespmem:s30+$0x10];
	v20 =	vmul.f32 v40, v20;
	v5 =	vmul.f32 v49, v16;
	v3 =	vadd.s32 v2, v3  }
0x9a: {  	v59 =	vld [tilespmem:s6+$0x20];
	v23 =	vadd.f32 v39, v63;
	v17 =	vadd.f32 v55, v54;
	v25 =	vmul.f32 v41, v15  }
0x9b: {  	v53 =	vld [tilespmem:s5+$0x20];
	v12 =	vadd.f32 v20, v12;
	v15 =	vmul.f32 v46, v15;
	v21 =	vadd.s32 v2, v44  }
0x9c: {  	v5 =	vadd.f32 v60, v5;
	[tilespmem:v61+s1+$0x0] =	vst.idx.add.f32.msk $0xffff, v23;
	v4 =	vmul.f32 v4, v22  }
0x9d: {  	v63 =	vmul.f32 v56, v19;
	v23 =	vadd.s32 v2, v45;
	[tilespmem:v6+s1+$0x0] =	vst.idx.add.f32.msk $0xffff, v17  }
0x9e: {  	[tilespmem:v3+s1+$0x0] =	vst.idx.add.f32.msk $0xffff, v8;
	v3 =	vadd.f32 v4, v25;
	v4 =	vmul.f32 v48, v22  }
0x9f: {  	v61 =	vmul.f32 v51, v16;
	v6 =	vmul.f32 v52, v26;
	[tilespmem:v9+s1+$0x0] =	vst.idx.add.f32.msk $0xffff, v5  }
0xa0: {  	v62 =	vmul.f32 v53, v18;
	[tilespmem:v21+s1+$0x0] =	vst.idx.add.f32.msk $0xffff, v12;
	v4 =	vadd.f32 v4, v15  }
0xa1: {  	[tilespmem:v7+s1+$0x0] =	vst.idx.add.f32.msk $0xffff, v3;
	v3 =	vadd.f32 v6, v61;
	v6 =	vmul.f32 v58, v18  }
0xa2: {  	vm15 =	vlt.s32 v42, $0xFFE;
	v7 =	vadd.f32 v63, v62;
	[tilespmem:v23+s1+$0x0] =	vst.idx.add.f32.msk $0xffff, v4;
	v4 =	vmul.f32 v59, v19  }
0xa3: {  	v5 =	vnsel vm15, $0xFFE, v42;
	[tilespmem:v28+s1+$0x0] =	vst.idx.add.f32.msk $0xffff, v3  }
0xa4: {  	s31 =	simm.s32 $0x0;
	s16 =	simm.s32 $0x110C0;
	v3 =	vadd.s32 v2, v5;
	[tilespmem:v57+s1+$0x0] =	vst.idx.add.f32.msk $0xffff, v7;
	v4 =	vadd.f32 v4, v6  }
.LBB2_4:
0xa5: {  	v5 =	vld [tilespmem:s16+$0x30]  }
0xa6: {  	s31 =	sadd.s32 $0x8, s31;
	v6 =	vld [tilespmem:s16+$0xFFFFFFD0]  }
0xa7: {  	p0 =	slt.u32 s31, $0xF8;
	v7 =	vld [tilespmem:s16+$0xFFFFFFE0]  }
0xa8: {  	v8 =	vld [tilespmem:s16+$0xFFFFFFF0]  }
0xa9: {  	v9 =	vld [tilespmem:s16+$0x0]  }
0xaa: {  	v10 =	vld [tilespmem:s16+$0x10];
	v11 =	vand.u32 $0xFFF, v5  }
0xab: {  	v12 =	vshra.s32 v6, $0xC;
	v6 =	vand.u32 $0xFFF, v6;
	v13 =	vld [tilespmem:s16+$0x20];
	v14 =	vmin.u32 v11, $0xFFE  }
0xac: {  	v15 =	vld [tilespmem:s16+$0xFFFFFFC0];
	v16 =	vmin.u32 v6, $0xFFE;
	v17 =	vand.u32 $0xFFF, v7;
	v14 =	vadd.s32 $0x1, v14  }
0xad: {  	s5 =	sadd.s32 $0x80, s5;
	v16 =	vadd.s32 $0x1, v16;
	v18 =	vmin.u32 v17, $0xFFE;
	v19 =	vand.u32 $0xFFF, v8;
	[tilespmem:v3+s1+$0x0] =	vst.idx.add.f32.msk $0xffff, v4  }
0xae: {  	s29 =	sadd.s32 $0x80, s29;
	v3 =	vadd.s32 $0x1, v18;
	v4 =	vmin.u32 v19, $0xFFE;
	v18 =	vand.u32 $0xFFF, v9;
	v20 =	vld [tilespmem:s5+$0x30]  }
0xaf: {  	v4 =	vadd.s32 $0x1, v4;
	v21 =	vmin.u32 v18, $0xFFE;
	v22 =	vand.u32 $0xFFF, v10;
	v23 =	vld [tilespmem:s29+$0x30]  }
0xb0: {  	v21 =	vadd.s32 $0x1, v21;
	v24 =	vmin.u32 v22, $0xFFE;
	v25 =	vand.u32 $0xFFF, v13;
	v11 =	vld.idx.msk [tilespmem:v11+s26+$0x0], $0xffff  }
0xb1: {  	s30 =	sadd.s32 $0x80, s30;
	v26 =	vand.u32 $0xFFF, v15;
	v24 =	vadd.s32 $0x1, v24;
	v27 =	vmin.u32 v25, $0xFFE;
	v14 =	vld.idx.msk [tilespmem:v14+s26+$0x0], $0xffff  }
0xb2: {  	s6 =	sadd.s32 $0x80, s6;
	v15 =	vshra.s32 v15, $0xC;
	v28 =	vmin.u32 v26, $0xFFE;
	v27 =	vadd.s32 $0x1, v27;
	v29 =	vld [tilespmem:s30+$0x30]  }
0xb3: {  	v30 =	vshra.s32 v7, $0xC;
	v31 =	vshra.s32 v8, $0xC;
	v28 =	vadd.s32 $0x1, v28;
	v7 =	vld [tilespmem:s6+$0x30]  }
0xb4: {  	v5 =	vshra.s32 v5, $0xC;
	v32 =	vshra.s32 v9, $0xC;
	v33 =	vshra.s32 v10, $0xC;
	v16 =	vld.idx.msk [tilespmem:v16+s26+$0x0], $0xffff  }
0xb5: {  	vm1 =	vlt.s32 v5, $0xFFE;
	v13 =	vshra.s32 v13, $0xC;
	vm0 =	vlt.s32 v15, $0xFFE;
	v34 =	vld.idx.msk [tilespmem:v3+s26+$0x0], $0xffff  }
0xb6: {  	vm2 =	vlt.s32 v12, $0xFFE;
	v9 =	vadd.s32 v0, v5;
	v3 =	vnsel vm1, $0xFFE, v5;
	v35 =	vld.idx.msk [tilespmem:v4+s26+$0x0], $0xffff  }
0xb7: {  	v4 =	vmul.f32 v20, v11;
	v10 =	vmul.f32 v23, v14;
	v3 =	vadd.s32 v2, v3;
	v8 =	vld.idx.msk [tilespmem:v21+s26+$0x0], $0xffff  }
0xb8: {  	vm1 =	vlt.s32 v30, $0xFFE;
	v11 =	vmul.f32 v29, v11;
	v20 =	vld.idx.msk [tilespmem:v28+s26+$0x0], $0xffff;
	v7 =	vmul.f32 v7, v14  }
0xb9: {  	vm3 =	vlt.s32 v31, $0xFFE;
	vm4 =	vlt.s32 v32, $0xFFE;
	v10 =	vadd.f32 v10, v4;
	v5 =	vld.idx.msk [tilespmem:v24+s26+$0x0], $0xffff  }
0xba: {  	vm5 =	vlt.s32 v33, $0xFFE;
	vm6 =	vlt.s32 v13, $0xFFE;
	v4 =	vld.idx.msk [tilespmem:v27+s26+$0x0], $0xffff;
	v7 =	vadd.f32 v7, v11  }
0xbb: {  	v21 =	vnsel vm1, $0xFFE, v30;
	v14 =	vnsel vm2, $0xFFE, v12;
	v11 =	vnsel vm0, $0xFFE, v15;
	[tilespmem:v9+s1+$0x0] =	vst.idx.add.f32.msk $0xffff, v10  }
0xbc: {  	v23 =	vnsel vm4, $0xFFE, v32;
	v24 =	vnsel vm5, $0xFFE, v33;
	v9 =	vnsel vm3, $0xFFE, v31;
	[tilespmem:v3+s1+$0x0] =	vst.idx.add.f32.msk $0xffff, v7  }
0xbd: {  	v14 =	vadd.s32 v2, v14;
	v11 =	vadd.s32 v2, v11;
	v3 =	vnsel vm6, $0xFFE, v13;
	v26 =	vld.idx.msk [tilespmem:v26+s26+$0x0], $0xffff  }
0xbe: {  	v10 =	vadd.s32 v2, v21;
	v9 =	vadd.s32 v2, v9;
	v27 =	vld.idx.msk [tilespmem:v6+s26+$0x0], $0xffff;
	v6 =	vadd.s32 v2, v23  }
0xbf: {  	v15 =	vadd.s32 v0, v15;
	v7 =	vadd.s32 v2, v24;
	v3 =	vadd.s32 v2, v3;
	v17 =	vld.idx.msk [tilespmem:v17+s26+$0x0], $0xffff  }
0xc0: {  	v12 =	vadd.s32 v0, v12;
	v21 =	vadd.s32 v0, v30;
	v23 =	vadd.s32 v0, v31;
	v19 =	vld.idx.msk [tilespmem:v19+s26+$0x0], $0xffff  }
0xc1: {  	v28 =	vadd.s32 v0, v33;
	v24 =	vadd.s32 v0, v32;
	v13 =	vadd.s32 v0, v13;
	v18 =	vld.idx.msk [tilespmem:v18+s26+$0x0], $0xffff  }
0xc2: {  	v22 =	vld.idx.msk [tilespmem:v22+s26+$0x0], $0xffff  }
0xc3: {  	v25 =	vld.idx.msk [tilespmem:v25+s26+$0x0], $0xffff  }
0xc4: {  	v29 =	vld [tilespmem:s5+$0xFFFFFFC0]  }
0xc5: {  	v30 =	vld [tilespmem:s29+$0xFFFFFFC0]  }
0xc6: {  	v31 =	vld [tilespmem:s30+$0xFFFFFFC0]  }
0xc7: {  	v32 =	vld [tilespmem:s6+$0xFFFFFFC0]  }
0xc8: {  	v33 =	vld [tilespmem:s5+$0xFFFFFFD0]  }
0xc9: {  	v29 =	vmul.f32 v29, v26;
	v36 =	vld [tilespmem:s29+$0xFFFFFFD0]  }
0xca: {  	v30 =	vmul.f32 v30, v20;
	v37 =	vld [tilespmem:s30+$0xFFFFFFD0]  }
0xcb: {  	v26 =	vmul.f32 v31, v26;
	v31 =	vld [tilespmem:s6+$0xFFFFFFD0]  }
0xcc: {  	v29 =	vadd.f32 v30, v29;
	v20 =	vmul.f32 v32, v20;
	v30 =	vld [tilespmem:s5+$0xFFFFFFE0]  }
0xcd: {  	v32 =	vmul.f32 v33, v27;
	v33 =	vld [tilespmem:s29+$0xFFFFFFE0]  }
0xce: {  	v20 =	vadd.f32 v20, v26;
	v26 =	vmul.f32 v36, v16;
	v36 =	vld [tilespmem:s30+$0xFFFFFFE0]  }
0xcf: {  	v27 =	vmul.f32 v37, v27;
	v37 =	vld [tilespmem:s6+$0xFFFFFFE0]  }
0xd0: {  	v26 =	vadd.f32 v26, v32;
	v16 =	vmul.f32 v31, v16;
	v31 =	vld [tilespmem:s5+$0xFFFFFFF0]  }
0xd1: {  	v30 =	vmul.f32 v30, v17;
	v32 =	vld [tilespmem:s29+$0xFFFFFFF0]  }
0xd2: {  	v16 =	vadd.f32 v16, v27;
	v27 =	vmul.f32 v33, v34;
	v33 =	vld [tilespmem:s30+$0xFFFFFFF0]  }
0xd3: {  	v17 =	vmul.f32 v36, v17;
	v36 =	vld [tilespmem:s6+$0xFFFFFFF0]  }
0xd4: {  	v27 =	vadd.f32 v27, v30;
	v30 =	vmul.f32 v37, v34;
	v34 =	vld [tilespmem:s5+$0x0]  }
0xd5: {  	v31 =	vmul.f32 v31, v19;
	v37 =	vld [tilespmem:s29+$0x0]  }
0xd6: {  	v17 =	vadd.f32 v30, v17;
	v30 =	vmul.f32 v32, v35;
	v32 =	vld [tilespmem:s30+$0x0]  }
0xd7: {  	v19 =	vmul.f32 v33, v19;
	v33 =	vld [tilespmem:s6+$0x0]  }
0xd8: {  	v30 =	vadd.f32 v30, v31;
	v31 =	vmul.f32 v36, v35;
	v35 =	vld [tilespmem:s5+$0x10]  }
0xd9: {  	v34 =	vmul.f32 v34, v18;
	v36 =	vld [tilespmem:s29+$0x10]  }
0xda: {  	v19 =	vadd.f32 v31, v19;
	v31 =	vmul.f32 v37, v8;
	v37 =	vld [tilespmem:s30+$0x10]  }
0xdb: {  	v18 =	vmul.f32 v32, v18;
	v32 =	vld [tilespmem:s6+$0x10]  }
0xdc: {  	v31 =	vadd.f32 v31, v34;
	v8 =	vmul.f32 v33, v8;
	v33 =	vld [tilespmem:s5+$0x20]  }
0xdd: {  	v34 =	vmul.f32 v35, v22;
	v35 =	vld [tilespmem:s29+$0x20]  }
0xde: {  	v8 =	vadd.f32 v8, v18;
	v18 =	vmul.f32 v36, v5;
	v36 =	vld [tilespmem:s30+$0x20]  }
0xdf: {  	v22 =	vmul.f32 v37, v22;
	v37 =	vld [tilespmem:s6+$0x20]  }
0xe0: {  	[tilespmem:v15+s1+$0x0] =	vst.idx.add.f32.msk $0xffff, v29;
	v15 =	vadd.f32 v18, v34;
	v5 =	vmul.f32 v32, v5  }
0xe1: {  	[tilespmem:v11+s1+$0x0] =	vst.idx.add.f32.msk $0xffff, v20;
	v11 =	vmul.f32 v33, v25  }
0xe2: {  	[tilespmem:v12+s1+$0x0] =	vst.idx.add.f32.msk $0xffff, v26;
	v5 =	vadd.f32 v5, v22;
	v12 =	vmul.f32 v35, v4  }
0xe3: {  	[tilespmem:v14+s1+$0x0] =	vst.idx.add.f32.msk $0xffff, v16;
	v14 =	vmul.f32 v36, v25  }
0xe4: {  	[tilespmem:v21+s1+$0x0] =	vst.idx.add.f32.msk $0xffff, v27;
	v11 =	vadd.f32 v12, v11;
	v4 =	vmul.f32 v37, v4  }
0xe5: {  	[tilespmem:v10+s1+$0x0] =	vst.idx.add.f32.msk $0xffff, v17  }
0xe6: {  	[tilespmem:v23+s1+$0x0] =	vst.idx.add.f32.msk $0xffff, v30;
	v4 =	vadd.f32 v4, v14  }
0xe7: {  	[tilespmem:v9+s1+$0x0] =	vst.idx.add.f32.msk $0xffff, v19  }
.Ltmp1:
0xe8: {  	[tilespmem:v24+s1+$0x0] =	vst.idx.add.f32.msk $0xffff, v31;
	(pc) =	sbr.rel @p0 .LBB2_4-.Ltmp1, $4  }
0xe9: {  	[tilespmem:v6+s1+$0x0] =	vst.idx.add.f32.msk $0xffff, v8  }
0xea: {  	[tilespmem:v28+s1+$0x0] =	vst.idx.add.f32.msk $0xffff, v15  }
0xeb: {  	[tilespmem:v7+s1+$0x0] =	vst.idx.add.f32.msk $0xffff, v5  }
0xec: {  	s16 =	sadd.s32 $0x80, s16;
	[tilespmem:v13+s1+$0x0] =	vst.idx.add.f32.msk $0xffff, v11  }
0xed: {  	_ =	sdelay $0x3  }
0xee: {  	[tilespmem:v3+s1+$0x0] =	vst.idx.add.f32.msk $0xffff, v4  }
0xef: {  	[tilespmem:s7], [sflag:$0x1] =	stream.linear.gather [hbm4b:s13+s1], $0x1000, $0x38;
	[tilespmem:$0x1C000] =	vst v63  }
0xf0: {  	s5 =	simm.s32 $0x12000  }
0xf1: {  	[tilespmem:s5], [sflag:$0x1] =	stream.linear.gather [hbm4b:s14+s1], $0x1000, $0x38;
	[tilespmem:$0x1C000] =	vst v63  }
0xf2: {  	s6 =	simm.s32 $0x13000  }
0xf3: {  	[tilespmem:s6], [sflag:$0x1] =	stream.linear.gather [hbm4b:s15+s1], $0x1000, $0x38;
	[tilespmem:$0x1C000] =	vst v63  }
0xf4: {  	s7 =	simm.s32 $0x14000  }
0xf5: {  	[tilespmem:s7], [sflag:$0x1] =	stream.linear.gather [hbm4b:s17+s1], $0x1000, $0x38;
	[tilespmem:$0x1C000] =	vst v63  }
0xf6: {  	s16 =	simm.s32 $0x15000  }
0xf7: {  	[tilespmem:s16], [sflag:$0x1] =	stream.linear.gather [hbm4b:s18+s1], $0x1000, $0x38;
	[tilespmem:$0x1C000] =	vst v63  }
0xf8: {  	_ =	swait.ge [sflag:s3], $0x1000  }
0xf9: {  	[sflag:s3] =	ssyncset.done $0x0  }
0xfa: {  	[sflag:s3] =	ssyncadd.s32 $0xFFFFF000  }
0xfb: {  	_ =	swait.ge [sflag:s3], $0x1000  }
0xfc: {  	[sflag:s3] =	ssyncset.done $0x0  }
0xfd: {  	[sflag:s3] =	ssyncadd.s32 $0xFFFFF000  }
0xfe: {  	_ =	swait.ge [sflag:s3], $0x1000  }
0xff: {  	[sflag:s3] =	ssyncset.done $0x0  }
0x100: {  	[sflag:s3] =	ssyncadd.s32 $0xFFFFF000  }
0x101: {  	_ =	swait.ge [sflag:s3], $0x1000  }
0x102: {  	[sflag:s3] =	ssyncset.done $0x0  }
0x103: {  	[sflag:s3] =	ssyncadd.s32 $0xFFFFF000  }
0x104: {  	_ =	swait.ge [sflag:s3], $0x1000  }
0x105: {  	[sflag:s3] =	ssyncset.done $0x0  }
0x106: {  	s6 =	simm.s32 $0x16040;
	[sflag:s3] =	ssyncadd.s32 $0xFFFFF000  }
0x107: {  	v3 =	vld [tilespmem:s6+$0x30]  }
0x108: {  	v4 =	vld [tilespmem:s6+$0xFFFFFFD0]  }
0x109: {  	v5 =	vld [tilespmem:s6+$0xFFFFFFE0]  }
0x10a: {  	v6 =	vld [tilespmem:s6+$0xFFFFFFF0]  }
0x10b: {  	v7 =	vld [tilespmem:s6+$0x0]  }
0x10c: {  	v9 =	vld [tilespmem:s6+$0x10]  }
0x10d: {  	v11 =	vld [tilespmem:s6+$0xFFFFFFC0]  }
0x10e: {  	s5 =	simm.s32 $0x17040;
	v13 =	vld [tilespmem:s6+$0x20]  }
0x10f: {  	s29 =	simm.s32 $0x18040;
	v16 =	vld [tilespmem:s5+$0x30]  }
0x110: {  	s30 =	simm.s32 $0x19040;
	v19 =	vld [tilespmem:s29+$0x30]  }
0x111: {  	v26 =	vld [tilespmem:s30+$0x30]  }
0x112: {  	v53 =	vld [tilespmem:s5+$0xFFFFFFC0]  }
0x113: {  	v54 =	vld [tilespmem:s29+$0xFFFFFFC0]  }
0x114: {  	v55 =	vld [tilespmem:s30+$0xFFFFFFC0]  }
0x115: {  	v57 =	vld [tilespmem:s5+$0xFFFFFFD0]  }
0x116: {  	v58 =	vld [tilespmem:s29+$0xFFFFFFD0]  }
0x117: {  	v59 =	vld [tilespmem:s30+$0xFFFFFFD0]  }
0x118: {  	v32 =	vld [tilespmem:s5+$0xFFFFFFE0]  }
0x119: {  	v33 =	vld [tilespmem:s29+$0xFFFFFFE0]  }
0x11a: {  	v34 =	vld [tilespmem:s30+$0xFFFFFFE0]  }
0x11b: {  	v37 =	vld [tilespmem:s5+$0xFFFFFFF0]  }
0x11c: {  	v38 =	vld [tilespmem:s29+$0xFFFFFFF0]  }
0x11d: {  	v62 =	vld [tilespmem:s30+$0xFFFFFFF0]  }
0x11e: {  	v41 =	vld [tilespmem:s5+$0x0]  }
0x11f: {  	v46 =	vld [tilespmem:s30+$0x0]  }
0x120: {  	v49 =	vld [tilespmem:s5+$0x10]  }
0x121: {  	s6 =	simm.s32 $0x1A040;
	v50 =	vld [tilespmem:s29+$0x10]  }
0x122: {  	v29 =	vld [tilespmem:s6+$0x30]  }
0x123: {  	v56 =	vld [tilespmem:s6+$0xFFFFFFC0];
	v8 =	vand.u32 $0xFFF, v3  }
0x124: {  	v60 =	vld [tilespmem:s6+$0xFFFFFFD0];
	v12 =	vand.u32 $0xFFF, v4  }
0x125: {  	v35 =	vld [tilespmem:s6+$0xFFFFFFE0];
	v15 =	vand.u32 $0xFFF, v5;
	v18 =	vand.u32 $0xFFF, v6;
	v10 =	vmin.u32 v8, $0xFFE  }
0x126: {  	v40 =	vld [tilespmem:s6+$0xFFFFFFF0];
	v21 =	vand.u32 $0xFFF, v7;
	v23 =	vand.u32 $0xFFF, v11;
	v10 =	vadd.s32 $0x1, v10  }
0x127: {  	v48 =	vld [tilespmem:s6+$0x0];
	v24 =	vand.u32 $0xFFF, v9;
	v28 =	vand.u32 $0xFFF, v13;
	v3 =	vshra.s32 v3, $0xC  }
0x128: {  	v11 =	vshra.s32 v11, $0xC;
	v4 =	vshra.s32 v4, $0xC;
	v5 =	vshra.s32 v5, $0xC;
	v8 =	vld.idx.msk [tilespmem:v8+s26+$0x0], $0xffff  }
0x129: {  	v6 =	vshra.s32 v6, $0xC;
	v7 =	vshra.s32 v7, $0xC;
	v14 =	vmin.u32 v12, $0xFFE;
	v51 =	vld.idx.msk [tilespmem:v12+s26+$0x0], $0xffff  }
0x12a: {  	v9 =	vshra.s32 v9, $0xC;
	v17 =	vmin.u32 v15, $0xFFE;
	v14 =	vadd.s32 $0x1, v14;
	v52 =	vld.idx.msk [tilespmem:v15+s26+$0x0], $0xffff  }
0x12b: {  	v42 =	vshra.s32 v13, $0xC;
	v20 =	vmin.u32 v18, $0xFFE;
	v17 =	vadd.s32 $0x1, v17;
	v10 =	vld.idx.msk [tilespmem:v10+s26+$0x0], $0xffff  }
0x12c: {  	v22 =	vmin.u32 v21, $0xFFE;
	v25 =	vmin.u32 v23, $0xFFE;
	v20 =	vadd.s32 $0x1, v20;
	v12 =	vld.idx.msk [tilespmem:v18+s26+$0x0], $0xffff  }
0x12d: {  	v27 =	vmin.u32 v24, $0xFFE;
	v30 =	vmin.u32 v28, $0xFFE;
	v22 =	vadd.s32 $0x1, v22;
	v15 =	vld.idx.msk [tilespmem:v21+s26+$0x0], $0xffff  }
0x12e: {  	vm0 =	vlt.s32 v3, $0xFFE;
	vm13 =	vlt.s32 v11, $0xFFE;
	v25 =	vadd.s32 $0x1, v25;
	v18 =	vld.idx.msk [tilespmem:v28+s26+$0x0], $0xffff  }
0x12f: {  	v61 =	vadd.s32 v0, v4;
	v31 =	vnsel vm0, $0xFFE, v3;
	v3 =	vadd.s32 v0, v3;
	v14 =	vld.idx.msk [tilespmem:v14+s26+$0x0], $0xffff  }
0x130: {  	vm1 =	vlt.s32 v5, $0xFFE;
	v17 =	vld.idx.msk [tilespmem:v17+s26+$0x0], $0xffff;
	v16 =	vmul.f32 v16, v8;
	v19 =	vmul.f32 v19, v10  }
0x131: {  	vm2 =	vlt.s32 v6, $0xFFE;
	vm3 =	vlt.s32 v7, $0xFFE;
	v27 =	vadd.s32 $0x1, v27;
	v20 =	vld.idx.msk [tilespmem:v20+s26+$0x0], $0xffff  }
0x132: {  	vm4 =	vlt.s32 v9, $0xFFE;
	v30 =	vadd.s32 $0x1, v30;
	v22 =	vld.idx.msk [tilespmem:v22+s26+$0x0], $0xffff;
	v16 =	vadd.f32 v19, v16  }
0x133: {  	v36 =	vnsel vm13, $0xFFE, v11;
	v11 =	vadd.s32 v0, v11;
	v43 =	vnsel vm1, $0xFFE, v5;
	v25 =	vld.idx.msk [tilespmem:v25+s26+$0x0], $0xffff  }
0x134: {  	v44 =	vnsel vm2, $0xFFE, v6;
	v45 =	vnsel vm3, $0xFFE, v7;
	v47 =	vnsel vm4, $0xFFE, v9;
	[tilespmem:v3+s1+$0x0] =	vst.idx.add.f32.msk $0xffff, v16  }
0x135: {  	v5 =	vadd.s32 v0, v5;
	v6 =	vadd.s32 v0, v6;
	v7 =	vadd.s32 v0, v7;
	v3 =	vld.idx.msk [tilespmem:v23+s26+$0x0], $0xffff  }
0x136: {  	v9 =	vadd.s32 v0, v9;
	v31 =	vadd.s32 v2, v31;
	v8 =	vmul.f32 v26, v8;
	v26 =	vld.idx.msk [tilespmem:v27+s26+$0x0], $0xffff  }
0x137: {  	v36 =	vadd.s32 v2, v36;
	v10 =	vmul.f32 v29, v10;
	v39 =	vmul.f32 v58, v14;
	v58 =	vld [tilespmem:s30+$0x20]  }
0x138: {  	v13 =	vadd.s32 v2, v43;
	v32 =	vmul.f32 v32, v52;
	v33 =	vmul.f32 v33, v17;
	v19 =	vld.idx.msk [tilespmem:v30+s26+$0x0], $0xffff  }
0x139: {  	v63 =	vmul.f32 v57, v51;
	v8 =	vadd.f32 v10, v8;
	v10 =	vmul.f32 v34, v52;
	v52 =	vld [tilespmem:s6+$0x10]  }
0x13a: {  	v32 =	vadd.f32 v33, v32;
	v16 =	vld.idx.msk [tilespmem:v24+s26+$0x0], $0xffff;
	v23 =	vmul.f32 v54, v25;
	v21 =	vmul.f32 v53, v3  }
0x13b: {  	v28 =	vadd.s32 v2, v47;
	v25 =	vmul.f32 v56, v25;
	v56 =	vld [tilespmem:s29+$0x20];
	v3 =	vmul.f32 v55, v3  }
0x13c: {  	v57 =	vadd.s32 v0, v42;
	[tilespmem:v5+s1+$0x0] =	vst.idx.add.f32.msk $0xffff, v32;
	v21 =	vadd.f32 v23, v21  }
0x13d: {  	v17 =	vmul.f32 v35, v17;
	[tilespmem:v31+s1+$0x0] =	vst.idx.add.f32.msk $0xffff, v8;
	v3 =	vadd.f32 v25, v3  }
0x13e: {  	v14 =	vmul.f32 v60, v14;
	v60 =	vmul.f32 v50, v26;
	[tilespmem:v11+s1+$0x0] =	vst.idx.add.f32.msk $0xffff, v21  }
0x13f: {  	vm14 =	vlt.s32 v4, $0xFFE;
	v10 =	vadd.f32 v17, v10;
	v8 =	vmul.f32 v59, v51;
	[tilespmem:v36+s1+$0x0] =	vst.idx.add.f32.msk $0xffff, v3  }
0x140: {  	v54 =	vmul.f32 v37, v12;
	v12 =	vmul.f32 v62, v12;
	v3 =	vnsel vm14, $0xFFE, v4;
	v4 =	vld [tilespmem:s29+$0x0]  }
0x141: {  	[tilespmem:v13+s1+$0x0] =	vst.idx.add.f32.msk $0xffff, v10;
	v8 =	vadd.f32 v14, v8;
	v55 =	vmul.f32 v38, v20  }
0x142: {  	v51 =	vld [tilespmem:s30+$0x10];
	v20 =	vmul.f32 v40, v20;
	v5 =	vmul.f32 v49, v16;
	v3 =	vadd.s32 v2, v3  }
0x143: {  	v59 =	vld [tilespmem:s6+$0x20];
	v23 =	vadd.f32 v39, v63;
	v17 =	vadd.f32 v55, v54;
	v25 =	vmul.f32 v41, v15  }
0x144: {  	v53 =	vld [tilespmem:s5+$0x20];
	v12 =	vadd.f32 v20, v12;
	v15 =	vmul.f32 v46, v15;
	v21 =	vadd.s32 v2, v44  }
0x145: {  	v5 =	vadd.f32 v60, v5;
	[tilespmem:v61+s1+$0x0] =	vst.idx.add.f32.msk $0xffff, v23;
	v4 =	vmul.f32 v4, v22  }
0x146: {  	v63 =	vmul.f32 v56, v19;
	v23 =	vadd.s32 v2, v45;
	[tilespmem:v6+s1+$0x0] =	vst.idx.add.f32.msk $0xffff, v17  }
0x147: {  	[tilespmem:v3+s1+$0x0] =	vst.idx.add.f32.msk $0xffff, v8;
	v3 =	vadd.f32 v4, v25;
	v4 =	vmul.f32 v48, v22  }
0x148: {  	v61 =	vmul.f32 v51, v16;
	v6 =	vmul.f32 v52, v26;
	[tilespmem:v9+s1+$0x0] =	vst.idx.add.f32.msk $0xffff, v5  }
0x149: {  	v62 =	vmul.f32 v53, v18;
	[tilespmem:v21+s1+$0x0] =	vst.idx.add.f32.msk $0xffff, v12;
	v4 =	vadd.f32 v4, v15  }
0x14a: {  	[tilespmem:v7+s1+$0x0] =	vst.idx.add.f32.msk $0xffff, v3;
	v3 =	vadd.f32 v6, v61;
	v6 =	vmul.f32 v58, v18  }
0x14b: {  	vm15 =	vlt.s32 v42, $0xFFE;
	v7 =	vadd.f32 v63, v62;
	[tilespmem:v23+s1+$0x0] =	vst.idx.add.f32.msk $0xffff, v4;
	v4 =	vmul.f32 v59, v19  }
0x14c: {  	v5 =	vnsel vm15, $0xFFE, v42;
	[tilespmem:v28+s1+$0x0] =	vst.idx.add.f32.msk $0xffff, v3  }
0x14d: {  	s31 =	simm.s32 $0x0;
	s16 =	simm.s32 $0x160C0;
	v3 =	vadd.s32 v2, v5;
	[tilespmem:v57+s1+$0x0] =	vst.idx.add.f32.msk $0xffff, v7;
	v4 =	vadd.f32 v4, v6  }
.LBB2_6:
0x14e: {  	v5 =	vld [tilespmem:s16+$0x30]  }
0x14f: {  	s31 =	sadd.s32 $0x8, s31;
	v6 =	vld [tilespmem:s16+$0xFFFFFFD0]  }
0x150: {  	p0 =	slt.u32 s31, $0xF8;
	v7 =	vld [tilespmem:s16+$0xFFFFFFE0]  }
0x151: {  	v8 =	vld [tilespmem:s16+$0xFFFFFFF0]  }
0x152: {  	v9 =	vld [tilespmem:s16+$0x0]  }
0x153: {  	v10 =	vld [tilespmem:s16+$0x10];
	v11 =	vand.u32 $0xFFF, v5  }
0x154: {  	v12 =	vshra.s32 v6, $0xC;
	v6 =	vand.u32 $0xFFF, v6;
	v13 =	vld [tilespmem:s16+$0x20];
	v14 =	vmin.u32 v11, $0xFFE  }
0x155: {  	v15 =	vld [tilespmem:s16+$0xFFFFFFC0];
	v16 =	vmin.u32 v6, $0xFFE;
	v17 =	vand.u32 $0xFFF, v7;
	v14 =	vadd.s32 $0x1, v14  }
0x156: {  	s5 =	sadd.s32 $0x80, s5;
	v16 =	vadd.s32 $0x1, v16;
	v18 =	vmin.u32 v17, $0xFFE;
	v19 =	vand.u32 $0xFFF, v8;
	[tilespmem:v3+s1+$0x0] =	vst.idx.add.f32.msk $0xffff, v4  }
0x157: {  	s29 =	sadd.s32 $0x80, s29;
	v3 =	vadd.s32 $0x1, v18;
	v4 =	vmin.u32 v19, $0xFFE;
	v18 =	vand.u32 $0xFFF, v9;
	v20 =	vld [tilespmem:s5+$0x30]  }
0x158: {  	v4 =	vadd.s32 $0x1, v4;
	v21 =	vmin.u32 v18, $0xFFE;
	v22 =	vand.u32 $0xFFF, v10;
	v23 =	vld [tilespmem:s29+$0x30]  }
0x159: {  	v21 =	vadd.s32 $0x1, v21;
	v24 =	vmin.u32 v22, $0xFFE;
	v25 =	vand.u32 $0xFFF, v13;
	v11 =	vld.idx.msk [tilespmem:v11+s26+$0x0], $0xffff  }
0x15a: {  	s30 =	sadd.s32 $0x80, s30;
	v26 =	vand.u32 $0xFFF, v15;
	v24 =	vadd.s32 $0x1, v24;
	v27 =	vmin.u32 v25, $0xFFE;
	v14 =	vld.idx.msk [tilespmem:v14+s26+$0x0], $0xffff  }
0x15b: {  	s6 =	sadd.s32 $0x80, s6;
	v15 =	vshra.s32 v15, $0xC;
	v28 =	vmin.u32 v26, $0xFFE;
	v27 =	vadd.s32 $0x1, v27;
	v29 =	vld [tilespmem:s30+$0x30]  }
0x15c: {  	v30 =	vshra.s32 v7, $0xC;
	v31 =	vshra.s32 v8, $0xC;
	v28 =	vadd.s32 $0x1, v28;
	v7 =	vld [tilespmem:s6+$0x30]  }
0x15d: {  	v5 =	vshra.s32 v5, $0xC;
	v32 =	vshra.s32 v9, $0xC;
	v33 =	vshra.s32 v10, $0xC;
	v16 =	vld.idx.msk [tilespmem:v16+s26+$0x0], $0xffff  }
0x15e: {  	vm1 =	vlt.s32 v5, $0xFFE;
	v13 =	vshra.s32 v13, $0xC;
	vm0 =	vlt.s32 v15, $0xFFE;
	v34 =	vld.idx.msk [tilespmem:v3+s26+$0x0], $0xffff  }
0x15f: {  	vm2 =	vlt.s32 v12, $0xFFE;
	v9 =	vadd.s32 v0, v5;
	v3 =	vnsel vm1, $0xFFE, v5;
	v35 =	vld.idx.msk [tilespmem:v4+s26+$0x0], $0xffff  }
0x160: {  	v4 =	vmul.f32 v20, v11;
	v10 =	vmul.f32 v23, v14;
	v3 =	vadd.s32 v2, v3;
	v8 =	vld.idx.msk [tilespmem:v21+s26+$0x0], $0xffff  }
0x161: {  	vm1 =	vlt.s32 v30, $0xFFE;
	v11 =	vmul.f32 v29, v11;
	v20 =	vld.idx.msk [tilespmem:v28+s26+$0x0], $0xffff;
	v7 =	vmul.f32 v7, v14  }
0x162: {  	vm3 =	vlt.s32 v31, $0xFFE;
	vm4 =	vlt.s32 v32, $0xFFE;
	v10 =	vadd.f32 v10, v4;
	v5 =	vld.idx.msk [tilespmem:v24+s26+$0x0], $0xffff  }
0x163: {  	vm5 =	vlt.s32 v33, $0xFFE;
	vm6 =	vlt.s32 v13, $0xFFE;
	v4 =	vld.idx.msk [tilespmem:v27+s26+$0x0], $0xffff;
	v7 =	vadd.f32 v7, v11  }
0x164: {  	v21 =	vnsel vm1, $0xFFE, v30;
	v14 =	vnsel vm2, $0xFFE, v12;
	v11 =	vnsel vm0, $0xFFE, v15;
	[tilespmem:v9+s1+$0x0] =	vst.idx.add.f32.msk $0xffff, v10  }
0x165: {  	v23 =	vnsel vm4, $0xFFE, v32;
	v24 =	vnsel vm5, $0xFFE, v33;
	v9 =	vnsel vm3, $0xFFE, v31;
	[tilespmem:v3+s1+$0x0] =	vst.idx.add.f32.msk $0xffff, v7  }
0x166: {  	v14 =	vadd.s32 v2, v14;
	v11 =	vadd.s32 v2, v11;
	v3 =	vnsel vm6, $0xFFE, v13;
	v26 =	vld.idx.msk [tilespmem:v26+s26+$0x0], $0xffff  }
0x167: {  	v10 =	vadd.s32 v2, v21;
	v9 =	vadd.s32 v2, v9;
	v27 =	vld.idx.msk [tilespmem:v6+s26+$0x0], $0xffff;
	v6 =	vadd.s32 v2, v23  }
0x168: {  	v15 =	vadd.s32 v0, v15;
	v7 =	vadd.s32 v2, v24;
	v3 =	vadd.s32 v2, v3;
	v17 =	vld.idx.msk [tilespmem:v17+s26+$0x0], $0xffff  }
0x169: {  	v12 =	vadd.s32 v0, v12;
	v21 =	vadd.s32 v0, v30;
	v23 =	vadd.s32 v0, v31;
	v19 =	vld.idx.msk [tilespmem:v19+s26+$0x0], $0xffff  }
0x16a: {  	v28 =	vadd.s32 v0, v33;
	v24 =	vadd.s32 v0, v32;
	v13 =	vadd.s32 v0, v13;
	v18 =	vld.idx.msk [tilespmem:v18+s26+$0x0], $0xffff  }
0x16b: {  	v22 =	vld.idx.msk [tilespmem:v22+s26+$0x0], $0xffff  }
0x16c: {  	v25 =	vld.idx.msk [tilespmem:v25+s26+$0x0], $0xffff  }
0x16d: {  	v29 =	vld [tilespmem:s5+$0xFFFFFFC0]  }
0x16e: {  	v30 =	vld [tilespmem:s29+$0xFFFFFFC0]  }
0x16f: {  	v31 =	vld [tilespmem:s30+$0xFFFFFFC0]  }
0x170: {  	v32 =	vld [tilespmem:s6+$0xFFFFFFC0]  }
0x171: {  	v33 =	vld [tilespmem:s5+$0xFFFFFFD0]  }
0x172: {  	v29 =	vmul.f32 v29, v26;
	v36 =	vld [tilespmem:s29+$0xFFFFFFD0]  }
0x173: {  	v30 =	vmul.f32 v30, v20;
	v37 =	vld [tilespmem:s30+$0xFFFFFFD0]  }
0x174: {  	v26 =	vmul.f32 v31, v26;
	v31 =	vld [tilespmem:s6+$0xFFFFFFD0]  }
0x175: {  	v29 =	vadd.f32 v30, v29;
	v20 =	vmul.f32 v32, v20;
	v30 =	vld [tilespmem:s5+$0xFFFFFFE0]  }
0x176: {  	v32 =	vmul.f32 v33, v27;
	v33 =	vld [tilespmem:s29+$0xFFFFFFE0]  }
0x177: {  	v20 =	vadd.f32 v20, v26;
	v26 =	vmul.f32 v36, v16;
	v36 =	vld [tilespmem:s30+$0xFFFFFFE0]  }
0x178: {  	v27 =	vmul.f32 v37, v27;
	v37 =	vld [tilespmem:s6+$0xFFFFFFE0]  }
0x179: {  	v26 =	vadd.f32 v26, v32;
	v16 =	vmul.f32 v31, v16;
	v31 =	vld [tilespmem:s5+$0xFFFFFFF0]  }
0x17a: {  	v30 =	vmul.f32 v30, v17;
	v32 =	vld [tilespmem:s29+$0xFFFFFFF0]  }
0x17b: {  	v16 =	vadd.f32 v16, v27;
	v27 =	vmul.f32 v33, v34;
	v33 =	vld [tilespmem:s30+$0xFFFFFFF0]  }
0x17c: {  	v17 =	vmul.f32 v36, v17;
	v36 =	vld [tilespmem:s6+$0xFFFFFFF0]  }
0x17d: {  	v27 =	vadd.f32 v27, v30;
	v30 =	vmul.f32 v37, v34;
	v34 =	vld [tilespmem:s5+$0x0]  }
0x17e: {  	v31 =	vmul.f32 v31, v19;
	v37 =	vld [tilespmem:s29+$0x0]  }
0x17f: {  	v17 =	vadd.f32 v30, v17;
	v30 =	vmul.f32 v32, v35;
	v32 =	vld [tilespmem:s30+$0x0]  }
0x180: {  	v19 =	vmul.f32 v33, v19;
	v33 =	vld [tilespmem:s6+$0x0]  }
0x181: {  	v30 =	vadd.f32 v30, v31;
	v31 =	vmul.f32 v36, v35;
	v35 =	vld [tilespmem:s5+$0x10]  }
0x182: {  	v34 =	vmul.f32 v34, v18;
	v36 =	vld [tilespmem:s29+$0x10]  }
0x183: {  	v19 =	vadd.f32 v31, v19;
	v31 =	vmul.f32 v37, v8;
	v37 =	vld [tilespmem:s30+$0x10]  }
0x184: {  	v18 =	vmul.f32 v32, v18;
	v32 =	vld [tilespmem:s6+$0x10]  }
0x185: {  	v31 =	vadd.f32 v31, v34;
	v8 =	vmul.f32 v33, v8;
	v33 =	vld [tilespmem:s5+$0x20]  }
0x186: {  	v34 =	vmul.f32 v35, v22;
	v35 =	vld [tilespmem:s29+$0x20]  }
0x187: {  	v8 =	vadd.f32 v8, v18;
	v18 =	vmul.f32 v36, v5;
	v36 =	vld [tilespmem:s30+$0x20]  }
0x188: {  	v22 =	vmul.f32 v37, v22;
	v37 =	vld [tilespmem:s6+$0x20]  }
0x189: {  	[tilespmem:v15+s1+$0x0] =	vst.idx.add.f32.msk $0xffff, v29;
	v15 =	vadd.f32 v18, v34;
	v5 =	vmul.f32 v32, v5  }
0x18a: {  	[tilespmem:v11+s1+$0x0] =	vst.idx.add.f32.msk $0xffff, v20;
	v11 =	vmul.f32 v33, v25  }
0x18b: {  	[tilespmem:v12+s1+$0x0] =	vst.idx.add.f32.msk $0xffff, v26;
	v5 =	vadd.f32 v5, v22;
	v12 =	vmul.f32 v35, v4  }
0x18c: {  	[tilespmem:v14+s1+$0x0] =	vst.idx.add.f32.msk $0xffff, v16;
	v14 =	vmul.f32 v36, v25  }
0x18d: {  	[tilespmem:v21+s1+$0x0] =	vst.idx.add.f32.msk $0xffff, v27;
	v11 =	vadd.f32 v12, v11;
	v4 =	vmul.f32 v37, v4  }
0x18e: {  	[tilespmem:v10+s1+$0x0] =	vst.idx.add.f32.msk $0xffff, v17  }
0x18f: {  	[tilespmem:v23+s1+$0x0] =	vst.idx.add.f32.msk $0xffff, v30;
	v4 =	vadd.f32 v4, v14  }
0x190: {  	[tilespmem:v9+s1+$0x0] =	vst.idx.add.f32.msk $0xffff, v19  }
.Ltmp2:
0x191: {  	[tilespmem:v24+s1+$0x0] =	vst.idx.add.f32.msk $0xffff, v31;
	(pc) =	sbr.rel @p0 .LBB2_6-.Ltmp2, $4  }
0x192: {  	[tilespmem:v6+s1+$0x0] =	vst.idx.add.f32.msk $0xffff, v8  }
0x193: {  	[tilespmem:v28+s1+$0x0] =	vst.idx.add.f32.msk $0xffff, v15  }
0x194: {  	[tilespmem:v7+s1+$0x0] =	vst.idx.add.f32.msk $0xffff, v5  }
0x195: {  	s16 =	sadd.s32 $0x80, s16;
	[tilespmem:v13+s1+$0x0] =	vst.idx.add.f32.msk $0xffff, v11  }
0x196: {  	_ =	sdelay $0x3  }
0x197: {  	[tilespmem:v3+s1+$0x0] =	vst.idx.add.f32.msk $0xffff, v4;
	s5 =	simm.s32 $0x16000  }
0x198: {  	[tilespmem:s5], [sflag:$0x2] =	stream.linear.gather [hbm4b:s19+s1], $0x1000, $0x38;
	[tilespmem:$0x1C000] =	vst v63  }
0x199: {  	s6 =	simm.s32 $0x17000  }
0x19a: {  	[tilespmem:s6], [sflag:$0x2] =	stream.linear.gather [hbm4b:s20+s1], $0x1000, $0x38;
	[tilespmem:$0x1C000] =	vst v63  }
0x19b: {  	s7 =	simm.s32 $0x18000  }
0x19c: {  	[tilespmem:s7], [sflag:$0x2] =	stream.linear.gather [hbm4b:s21+s1], $0x1000, $0x38;
	[tilespmem:$0x1C000] =	vst v63  }
0x19d: {  	s16 =	simm.s32 $0x19000  }
0x19e: {  	[tilespmem:s16], [sflag:$0x2] =	stream.linear.gather [hbm4b:s22+s1], $0x1000, $0x38;
	[tilespmem:$0x1C000] =	vst v63  }
0x19f: {  	_ = 	snop  }
0x1a0: {  	[tilespmem:s2], [sflag:$0x2] =	stream.linear.gather [hbm4b:s23+s1], $0x1000, $0x38;
	[tilespmem:$0x1C000] =	vst v63  }
0x1a1: {  	_ =	swait.ge [sflag:s0], $0x1000  }
0x1a2: {  	[sflag:s0] =	ssyncset.done $0x0  }
0x1a3: {  	[sflag:s0] =	ssyncadd.s32 $0xFFFFF000  }
0x1a4: {  	_ =	swait.ge [sflag:s0], $0x1000  }
0x1a5: {  	[sflag:s0] =	ssyncset.done $0x0  }
0x1a6: {  	[sflag:s0] =	ssyncadd.s32 $0xFFFFF000  }
0x1a7: {  	_ =	swait.ge [sflag:s0], $0x1000  }
0x1a8: {  	[sflag:s0] =	ssyncset.done $0x0  }
0x1a9: {  	[sflag:s0] =	ssyncadd.s32 $0xFFFFF000  }
0x1aa: {  	_ =	swait.ge [sflag:s0], $0x1000  }
0x1ab: {  	[sflag:s0] =	ssyncset.done $0x0  }
0x1ac: {  	[sflag:s0] =	ssyncadd.s32 $0xFFFFF000  }
0x1ad: {  	_ =	swait.ge [sflag:s0], $0x1000  }
0x1ae: {  	[sflag:s0] =	ssyncset.done $0x0  }
0x1af: {  	s6 =	simm.s32 $0x11040;
	[sflag:s0] =	ssyncadd.s32 $0xFFFFF000  }
0x1b0: {  	v3 =	vld [tilespmem:s6+$0x30]  }
0x1b1: {  	v4 =	vld [tilespmem:s6+$0xFFFFFFD0]  }
0x1b2: {  	v5 =	vld [tilespmem:s6+$0xFFFFFFE0]  }
0x1b3: {  	v6 =	vld [tilespmem:s6+$0xFFFFFFF0]  }
0x1b4: {  	v7 =	vld [tilespmem:s6+$0x0]  }
0x1b5: {  	v9 =	vld [tilespmem:s6+$0x10]  }
0x1b6: {  	v11 =	vld [tilespmem:s6+$0xFFFFFFC0]  }
0x1b7: {  	s5 =	simm.s32 $0x12040;
	v13 =	vld [tilespmem:s6+$0x20]  }
0x1b8: {  	s29 =	simm.s32 $0x13040;
	v16 =	vld [tilespmem:s5+$0x30]  }
0x1b9: {  	s30 =	simm.s32 $0x14040;
	v19 =	vld [tilespmem:s29+$0x30]  }
0x1ba: {  	v26 =	vld [tilespmem:s30+$0x30]  }
0x1bb: {  	v53 =	vld [tilespmem:s5+$0xFFFFFFC0]  }
0x1bc: {  	v54 =	vld [tilespmem:s29+$0xFFFFFFC0]  }
0x1bd: {  	v55 =	vld [tilespmem:s30+$0xFFFFFFC0]  }
0x1be: {  	v57 =	vld [tilespmem:s5+$0xFFFFFFD0]  }
0x1bf: {  	v58 =	vld [tilespmem:s29+$0xFFFFFFD0]  }
0x1c0: {  	v59 =	vld [tilespmem:s30+$0xFFFFFFD0]  }
0x1c1: {  	v32 =	vld [tilespmem:s5+$0xFFFFFFE0]  }
0x1c2: {  	v33 =	vld [tilespmem:s29+$0xFFFFFFE0]  }
0x1c3: {  	v34 =	vld [tilespmem:s30+$0xFFFFFFE0]  }
0x1c4: {  	v37 =	vld [tilespmem:s5+$0xFFFFFFF0]  }
0x1c5: {  	v38 =	vld [tilespmem:s29+$0xFFFFFFF0]  }
0x1c6: {  	v62 =	vld [tilespmem:s30+$0xFFFFFFF0]  }
0x1c7: {  	v41 =	vld [tilespmem:s5+$0x0]  }
0x1c8: {  	v46 =	vld [tilespmem:s30+$0x0]  }
0x1c9: {  	v49 =	vld [tilespmem:s5+$0x10]  }
0x1ca: {  	s6 =	simm.s32 $0x15040;
	v50 =	vld [tilespmem:s29+$0x10]  }
0x1cb: {  	v29 =	vld [tilespmem:s6+$0x30]  }
0x1cc: {  	v56 =	vld [tilespmem:s6+$0xFFFFFFC0];
	v8 =	vand.u32 $0xFFF, v3  }
0x1cd: {  	v60 =	vld [tilespmem:s6+$0xFFFFFFD0];
	v12 =	vand.u32 $0xFFF, v4  }
0x1ce: {  	v35 =	vld [tilespmem:s6+$0xFFFFFFE0];
	v15 =	vand.u32 $0xFFF, v5;
	v18 =	vand.u32 $0xFFF, v6;
	v10 =	vmin.u32 v8, $0xFFE  }
0x1cf: {  	v40 =	vld [tilespmem:s6+$0xFFFFFFF0];
	v21 =	vand.u32 $0xFFF, v7;
	v23 =	vand.u32 $0xFFF, v11;
	v10 =	vadd.s32 $0x1, v10  }
0x1d0: {  	v48 =	vld [tilespmem:s6+$0x0];
	v24 =	vand.u32 $0xFFF, v9;
	v28 =	vand.u32 $0xFFF, v13;
	v3 =	vshra.s32 v3, $0xC  }
0x1d1: {  	v11 =	vshra.s32 v11, $0xC;
	v4 =	vshra.s32 v4, $0xC;
	v5 =	vshra.s32 v5, $0xC;
	v8 =	vld.idx.msk [tilespmem:v8+s26+$0x0], $0xffff  }
0x1d2: {  	v6 =	vshra.s32 v6, $0xC;
	v7 =	vshra.s32 v7, $0xC;
	v14 =	vmin.u32 v12, $0xFFE;
	v51 =	vld.idx.msk [tilespmem:v12+s26+$0x0], $0xffff  }
0x1d3: {  	v9 =	vshra.s32 v9, $0xC;
	v17 =	vmin.u32 v15, $0xFFE;
	v14 =	vadd.s32 $0x1, v14;
	v52 =	vld.idx.msk [tilespmem:v15+s26+$0x0], $0xffff  }
0x1d4: {  	v42 =	vshra.s32 v13, $0xC;
	v20 =	vmin.u32 v18, $0xFFE;
	v17 =	vadd.s32 $0x1, v17;
	v10 =	vld.idx.msk [tilespmem:v10+s26+$0x0], $0xffff  }
0x1d5: {  	v22 =	vmin.u32 v21, $0xFFE;
	v25 =	vmin.u32 v23, $0xFFE;
	v20 =	vadd.s32 $0x1, v20;
	v12 =	vld.idx.msk [tilespmem:v18+s26+$0x0], $0xffff  }
0x1d6: {  	v27 =	vmin.u32 v24, $0xFFE;
	v30 =	vmin.u32 v28, $0xFFE;
	v22 =	vadd.s32 $0x1, v22;
	v15 =	vld.idx.msk [tilespmem:v21+s26+$0x0], $0xffff  }
0x1d7: {  	vm0 =	vlt.s32 v3, $0xFFE;
	vm13 =	vlt.s32 v11, $0xFFE;
	v25 =	vadd.s32 $0x1, v25;
	v18 =	vld.idx.msk [tilespmem:v28+s26+$0x0], $0xffff  }
0x1d8: {  	v61 =	vadd.s32 v0, v4;
	v31 =	vnsel vm0, $0xFFE, v3;
	v3 =	vadd.s32 v0, v3;
	v14 =	vld.idx.msk [tilespmem:v14+s26+$0x0], $0xffff  }
0x1d9: {  	vm1 =	vlt.s32 v5, $0xFFE;
	v17 =	vld.idx.msk [tilespmem:v17+s26+$0x0], $0xffff;
	v16 =	vmul.f32 v16, v8;
	v19 =	vmul.f32 v19, v10  }
0x1da: {  	vm2 =	vlt.s32 v6, $0xFFE;
	vm3 =	vlt.s32 v7, $0xFFE;
	v27 =	vadd.s32 $0x1, v27;
	v20 =	vld.idx.msk [tilespmem:v20+s26+$0x0], $0xffff  }
0x1db: {  	vm4 =	vlt.s32 v9, $0xFFE;
	v30 =	vadd.s32 $0x1, v30;
	v22 =	vld.idx.msk [tilespmem:v22+s26+$0x0], $0xffff;
	v16 =	vadd.f32 v19, v16  }
0x1dc: {  	v36 =	vnsel vm13, $0xFFE, v11;
	v11 =	vadd.s32 v0, v11;
	v43 =	vnsel vm1, $0xFFE, v5;
	v25 =	vld.idx.msk [tilespmem:v25+s26+$0x0], $0xffff  }
0x1dd: {  	v44 =	vnsel vm2, $0xFFE, v6;
	v45 =	vnsel vm3, $0xFFE, v7;
	v47 =	vnsel vm4, $0xFFE, v9;
	[tilespmem:v3+s1+$0x0] =	vst.idx.add.f32.msk $0xffff, v16  }
0x1de: {  	v5 =	vadd.s32 v0, v5;
	v6 =	vadd.s32 v0, v6;
	v7 =	vadd.s32 v0, v7;
	v3 =	vld.idx.msk [tilespmem:v23+s26+$0x0], $0xffff  }
0x1df: {  	v9 =	vadd.s32 v0, v9;
	v31 =	vadd.s32 v2, v31;
	v8 =	vmul.f32 v26, v8;
	v26 =	vld.idx.msk [tilespmem:v27+s26+$0x0], $0xffff  }
0x1e0: {  	v36 =	vadd.s32 v2, v36;
	v10 =	vmul.f32 v29, v10;
	v39 =	vmul.f32 v58, v14;
	v58 =	vld [tilespmem:s30+$0x20]  }
0x1e1: {  	v13 =	vadd.s32 v2, v43;
	v32 =	vmul.f32 v32, v52;
	v33 =	vmul.f32 v33, v17;
	v19 =	vld.idx.msk [tilespmem:v30+s26+$0x0], $0xffff  }
0x1e2: {  	v63 =	vmul.f32 v57, v51;
	v8 =	vadd.f32 v10, v8;
	v10 =	vmul.f32 v34, v52;
	v52 =	vld [tilespmem:s6+$0x10]  }
0x1e3: {  	v32 =	vadd.f32 v33, v32;
	v16 =	vld.idx.msk [tilespmem:v24+s26+$0x0], $0xffff;
	v23 =	vmul.f32 v54, v25;
	v21 =	vmul.f32 v53, v3  }
0x1e4: {  	v28 =	vadd.s32 v2, v47;
	v25 =	vmul.f32 v56, v25;
	v56 =	vld [tilespmem:s29+$0x20];
	v3 =	vmul.f32 v55, v3  }
0x1e5: {  	v57 =	vadd.s32 v0, v42;
	[tilespmem:v5+s1+$0x0] =	vst.idx.add.f32.msk $0xffff, v32;
	v21 =	vadd.f32 v23, v21  }
0x1e6: {  	v17 =	vmul.f32 v35, v17;
	[tilespmem:v31+s1+$0x0] =	vst.idx.add.f32.msk $0xffff, v8;
	v3 =	vadd.f32 v25, v3  }
0x1e7: {  	v14 =	vmul.f32 v60, v14;
	v60 =	vmul.f32 v50, v26;
	[tilespmem:v11+s1+$0x0] =	vst.idx.add.f32.msk $0xffff, v21  }
0x1e8: {  	vm14 =	vlt.s32 v4, $0xFFE;
	v10 =	vadd.f32 v17, v10;
	v8 =	vmul.f32 v59, v51;
	[tilespmem:v36+s1+$0x0] =	vst.idx.add.f32.msk $0xffff, v3  }
0x1e9: {  	v54 =	vmul.f32 v37, v12;
	v12 =	vmul.f32 v62, v12;
	v3 =	vnsel vm14, $0xFFE, v4;
	v4 =	vld [tilespmem:s29+$0x0]  }
0x1ea: {  	[tilespmem:v13+s1+$0x0] =	vst.idx.add.f32.msk $0xffff, v10;
	v8 =	vadd.f32 v14, v8;
	v55 =	vmul.f32 v38, v20  }
0x1eb: {  	v51 =	vld [tilespmem:s30+$0x10];
	v20 =	vmul.f32 v40, v20;
	v5 =	vmul.f32 v49, v16;
	v3 =	vadd.s32 v2, v3  }
0x1ec: {  	v59 =	vld [tilespmem:s6+$0x20];
	v23 =	vadd.f32 v39, v63;
	v17 =	vadd.f32 v55, v54;
	v25 =	vmul.f32 v41, v15  }
0x1ed: {  	v53 =	vld [tilespmem:s5+$0x20];
	v12 =	vadd.f32 v20, v12;
	v15 =	vmul.f32 v46, v15;
	v21 =	vadd.s32 v2, v44  }
0x1ee: {  	v5 =	vadd.f32 v60, v5;
	[tilespmem:v61+s1+$0x0] =	vst.idx.add.f32.msk $0xffff, v23;
	v4 =	vmul.f32 v4, v22  }
0x1ef: {  	v63 =	vmul.f32 v56, v19;
	v23 =	vadd.s32 v2, v45;
	[tilespmem:v6+s1+$0x0] =	vst.idx.add.f32.msk $0xffff, v17  }
0x1f0: {  	[tilespmem:v3+s1+$0x0] =	vst.idx.add.f32.msk $0xffff, v8;
	v3 =	vadd.f32 v4, v25;
	v4 =	vmul.f32 v48, v22  }
0x1f1: {  	v61 =	vmul.f32 v51, v16;
	v6 =	vmul.f32 v52, v26;
	[tilespmem:v9+s1+$0x0] =	vst.idx.add.f32.msk $0xffff, v5  }
0x1f2: {  	v62 =	vmul.f32 v53, v18;
	[tilespmem:v21+s1+$0x0] =	vst.idx.add.f32.msk $0xffff, v12;
	v4 =	vadd.f32 v4, v15  }
0x1f3: {  	[tilespmem:v7+s1+$0x0] =	vst.idx.add.f32.msk $0xffff, v3;
	v3 =	vadd.f32 v6, v61;
	v6 =	vmul.f32 v58, v18  }
0x1f4: {  	vm15 =	vlt.s32 v42, $0xFFE;
	v7 =	vadd.f32 v63, v62;
	[tilespmem:v23+s1+$0x0] =	vst.idx.add.f32.msk $0xffff, v4;
	v4 =	vmul.f32 v59, v19  }
0x1f5: {  	v5 =	vnsel vm15, $0xFFE, v42;
	[tilespmem:v28+s1+$0x0] =	vst.idx.add.f32.msk $0xffff, v3  }
0x1f6: {  	s31 =	simm.s32 $0x0;
	s16 =	simm.s32 $0x110C0;
	v3 =	vadd.s32 v2, v5;
	[tilespmem:v57+s1+$0x0] =	vst.idx.add.f32.msk $0xffff, v7;
	v4 =	vadd.f32 v4, v6  }
.LBB2_8:
0x1f7: {  	v5 =	vld [tilespmem:s16+$0x30]  }
0x1f8: {  	s31 =	sadd.s32 $0x8, s31;
	v6 =	vld [tilespmem:s16+$0xFFFFFFD0]  }
0x1f9: {  	p0 =	slt.u32 s31, $0xF8;
	v7 =	vld [tilespmem:s16+$0xFFFFFFE0]  }
0x1fa: {  	v8 =	vld [tilespmem:s16+$0xFFFFFFF0]  }
0x1fb: {  	v9 =	vld [tilespmem:s16+$0x0]  }
0x1fc: {  	v10 =	vld [tilespmem:s16+$0x10];
	v11 =	vand.u32 $0xFFF, v5  }
0x1fd: {  	v12 =	vshra.s32 v6, $0xC;
	v6 =	vand.u32 $0xFFF, v6;
	v13 =	vld [tilespmem:s16+$0x20];
	v14 =	vmin.u32 v11, $0xFFE  }
0x1fe: {  	v15 =	vld [tilespmem:s16+$0xFFFFFFC0];
	v16 =	vmin.u32 v6, $0xFFE;
	v17 =	vand.u32 $0xFFF, v7;
	v14 =	vadd.s32 $0x1, v14  }
0x1ff: {  	s5 =	sadd.s32 $0x80, s5;
	v16 =	vadd.s32 $0x1, v16;
	v18 =	vmin.u32 v17, $0xFFE;
	v19 =	vand.u32 $0xFFF, v8;
	[tilespmem:v3+s1+$0x0] =	vst.idx.add.f32.msk $0xffff, v4  }
0x200: {  	s29 =	sadd.s32 $0x80, s29;
	v3 =	vadd.s32 $0x1, v18;
	v4 =	vmin.u32 v19, $0xFFE;
	v18 =	vand.u32 $0xFFF, v9;
	v20 =	vld [tilespmem:s5+$0x30]  }
0x201: {  	v4 =	vadd.s32 $0x1, v4;
	v21 =	vmin.u32 v18, $0xFFE;
	v22 =	vand.u32 $0xFFF, v10;
	v23 =	vld [tilespmem:s29+$0x30]  }
0x202: {  	v21 =	vadd.s32 $0x1, v21;
	v24 =	vmin.u32 v22, $0xFFE;
	v25 =	vand.u32 $0xFFF, v13;
	v11 =	vld.idx.msk [tilespmem:v11+s26+$0x0], $0xffff  }
0x203: {  	s30 =	sadd.s32 $0x80, s30;
	v26 =	vand.u32 $0xFFF, v15;
	v24 =	vadd.s32 $0x1, v24;
	v27 =	vmin.u32 v25, $0xFFE;
	v14 =	vld.idx.msk [tilespmem:v14+s26+$0x0], $0xffff  }
0x204: {  	s6 =	sadd.s32 $0x80, s6;
	v15 =	vshra.s32 v15, $0xC;
	v28 =	vmin.u32 v26, $0xFFE;
	v27 =	vadd.s32 $0x1, v27;
	v29 =	vld [tilespmem:s30+$0x30]  }
0x205: {  	v30 =	vshra.s32 v7, $0xC;
	v31 =	vshra.s32 v8, $0xC;
	v28 =	vadd.s32 $0x1, v28;
	v7 =	vld [tilespmem:s6+$0x30]  }
0x206: {  	v5 =	vshra.s32 v5, $0xC;
	v32 =	vshra.s32 v9, $0xC;
	v33 =	vshra.s32 v10, $0xC;
	v16 =	vld.idx.msk [tilespmem:v16+s26+$0x0], $0xffff  }
0x207: {  	vm1 =	vlt.s32 v5, $0xFFE;
	v13 =	vshra.s32 v13, $0xC;
	vm0 =	vlt.s32 v15, $0xFFE;
	v34 =	vld.idx.msk [tilespmem:v3+s26+$0x0], $0xffff  }
0x208: {  	vm2 =	vlt.s32 v12, $0xFFE;
	v9 =	vadd.s32 v0, v5;
	v3 =	vnsel vm1, $0xFFE, v5;
	v35 =	vld.idx.msk [tilespmem:v4+s26+$0x0], $0xffff  }
0x209: {  	v4 =	vmul.f32 v20, v11;
	v10 =	vmul.f32 v23, v14;
	v3 =	vadd.s32 v2, v3;
	v8 =	vld.idx.msk [tilespmem:v21+s26+$0x0], $0xffff  }
0x20a: {  	vm1 =	vlt.s32 v30, $0xFFE;
	v11 =	vmul.f32 v29, v11;
	v20 =	vld.idx.msk [tilespmem:v28+s26+$0x0], $0xffff;
	v7 =	vmul.f32 v7, v14  }
0x20b: {  	vm3 =	vlt.s32 v31, $0xFFE;
	vm4 =	vlt.s32 v32, $0xFFE;
	v10 =	vadd.f32 v10, v4;
	v5 =	vld.idx.msk [tilespmem:v24+s26+$0x0], $0xffff  }
0x20c: {  	vm5 =	vlt.s32 v33, $0xFFE;
	vm6 =	vlt.s32 v13, $0xFFE;
	v4 =	vld.idx.msk [tilespmem:v27+s26+$0x0], $0xffff;
	v7 =	vadd.f32 v7, v11  }
0x20d: {  	v21 =	vnsel vm1, $0xFFE, v30;
	v14 =	vnsel vm2, $0xFFE, v12;
	v11 =	vnsel vm0, $0xFFE, v15;
	[tilespmem:v9+s1+$0x0] =	vst.idx.add.f32.msk $0xffff, v10  }
0x20e: {  	v23 =	vnsel vm4, $0xFFE, v32;
	v24 =	vnsel vm5, $0xFFE, v33;
	v9 =	vnsel vm3, $0xFFE, v31;
	[tilespmem:v3+s1+$0x0] =	vst.idx.add.f32.msk $0xffff, v7  }
0x20f: {  	v14 =	vadd.s32 v2, v14;
	v11 =	vadd.s32 v2, v11;
	v3 =	vnsel vm6, $0xFFE, v13;
	v26 =	vld.idx.msk [tilespmem:v26+s26+$0x0], $0xffff  }
0x210: {  	v10 =	vadd.s32 v2, v21;
	v9 =	vadd.s32 v2, v9;
	v27 =	vld.idx.msk [tilespmem:v6+s26+$0x0], $0xffff;
	v6 =	vadd.s32 v2, v23  }
0x211: {  	v15 =	vadd.s32 v0, v15;
	v7 =	vadd.s32 v2, v24;
	v3 =	vadd.s32 v2, v3;
	v17 =	vld.idx.msk [tilespmem:v17+s26+$0x0], $0xffff  }
0x212: {  	v12 =	vadd.s32 v0, v12;
	v21 =	vadd.s32 v0, v30;
	v23 =	vadd.s32 v0, v31;
	v19 =	vld.idx.msk [tilespmem:v19+s26+$0x0], $0xffff  }
0x213: {  	v28 =	vadd.s32 v0, v33;
	v24 =	vadd.s32 v0, v32;
	v13 =	vadd.s32 v0, v13;
	v18 =	vld.idx.msk [tilespmem:v18+s26+$0x0], $0xffff  }
0x214: {  	v22 =	vld.idx.msk [tilespmem:v22+s26+$0x0], $0xffff  }
0x215: {  	v25 =	vld.idx.msk [tilespmem:v25+s26+$0x0], $0xffff  }
0x216: {  	v29 =	vld [tilespmem:s5+$0xFFFFFFC0]  }
0x217: {  	v30 =	vld [tilespmem:s29+$0xFFFFFFC0]  }
0x218: {  	v31 =	vld [tilespmem:s30+$0xFFFFFFC0]  }
0x219: {  	v32 =	vld [tilespmem:s6+$0xFFFFFFC0]  }
0x21a: {  	v33 =	vld [tilespmem:s5+$0xFFFFFFD0]  }
0x21b: {  	v29 =	vmul.f32 v29, v26;
	v36 =	vld [tilespmem:s29+$0xFFFFFFD0]  }
0x21c: {  	v30 =	vmul.f32 v30, v20;
	v37 =	vld [tilespmem:s30+$0xFFFFFFD0]  }
0x21d: {  	v26 =	vmul.f32 v31, v26;
	v31 =	vld [tilespmem:s6+$0xFFFFFFD0]  }
0x21e: {  	v29 =	vadd.f32 v30, v29;
	v20 =	vmul.f32 v32, v20;
	v30 =	vld [tilespmem:s5+$0xFFFFFFE0]  }
0x21f: {  	v32 =	vmul.f32 v33, v27;
	v33 =	vld [tilespmem:s29+$0xFFFFFFE0]  }
0x220: {  	v20 =	vadd.f32 v20, v26;
	v26 =	vmul.f32 v36, v16;
	v36 =	vld [tilespmem:s30+$0xFFFFFFE0]  }
0x221: {  	v27 =	vmul.f32 v37, v27;
	v37 =	vld [tilespmem:s6+$0xFFFFFFE0]  }
0x222: {  	v26 =	vadd.f32 v26, v32;
	v16 =	vmul.f32 v31, v16;
	v31 =	vld [tilespmem:s5+$0xFFFFFFF0]  }
0x223: {  	v30 =	vmul.f32 v30, v17;
	v32 =	vld [tilespmem:s29+$0xFFFFFFF0]  }
0x224: {  	v16 =	vadd.f32 v16, v27;
	v27 =	vmul.f32 v33, v34;
	v33 =	vld [tilespmem:s30+$0xFFFFFFF0]  }
0x225: {  	v17 =	vmul.f32 v36, v17;
	v36 =	vld [tilespmem:s6+$0xFFFFFFF0]  }
0x226: {  	v27 =	vadd.f32 v27, v30;
	v30 =	vmul.f32 v37, v34;
	v34 =	vld [tilespmem:s5+$0x0]  }
0x227: {  	v31 =	vmul.f32 v31, v19;
	v37 =	vld [tilespmem:s29+$0x0]  }
0x228: {  	v17 =	vadd.f32 v30, v17;
	v30 =	vmul.f32 v32, v35;
	v32 =	vld [tilespmem:s30+$0x0]  }
0x229: {  	v19 =	vmul.f32 v33, v19;
	v33 =	vld [tilespmem:s6+$0x0]  }
0x22a: {  	v30 =	vadd.f32 v30, v31;
	v31 =	vmul.f32 v36, v35;
	v35 =	vld [tilespmem:s5+$0x10]  }
0x22b: {  	v34 =	vmul.f32 v34, v18;
	v36 =	vld [tilespmem:s29+$0x10]  }
0x22c: {  	v19 =	vadd.f32 v31, v19;
	v31 =	vmul.f32 v37, v8;
	v37 =	vld [tilespmem:s30+$0x10]  }
0x22d: {  	v18 =	vmul.f32 v32, v18;
	v32 =	vld [tilespmem:s6+$0x10]  }
0x22e: {  	v31 =	vadd.f32 v31, v34;
	v8 =	vmul.f32 v33, v8;
	v33 =	vld [tilespmem:s5+$0x20]  }
0x22f: {  	v34 =	vmul.f32 v35, v22;
	v35 =	vld [tilespmem:s29+$0x20]  }
0x230: {  	v8 =	vadd.f32 v8, v18;
	v18 =	vmul.f32 v36, v5;
	v36 =	vld [tilespmem:s30+$0x20]  }
0x231: {  	v22 =	vmul.f32 v37, v22;
	v37 =	vld [tilespmem:s6+$0x20]  }
0x232: {  	[tilespmem:v15+s1+$0x0] =	vst.idx.add.f32.msk $0xffff, v29;
	v15 =	vadd.f32 v18, v34;
	v5 =	vmul.f32 v32, v5  }
0x233: {  	[tilespmem:v11+s1+$0x0] =	vst.idx.add.f32.msk $0xffff, v20;
	v11 =	vmul.f32 v33, v25  }
0x234: {  	[tilespmem:v12+s1+$0x0] =	vst.idx.add.f32.msk $0xffff, v26;
	v5 =	vadd.f32 v5, v22;
	v12 =	vmul.f32 v35, v4  }
0x235: {  	[tilespmem:v14+s1+$0x0] =	vst.idx.add.f32.msk $0xffff, v16;
	v14 =	vmul.f32 v36, v25  }
0x236: {  	[tilespmem:v21+s1+$0x0] =	vst.idx.add.f32.msk $0xffff, v27;
	v11 =	vadd.f32 v12, v11;
	v4 =	vmul.f32 v37, v4  }
0x237: {  	[tilespmem:v10+s1+$0x0] =	vst.idx.add.f32.msk $0xffff, v17  }
0x238: {  	[tilespmem:v23+s1+$0x0] =	vst.idx.add.f32.msk $0xffff, v30;
	v4 =	vadd.f32 v4, v14  }
0x239: {  	[tilespmem:v9+s1+$0x0] =	vst.idx.add.f32.msk $0xffff, v19  }
.Ltmp3:
0x23a: {  	[tilespmem:v24+s1+$0x0] =	vst.idx.add.f32.msk $0xffff, v31;
	(pc) =	sbr.rel @p0 .LBB2_8-.Ltmp3, $4  }
0x23b: {  	[tilespmem:v6+s1+$0x0] =	vst.idx.add.f32.msk $0xffff, v8  }
0x23c: {  	[tilespmem:v28+s1+$0x0] =	vst.idx.add.f32.msk $0xffff, v15  }
0x23d: {  	[tilespmem:v7+s1+$0x0] =	vst.idx.add.f32.msk $0xffff, v5  }
0x23e: {  	s16 =	sadd.s32 $0x80, s16;
	[tilespmem:v13+s1+$0x0] =	vst.idx.add.f32.msk $0xffff, v11  }
0x23f: {  	_ =	sdelay $0x3  }
0x240: {  	[tilespmem:v3+s1+$0x0] =	vst.idx.add.f32.msk $0xffff, v4  }
0x241: {  	_ =	swait.ge [sflag:s3], $0x1000  }
0x242: {  	[sflag:s3] =	ssyncset.done $0x0  }
0x243: {  	[sflag:s3] =	ssyncadd.s32 $0xFFFFF000  }
0x244: {  	_ =	swait.ge [sflag:s3], $0x1000  }
0x245: {  	[sflag:s3] =	ssyncset.done $0x0  }
0x246: {  	[sflag:s3] =	ssyncadd.s32 $0xFFFFF000  }
0x247: {  	_ =	swait.ge [sflag:s3], $0x1000  }
0x248: {  	[sflag:s3] =	ssyncset.done $0x0  }
0x249: {  	[sflag:s3] =	ssyncadd.s32 $0xFFFFF000  }
0x24a: {  	_ =	swait.ge [sflag:s3], $0x1000  }
0x24b: {  	[sflag:s3] =	ssyncset.done $0x0  }
0x24c: {  	[sflag:s3] =	ssyncadd.s32 $0xFFFFF000  }
0x24d: {  	_ =	swait.ge [sflag:s3], $0x1000  }
0x24e: {  	[sflag:s3] =	ssyncset.done $0x0  }
0x24f: {  	s6 =	simm.s32 $0x16040;
	[sflag:s3] =	ssyncadd.s32 $0xFFFFF000  }
0x250: {  	v3 =	vld [tilespmem:s6+$0x30]  }
0x251: {  	v4 =	vld [tilespmem:s6+$0xFFFFFFD0]  }
0x252: {  	v5 =	vld [tilespmem:s6+$0xFFFFFFE0]  }
0x253: {  	v6 =	vld [tilespmem:s6+$0xFFFFFFF0]  }
0x254: {  	v7 =	vld [tilespmem:s6+$0x0]  }
0x255: {  	v9 =	vld [tilespmem:s6+$0x10]  }
0x256: {  	v11 =	vld [tilespmem:s6+$0xFFFFFFC0]  }
0x257: {  	s5 =	simm.s32 $0x17040;
	v13 =	vld [tilespmem:s6+$0x20]  }
0x258: {  	s30 =	simm.s32 $0x18040;
	v16 =	vld [tilespmem:s5+$0x30]  }
0x259: {  	s31 =	simm.s32 $0x19040;
	v19 =	vld [tilespmem:s30+$0x30]  }
0x25a: {  	v26 =	vld [tilespmem:s31+$0x30]  }
0x25b: {  	v53 =	vld [tilespmem:s5+$0xFFFFFFC0]  }
0x25c: {  	v54 =	vld [tilespmem:s30+$0xFFFFFFC0]  }
0x25d: {  	v55 =	vld [tilespmem:s31+$0xFFFFFFC0]  }
0x25e: {  	v57 =	vld [tilespmem:s5+$0xFFFFFFD0]  }
0x25f: {  	v58 =	vld [tilespmem:s30+$0xFFFFFFD0]  }
0x260: {  	v59 =	vld [tilespmem:s31+$0xFFFFFFD0]  }
0x261: {  	v32 =	vld [tilespmem:s5+$0xFFFFFFE0]  }
0x262: {  	v33 =	vld [tilespmem:s30+$0xFFFFFFE0]  }
0x263: {  	v34 =	vld [tilespmem:s31+$0xFFFFFFE0]  }
0x264: {  	v37 =	vld [tilespmem:s5+$0xFFFFFFF0]  }
0x265: {  	v38 =	vld [tilespmem:s30+$0xFFFFFFF0]  }
0x266: {  	v62 =	vld [tilespmem:s31+$0xFFFFFFF0]  }
0x267: {  	v41 =	vld [tilespmem:s5+$0x0]  }
0x268: {  	v46 =	vld [tilespmem:s31+$0x0]  }
0x269: {  	v49 =	vld [tilespmem:s5+$0x10]  }
0x26a: {  	s6 =	simm.s32 $0x1A040;
	v50 =	vld [tilespmem:s30+$0x10]  }
0x26b: {  	v29 =	vld [tilespmem:s6+$0x30]  }
0x26c: {  	v56 =	vld [tilespmem:s6+$0xFFFFFFC0];
	v8 =	vand.u32 $0xFFF, v3  }
0x26d: {  	v60 =	vld [tilespmem:s6+$0xFFFFFFD0];
	v12 =	vand.u32 $0xFFF, v4  }
0x26e: {  	v35 =	vld [tilespmem:s6+$0xFFFFFFE0];
	v15 =	vand.u32 $0xFFF, v5;
	v18 =	vand.u32 $0xFFF, v6;
	v10 =	vmin.u32 v8, $0xFFE  }
0x26f: {  	v40 =	vld [tilespmem:s6+$0xFFFFFFF0];
	v21 =	vand.u32 $0xFFF, v7;
	v23 =	vand.u32 $0xFFF, v11;
	v10 =	vadd.s32 $0x1, v10  }
0x270: {  	v48 =	vld [tilespmem:s6+$0x0];
	v24 =	vand.u32 $0xFFF, v9;
	v28 =	vand.u32 $0xFFF, v13;
	v3 =	vshra.s32 v3, $0xC  }
0x271: {  	v11 =	vshra.s32 v11, $0xC;
	v4 =	vshra.s32 v4, $0xC;
	v5 =	vshra.s32 v5, $0xC;
	v8 =	vld.idx.msk [tilespmem:v8+s26+$0x0], $0xffff  }
0x272: {  	v6 =	vshra.s32 v6, $0xC;
	v7 =	vshra.s32 v7, $0xC;
	v14 =	vmin.u32 v12, $0xFFE;
	v51 =	vld.idx.msk [tilespmem:v12+s26+$0x0], $0xffff  }
0x273: {  	v9 =	vshra.s32 v9, $0xC;
	v17 =	vmin.u32 v15, $0xFFE;
	v14 =	vadd.s32 $0x1, v14;
	v52 =	vld.idx.msk [tilespmem:v15+s26+$0x0], $0xffff  }
0x274: {  	v42 =	vshra.s32 v13, $0xC;
	v20 =	vmin.u32 v18, $0xFFE;
	v17 =	vadd.s32 $0x1, v17;
	v10 =	vld.idx.msk [tilespmem:v10+s26+$0x0], $0xffff  }
0x275: {  	v22 =	vmin.u32 v21, $0xFFE;
	v25 =	vmin.u32 v23, $0xFFE;
	v20 =	vadd.s32 $0x1, v20;
	v12 =	vld.idx.msk [tilespmem:v18+s26+$0x0], $0xffff  }
0x276: {  	v27 =	vmin.u32 v24, $0xFFE;
	v30 =	vmin.u32 v28, $0xFFE;
	v22 =	vadd.s32 $0x1, v22;
	v15 =	vld.idx.msk [tilespmem:v21+s26+$0x0], $0xffff  }
0x277: {  	vm0 =	vlt.s32 v3, $0xFFE;
	vm13 =	vlt.s32 v11, $0xFFE;
	v25 =	vadd.s32 $0x1, v25;
	v18 =	vld.idx.msk [tilespmem:v28+s26+$0x0], $0xffff  }
0x278: {  	v61 =	vadd.s32 v0, v4;
	v31 =	vnsel vm0, $0xFFE, v3;
	v3 =	vadd.s32 v0, v3;
	v14 =	vld.idx.msk [tilespmem:v14+s26+$0x0], $0xffff  }
0x279: {  	vm1 =	vlt.s32 v5, $0xFFE;
	v17 =	vld.idx.msk [tilespmem:v17+s26+$0x0], $0xffff;
	v16 =	vmul.f32 v16, v8;
	v19 =	vmul.f32 v19, v10  }
0x27a: {  	vm2 =	vlt.s32 v6, $0xFFE;
	vm3 =	vlt.s32 v7, $0xFFE;
	v27 =	vadd.s32 $0x1, v27;
	v20 =	vld.idx.msk [tilespmem:v20+s26+$0x0], $0xffff  }
0x27b: {  	vm4 =	vlt.s32 v9, $0xFFE;
	v30 =	vadd.s32 $0x1, v30;
	v22 =	vld.idx.msk [tilespmem:v22+s26+$0x0], $0xffff;
	v16 =	vadd.f32 v19, v16  }
0x27c: {  	s29 =	simm.s32 $0x0;
	v36 =	vnsel vm13, $0xFFE, v11;
	v11 =	vadd.s32 v0, v11;
	v43 =	vnsel vm1, $0xFFE, v5;
	v25 =	vld.idx.msk [tilespmem:v25+s26+$0x0], $0xffff  }
0x27d: {  	v44 =	vnsel vm2, $0xFFE, v6;
	v45 =	vnsel vm3, $0xFFE, v7;
	v47 =	vnsel vm4, $0xFFE, v9;
	[tilespmem:v3+s29+$0x0] =	vst.idx.add.f32.msk $0xffff, v16  }
0x27e: {  	v5 =	vadd.s32 v0, v5;
	v6 =	vadd.s32 v0, v6;
	v7 =	vadd.s32 v0, v7;
	v3 =	vld.idx.msk [tilespmem:v23+s26+$0x0], $0xffff  }
0x27f: {  	v9 =	vadd.s32 v0, v9;
	v31 =	vadd.s32 v2, v31;
	v8 =	vmul.f32 v26, v8;
	v26 =	vld.idx.msk [tilespmem:v27+s26+$0x0], $0xffff  }
0x280: {  	v36 =	vadd.s32 v2, v36;
	v10 =	vmul.f32 v29, v10;
	v39 =	vmul.f32 v58, v14;
	v58 =	vld [tilespmem:s31+$0x20]  }
0x281: {  	v13 =	vadd.s32 v2, v43;
	v32 =	vmul.f32 v32, v52;
	v33 =	vmul.f32 v33, v17;
	v19 =	vld.idx.msk [tilespmem:v30+s26+$0x0], $0xffff  }
0x282: {  	v63 =	vmul.f32 v57, v51;
	v8 =	vadd.f32 v10, v8;
	v10 =	vmul.f32 v34, v52;
	v52 =	vld [tilespmem:s6+$0x10]  }
0x283: {  	v32 =	vadd.f32 v33, v32;
	v16 =	vld.idx.msk [tilespmem:v24+s26+$0x0], $0xffff;
	v23 =	vmul.f32 v54, v25;
	v21 =	vmul.f32 v53, v3  }
0x284: {  	v28 =	vadd.s32 v2, v47;
	v25 =	vmul.f32 v56, v25;
	v56 =	vld [tilespmem:s30+$0x20];
	v3 =	vmul.f32 v55, v3  }
0x285: {  	v57 =	vadd.s32 v0, v42;
	[tilespmem:v5+s29+$0x0] =	vst.idx.add.f32.msk $0xffff, v32;
	v21 =	vadd.f32 v23, v21  }
0x286: {  	v17 =	vmul.f32 v35, v17;
	[tilespmem:v31+s29+$0x0] =	vst.idx.add.f32.msk $0xffff, v8;
	v3 =	vadd.f32 v25, v3  }
0x287: {  	v14 =	vmul.f32 v60, v14;
	v60 =	vmul.f32 v50, v26;
	[tilespmem:v11+s29+$0x0] =	vst.idx.add.f32.msk $0xffff, v21  }
0x288: {  	vm14 =	vlt.s32 v4, $0xFFE;
	v10 =	vadd.f32 v17, v10;
	v8 =	vmul.f32 v59, v51;
	[tilespmem:v36+s29+$0x0] =	vst.idx.add.f32.msk $0xffff, v3  }
0x289: {  	v54 =	vmul.f32 v37, v12;
	v12 =	vmul.f32 v62, v12;
	v3 =	vnsel vm14, $0xFFE, v4;
	v4 =	vld [tilespmem:s30+$0x0]  }
0x28a: {  	[tilespmem:v13+s29+$0x0] =	vst.idx.add.f32.msk $0xffff, v10;
	v8 =	vadd.f32 v14, v8;
	v55 =	vmul.f32 v38, v20  }
0x28b: {  	v51 =	vld [tilespmem:s31+$0x10];
	v20 =	vmul.f32 v40, v20;
	v5 =	vmul.f32 v49, v16;
	v3 =	vadd.s32 v2, v3  }
0x28c: {  	v59 =	vld [tilespmem:s6+$0x20];
	v23 =	vadd.f32 v39, v63;
	v17 =	vadd.f32 v55, v54;
	v25 =	vmul.f32 v41, v15  }
0x28d: {  	v53 =	vld [tilespmem:s5+$0x20];
	v12 =	vadd.f32 v20, v12;
	v15 =	vmul.f32 v46, v15;
	v21 =	vadd.s32 v2, v44  }
0x28e: {  	v5 =	vadd.f32 v60, v5;
	[tilespmem:v61+s29+$0x0] =	vst.idx.add.f32.msk $0xffff, v23;
	v4 =	vmul.f32 v4, v22  }
0x28f: {  	v63 =	vmul.f32 v56, v19;
	v23 =	vadd.s32 v2, v45;
	[tilespmem:v6+s29+$0x0] =	vst.idx.add.f32.msk $0xffff, v17  }
0x290: {  	[tilespmem:v3+s29+$0x0] =	vst.idx.add.f32.msk $0xffff, v8;
	v3 =	vadd.f32 v4, v25;
	v4 =	vmul.f32 v48, v22  }
0x291: {  	v61 =	vmul.f32 v51, v16;
	v6 =	vmul.f32 v52, v26;
	[tilespmem:v9+s29+$0x0] =	vst.idx.add.f32.msk $0xffff, v5  }
0x292: {  	v62 =	vmul.f32 v53, v18;
	[tilespmem:v21+s29+$0x0] =	vst.idx.add.f32.msk $0xffff, v12;
	v4 =	vadd.f32 v4, v15  }
0x293: {  	[tilespmem:v7+s29+$0x0] =	vst.idx.add.f32.msk $0xffff, v3;
	v3 =	vadd.f32 v6, v61;
	v6 =	vmul.f32 v58, v18  }
0x294: {  	vm15 =	vlt.s32 v42, $0xFFE;
	v7 =	vadd.f32 v63, v62;
	[tilespmem:v23+s29+$0x0] =	vst.idx.add.f32.msk $0xffff, v4;
	v4 =	vmul.f32 v59, v19  }
0x295: {  	v5 =	vnsel vm15, $0xFFE, v42;
	[tilespmem:v28+s29+$0x0] =	vst.idx.add.f32.msk $0xffff, v3  }
0x296: {  	s16 =	simm.s32 $0x0;
	s7 =	simm.s32 $0x160C0;
	v3 =	vadd.s32 v2, v5;
	[tilespmem:v57+s29+$0x0] =	vst.idx.add.f32.msk $0xffff, v7;
	v4 =	vadd.f32 v4, v6  }
.LBB2_10:
0x297: {  	v5 =	vld [tilespmem:s7+$0x30]  }
0x298: {  	s16 =	sadd.s32 $0x8, s16;
	v6 =	vld [tilespmem:s7+$0xFFFFFFD0]  }
0x299: {  	p0 =	slt.u32 s16, $0xF8;
	v7 =	vld [tilespmem:s7+$0xFFFFFFE0]  }
0x29a: {  	v8 =	vld [tilespmem:s7+$0xFFFFFFF0]  }
0x29b: {  	v9 =	vld [tilespmem:s7+$0x0]  }
0x29c: {  	v10 =	vld [tilespmem:s7+$0x10];
	v11 =	vand.u32 $0xFFF, v5  }
0x29d: {  	v12 =	vshra.s32 v6, $0xC;
	v6 =	vand.u32 $0xFFF, v6;
	v13 =	vld [tilespmem:s7+$0x20];
	v14 =	vmin.u32 v11, $0xFFE  }
0x29e: {  	v15 =	vld [tilespmem:s7+$0xFFFFFFC0];
	v16 =	vmin.u32 v6, $0xFFE;
	v17 =	vand.u32 $0xFFF, v7;
	v14 =	vadd.s32 $0x1, v14  }
0x29f: {  	s5 =	sadd.s32 $0x80, s5;
	v16 =	vadd.s32 $0x1, v16;
	v18 =	vmin.u32 v17, $0xFFE;
	v19 =	vand.u32 $0xFFF, v8;
	[tilespmem:v3+s29+$0x0] =	vst.idx.add.f32.msk $0xffff, v4  }
0x2a0: {  	s30 =	sadd.s32 $0x80, s30;
	v3 =	vadd.s32 $0x1, v18;
	v4 =	vmin.u32 v19, $0xFFE;
	v18 =	vand.u32 $0xFFF, v9;
	v20 =	vld [tilespmem:s5+$0x30]  }
0x2a1: {  	v4 =	vadd.s32 $0x1, v4;
	v21 =	vmin.u32 v18, $0xFFE;
	v22 =	vand.u32 $0xFFF, v10;
	v23 =	vld [tilespmem:s30+$0x30]  }
0x2a2: {  	v21 =	vadd.s32 $0x1, v21;
	v24 =	vmin.u32 v22, $0xFFE;
	v25 =	vand.u32 $0xFFF, v13;
	v11 =	vld.idx.msk [tilespmem:v11+s26+$0x0], $0xffff  }
0x2a3: {  	s31 =	sadd.s32 $0x80, s31;
	v26 =	vand.u32 $0xFFF, v15;
	v24 =	vadd.s32 $0x1, v24;
	v27 =	vmin.u32 v25, $0xFFE;
	v14 =	vld.idx.msk [tilespmem:v14+s26+$0x0], $0xffff  }
0x2a4: {  	s6 =	sadd.s32 $0x80, s6;
	v15 =	vshra.s32 v15, $0xC;
	v28 =	vmin.u32 v26, $0xFFE;
	v27 =	vadd.s32 $0x1, v27;
	v29 =	vld [tilespmem:s31+$0x30]  }
0x2a5: {  	v30 =	vshra.s32 v7, $0xC;
	v31 =	vshra.s32 v8, $0xC;
	v28 =	vadd.s32 $0x1, v28;
	v7 =	vld [tilespmem:s6+$0x30]  }
0x2a6: {  	v5 =	vshra.s32 v5, $0xC;
	v32 =	vshra.s32 v9, $0xC;
	v33 =	vshra.s32 v10, $0xC;
	v16 =	vld.idx.msk [tilespmem:v16+s26+$0x0], $0xffff  }
0x2a7: {  	vm1 =	vlt.s32 v5, $0xFFE;
	v13 =	vshra.s32 v13, $0xC;
	vm0 =	vlt.s32 v15, $0xFFE;
	v34 =	vld.idx.msk [tilespmem:v3+s26+$0x0], $0xffff  }
0x2a8: {  	vm2 =	vlt.s32 v12, $0xFFE;
	v9 =	vadd.s32 v0, v5;
	v3 =	vnsel vm1, $0xFFE, v5;
	v35 =	vld.idx.msk [tilespmem:v4+s26+$0x0], $0xffff  }
0x2a9: {  	v4 =	vmul.f32 v20, v11;
	v10 =	vmul.f32 v23, v14;
	v3 =	vadd.s32 v2, v3;
	v8 =	vld.idx.msk [tilespmem:v21+s26+$0x0], $0xffff  }
0x2aa: {  	vm1 =	vlt.s32 v30, $0xFFE;
	v11 =	vmul.f32 v29, v11;
	v20 =	vld.idx.msk [tilespmem:v28+s26+$0x0], $0xffff;
	v7 =	vmul.f32 v7, v14  }
0x2ab: {  	vm3 =	vlt.s32 v31, $0xFFE;
	vm4 =	vlt.s32 v32, $0xFFE;
	v10 =	vadd.f32 v10, v4;
	v5 =	vld.idx.msk [tilespmem:v24+s26+$0x0], $0xffff  }
0x2ac: {  	vm5 =	vlt.s32 v33, $0xFFE;
	vm6 =	vlt.s32 v13, $0xFFE;
	v4 =	vld.idx.msk [tilespmem:v27+s26+$0x0], $0xffff;
	v7 =	vadd.f32 v7, v11  }
0x2ad: {  	v21 =	vnsel vm1, $0xFFE, v30;
	v14 =	vnsel vm2, $0xFFE, v12;
	v11 =	vnsel vm0, $0xFFE, v15;
	[tilespmem:v9+s29+$0x0] =	vst.idx.add.f32.msk $0xffff, v10  }
0x2ae: {  	v23 =	vnsel vm4, $0xFFE, v32;
	v24 =	vnsel vm5, $0xFFE, v33;
	v9 =	vnsel vm3, $0xFFE, v31;
	[tilespmem:v3+s29+$0x0] =	vst.idx.add.f32.msk $0xffff, v7  }
0x2af: {  	v14 =	vadd.s32 v2, v14;
	v11 =	vadd.s32 v2, v11;
	v3 =	vnsel vm6, $0xFFE, v13;
	v26 =	vld.idx.msk [tilespmem:v26+s26+$0x0], $0xffff  }
0x2b0: {  	v10 =	vadd.s32 v2, v21;
	v9 =	vadd.s32 v2, v9;
	v27 =	vld.idx.msk [tilespmem:v6+s26+$0x0], $0xffff;
	v6 =	vadd.s32 v2, v23  }
0x2b1: {  	v15 =	vadd.s32 v0, v15;
	v7 =	vadd.s32 v2, v24;
	v3 =	vadd.s32 v2, v3;
	v17 =	vld.idx.msk [tilespmem:v17+s26+$0x0], $0xffff  }
0x2b2: {  	v12 =	vadd.s32 v0, v12;
	v21 =	vadd.s32 v0, v30;
	v23 =	vadd.s32 v0, v31;
	v19 =	vld.idx.msk [tilespmem:v19+s26+$0x0], $0xffff  }
0x2b3: {  	v28 =	vadd.s32 v0, v33;
	v24 =	vadd.s32 v0, v32;
	v13 =	vadd.s32 v0, v13;
	v18 =	vld.idx.msk [tilespmem:v18+s26+$0x0], $0xffff  }
0x2b4: {  	v22 =	vld.idx.msk [tilespmem:v22+s26+$0x0], $0xffff  }
0x2b5: {  	v25 =	vld.idx.msk [tilespmem:v25+s26+$0x0], $0xffff  }
0x2b6: {  	v29 =	vld [tilespmem:s5+$0xFFFFFFC0]  }
0x2b7: {  	v30 =	vld [tilespmem:s30+$0xFFFFFFC0]  }
0x2b8: {  	v31 =	vld [tilespmem:s31+$0xFFFFFFC0]  }
0x2b9: {  	v32 =	vld [tilespmem:s6+$0xFFFFFFC0]  }
0x2ba: {  	v33 =	vld [tilespmem:s5+$0xFFFFFFD0]  }
0x2bb: {  	v29 =	vmul.f32 v29, v26;
	v36 =	vld [tilespmem:s30+$0xFFFFFFD0]  }
0x2bc: {  	v30 =	vmul.f32 v30, v20;
	v37 =	vld [tilespmem:s31+$0xFFFFFFD0]  }
0x2bd: {  	v26 =	vmul.f32 v31, v26;
	v31 =	vld [tilespmem:s6+$0xFFFFFFD0]  }
0x2be: {  	v29 =	vadd.f32 v30, v29;
	v20 =	vmul.f32 v32, v20;
	v30 =	vld [tilespmem:s5+$0xFFFFFFE0]  }
0x2bf: {  	v32 =	vmul.f32 v33, v27;
	v33 =	vld [tilespmem:s30+$0xFFFFFFE0]  }
0x2c0: {  	v20 =	vadd.f32 v20, v26;
	v26 =	vmul.f32 v36, v16;
	v36 =	vld [tilespmem:s31+$0xFFFFFFE0]  }
0x2c1: {  	v27 =	vmul.f32 v37, v27;
	v37 =	vld [tilespmem:s6+$0xFFFFFFE0]  }
0x2c2: {  	v26 =	vadd.f32 v26, v32;
	v16 =	vmul.f32 v31, v16;
	v31 =	vld [tilespmem:s5+$0xFFFFFFF0]  }
0x2c3: {  	v30 =	vmul.f32 v30, v17;
	v32 =	vld [tilespmem:s30+$0xFFFFFFF0]  }
0x2c4: {  	v16 =	vadd.f32 v16, v27;
	v27 =	vmul.f32 v33, v34;
	v33 =	vld [tilespmem:s31+$0xFFFFFFF0]  }
0x2c5: {  	v17 =	vmul.f32 v36, v17;
	v36 =	vld [tilespmem:s6+$0xFFFFFFF0]  }
0x2c6: {  	v27 =	vadd.f32 v27, v30;
	v30 =	vmul.f32 v37, v34;
	v34 =	vld [tilespmem:s5+$0x0]  }
0x2c7: {  	v31 =	vmul.f32 v31, v19;
	v37 =	vld [tilespmem:s30+$0x0]  }
0x2c8: {  	v17 =	vadd.f32 v30, v17;
	v30 =	vmul.f32 v32, v35;
	v32 =	vld [tilespmem:s31+$0x0]  }
0x2c9: {  	v19 =	vmul.f32 v33, v19;
	v33 =	vld [tilespmem:s6+$0x0]  }
0x2ca: {  	v30 =	vadd.f32 v30, v31;
	v31 =	vmul.f32 v36, v35;
	v35 =	vld [tilespmem:s5+$0x10]  }
0x2cb: {  	v34 =	vmul.f32 v34, v18;
	v36 =	vld [tilespmem:s30+$0x10]  }
0x2cc: {  	v19 =	vadd.f32 v31, v19;
	v31 =	vmul.f32 v37, v8;
	v37 =	vld [tilespmem:s31+$0x10]  }
0x2cd: {  	v18 =	vmul.f32 v32, v18;
	v32 =	vld [tilespmem:s6+$0x10]  }
0x2ce: {  	v31 =	vadd.f32 v31, v34;
	v8 =	vmul.f32 v33, v8;
	v33 =	vld [tilespmem:s5+$0x20]  }
0x2cf: {  	v34 =	vmul.f32 v35, v22;
	v35 =	vld [tilespmem:s30+$0x20]  }
0x2d0: {  	v8 =	vadd.f32 v8, v18;
	v18 =	vmul.f32 v36, v5;
	v36 =	vld [tilespmem:s31+$0x20]  }
0x2d1: {  	v22 =	vmul.f32 v37, v22;
	v37 =	vld [tilespmem:s6+$0x20]  }
0x2d2: {  	[tilespmem:v15+s29+$0x0] =	vst.idx.add.f32.msk $0xffff, v29;
	v15 =	vadd.f32 v18, v34;
	v5 =	vmul.f32 v32, v5  }
0x2d3: {  	[tilespmem:v11+s29+$0x0] =	vst.idx.add.f32.msk $0xffff, v20;
	v11 =	vmul.f32 v33, v25  }
0x2d4: {  	[tilespmem:v12+s29+$0x0] =	vst.idx.add.f32.msk $0xffff, v26;
	v5 =	vadd.f32 v5, v22;
	v12 =	vmul.f32 v35, v4  }
0x2d5: {  	[tilespmem:v14+s29+$0x0] =	vst.idx.add.f32.msk $0xffff, v16;
	v14 =	vmul.f32 v36, v25  }
0x2d6: {  	[tilespmem:v21+s29+$0x0] =	vst.idx.add.f32.msk $0xffff, v27;
	v11 =	vadd.f32 v12, v11;
	v4 =	vmul.f32 v37, v4  }
0x2d7: {  	[tilespmem:v10+s29+$0x0] =	vst.idx.add.f32.msk $0xffff, v17  }
0x2d8: {  	[tilespmem:v23+s29+$0x0] =	vst.idx.add.f32.msk $0xffff, v30;
	v4 =	vadd.f32 v4, v14  }
0x2d9: {  	[tilespmem:v9+s29+$0x0] =	vst.idx.add.f32.msk $0xffff, v19  }
.Ltmp4:
0x2da: {  	[tilespmem:v24+s29+$0x0] =	vst.idx.add.f32.msk $0xffff, v31;
	(pc) =	sbr.rel @p0 .LBB2_10-.Ltmp4, $4  }
0x2db: {  	[tilespmem:v6+s29+$0x0] =	vst.idx.add.f32.msk $0xffff, v8  }
0x2dc: {  	[tilespmem:v28+s29+$0x0] =	vst.idx.add.f32.msk $0xffff, v15  }
0x2dd: {  	[tilespmem:v7+s29+$0x0] =	vst.idx.add.f32.msk $0xffff, v5  }
0x2de: {  	s7 =	sadd.s32 $0x80, s7;
	[tilespmem:v13+s29+$0x0] =	vst.idx.add.f32.msk $0xffff, v11  }
0x2df: {  	_ =	sdelay $0x3  }
0x2e0: {  	[tilespmem:v3+s29+$0x0] =	vst.idx.add.f32.msk $0xffff, v4;
	s5 =	simm.s32 $0x0  }
0x2e1: {  	v3 =	vld [tilespmem:s5+$0x0]  }
0x2e2: {  	v4 =	vld [tilespmem:s5+$0x10]  }
0x2e3: {  	v5 =	vld [tilespmem:s5+$0x1010]  }
0x2e4: {  	v8 =	vld [tilespmem:s5+$0x2010]  }
0x2e5: {  	s6 =	sand.u32 $0xFE0, s29;
	[tilespmem:s5+$0x0] =	vst v1;
	v9 =	vld [tilespmem:s5+$0x3010]  }
0x2e6: {  	v6 =	vld [tilespmem:s6+$0x1000]  }
0x2e7: {  	v11 =	vld [tilespmem:s5+$0x4010]  }
0x2e8: {  	v7 =	vld [tilespmem:s6+$0x2000]  }
0x2e9: {  	[tilespmem:s5+$0x10] =	vst v1;
	v13 =	vld [tilespmem:s5+$0xD010]  }
0x2ea: {  	[tilespmem:s5+$0x1010] =	vst v1;
	v10 =	vld [tilespmem:s6+$0x3000];
	v4 =	vadd.f32 v5, v4  }
0x2eb: {  	[tilespmem:s5+$0x2010] =	vst v1;
	v12 =	vld [tilespmem:s6+$0x4000];
	v3 =	vadd.f32 v6, v3  }
0x2ec: {  	[tilespmem:s5+$0x3010] =	vst v1;
	v62 =	vld [tilespmem:s6+$0x8000];
	v4 =	vadd.f32 v8, v4  }
0x2ed: {  	[tilespmem:s5+$0x4010] =	vst v1;
	v5 =	vld [tilespmem:s5+$0x5010];
	v3 =	vadd.f32 v7, v3  }
0x2ee: {  	[tilespmem:s5+$0xD010] =	vst v1;
	v6 =	vld [tilespmem:s6+$0x5000];
	v4 =	vadd.f32 v9, v4  }
0x2ef: {  	[tilespmem:s6+$0x2000] =	vst v1;
	v7 =	vld [tilespmem:s5+$0x6010];
	v3 =	vadd.f32 v10, v3  }
0x2f0: {  	[tilespmem:s6+$0x1000] =	vst v1;
	v8 =	vld [tilespmem:s6+$0x6000];
	v4 =	vadd.f32 v11, v4  }
0x2f1: {  	[tilespmem:s6+$0x3000] =	vst v1;
	v9 =	vld [tilespmem:s5+$0x7010];
	v3 =	vadd.f32 v12, v3  }
0x2f2: {  	[tilespmem:s6+$0x4000] =	vst v1;
	v10 =	vld [tilespmem:s6+$0x7000];
	v4 =	vadd.f32 v5, v4  }
0x2f3: {  	[tilespmem:s6+$0x8000] =	vst v1;
	v11 =	vld [tilespmem:s5+$0x8010];
	v3 =	vadd.f32 v6, v3  }
0x2f4: {  	v63 =	vld [tilespmem:s6+$0xC000];
	[tilespmem:s6+$0xC000] =	vst v1;
	v4 =	vadd.f32 v7, v4  }
0x2f5: {  	[tilespmem:s5+$0x5010] =	vst v1;
	v5 =	vld [tilespmem:s5+$0x9010];
	v3 =	vadd.f32 v8, v3  }
0x2f6: {  	[tilespmem:s6+$0x5000] =	vst v1;
	v6 =	vld [tilespmem:s6+$0x9000];
	v4 =	vadd.f32 v9, v4  }
0x2f7: {  	[tilespmem:s6+$0x6000] =	vst v1;
	v7 =	vld [tilespmem:s5+$0xA010];
	v3 =	vadd.f32 v10, v3  }
0x2f8: {  	[tilespmem:s5+$0x6010] =	vst v1;
	v8 =	vld [tilespmem:s6+$0xA000];
	v4 =	vadd.f32 v11, v4  }
0x2f9: {  	[tilespmem:s5+$0x7010] =	vst v1;
	v9 =	vld [tilespmem:s5+$0xB010];
	v3 =	vadd.f32 v62, v3  }
0x2fa: {  	[tilespmem:s6+$0x7000] =	vst v1;
	v10 =	vld [tilespmem:s6+$0xB000];
	v4 =	vadd.f32 v5, v4  }
0x2fb: {  	[tilespmem:s5+$0x8010] =	vst v1;
	v11 =	vld [tilespmem:s5+$0xC010];
	v3 =	vadd.f32 v6, v3  }
0x2fc: {  	[tilespmem:s5+$0x9010] =	vst v1;
	v4 =	vadd.f32 v7, v4  }
0x2fd: {  	[tilespmem:s6+$0x9000] =	vst v1;
	v5 =	vadd.f32 v8, v3  }
0x2fe: {  	[tilespmem:s5+$0xA010] =	vst v1;
	v8 =	vld [tilespmem:s6+$0xD000];
	v4 =	vadd.f32 v9, v4  }
0x2ff: {  	[tilespmem:s6+$0xA000] =	vst v1;
	v3 =	vld [tilespmem:s5+$0xE010];
	v5 =	vadd.f32 v10, v5  }
0x300: {  	[tilespmem:s5+$0xB010] =	vst v1;
	v6 =	vld [tilespmem:s6+$0xE000];
	v7 =	vadd.f32 v11, v4  }
0x301: {  	[tilespmem:s6+$0xB000] =	vst v1;
	v4 =	vld [tilespmem:s5+$0xF010];
	v9 =	vadd.f32 v63, v5  }
0x302: {  	[tilespmem:s5+$0xC010] =	vst v1;
	v5 =	vld [tilespmem:s6+$0xF000];
	v7 =	vadd.f32 v13, v7  }
0x303: {  	s7 =	simm.s32 $0x0;
	s16 =	simm.s32 $0x80;
	[tilespmem:s5+$0xE010] =	vst v1;
	v8 =	vadd.f32 v8, v9  }
.LBB2_12:
0x304: {  	s30 =	sshra.s32 s16, $0x2;
	v3 =	vadd.f32 v3, v7;
	[tilespmem:s5+$0xF010] =	vst v1  }
0x305: {  	v7 =	vld [tilespmem:s30+$0x0];
	[tilespmem:s30+$0x0] =	vst v1;
	v6 =	vadd.f32 v6, v8  }
0x306: {  	s7 =	sadd.s32 $0x2, s7;
	s29 =	sadd.s32 $0x20, s29;
	v8 =	vld [tilespmem:s30+$0x10];
	[tilespmem:s6+$0xD000] =	vst v1;
	v3 =	vadd.f32 v4, v3  }
0x307: {  	s31 =	sand.u32 $0xFE0, s29;
	p0 =	slt.u32 s7, $0xFE;
	v4 =	vld [tilespmem:s30+$0x1010];
	[tilespmem:s6+$0xE000] =	vst v1;
	v5 =	vadd.f32 v5, v6  }
0x308: {  	v6 =	vld [tilespmem:s31+$0x1000];
	[tilespmem:s6+$0xF000] =	vst v1;
	s6 =	smov.u32 s31  }
0x309: {  	v9 =	vld [tilespmem:s30+$0x2010];
	[tilespmem:s5+$0x1B000] =	vst v5  }
0x30a: {  	v5 =	vld [tilespmem:s6+$0x2000];
	[tilespmem:s6+$0x2000] =	vst v1  }
0x30b: {  	[tilespmem:s6+$0x1000] =	vst v1;
	v10 =	vld [tilespmem:s30+$0x3010]  }
0x30c: {  	v11 =	vld [tilespmem:s6+$0x3000];
	[tilespmem:s6+$0x3000] =	vst v1;
	v4 =	vadd.f32 v4, v8  }
0x30d: {  	v6 =	vadd.f32 v6, v7;
	v7 =	vld [tilespmem:s30+$0x4010];
	[tilespmem:s5+$0x1B010] =	vst v3;
	s5 =	smov.u32 s30  }
0x30e: {  	v3 =	vld [tilespmem:s6+$0x4000];
	[tilespmem:s6+$0x4000] =	vst v1;
	v4 =	vadd.f32 v9, v4  }
0x30f: {  	v5 =	vadd.f32 v5, v6;
	[tilespmem:s5+$0x10] =	vst v1;
	v6 =	vld [tilespmem:s5+$0x5010]  }
0x310: {  	v8 =	vld [tilespmem:s6+$0x5000];
	[tilespmem:s6+$0x5000] =	vst v1;
	v4 =	vadd.f32 v10, v4  }
0x311: {  	v5 =	vadd.f32 v11, v5;
	[tilespmem:s5+$0x1010] =	vst v1;
	v9 =	vld [tilespmem:s5+$0x6010]  }
0x312: {  	v10 =	vld [tilespmem:s6+$0x6000];
	[tilespmem:s6+$0x6000] =	vst v1;
	v4 =	vadd.f32 v7, v4  }
0x313: {  	v3 =	vadd.f32 v3, v5;
	[tilespmem:s5+$0x2010] =	vst v1;
	v5 =	vld [tilespmem:s5+$0x7010]  }
0x314: {  	v7 =	vld [tilespmem:s6+$0x7000];
	[tilespmem:s6+$0x7000] =	vst v1;
	v4 =	vadd.f32 v6, v4  }
0x315: {  	v3 =	vadd.f32 v8, v3;
	[tilespmem:s5+$0x3010] =	vst v1;
	v6 =	vld [tilespmem:s5+$0x8010]  }
0x316: {  	v8 =	vld [tilespmem:s6+$0x8000];
	[tilespmem:s6+$0x8000] =	vst v1;
	v4 =	vadd.f32 v9, v4  }
0x317: {  	v3 =	vadd.f32 v10, v3;
	[tilespmem:s5+$0x4010] =	vst v1;
	v9 =	vld [tilespmem:s5+$0x9010]  }
0x318: {  	v10 =	vld [tilespmem:s6+$0x9000];
	[tilespmem:s6+$0x9000] =	vst v1;
	v4 =	vadd.f32 v5, v4  }
0x319: {  	v3 =	vadd.f32 v7, v3;
	[tilespmem:s5+$0x5010] =	vst v1;
	v5 =	vld [tilespmem:s5+$0xA010]  }
0x31a: {  	v7 =	vld [tilespmem:s6+$0xA000];
	[tilespmem:s6+$0xA000] =	vst v1;
	v4 =	vadd.f32 v6, v4  }
0x31b: {  	v3 =	vadd.f32 v8, v3;
	[tilespmem:s5+$0x6010] =	vst v1;
	v6 =	vld [tilespmem:s5+$0xB010]  }
0x31c: {  	v8 =	vld [tilespmem:s6+$0xB000];
	[tilespmem:s6+$0xB000] =	vst v1;
	v4 =	vadd.f32 v9, v4  }
0x31d: {  	v3 =	vadd.f32 v10, v3;
	[tilespmem:s5+$0x7010] =	vst v1;
	v9 =	vld [tilespmem:s5+$0xC010]  }
0x31e: {  	v10 =	vld [tilespmem:s6+$0xC000];
	[tilespmem:s6+$0xC000] =	vst v1;
	v4 =	vadd.f32 v5, v4  }
0x31f: {  	v3 =	vadd.f32 v7, v3;
	[tilespmem:s5+$0x8010] =	vst v1;
	v7 =	vld [tilespmem:s5+$0xD010]  }
0x320: {  	v11 =	vld [tilespmem:s6+$0xD000];
	[tilespmem:s5+$0x9010] =	vst v1;
	v4 =	vadd.f32 v6, v4  }
.Ltmp5:
0x321: {  	v5 =	vadd.f32 v8, v3;
	[tilespmem:s5+$0xA010] =	vst v1;
	v3 =	vld [tilespmem:s5+$0xE010];
	(pc) =	sbr.rel @p0 .LBB2_12-.Ltmp5, $4  }
0x322: {  	v6 =	vld [tilespmem:s6+$0xE000];
	[tilespmem:s5+$0xB010] =	vst v1;
	v8 =	vadd.f32 v9, v4  }
0x323: {  	v9 =	vadd.f32 v10, v5;
	[tilespmem:s5+$0xC010] =	vst v1;
	v4 =	vld [tilespmem:s5+$0xF010]  }
0x324: {  	v5 =	vld [tilespmem:s6+$0xF000];
	v7 =	vadd.f32 v7, v8;
	[tilespmem:s5+$0xD010] =	vst v1  }
0x325: {  	s16 =	sadd.s32 $0x80, s16;
	v8 =	vadd.f32 v11, v9;
	[tilespmem:s5+$0xE010] =	vst v1  }
0x326: {  	[tilespmem:s5+$0xF010] =	vst v1;
	v3 =	vadd.f32 v3, v7  }
0x327: {  	[tilespmem:s6+$0xD000] =	vst v1;
	v6 =	vadd.f32 v6, v8  }
0x328: {  	[tilespmem:s6+$0xE000] =	vst v1;
	v3 =	vadd.f32 v4, v3  }
0x329: {  	[tilespmem:s6+$0xF000] =	vst v1;
	s4 =	sadd.s32 $0x1, s4;
	v5 =	vadd.f32 v5, v6  }
0x32a: {  	p0 =	sne.s32 s4, s25;
	[tilespmem:s5+$0x1B010] =	vst v3  }
.Ltmp6:
0x32b: {  	s31 =	simm.s32 $0x1B000;
	[tilespmem:s5+$0x1B000] =	vst v5;
	(pc) =	sbr.rel @p0 .LBB2_1-.Ltmp6, $4  }
0x32c: {  	[hbm4b:s24+s1] =	stream.linear.scatter [tilespmem:s31], [sflag:$0x3], $0x1000, $0x38;
	[tilespmem:$0x1C000] =	vst v63  }
0x32d: {  	_ =	swait.ge [sflag:s28], $0x1000  }
0x32e: {  	[sflag:s28] =	ssyncset.done $0x0  }
0x32f: {  	s7 =	simm.s32 $0x11000;
	[sflag:s28] =	ssyncadd.s32 $0xFFFFF000  }
0x330: {  	_ =	sfence.sel $0x180000  }
0x331: {  	[bflag:$0x0] =	sbarrier.arrive $0xFFFF  }
0x332: {  	_ =	strace $0x90000047  }
0x333: {  	s0 =	stileid.u32;
	[bflag:$0x2] =	sbarrier.arrive $0xFFFF  }
0x334: {  	p0 =	sne.s32 s0, $0x0;
	s0 =	rddreg [dreg:$0x2]  }
0x335: {  	s0 =	sadd.s32 @!p0 $0x100000, s0  }
0x336: {  	[sflag:s0] =	ssyncadd.tile.s32 @!p0 $0x1;
	_ =	shalt  }
.Lfunc_end2:
_tile_overlayer_lowered:
.L_overlay_start_2:
0x337: {  	(tag) =	ssettag $0x2  }
0x338: {  	s0 =	rddreg [dreg:$0x0];
	s2 =	stileid.u32  }
0x339: {  	s1 =	rddreg [dreg:$0x1];
	p0 =	sne.s32 s2, $0x0  }
0x33a: {  	s3 =	rddreg [dreg:$0x2];
	[bflag:$0x3] =	sbarrier.arrive $0xFFFF;
	s2 =	simm.s32 @!p0 $0x1C03  }
0x33b: {  	[timem:s3], [sflag:s2] =	dma.local @!p0 [hbm:s0], s1  }
0x33c: {  	s0 =	simm.s32 @!p0 $0x3  }
0x33d: {  	_ =	swait.ge @!p0 [sflag:s0], s1  }
0x33e: {  	s1 =	ssub.s32 @!p0 $0x0, s1;
	[sflag:s0] =	ssyncset.done @!p0 $0x0  }
0x33f: {  	[sflag:s0] =	ssyncadd.s32 @!p0 s1  }
0x340: {  	[bflag:$0x3] =	sbarrier.arrive $0xFFFF  }
0x341: {  	_ =	shalt  }

// kernel: kernel.9.cloned.1.call-start
scs
__scs_entry_jumppad:
0x0: {  	(pc) =	sbr.rel $0x88, $3  }
0x1: {  	(tag) =	ssettag $0x0;
	lr =	simm.s32 $0x1  }
0x2: {  	[smem:$0x3F9F] =	sst lr;
	_ =	strace $0xD0000000  }
0x3: {  	_ = 	snop  }
0x4: {  	_ = 	snop  }
0x5: {  	_ = 	snop  }
0x6: {  	_ = 	snop  }
0x7: {  	_ = 	snop  }
__scs_overlays_trampoline_lowered:
0x8: {  	[smem:$0x3FAE] =	sst s0  }
0x9: {  	[smem:$0x3FAF] =	sst s1  }
0xa: {  	[smem:$0x3FB0] =	sst s2  }
0xb: {  	[smem:$0x3FB1] =	sst s3  }
0xc: {  	[smem:$0x3FB2] =	sst s4  }
0xd: {  	[smem:$0x3FB3] =	sst s5  }
0xe: {  	[smem:$0x3FB4] =	sst s6  }
0xf: {  	[smem:$0x3FB5] =	sst s7  }
0x10: {  	[smem:$0x3FB6] =	sst s8  }
0x11: {  	[smem:$0x3FB7] =	sst s9;
	s0 =	simm.s32 @!p0 $0x0  }
0x12: {  	s1 =	sld [smem:$0x3F9D];
	s0 =	simm.s32 @p0 $0x1  }
0x13: {  	[smem:$0x3FB8] =	sst s0;
	s0 =	simm.s32 @!p1 $0x0  }
0x14: {  	s2 =	sld [smem:$0x3F9C];
	s0 =	simm.s32 @p1 $0x1  }
0x15: {  	[smem:$0x3FB9] =	sst s0;
	s0 =	simm.s32 @!p2 $0x0  }
0x16: {  	s3 =	sld [smem:$0x3FDB];
	s0 =	simm.s32 @p2 $0x1  }
0x17: {  	s4 =	simm.s32 $0x1BF5;
	[smem:$0x3FBB] =	sst s0  }
0x18: {  	s0 =	sld [smem:$0x3F9E];
	_ =	swait.ge [sflag:s4], $0x0  }
0x19: {  	s7 =	sld [smem:$0x3F9F]  }
0x1a: {  	s8 =	sadd.s32 $0xFFFFE003, lr  }
0x1b: {  	s9 =	sadd.s32 $0xFFFFFEF7, lr;
	s5 =	simm.s32 $0xFFFFFFFF;
	p2 =	slt.u32 s8, $0xFFFFF086  }
0x1c: {  	p1 =	slt.u32 s9, $0xF7A;
	s5 =	simm.s32 @!p2 $0x0  }
0x1d: {  	s5 =	simm.s32 @p1 $0x1;
	p0 =	seq.s32 s7, s2  }
0x1e: {  	s7 =	smul.u32 @!p0 $0xF7A, s2;
	p2 =	seq.s32 @!p0 s5, $0x0  }
0x1f: {  	s9 =	smul.u32 $0xF7A, s1;
	s8 =	simm.s32 @!p0 $0x1BF5;
	p2 =	por !p2, p0  }
0x20: {  	[sflag:s8] =	ssyncset.s32 @!p0 $0xFFFFF086;
	s6 =	sadd.s32 @!p0 s3, s7;
	s7 =	simm.s32 @!p0 $0x108  }
0x21: {  	s3 =	sadd.s32 s3, s9;
	s6 =	sadd.s32 @!p0 $0x88, s6;
	s7 =	simm.s32 @p2 $0x1082  }
0x22: {  	[simem:s7], [sflag:s8] =	dma.local @!p0 [hbm:s6], $0xF7A  }
0x23: {  	s9 =	sor.u32 $0xD0000000, s2;
	s6 =	simm.s32 $0x108;
	_ =	swait.ge @!p0 [sflag:s8], $0x0  }
0x24: {  	s3 =	sadd.s32 $0x88, s3;
	s6 =	simm.s32 @!p1 $0x1082;
	[sflag:s4] =	ssyncset.s32 $0xFFFFF086  }
0x25: {  	[simem:s6], [sflag:s4] =	dma.local [hbm:s3], $0xF7A  }
0x26: {  	[smem:$0x3F9F] =	sst s1;
	(tag) =	ssettag s2;
	_ =	strace s9  }
0x27: {  	s1 =	sld [smem:$0x3FAF]  }
0x28: {  	s2 =	sld [smem:$0x3FB0]  }
0x29: {  	s4 =	sld [smem:$0x3FB2]  }
0x2a: {  	p0 =	seq.s32 s5, $0x0;
	s5 =	sld [smem:$0x3FB3]  }
0x2b: {  	s6 =	sld [smem:$0x3FB4]  }
0x2c: {  	s7 =	sld [smem:$0x3FB5]  }
0x2d: {  	s3 =	simm.s32 $0x108;
	s8 =	sld [smem:$0x3FB6]  }
0x2e: {  	s3 =	simm.s32 @!p0 $0x1082;
	s9 =	sld [smem:$0x3FB7]  }
0x2f: {  	lr =	sadd.s32 s0, s3;
	s0 =	sld [smem:$0x3FAE]  }
0x30: {  	s3 =	sld [smem:$0x3FB1]  }
0x31: {  	[smem:$0x3FBA] =	sst s10  }
0x32: {  	s10 =	sld [smem:$0x3FB8];
	_ =	sdelay $0x3  }
0x33: {  	p0 =	seq.s32 s10, $0x1;
	s10 =	sld [smem:$0x3FBA];
	_ =	sdelay $0x3  }
0x34: {  	[smem:$0x3FBA] =	sst s10  }
0x35: {  	s10 =	sld [smem:$0x3FB9];
	_ =	sdelay $0x3  }
0x36: {  	p1 =	seq.s32 s10, $0x1;
	s10 =	sld [smem:$0x3FBA];
	_ =	sdelay $0x3  }
0x37: {  	[smem:$0x3FBA] =	sst s10  }
0x38: {  	s10 =	sld [smem:$0x3FBB]  }
0x39: {  	_ = 	snop;
	(pc) =	sbr.ind lr, $3  }
0x3a: {  	_ = 	snop  }
0x3b: {  	_ = 	snop  }
0x3c: {  	p2 =	seq.s32 s10, $0x1;
	s10 =	sld [smem:$0x3FBA]  }
0x3d: {  	_ =	shalt  }
0x3e: {  	_ =	shalt  }
0x3f: {  	_ =	shalt  }
0x40: {  	_ =	shalt  }
0x41: {  	_ =	shalt  }
0x42: {  	_ =	shalt  }
0x43: {  	_ =	shalt  }
0x44: {  	_ =	shalt  }
0x45: {  	_ =	shalt  }
0x46: {  	_ =	shalt  }
0x47: {  	_ =	shalt  }
0x48: {  	_ =	shalt  }
0x49: {  	_ =	shalt  }
0x4a: {  	_ =	shalt  }
0x4b: {  	_ =	shalt  }
0x4c: {  	_ =	shalt  }
0x4d: {  	_ =	shalt  }
0x4e: {  	_ =	shalt  }
0x4f: {  	_ =	shalt  }
0x50: {  	_ =	shalt  }
0x51: {  	_ =	shalt  }
0x52: {  	_ =	shalt  }
0x53: {  	_ =	shalt  }
0x54: {  	_ =	shalt  }
0x55: {  	_ =	shalt  }
0x56: {  	_ =	shalt  }
0x57: {  	_ =	shalt  }
0x58: {  	_ =	shalt  }
0x59: {  	_ =	shalt  }
0x5a: {  	_ =	shalt  }
0x5b: {  	_ =	shalt  }
0x5c: {  	_ =	shalt  }
0x5d: {  	_ =	shalt  }
0x5e: {  	_ =	shalt  }
0x5f: {  	_ =	shalt  }
0x60: {  	_ =	shalt  }
0x61: {  	_ =	shalt  }
0x62: {  	_ =	shalt  }
0x63: {  	_ =	shalt  }
0x64: {  	_ =	shalt  }
0x65: {  	_ =	shalt  }
0x66: {  	_ =	shalt  }
0x67: {  	_ =	shalt  }
0x68: {  	_ =	shalt  }
0x69: {  	_ =	shalt  }
0x6a: {  	_ =	shalt  }
0x6b: {  	_ =	shalt  }
0x6c: {  	_ =	shalt  }
0x6d: {  	_ =	shalt  }
0x6e: {  	_ =	shalt  }
0x6f: {  	_ =	shalt  }
0x70: {  	_ =	shalt  }
0x71: {  	_ =	shalt  }
0x72: {  	_ =	shalt  }
0x73: {  	_ =	shalt  }
0x74: {  	_ =	shalt  }
0x75: {  	_ =	shalt  }
0x76: {  	_ =	shalt  }
0x77: {  	_ =	shalt  }
0x78: {  	_ =	shalt  }
0x79: {  	_ =	shalt  }
0x7a: {  	_ =	shalt  }
0x7b: {  	_ =	shalt  }
0x7c: {  	_ =	shalt  }
0x7d: {  	_ =	shalt  }
0x7e: {  	_ =	shalt  }
0x7f: {  	_ =	shalt  }
0x80: {  	_ =	shalt  }
0x81: {  	_ =	shalt  }
0x82: {  	_ =	shalt  }
0x83: {  	_ =	shalt  }
0x84: {  	_ =	shalt  }
0x85: {  	_ =	shalt  }
0x86: {  	_ =	shalt  }
0x87: {  	_ =	shalt  }
.Lfunc_end0:
.L_simem_size_0:
called_computation.1_lowered:
.L_overlay_start_0:
0x88: {  	s2 =	sld [smem:$0x3FD9]  }
0x89: {  	s3 =	sld [smem:$0x3FFE];
	_ =	sdelay $0x1  }
0x8a: {  	s1 =	srdreg.scid  }
0x8b: {  	s0 =	sand.u32 $0x1, s1  }
0x8c: {  	s17 =	sshll.u32 s0, $0xA;
	s2 =	sadd.s32 s3, s2  }
0x8d: {  	s2 =	sadd.s32 s2, s17  }
0x8e: {  	[smem:$0x3FC6] =	sst s2  }
0x8f: {  	_ = 	snop  }
0x90: {  	s18 =	sld [smem:$0x3FD0];
	(tm) =	ssettm $0x1  }
0x91: {  	s19 =	sld [smem:$0x3FFB];
	_ =	sdelay $0x3  }
0x92: {  	_ =	strace s19  }
0x93: {  	s2 =	sld [smem:$0x3FFC];
	_ =	sdelay $0x3  }
0x94: {  	_ =	strace s2  }
0x95: {  	s2 =	sld [smem:$0x3FFD];
	_ =	sdelay $0x3  }
0x96: {  	_ =	strace s2  }
0x97: {  	_ =	strace $0x8FFFFFFF  }
0x98: {  	s20 =	sld [smem:$0x3FDB];
	_ =	sdelay $0x1  }
0x99: {  	s4 =	simm.s32 $_scs_section_size  }
0x9a: {  	s5 =	simm.s32 $_size__tile_overlayer_lowered;
	s6 =	simm.s32 $_tile_overlayer_lowered  }
0x9b: {  	s7 =	simm.s32 $0x1BFF;
	s21 =	sshll.u32 s6, $0x1;
	s4 =	sadd.s32 s4, s20  }
0x9c: {  	s22 =	simm.s32 $0x0;
	s5 =	sshll.u32 s5, $0x1;
	s6 =	sadd.s32 s21, s4  }
0x9d: {  	[timem:s22], [sflag:s7] =	dma.local [hbm:s6], s5  }
0x9e: {  	_ =	swait.ge [sflag:s7], s5  }
0x9f: {  	s5 =	ssub.s32 $0x0, s5;
	[sflag:s7] =	ssyncset.done $0x0  }
0xa0: {  	[sflag:s7] =	ssyncadd.s32 s5;
	_ =	sdelay $0x1  }
0xa1: {  	s23 =	simm.s32 $0x1B8B  }
0xa2: {  	_ =	swait.ge [sflag:s23], $0x1  }
0xa3: {  	[sflag:s23] =	ssyncset.done $0x0  }
0xa4: {  	[sflag:s23] =	ssyncadd.s32 $0xFFFFFFFF  }
0xa5: {  	s5 =	sld [smem:$0x0]  }
0xa6: {  	s6 =	sand.u32 $0xFFFFFFFE, s1  }
0xa7: {  	p0 =	sne.s32 s1, s6  }
0xa8: {  	s6 =	sshll.u32 @p0 s6, $0xE  }
0xa9: {  	s6 =	sadd.s32 @p0 $0x11B8D, s6;
	s7 =	sshll.u32 @p0 s5, $0x11  }
0xaa: {  	s6 =	sor.u32 @p0 s7, s6  }
0xab: {  	[sflag:s6] =	ssyncadd.remote.s32 @p0 $0x1;
	_ =	sdelay $0x1  }
0xac: {  	s6 =	simm.s32 @p0 $0x1B8D  }
0xad: {  	_ =	swait.eq @p0 [sflag:s6], $0x1  }
0xae: {  	[sflag:s6] =	ssyncadd.s32 @p0 $0xFFFFFFFF  }
0xaf: {  	s7 =	sshll.u32 @!p0 s1, $0xE  }
0xb0: {  	s7 =	sor.u32 @!p0 $0x4000, s7;
	s6 =	simm.s32 @!p0 $0x1B8D  }
0xb1: {  	s5 =	sshll.u32 @!p0 s5, $0x11;
	s7 =	sadd.s32 @!p0 $0x11B8D, s7;
	_ =	swait.eq @!p0 [sflag:s6], $0x1  }
0xb2: {  	s5 =	sor.u32 @!p0 s5, s7;
	[sflag:s6] =	ssyncadd.s32 @!p0 $0xFFFFFFFF  }
0xb3: {  	s25 =	simm.s32 $0x1B8E;
	s24 =	sld [smem:$0x3FFE];
	[sflag:s5] =	ssyncadd.remote.s32 @!p0 $0x1  }
0xb4: {  	s26 =	simm.s32 $execute0_lowered;
	[smem:$0x3FD2] =	sst s25  }
0xb5: {  	s6 =	sshll.u32 s26, $0x1;
	_ =	strace $0x80000049;
	[dreg:$0x1] =	wrdreg $0xFFFFFFFF  }
0xb6: {  	s28 =	simm.s32 $_size_execute0_lowered;
	s4 =	sadd.s32 s4, s6;
	[dreg:$0x0] =	wrdreg $0x0  }
0xb7: {  	s6 =	sshll.u32 s28, $0x1;
	[dreg:$0x2] =	wrdreg s4  }
0xb8: {  	[dreg:$0x3] =	wrdreg s6  }
0xb9: {  	[dreg:$0x4] =	wrdreg $0xC0  }
0xba: {  	_ =	task [dreg:s22], $0x5FFFF  }
0xbb: {  	[dreg:$0x1] =	wrdreg $0xFFFFFFFF  }
0xbc: {  	[dreg:$0x0] =	wrdreg $0x60  }
0xbd: {  	[dreg:$0x2] =	wrdreg s18  }
0xbe: {  	[dreg:$0x3] =	wrdreg s24  }
0xbf: {  	[dreg:$0x4] =	wrdreg $0xA  }
0xc0: {  	_ =	task.clear_ibuf [dreg:s22], $0x5FFFF;
	_ =	strace $0x90000049  }
0xc1: {  	s29 =	simm.s32 $0xA;
	_ =	strace $0x8000004B  }
0xc2: {  	_ =	swait.ge [sflag:s29], $0x1  }
0xc3: {  	[sflag:s29] =	ssyncadd.s32 $0xFFFFFFFF  }
0xc4: {  	_ =	strace $0x9000004B  }
0xc5: {  	_ =	sfence  }
0xc6: {  	s30 =	sld [smem:$0x0];
	_ =	sdelay $0x2  }
0xc7: {  	s31 =	sshll.u32 s1, $0xD;
	s1 =	sshrl.u32 s1, $0x2  }
0xc8: {  	s4 =	sand.u32 $0x4000, s31;
	s1 =	sadd.s32 s1, s30  }
0xc9: {  	s0 =	sor.u32 s4, s0;
	s1 =	sshll.u32 s1, $0x11  }
0xca: {  	s0 =	sor.u32 s1, s0  }
0xcb: {  	s0 =	sadd.s32 $0x8F2B, s0  }
0xcc: {  	[sflag:s0] =	ssyncadd.remote.s32 $0x1  }
0xcd: {  	_ =	sfence.sel $0xFFFF  }
0xce: {  	[dreg:$0x0] =	wrdreg $0xFFFFFFFF;
	(pc) =	sbr.abs _section_cstart, $3  }
0xcf: {  	[dreg:$0x1] =	wrdreg $0xFFFFFFFF  }
0xd0: {  	_ =	task.clear_ibuf [dreg:s22], $0x2FFFF;
	_ =	strace $0x9FFFFFFF  }
0xd1: {  	(tm) =	ssettm $0x7FFFFFFF  }
tec
execute0_lowered:
.L_overlay_start_1:
0x0: {  	(tag) =	ssettag $0x1  }
0x1: {  	s1 =	rddreg [dreg:$0x0]  }
0x2: {  	s2 =	rddreg [dreg:$0x1];
	s0 =	simm.s32 $0x0;
	s5 =	srdreg.scid  }
0x3: {  	s7 =	stileid.u32;
	s28 =	simm.s32 $0x3;
	[smem:$0x7FF] =	sst s0  }
0x4: {  	s3 =	sadd.s32 $0x2200, s2;
	s4 =	sadd.s32 $0x12200, s2;
	s6 =	sadd.s32 $0x22200, s2  }
0x5: {  	s5 =	sand.u32 $0x1, s5;
	s7 =	sshll.u32 s7, $0x1;
	s16 =	sadd.s32 $0x32200, s2  }
0x6: {  	s22 =	sadd.s32 $0x42200, s2;
	s7 =	sor.u32 s5, s7;
	s5 =	ssub.s32 $0x2, s5  }
0x7: {  	s8 =	sshll.u32 s7, $0x9;
	s9 =	sshrl.u32 s5, $0x1;
	s7 =	sshll.u32 s7, $0xB  }
0x8: {  	s2 =	sadd.s32 s8, s2;
	s5 =	ssub.s32 s5, s9;
	s24 =	sadd.s32 s3, s7  }
0x9: {  	s1 =	sadd.s32 s8, s1;
	s25 =	sadd.s32 s4, s7;
	[dreg:$0x3] =	wrdreg s24  }
0xa: {  	s26 =	sadd.s32 s6, s7;
	s29 =	sadd.s32 s16, s7;
	[dreg:$0x4] =	wrdreg s25  }
0xb: {  	s11 =	sor.u32 $0x200, s7;
	s30 =	sadd.s32 s22, s7;
	[dreg:$0x5] =	wrdreg s26  }
0xc: {  	s17 =	sor.u32 $0x400, s7;
	s7 =	sor.u32 $0x600, s7;
	[dreg:$0x6] =	wrdreg s29  }
0xd: {  	[dreg:$0x7] =	wrdreg s30;
	s31 =	sadd.s32 s3, s11;
	s8 =	sadd.s32 s4, s11  }
0xe: {  	s9 =	sadd.s32 s6, s11;
	s10 =	sadd.s32 s16, s11;
	s11 =	sadd.s32 s22, s11  }
0xf: {  	s12 =	sadd.s32 s3, s17;
	s13 =	sadd.s32 s4, s17;
	s14 =	sadd.s32 s6, s17  }
0x10: {  	s15 =	sadd.s32 s16, s17;
	s17 =	sadd.s32 s22, s17;
	s18 =	sadd.s32 s3, s7  }
0x11: {  	s19 =	sadd.s32 s4, s7;
	s20 =	sadd.s32 s6, s7;
	s21 =	sadd.s32 s16, s7  }
0x12: {  	v0 =	vlaneseq.u32;
	s22 =	sadd.s32 s22, s7;
	s23 =	sadd.s32 $0x4000, s1;
	s24 =	sadd.s32 $0x52200, s2  }
0x13: {  	v0 =	vmul.u32 $0x1000, v0;
	s25 =	smax.u32 s5, $0x1;
	s26 =	simm.s32 $0x10000;
	s7 =	simm.s32 $0x11000  }
0x14: {  	s2 =	simm.s32 $0x1A000;
	s1 =	simm.s32 $0x1;
	[dreg:$0x8] =	wrdreg s31  }
0x15: {  	v1 =	vimm.f32 $0.0e+00;
	v2 =	vor.u32 $0x1, v0;
	s3 =	simm.s32 $0x2;
	s4 =	simm.s32 $0x0;
	_ =	strace $0x8000004A  }
.LBB2_1:
0x16: {  	s5 =	simm.s32 $0x80  }
0x17: {  	[tilespmem:s5+$0xFFFFFF80] =	vst v1  }
0x18: {  	[tilespmem:s5+$0x70] =	vst v1  }
0x19: {  	[tilespmem:s5+$0x60] =	vst v1  }
0x1a: {  	[tilespmem:s5+$0x50] =	vst v1  }
0x1b: {  	[tilespmem:s5+$0x40] =	vst v1  }
0x1c: {  	[tilespmem:s5+$0x30] =	vst v1  }
0x1d: {  	[tilespmem:s5+$0x20] =	vst v1  }
0x1e: {  	[tilespmem:s5+$0x10] =	vst v1  }
0x1f: {  	[tilespmem:s5+$0x0] =	vst v1  }
0x20: {  	[tilespmem:s5+$0xFFFFFFF0] =	vst v1  }
0x21: {  	[tilespmem:s5+$0xFFFFFFE0] =	vst v1  }
0x22: {  	[tilespmem:s5+$0xFFFFFFD0] =	vst v1  }
0x23: {  	[tilespmem:s5+$0xFFFFFFC0] =	vst v1  }
0x24: {  	[tilespmem:s5+$0xFFFFFFB0] =	vst v1  }
0x25: {  	s6 =	simm.s32 $0x0;
	[tilespmem:s5+$0xFFFFFFA0] =	vst v1  }
.LBB2_2:
0x26: {  	s6 =	sadd.s32 $0x10, s6;
	[tilespmem:s5+$0xFFFFFF90] =	vst v1;
	s5 =	sadd.s32 $0x100, s5  }
0x27: {  	[tilespmem:s5+$0xFFFFFF80] =	vst v1;
	p0 =	slt.u32 s6, $0xFF0  }
0x28: {  	[tilespmem:s5+$0x70] =	vst v1  }
0x29: {  	[tilespmem:s5+$0x60] =	vst v1  }
0x2a: {  	[tilespmem:s5+$0x50] =	vst v1  }
0x2b: {  	[tilespmem:s5+$0x40] =	vst v1  }
0x2c: {  	[tilespmem:s5+$0x30] =	vst v1  }
0x2d: {  	[tilespmem:s5+$0x20] =	vst v1  }
0x2e: {  	[tilespmem:s5+$0x10] =	vst v1  }
0x2f: {  	[tilespmem:s5+$0x0] =	vst v1  }
0x30: {  	[tilespmem:s5+$0xFFFFFFF0] =	vst v1  }
.Ltmp0:
0x31: {  	[tilespmem:s5+$0xFFFFFFE0] =	vst v1;
	(pc) =	sbr.rel @p0 .LBB2_2-.Ltmp0, $4  }
0x32: {  	[tilespmem:s5+$0xFFFFFFD0] =	vst v1  }
0x33: {  	[tilespmem:s5+$0xFFFFFFC0] =	vst v1  }
0x34: {  	[tilespmem:s5+$0xFFFFFFB0] =	vst v1  }
0x35: {  	[tilespmem:s5+$0xFFFFFFA0] =	vst v1  }
0x36: {  	[tilespmem:s5+$0xFFFFFF90] =	vst v1  }
0x37: {  	[tilespmem:s26], [sflag:$0x3] =	stream.linear.gather [hbm4b:s23+s0], $0x1000, $0x38;
	[tilespmem:$0x1C000] =	vst v63  }
0x38: {  	_ =	swait.ge [sflag:s28], $0x1000  }
0x39: {  	[sflag:s28] =	ssyncset.done $0x0  }
0x3a: {  	s6 =	rddreg [dreg:$0x3];
	[sflag:s28] =	ssyncadd.s32 $0xFFFFF000  }
0x3b: {  	[tilespmem:s7], [sflag:$0x1] =	stream.linear.gather [hbm4b:s6+s0], $0x1000, $0x38;
	[tilespmem:$0x1C000] =	vst v63  }
0x3c: {  	s16 =	rddreg [dreg:$0x4];
	s6 =	simm.s32 $0x12000  }
0x3d: {  	[tilespmem:s6], [sflag:$0x1] =	stream.linear.gather [hbm4b:s16+s0], $0x1000, $0x38;
	[tilespmem:$0x1C000] =	vst v63  }
0x3e: {  	s6 =	rddreg [dreg:$0x5];
	s16 =	simm.s32 $0x13000  }
0x3f: {  	[tilespmem:s16], [sflag:$0x1] =	stream.linear.gather [hbm4b:s6+s0], $0x1000, $0x38;
	[tilespmem:$0x1C000] =	vst v63  }
0x40: {  	s6 =	rddreg [dreg:$0x6];
	s16 =	simm.s32 $0x14000  }
0x41: {  	[tilespmem:s16], [sflag:$0x1] =	stream.linear.gather [hbm4b:s6+s0], $0x1000, $0x38;
	[tilespmem:$0x1C000] =	vst v63  }
0x42: {  	s6 =	rddreg [dreg:$0x7];
	s16 =	simm.s32 $0x15000  }
0x43: {  	[tilespmem:s16], [sflag:$0x1] =	stream.linear.gather [hbm4b:s6+s0], $0x1000, $0x38;
	[tilespmem:$0x1C000] =	vst v63  }
0x44: {  	s6 =	rddreg [dreg:$0x8];
	s16 =	simm.s32 $0x16000  }
0x45: {  	[tilespmem:s16], [sflag:$0x2] =	stream.linear.gather [hbm4b:s6+s0], $0x1000, $0x38;
	[tilespmem:$0x1C000] =	vst v63  }
0x46: {  	s6 =	simm.s32 $0x17000  }
0x47: {  	[tilespmem:s6], [sflag:$0x2] =	stream.linear.gather [hbm4b:s8+s0], $0x1000, $0x38;
	[tilespmem:$0x1C000] =	vst v63  }
0x48: {  	s16 =	simm.s32 $0x18000  }
0x49: {  	[tilespmem:s16], [sflag:$0x2] =	stream.linear.gather [hbm4b:s9+s0], $0x1000, $0x38;
	[tilespmem:$0x1C000] =	vst v63  }
0x4a: {  	s6 =	simm.s32 $0x19000  }
0x4b: {  	[tilespmem:s6], [sflag:$0x2] =	stream.linear.gather [hbm4b:s10+s0], $0x1000, $0x38;
	[tilespmem:$0x1C000] =	vst v63  }
0x4c: {  	_ = 	snop  }
0x4d: {  	[tilespmem:s2], [sflag:$0x2] =	stream.linear.gather [hbm4b:s11+s0], $0x1000, $0x38;
	[tilespmem:$0x1C000] =	vst v63  }
0x4e: {  	_ =	swait.ge [sflag:s1], $0x1000  }
0x4f: {  	[sflag:s1] =	ssyncset.done $0x0  }
0x50: {  	[sflag:s1] =	ssyncadd.s32 $0xFFFFF000  }
0x51: {  	_ =	swait.ge [sflag:s1], $0x1000  }
0x52: {  	[sflag:s1] =	ssyncset.done $0x0  }
0x53: {  	[sflag:s1] =	ssyncadd.s32 $0xFFFFF000  }
0x54: {  	_ =	swait.ge [sflag:s1], $0x1000  }
0x55: {  	[sflag:s1] =	ssyncset.done $0x0  }
0x56: {  	[sflag:s1] =	ssyncadd.s32 $0xFFFFF000  }
0x57: {  	_ =	swait.ge [sflag:s1], $0x1000  }
0x58: {  	[sflag:s1] =	ssyncset.done $0x0  }
0x59: {  	[sflag:s1] =	ssyncadd.s32 $0xFFFFF000  }
0x5a: {  	_ =	swait.ge [sflag:s1], $0x1000  }
0x5b: {  	[sflag:s1] =	ssyncset.done $0x0  }
0x5c: {  	s16 =	simm.s32 $0x11040;
	[sflag:s1] =	ssyncadd.s32 $0xFFFFF000  }
0x5d: {  	v3 =	vld [tilespmem:s16+$0x30]  }
0x5e: {  	v4 =	vld [tilespmem:s16+$0xFFFFFFD0]  }
0x5f: {  	v5 =	vld [tilespmem:s16+$0xFFFFFFE0]  }
0x60: {  	v6 =	vld [tilespmem:s16+$0xFFFFFFF0]  }
0x61: {  	v7 =	vld [tilespmem:s16+$0x0]  }
0x62: {  	v9 =	vld [tilespmem:s16+$0x10]  }
0x63: {  	v11 =	vld [tilespmem:s16+$0xFFFFFFC0]  }
0x64: {  	s5 =	simm.s32 $0x12040;
	v13 =	vld [tilespmem:s16+$0x20]  }
0x65: {  	s29 =	simm.s32 $0x13040;
	v16 =	vld [tilespmem:s5+$0x30]  }
0x66: {  	s30 =	simm.s32 $0x14040;
	v19 =	vld [tilespmem:s29+$0x30]  }
0x67: {  	s6 =	simm.s32 $0x15040;
	v26 =	vld [tilespmem:s30+$0x30]  }
0x68: {  	v29 =	vld [tilespmem:s6+$0x30]  }
0x69: {  	v53 =	vld [tilespmem:s5+$0xFFFFFFC0]  }
0x6a: {  	v54 =	vld [tilespmem:s29+$0xFFFFFFC0]  }
0x6b: {  	v55 =	vld [tilespmem:s30+$0xFFFFFFC0]  }
0x6c: {  	v56 =	vld [tilespmem:s6+$0xFFFFFFC0]  }
0x6d: {  	v57 =	vld [tilespmem:s5+$0xFFFFFFD0]  }
0x6e: {  	v58 =	vld [tilespmem:s29+$0xFFFFFFD0]  }
0x6f: {  	v59 =	vld [tilespmem:s30+$0xFFFFFFD0]  }
0x70: {  	v60 =	vld [tilespmem:s6+$0xFFFFFFD0]  }
0x71: {  	v32 =	vld [tilespmem:s5+$0xFFFFFFE0]  }
0x72: {  	v33 =	vld [tilespmem:s29+$0xFFFFFFE0]  }
0x73: {  	v34 =	vld [tilespmem:s30+$0xFFFFFFE0]  }
0x74: {  	v35 =	vld [tilespmem:s6+$0xFFFFFFE0]  }
0x75: {  	v37 =	vld [tilespmem:s5+$0xFFFFFFF0]  }
0x76: {  	v38 =	vld [tilespmem:s29+$0xFFFFFFF0]  }
0x77: {  	v62 =	vld [tilespmem:s30+$0xFFFFFFF0]  }
0x78: {  	v40 =	vld [tilespmem:s6+$0xFFFFFFF0]  }
0x79: {  	v41 =	vld [tilespmem:s5+$0x0];
	v8 =	vand.u32 $0xFFF, v3  }
0x7a: {  	v46 =	vld [tilespmem:s30+$0x0];
	v12 =	vand.u32 $0xFFF, v4  }
0x7b: {  	v48 =	vld [tilespmem:s6+$0x0];
	v15 =	vand.u32 $0xFFF, v5;
	v18 =	vand.u32 $0xFFF, v6;
	v10 =	vmin.u32 v8, $0xFFE  }
0x7c: {  	v49 =	vld [tilespmem:s5+$0x10];
	v21 =	vand.u32 $0xFFF, v7;
	v23 =	vand.u32 $0xFFF, v11;
	v10 =	vadd.s32 $0x1, v10  }
0x7d: {  	v50 =	vld [tilespmem:s29+$0x10];
	v24 =	vand.u32 $0xFFF, v9;
	v28 =	vand.u32 $0xFFF, v13;
	v3 =	vshra.s32 v3, $0xC  }
0x7e: {  	v11 =	vshra.s32 v11, $0xC;
	v4 =	vshra.s32 v4, $0xC;
	v5 =	vshra.s32 v5, $0xC;
	v8 =	vld.idx.msk [tilespmem:v8+s26+$0x0], $0xffff  }
0x7f: {  	v6 =	vshra.s32 v6, $0xC;
	v7 =	vshra.s32 v7, $0xC;
	v14 =	vmin.u32 v12, $0xFFE;
	v51 =	vld.idx.msk [tilespmem:v12+s26+$0x0], $0xffff  }
0x80: {  	v9 =	vshra.s32 v9, $0xC;
	v17 =	vmin.u32 v15, $0xFFE;
	v14 =	vadd.s32 $0x1, v14;
	v52 =	vld.idx.msk [tilespmem:v15+s26+$0x0], $0xffff  }
0x81: {  	v42 =	vshra.s32 v13, $0xC;
	v20 =	vmin.u32 v18, $0xFFE;
	v17 =	vadd.s32 $0x1, v17;
	v10 =	vld.idx.msk [tilespmem:v10+s26+$0x0], $0xffff  }
0x82: {  	v22 =	vmin.u32 v21, $0xFFE;
	v25 =	vmin.u32 v23, $0xFFE;
	v20 =	vadd.s32 $0x1, v20;
	v12 =	vld.idx.msk [tilespmem:v18+s26+$0x0], $0xffff  }
0x83: {  	v27 =	vmin.u32 v24, $0xFFE;
	v30 =	vmin.u32 v28, $0xFFE;
	v22 =	vadd.s32 $0x1, v22;
	v15 =	vld.idx.msk [tilespmem:v21+s26+$0x0], $0xffff  }
0x84: {  	vm0 =	vlt.s32 v3, $0xFFE;
	vm13 =	vlt.s32 v11, $0xFFE;
	v25 =	vadd.s32 $0x1, v25;
	v18 =	vld.idx.msk [tilespmem:v28+s26+$0x0], $0xffff  }
0x85: {  	v61 =	vadd.s32 v0, v4;
	v31 =	vnsel vm0, $0xFFE, v3;
	v3 =	vadd.s32 v0, v3;
	v14 =	vld.idx.msk [tilespmem:v14+s26+$0x0], $0xffff  }
0x86: {  	vm1 =	vlt.s32 v5, $0xFFE;
	v17 =	vld.idx.msk [tilespmem:v17+s26+$0x0], $0xffff;
	v16 =	vmul.f32 v16, v8;
	v19 =	vmul.f32 v19, v10  }
0x87: {  	vm2 =	vlt.s32 v6, $0xFFE;
	vm3 =	vlt.s32 v7, $0xFFE;
	v27 =	vadd.s32 $0x1, v27;
	v20 =	vld.idx.msk [tilespmem:v20+s26+$0x0], $0xffff  }
0x88: {  	vm4 =	vlt.s32 v9, $0xFFE;
	v30 =	vadd.s32 $0x1, v30;
	v22 =	vld.idx.msk [tilespmem:v22+s26+$0x0], $0xffff;
	v16 =	vadd.f32 v19, v16  }
0x89: {  	v36 =	vnsel vm13, $0xFFE, v11;
	v11 =	vadd.s32 v0, v11;
	v43 =	vnsel vm1, $0xFFE, v5;
	v25 =	vld.idx.msk [tilespmem:v25+s26+$0x0], $0xffff  }
0x8a: {  	v44 =	vnsel vm2, $0xFFE, v6;
	v45 =	vnsel vm3, $0xFFE, v7;
	v47 =	vnsel vm4, $0xFFE, v9;
	[tilespmem:v3+s0+$0x0] =	vst.idx.add.f32.msk $0xffff, v16  }
0x8b: {  	v5 =	vadd.s32 v0, v5;
	v6 =	vadd.s32 v0, v6;
	v7 =	vadd.s32 v0, v7;
	v3 =	vld.idx.msk [tilespmem:v23+s26+$0x0], $0xffff  }
0x8c: {  	v9 =	vadd.s32 v0, v9;
	v31 =	vadd.s32 v2, v31;
	v8 =	vmul.f32 v26, v8;
	v26 =	vld.idx.msk [tilespmem:v27+s26+$0x0], $0xffff  }
0x8d: {  	v36 =	vadd.s32 v2, v36;
	v10 =	vmul.f32 v29, v10;
	v39 =	vmul.f32 v58, v14;
	v58 =	vld [tilespmem:s30+$0x20]  }
0x8e: {  	v13 =	vadd.s32 v2, v43;
	v32 =	vmul.f32 v32, v52;
	v33 =	vmul.f32 v33, v17;
	v19 =	vld.idx.msk [tilespmem:v30+s26+$0x0], $0xffff  }
0x8f: {  	v63 =	vmul.f32 v57, v51;
	v8 =	vadd.f32 v10, v8;
	v10 =	vmul.f32 v34, v52;
	v52 =	vld [tilespmem:s6+$0x10]  }
0x90: {  	v32 =	vadd.f32 v33, v32;
	v16 =	vld.idx.msk [tilespmem:v24+s26+$0x0], $0xffff;
	v23 =	vmul.f32 v54, v25;
	v21 =	vmul.f32 v53, v3  }
0x91: {  	v28 =	vadd.s32 v2, v47;
	v25 =	vmul.f32 v56, v25;
	v56 =	vld [tilespmem:s29+$0x20];
	v3 =	vmul.f32 v55, v3  }
0x92: {  	v57 =	vadd.s32 v0, v42;
	[tilespmem:v5+s0+$0x0] =	vst.idx.add.f32.msk $0xffff, v32;
	v21 =	vadd.f32 v23, v21  }
0x93: {  	v17 =	vmul.f32 v35, v17;
	[tilespmem:v31+s0+$0x0] =	vst.idx.add.f32.msk $0xffff, v8;
	v3 =	vadd.f32 v25, v3  }
0x94: {  	v14 =	vmul.f32 v60, v14;
	v60 =	vmul.f32 v50, v26;
	[tilespmem:v11+s0+$0x0] =	vst.idx.add.f32.msk $0xffff, v21  }
0x95: {  	vm14 =	vlt.s32 v4, $0xFFE;
	v10 =	vadd.f32 v17, v10;
	v8 =	vmul.f32 v59, v51;
	[tilespmem:v36+s0+$0x0] =	vst.idx.add.f32.msk $0xffff, v3  }
0x96: {  	v54 =	vmul.f32 v37, v12;
	v12 =	vmul.f32 v62, v12;
	v3 =	vnsel vm14, $0xFFE, v4;
	v4 =	vld [tilespmem:s29+$0x0]  }
0x97: {  	[tilespmem:v13+s0+$0x0] =	vst.idx.add.f32.msk $0xffff, v10;
	v8 =	vadd.f32 v14, v8;
	v55 =	vmul.f32 v38, v20  }
0x98: {  	v51 =	vld [tilespmem:s30+$0x10];
	v20 =	vmul.f32 v40, v20;
	v5 =	vmul.f32 v49, v16;
	v3 =	vadd.s32 v2, v3  }
0x99: {  	v59 =	vld [tilespmem:s6+$0x20];
	v23 =	vadd.f32 v39, v63;
	v17 =	vadd.f32 v55, v54;
	v25 =	vmul.f32 v41, v15  }
0x9a: {  	v53 =	vld [tilespmem:s5+$0x20];
	v12 =	vadd.f32 v20, v12;
	v15 =	vmul.f32 v46, v15;
	v21 =	vadd.s32 v2, v44  }
0x9b: {  	v5 =	vadd.f32 v60, v5;
	[tilespmem:v61+s0+$0x0] =	vst.idx.add.f32.msk $0xffff, v23;
	v4 =	vmul.f32 v4, v22  }
0x9c: {  	v63 =	vmul.f32 v56, v19;
	v23 =	vadd.s32 v2, v45;
	[tilespmem:v6+s0+$0x0] =	vst.idx.add.f32.msk $0xffff, v17  }
0x9d: {  	[tilespmem:v3+s0+$0x0] =	vst.idx.add.f32.msk $0xffff, v8;
	v3 =	vadd.f32 v4, v25;
	v4 =	vmul.f32 v48, v22  }
0x9e: {  	v61 =	vmul.f32 v51, v16;
	v6 =	vmul.f32 v52, v26;
	[tilespmem:v9+s0+$0x0] =	vst.idx.add.f32.msk $0xffff, v5  }
0x9f: {  	v62 =	vmul.f32 v53, v18;
	[tilespmem:v21+s0+$0x0] =	vst.idx.add.f32.msk $0xffff, v12;
	v4 =	vadd.f32 v4, v15  }
0xa0: {  	[tilespmem:v7+s0+$0x0] =	vst.idx.add.f32.msk $0xffff, v3;
	v3 =	vadd.f32 v6, v61;
	v6 =	vmul.f32 v58, v18  }
0xa1: {  	vm15 =	vlt.s32 v42, $0xFFE;
	v7 =	vadd.f32 v63, v62;
	[tilespmem:v23+s0+$0x0] =	vst.idx.add.f32.msk $0xffff, v4;
	v4 =	vmul.f32 v59, v19  }
0xa2: {  	v5 =	vnsel vm15, $0xFFE, v42;
	[tilespmem:v28+s0+$0x0] =	vst.idx.add.f32.msk $0xffff, v3  }
0xa3: {  	s31 =	simm.s32 $0x0;
	s16 =	simm.s32 $0x110C0;
	v3 =	vadd.s32 v2, v5;
	[tilespmem:v57+s0+$0x0] =	vst.idx.add.f32.msk $0xffff, v7;
	v4 =	vadd.f32 v4, v6  }
.LBB2_4:
0xa4: {  	v5 =	vld [tilespmem:s16+$0x30]  }
0xa5: {  	s31 =	sadd.s32 $0x8, s31;
	v6 =	vld [tilespmem:s16+$0xFFFFFFD0]  }
0xa6: {  	p0 =	slt.u32 s31, $0xF8;
	v7 =	vld [tilespmem:s16+$0xFFFFFFE0]  }
0xa7: {  	v8 =	vld [tilespmem:s16+$0xFFFFFFF0]  }
0xa8: {  	v9 =	vld [tilespmem:s16+$0x0]  }
0xa9: {  	v10 =	vld [tilespmem:s16+$0x10];
	v11 =	vand.u32 $0xFFF, v5  }
0xaa: {  	v12 =	vshra.s32 v6, $0xC;
	v6 =	vand.u32 $0xFFF, v6;
	v13 =	vld [tilespmem:s16+$0x20];
	v14 =	vmin.u32 v11, $0xFFE  }
0xab: {  	v15 =	vld [tilespmem:s16+$0xFFFFFFC0];
	v16 =	vmin.u32 v6, $0xFFE;
	v17 =	vand.u32 $0xFFF, v7;
	v14 =	vadd.s32 $0x1, v14  }
0xac: {  	s5 =	sadd.s32 $0x80, s5;
	v16 =	vadd.s32 $0x1, v16;
	v18 =	vmin.u32 v17, $0xFFE;
	v19 =	vand.u32 $0xFFF, v8;
	[tilespmem:v3+s0+$0x0] =	vst.idx.add.f32.msk $0xffff, v4  }
0xad: {  	s29 =	sadd.s32 $0x80, s29;
	v3 =	vadd.s32 $0x1, v18;
	v4 =	vmin.u32 v19, $0xFFE;
	v18 =	vand.u32 $0xFFF, v9;
	v20 =	vld [tilespmem:s5+$0x30]  }
0xae: {  	v4 =	vadd.s32 $0x1, v4;
	v21 =	vmin.u32 v18, $0xFFE;
	v22 =	vand.u32 $0xFFF, v10;
	v23 =	vld [tilespmem:s29+$0x30]  }
0xaf: {  	v21 =	vadd.s32 $0x1, v21;
	v24 =	vmin.u32 v22, $0xFFE;
	v25 =	vand.u32 $0xFFF, v13;
	v11 =	vld.idx.msk [tilespmem:v11+s26+$0x0], $0xffff  }
0xb0: {  	s30 =	sadd.s32 $0x80, s30;
	v26 =	vand.u32 $0xFFF, v15;
	v24 =	vadd.s32 $0x1, v24;
	v27 =	vmin.u32 v25, $0xFFE;
	v14 =	vld.idx.msk [tilespmem:v14+s26+$0x0], $0xffff  }
0xb1: {  	s6 =	sadd.s32 $0x80, s6;
	v15 =	vshra.s32 v15, $0xC;
	v28 =	vmin.u32 v26, $0xFFE;
	v27 =	vadd.s32 $0x1, v27;
	v29 =	vld [tilespmem:s30+$0x30]  }
0xb2: {  	v30 =	vshra.s32 v7, $0xC;
	v31 =	vshra.s32 v8, $0xC;
	v28 =	vadd.s32 $0x1, v28;
	v7 =	vld [tilespmem:s6+$0x30]  }
0xb3: {  	v5 =	vshra.s32 v5, $0xC;
	v32 =	vshra.s32 v9, $0xC;
	v33 =	vshra.s32 v10, $0xC;
	v16 =	vld.idx.msk [tilespmem:v16+s26+$0x0], $0xffff  }
0xb4: {  	vm1 =	vlt.s32 v5, $0xFFE;
	v13 =	vshra.s32 v13, $0xC;
	vm0 =	vlt.s32 v15, $0xFFE;
	v34 =	vld.idx.msk [tilespmem:v3+s26+$0x0], $0xffff  }
0xb5: {  	vm2 =	vlt.s32 v12, $0xFFE;
	v9 =	vadd.s32 v0, v5;
	v3 =	vnsel vm1, $0xFFE, v5;
	v35 =	vld.idx.msk [tilespmem:v4+s26+$0x0], $0xffff  }
0xb6: {  	v4 =	vmul.f32 v20, v11;
	v10 =	vmul.f32 v23, v14;
	v3 =	vadd.s32 v2, v3;
	v8 =	vld.idx.msk [tilespmem:v21+s26+$0x0], $0xffff  }
0xb7: {  	vm1 =	vlt.s32 v30, $0xFFE;
	v11 =	vmul.f32 v29, v11;
	v20 =	vld.idx.msk [tilespmem:v28+s26+$0x0], $0xffff;
	v7 =	vmul.f32 v7, v14  }
0xb8: {  	vm3 =	vlt.s32 v31, $0xFFE;
	vm4 =	vlt.s32 v32, $0xFFE;
	v10 =	vadd.f32 v10, v4;
	v5 =	vld.idx.msk [tilespmem:v24+s26+$0x0], $0xffff  }
0xb9: {  	vm5 =	vlt.s32 v33, $0xFFE;
	vm6 =	vlt.s32 v13, $0xFFE;
	v4 =	vld.idx.msk [tilespmem:v27+s26+$0x0], $0xffff;
	v7 =	vadd.f32 v7, v11  }
0xba: {  	v21 =	vnsel vm1, $0xFFE, v30;
	v14 =	vnsel vm2, $0xFFE, v12;
	v11 =	vnsel vm0, $0xFFE, v15;
	[tilespmem:v9+s0+$0x0] =	vst.idx.add.f32.msk $0xffff, v10  }
0xbb: {  	v23 =	vnsel vm4, $0xFFE, v32;
	v24 =	vnsel vm5, $0xFFE, v33;
	v9 =	vnsel vm3, $0xFFE, v31;
	[tilespmem:v3+s0+$0x0] =	vst.idx.add.f32.msk $0xffff, v7  }
0xbc: {  	v14 =	vadd.s32 v2, v14;
	v11 =	vadd.s32 v2, v11;
	v3 =	vnsel vm6, $0xFFE, v13;
	v26 =	vld.idx.msk [tilespmem:v26+s26+$0x0], $0xffff  }
0xbd: {  	v10 =	vadd.s32 v2, v21;
	v9 =	vadd.s32 v2, v9;
	v27 =	vld.idx.msk [tilespmem:v6+s26+$0x0], $0xffff;
	v6 =	vadd.s32 v2, v23  }
0xbe: {  	v15 =	vadd.s32 v0, v15;
	v7 =	vadd.s32 v2, v24;
	v3 =	vadd.s32 v2, v3;
	v17 =	vld.idx.msk [tilespmem:v17+s26+$0x0], $0xffff  }
0xbf: {  	v12 =	vadd.s32 v0, v12;
	v21 =	vadd.s32 v0, v30;
	v23 =	vadd.s32 v0, v31;
	v19 =	vld.idx.msk [tilespmem:v19+s26+$0x0], $0xffff  }
0xc0: {  	v28 =	vadd.s32 v0, v33;
	v24 =	vadd.s32 v0, v32;
	v13 =	vadd.s32 v0, v13;
	v18 =	vld.idx.msk [tilespmem:v18+s26+$0x0], $0xffff  }
0xc1: {  	v22 =	vld.idx.msk [tilespmem:v22+s26+$0x0], $0xffff  }
0xc2: {  	v25 =	vld.idx.msk [tilespmem:v25+s26+$0x0], $0xffff  }
0xc3: {  	v29 =	vld [tilespmem:s5+$0xFFFFFFC0]  }
0xc4: {  	v30 =	vld [tilespmem:s29+$0xFFFFFFC0]  }
0xc5: {  	v31 =	vld [tilespmem:s30+$0xFFFFFFC0]  }
0xc6: {  	v32 =	vld [tilespmem:s6+$0xFFFFFFC0]  }
0xc7: {  	v33 =	vld [tilespmem:s5+$0xFFFFFFD0]  }
0xc8: {  	v29 =	vmul.f32 v29, v26;
	v36 =	vld [tilespmem:s29+$0xFFFFFFD0]  }
0xc9: {  	v30 =	vmul.f32 v30, v20;
	v37 =	vld [tilespmem:s30+$0xFFFFFFD0]  }
0xca: {  	v26 =	vmul.f32 v31, v26;
	v31 =	vld [tilespmem:s6+$0xFFFFFFD0]  }
0xcb: {  	v29 =	vadd.f32 v30, v29;
	v20 =	vmul.f32 v32, v20;
	v30 =	vld [tilespmem:s5+$0xFFFFFFE0]  }
0xcc: {  	v32 =	vmul.f32 v33, v27;
	v33 =	vld [tilespmem:s29+$0xFFFFFFE0]  }
0xcd: {  	v20 =	vadd.f32 v20, v26;
	v26 =	vmul.f32 v36, v16;
	v36 =	vld [tilespmem:s30+$0xFFFFFFE0]  }
0xce: {  	v27 =	vmul.f32 v37, v27;
	v37 =	vld [tilespmem:s6+$0xFFFFFFE0]  }
0xcf: {  	v26 =	vadd.f32 v26, v32;
	v16 =	vmul.f32 v31, v16;
	v31 =	vld [tilespmem:s5+$0xFFFFFFF0]  }
0xd0: {  	v30 =	vmul.f32 v30, v17;
	v32 =	vld [tilespmem:s29+$0xFFFFFFF0]  }
0xd1: {  	v16 =	vadd.f32 v16, v27;
	v27 =	vmul.f32 v33, v34;
	v33 =	vld [tilespmem:s30+$0xFFFFFFF0]  }
0xd2: {  	v17 =	vmul.f32 v36, v17;
	v36 =	vld [tilespmem:s6+$0xFFFFFFF0]  }
0xd3: {  	v27 =	vadd.f32 v27, v30;
	v30 =	vmul.f32 v37, v34;
	v34 =	vld [tilespmem:s5+$0x0]  }
0xd4: {  	v31 =	vmul.f32 v31, v19;
	v37 =	vld [tilespmem:s29+$0x0]  }
0xd5: {  	v17 =	vadd.f32 v30, v17;
	v30 =	vmul.f32 v32, v35;
	v32 =	vld [tilespmem:s30+$0x0]  }
0xd6: {  	v19 =	vmul.f32 v33, v19;
	v33 =	vld [tilespmem:s6+$0x0]  }
0xd7: {  	v30 =	vadd.f32 v30, v31;
	v31 =	vmul.f32 v36, v35;
	v35 =	vld [tilespmem:s5+$0x10]  }
0xd8: {  	v34 =	vmul.f32 v34, v18;
	v36 =	vld [tilespmem:s29+$0x10]  }
0xd9: {  	v19 =	vadd.f32 v31, v19;
	v31 =	vmul.f32 v37, v8;
	v37 =	vld [tilespmem:s30+$0x10]  }
0xda: {  	v18 =	vmul.f32 v32, v18;
	v32 =	vld [tilespmem:s6+$0x10]  }
0xdb: {  	v31 =	vadd.f32 v31, v34;
	v8 =	vmul.f32 v33, v8;
	v33 =	vld [tilespmem:s5+$0x20]  }
0xdc: {  	v34 =	vmul.f32 v35, v22;
	v35 =	vld [tilespmem:s29+$0x20]  }
0xdd: {  	v8 =	vadd.f32 v8, v18;
	v18 =	vmul.f32 v36, v5;
	v36 =	vld [tilespmem:s30+$0x20]  }
0xde: {  	v22 =	vmul.f32 v37, v22;
	v37 =	vld [tilespmem:s6+$0x20]  }
0xdf: {  	[tilespmem:v15+s0+$0x0] =	vst.idx.add.f32.msk $0xffff, v29;
	v15 =	vadd.f32 v18, v34;
	v5 =	vmul.f32 v32, v5  }
0xe0: {  	[tilespmem:v11+s0+$0x0] =	vst.idx.add.f32.msk $0xffff, v20;
	v11 =	vmul.f32 v33, v25  }
0xe1: {  	[tilespmem:v12+s0+$0x0] =	vst.idx.add.f32.msk $0xffff, v26;
	v5 =	vadd.f32 v5, v22;
	v12 =	vmul.f32 v35, v4  }
0xe2: {  	[tilespmem:v14+s0+$0x0] =	vst.idx.add.f32.msk $0xffff, v16;
	v14 =	vmul.f32 v36, v25  }
0xe3: {  	[tilespmem:v21+s0+$0x0] =	vst.idx.add.f32.msk $0xffff, v27;
	v11 =	vadd.f32 v12, v11;
	v4 =	vmul.f32 v37, v4  }
0xe4: {  	[tilespmem:v10+s0+$0x0] =	vst.idx.add.f32.msk $0xffff, v17  }
0xe5: {  	[tilespmem:v23+s0+$0x0] =	vst.idx.add.f32.msk $0xffff, v30;
	v4 =	vadd.f32 v4, v14  }
0xe6: {  	[tilespmem:v9+s0+$0x0] =	vst.idx.add.f32.msk $0xffff, v19  }
.Ltmp1:
0xe7: {  	[tilespmem:v24+s0+$0x0] =	vst.idx.add.f32.msk $0xffff, v31;
	(pc) =	sbr.rel @p0 .LBB2_4-.Ltmp1, $4  }
0xe8: {  	[tilespmem:v6+s0+$0x0] =	vst.idx.add.f32.msk $0xffff, v8  }
0xe9: {  	[tilespmem:v28+s0+$0x0] =	vst.idx.add.f32.msk $0xffff, v15  }
0xea: {  	[tilespmem:v7+s0+$0x0] =	vst.idx.add.f32.msk $0xffff, v5  }
0xeb: {  	s16 =	sadd.s32 $0x80, s16;
	[tilespmem:v13+s0+$0x0] =	vst.idx.add.f32.msk $0xffff, v11  }
0xec: {  	_ =	sdelay $0x3  }
0xed: {  	[tilespmem:v3+s0+$0x0] =	vst.idx.add.f32.msk $0xffff, v4  }
0xee: {  	[tilespmem:s7], [sflag:$0x1] =	stream.linear.gather [hbm4b:s12+s0], $0x1000, $0x38;
	[tilespmem:$0x1C000] =	vst v63  }
0xef: {  	s5 =	simm.s32 $0x12000  }
0xf0: {  	[tilespmem:s5], [sflag:$0x1] =	stream.linear.gather [hbm4b:s13+s0], $0x1000, $0x38;
	[tilespmem:$0x1C000] =	vst v63  }
0xf1: {  	s6 =	simm.s32 $0x13000  }
0xf2: {  	[tilespmem:s6], [sflag:$0x1] =	stream.linear.gather [hbm4b:s14+s0], $0x1000, $0x38;
	[tilespmem:$0x1C000] =	vst v63  }
0xf3: {  	s7 =	simm.s32 $0x14000  }
0xf4: {  	[tilespmem:s7], [sflag:$0x1] =	stream.linear.gather [hbm4b:s15+s0], $0x1000, $0x38;
	[tilespmem:$0x1C000] =	vst v63  }
0xf5: {  	s16 =	simm.s32 $0x15000  }
0xf6: {  	[tilespmem:s16], [sflag:$0x1] =	stream.linear.gather [hbm4b:s17+s0], $0x1000, $0x38;
	[tilespmem:$0x1C000] =	vst v63  }
0xf7: {  	_ =	swait.ge [sflag:s3], $0x1000  }
0xf8: {  	[sflag:s3] =	ssyncset.done $0x0  }
0xf9: {  	[sflag:s3] =	ssyncadd.s32 $0xFFFFF000  }
0xfa: {  	_ =	swait.ge [sflag:s3], $0x1000  }
0xfb: {  	[sflag:s3] =	ssyncset.done $0x0  }
0xfc: {  	[sflag:s3] =	ssyncadd.s32 $0xFFFFF000  }
0xfd: {  	_ =	swait.ge [sflag:s3], $0x1000  }
0xfe: {  	[sflag:s3] =	ssyncset.done $0x0  }
0xff: {  	[sflag:s3] =	ssyncadd.s32 $0xFFFFF000  }
0x100: {  	_ =	swait.ge [sflag:s3], $0x1000  }
0x101: {  	[sflag:s3] =	ssyncset.done $0x0  }
0x102: {  	[sflag:s3] =	ssyncadd.s32 $0xFFFFF000  }
0x103: {  	_ =	swait.ge [sflag:s3], $0x1000  }
0x104: {  	[sflag:s3] =	ssyncset.done $0x0  }
0x105: {  	s6 =	simm.s32 $0x16040;
	[sflag:s3] =	ssyncadd.s32 $0xFFFFF000  }
0x106: {  	v3 =	vld [tilespmem:s6+$0x30]  }
0x107: {  	v4 =	vld [tilespmem:s6+$0xFFFFFFD0]  }
0x108: {  	v5 =	vld [tilespmem:s6+$0xFFFFFFE0]  }
0x109: {  	v6 =	vld [tilespmem:s6+$0xFFFFFFF0]  }
0x10a: {  	v7 =	vld [tilespmem:s6+$0x0]  }
0x10b: {  	v9 =	vld [tilespmem:s6+$0x10]  }
0x10c: {  	v11 =	vld [tilespmem:s6+$0xFFFFFFC0]  }
0x10d: {  	s5 =	simm.s32 $0x17040;
	v13 =	vld [tilespmem:s6+$0x20]  }
0x10e: {  	s29 =	simm.s32 $0x18040;
	v16 =	vld [tilespmem:s5+$0x30]  }
0x10f: {  	s30 =	simm.s32 $0x19040;
	v19 =	vld [tilespmem:s29+$0x30]  }
0x110: {  	v26 =	vld [tilespmem:s30+$0x30]  }
0x111: {  	v53 =	vld [tilespmem:s5+$0xFFFFFFC0]  }
0x112: {  	v54 =	vld [tilespmem:s29+$0xFFFFFFC0]  }
0x113: {  	v55 =	vld [tilespmem:s30+$0xFFFFFFC0]  }
0x114: {  	v57 =	vld [tilespmem:s5+$0xFFFFFFD0]  }
0x115: {  	v58 =	vld [tilespmem:s29+$0xFFFFFFD0]  }
0x116: {  	v59 =	vld [tilespmem:s30+$0xFFFFFFD0]  }
0x117: {  	v32 =	vld [tilespmem:s5+$0xFFFFFFE0]  }
0x118: {  	v33 =	vld [tilespmem:s29+$0xFFFFFFE0]  }
0x119: {  	v34 =	vld [tilespmem:s30+$0xFFFFFFE0]  }
0x11a: {  	v37 =	vld [tilespmem:s5+$0xFFFFFFF0]  }
0x11b: {  	v38 =	vld [tilespmem:s29+$0xFFFFFFF0]  }
0x11c: {  	v62 =	vld [tilespmem:s30+$0xFFFFFFF0]  }
0x11d: {  	v41 =	vld [tilespmem:s5+$0x0]  }
0x11e: {  	v46 =	vld [tilespmem:s30+$0x0]  }
0x11f: {  	v49 =	vld [tilespmem:s5+$0x10]  }
0x120: {  	s6 =	simm.s32 $0x1A040;
	v50 =	vld [tilespmem:s29+$0x10]  }
0x121: {  	v29 =	vld [tilespmem:s6+$0x30]  }
0x122: {  	v56 =	vld [tilespmem:s6+$0xFFFFFFC0];
	v8 =	vand.u32 $0xFFF, v3  }
0x123: {  	v60 =	vld [tilespmem:s6+$0xFFFFFFD0];
	v12 =	vand.u32 $0xFFF, v4  }
0x124: {  	v35 =	vld [tilespmem:s6+$0xFFFFFFE0];
	v15 =	vand.u32 $0xFFF, v5;
	v18 =	vand.u32 $0xFFF, v6;
	v10 =	vmin.u32 v8, $0xFFE  }
0x125: {  	v40 =	vld [tilespmem:s6+$0xFFFFFFF0];
	v21 =	vand.u32 $0xFFF, v7;
	v23 =	vand.u32 $0xFFF, v11;
	v10 =	vadd.s32 $0x1, v10  }
0x126: {  	v48 =	vld [tilespmem:s6+$0x0];
	v24 =	vand.u32 $0xFFF, v9;
	v28 =	vand.u32 $0xFFF, v13;
	v3 =	vshra.s32 v3, $0xC  }
0x127: {  	v11 =	vshra.s32 v11, $0xC;
	v4 =	vshra.s32 v4, $0xC;
	v5 =	vshra.s32 v5, $0xC;
	v8 =	vld.idx.msk [tilespmem:v8+s26+$0x0], $0xffff  }
0x128: {  	v6 =	vshra.s32 v6, $0xC;
	v7 =	vshra.s32 v7, $0xC;
	v14 =	vmin.u32 v12, $0xFFE;
	v51 =	vld.idx.msk [tilespmem:v12+s26+$0x0], $0xffff  }
0x129: {  	v9 =	vshra.s32 v9, $0xC;
	v17 =	vmin.u32 v15, $0xFFE;
	v14 =	vadd.s32 $0x1, v14;
	v52 =	vld.idx.msk [tilespmem:v15+s26+$0x0], $0xffff  }
0x12a: {  	v42 =	vshra.s32 v13, $0xC;
	v20 =	vmin.u32 v18, $0xFFE;
	v17 =	vadd.s32 $0x1, v17;
	v10 =	vld.idx.msk [tilespmem:v10+s26+$0x0], $0xffff  }
0x12b: {  	v22 =	vmin.u32 v21, $0xFFE;
	v25 =	vmin.u32 v23, $0xFFE;
	v20 =	vadd.s32 $0x1, v20;
	v12 =	vld.idx.msk [tilespmem:v18+s26+$0x0], $0xffff  }
0x12c: {  	v27 =	vmin.u32 v24, $0xFFE;
	v30 =	vmin.u32 v28, $0xFFE;
	v22 =	vadd.s32 $0x1, v22;
	v15 =	vld.idx.msk [tilespmem:v21+s26+$0x0], $0xffff  }
0x12d: {  	vm0 =	vlt.s32 v3, $0xFFE;
	vm13 =	vlt.s32 v11, $0xFFE;
	v25 =	vadd.s32 $0x1, v25;
	v18 =	vld.idx.msk [tilespmem:v28+s26+$0x0], $0xffff  }
0x12e: {  	v61 =	vadd.s32 v0, v4;
	v31 =	vnsel vm0, $0xFFE, v3;
	v3 =	vadd.s32 v0, v3;
	v14 =	vld.idx.msk [tilespmem:v14+s26+$0x0], $0xffff  }
0x12f: {  	vm1 =	vlt.s32 v5, $0xFFE;
	v17 =	vld.idx.msk [tilespmem:v17+s26+$0x0], $0xffff;
	v16 =	vmul.f32 v16, v8;
	v19 =	vmul.f32 v19, v10  }
0x130: {  	vm2 =	vlt.s32 v6, $0xFFE;
	vm3 =	vlt.s32 v7, $0xFFE;
	v27 =	vadd.s32 $0x1, v27;
	v20 =	vld.idx.msk [tilespmem:v20+s26+$0x0], $0xffff  }
0x131: {  	vm4 =	vlt.s32 v9, $0xFFE;
	v30 =	vadd.s32 $0x1, v30;
	v22 =	vld.idx.msk [tilespmem:v22+s26+$0x0], $0xffff;
	v16 =	vadd.f32 v19, v16  }
0x132: {  	v36 =	vnsel vm13, $0xFFE, v11;
	v11 =	vadd.s32 v0, v11;
	v43 =	vnsel vm1, $0xFFE, v5;
	v25 =	vld.idx.msk [tilespmem:v25+s26+$0x0], $0xffff  }
0x133: {  	v44 =	vnsel vm2, $0xFFE, v6;
	v45 =	vnsel vm3, $0xFFE, v7;
	v47 =	vnsel vm4, $0xFFE, v9;
	[tilespmem:v3+s0+$0x0] =	vst.idx.add.f32.msk $0xffff, v16  }
0x134: {  	v5 =	vadd.s32 v0, v5;
	v6 =	vadd.s32 v0, v6;
	v7 =	vadd.s32 v0, v7;
	v3 =	vld.idx.msk [tilespmem:v23+s26+$0x0], $0xffff  }
0x135: {  	v9 =	vadd.s32 v0, v9;
	v31 =	vadd.s32 v2, v31;
	v8 =	vmul.f32 v26, v8;
	v26 =	vld.idx.msk [tilespmem:v27+s26+$0x0], $0xffff  }
0x136: {  	v36 =	vadd.s32 v2, v36;
	v10 =	vmul.f32 v29, v10;
	v39 =	vmul.f32 v58, v14;
	v58 =	vld [tilespmem:s30+$0x20]  }
0x137: {  	v13 =	vadd.s32 v2, v43;
	v32 =	vmul.f32 v32, v52;
	v33 =	vmul.f32 v33, v17;
	v19 =	vld.idx.msk [tilespmem:v30+s26+$0x0], $0xffff  }
0x138: {  	v63 =	vmul.f32 v57, v51;
	v8 =	vadd.f32 v10, v8;
	v10 =	vmul.f32 v34, v52;
	v52 =	vld [tilespmem:s6+$0x10]  }
0x139: {  	v32 =	vadd.f32 v33, v32;
	v16 =	vld.idx.msk [tilespmem:v24+s26+$0x0], $0xffff;
	v23 =	vmul.f32 v54, v25;
	v21 =	vmul.f32 v53, v3  }
0x13a: {  	v28 =	vadd.s32 v2, v47;
	v25 =	vmul.f32 v56, v25;
	v56 =	vld [tilespmem:s29+$0x20];
	v3 =	vmul.f32 v55, v3  }
0x13b: {  	v57 =	vadd.s32 v0, v42;
	[tilespmem:v5+s0+$0x0] =	vst.idx.add.f32.msk $0xffff, v32;
	v21 =	vadd.f32 v23, v21  }
0x13c: {  	v17 =	vmul.f32 v35, v17;
	[tilespmem:v31+s0+$0x0] =	vst.idx.add.f32.msk $0xffff, v8;
	v3 =	vadd.f32 v25, v3  }
0x13d: {  	v14 =	vmul.f32 v60, v14;
	v60 =	vmul.f32 v50, v26;
	[tilespmem:v11+s0+$0x0] =	vst.idx.add.f32.msk $0xffff, v21  }
0x13e: {  	vm14 =	vlt.s32 v4, $0xFFE;
	v10 =	vadd.f32 v17, v10;
	v8 =	vmul.f32 v59, v51;
	[tilespmem:v36+s0+$0x0] =	vst.idx.add.f32.msk $0xffff, v3  }
0x13f: {  	v54 =	vmul.f32 v37, v12;
	v12 =	vmul.f32 v62, v12;
	v3 =	vnsel vm14, $0xFFE, v4;
	v4 =	vld [tilespmem:s29+$0x0]  }
0x140: {  	[tilespmem:v13+s0+$0x0] =	vst.idx.add.f32.msk $0xffff, v10;
	v8 =	vadd.f32 v14, v8;
	v55 =	vmul.f32 v38, v20  }
0x141: {  	v51 =	vld [tilespmem:s30+$0x10];
	v20 =	vmul.f32 v40, v20;
	v5 =	vmul.f32 v49, v16;
	v3 =	vadd.s32 v2, v3  }
0x142: {  	v59 =	vld [tilespmem:s6+$0x20];
	v23 =	vadd.f32 v39, v63;
	v17 =	vadd.f32 v55, v54;
	v25 =	vmul.f32 v41, v15  }
0x143: {  	v53 =	vld [tilespmem:s5+$0x20];
	v12 =	vadd.f32 v20, v12;
	v15 =	vmul.f32 v46, v15;
	v21 =	vadd.s32 v2, v44  }
0x144: {  	v5 =	vadd.f32 v60, v5;
	[tilespmem:v61+s0+$0x0] =	vst.idx.add.f32.msk $0xffff, v23;
	v4 =	vmul.f32 v4, v22  }
0x145: {  	v63 =	vmul.f32 v56, v19;
	v23 =	vadd.s32 v2, v45;
	[tilespmem:v6+s0+$0x0] =	vst.idx.add.f32.msk $0xffff, v17  }
0x146: {  	[tilespmem:v3+s0+$0x0] =	vst.idx.add.f32.msk $0xffff, v8;
	v3 =	vadd.f32 v4, v25;
	v4 =	vmul.f32 v48, v22  }
0x147: {  	v61 =	vmul.f32 v51, v16;
	v6 =	vmul.f32 v52, v26;
	[tilespmem:v9+s0+$0x0] =	vst.idx.add.f32.msk $0xffff, v5  }
0x148: {  	v62 =	vmul.f32 v53, v18;
	[tilespmem:v21+s0+$0x0] =	vst.idx.add.f32.msk $0xffff, v12;
	v4 =	vadd.f32 v4, v15  }
0x149: {  	[tilespmem:v7+s0+$0x0] =	vst.idx.add.f32.msk $0xffff, v3;
	v3 =	vadd.f32 v6, v61;
	v6 =	vmul.f32 v58, v18  }
0x14a: {  	vm15 =	vlt.s32 v42, $0xFFE;
	v7 =	vadd.f32 v63, v62;
	[tilespmem:v23+s0+$0x0] =	vst.idx.add.f32.msk $0xffff, v4;
	v4 =	vmul.f32 v59, v19  }
0x14b: {  	v5 =	vnsel vm15, $0xFFE, v42;
	[tilespmem:v28+s0+$0x0] =	vst.idx.add.f32.msk $0xffff, v3  }
0x14c: {  	s31 =	simm.s32 $0x0;
	s16 =	simm.s32 $0x160C0;
	v3 =	vadd.s32 v2, v5;
	[tilespmem:v57+s0+$0x0] =	vst.idx.add.f32.msk $0xffff, v7;
	v4 =	vadd.f32 v4, v6  }
.LBB2_6:
0x14d: {  	v5 =	vld [tilespmem:s16+$0x30]  }
0x14e: {  	s31 =	sadd.s32 $0x8, s31;
	v6 =	vld [tilespmem:s16+$0xFFFFFFD0]  }
0x14f: {  	p0 =	slt.u32 s31, $0xF8;
	v7 =	vld [tilespmem:s16+$0xFFFFFFE0]  }
0x150: {  	v8 =	vld [tilespmem:s16+$0xFFFFFFF0]  }
0x151: {  	v9 =	vld [tilespmem:s16+$0x0]  }
0x152: {  	v10 =	vld [tilespmem:s16+$0x10];
	v11 =	vand.u32 $0xFFF, v5  }
0x153: {  	v12 =	vshra.s32 v6, $0xC;
	v6 =	vand.u32 $0xFFF, v6;
	v13 =	vld [tilespmem:s16+$0x20];
	v14 =	vmin.u32 v11, $0xFFE  }
0x154: {  	v15 =	vld [tilespmem:s16+$0xFFFFFFC0];
	v16 =	vmin.u32 v6, $0xFFE;
	v17 =	vand.u32 $0xFFF, v7;
	v14 =	vadd.s32 $0x1, v14  }
0x155: {  	s5 =	sadd.s32 $0x80, s5;
	v16 =	vadd.s32 $0x1, v16;
	v18 =	vmin.u32 v17, $0xFFE;
	v19 =	vand.u32 $0xFFF, v8;
	[tilespmem:v3+s0+$0x0] =	vst.idx.add.f32.msk $0xffff, v4  }
0x156: {  	s29 =	sadd.s32 $0x80, s29;
	v3 =	vadd.s32 $0x1, v18;
	v4 =	vmin.u32 v19, $0xFFE;
	v18 =	vand.u32 $0xFFF, v9;
	v20 =	vld [tilespmem:s5+$0x30]  }
0x157: {  	v4 =	vadd.s32 $0x1, v4;
	v21 =	vmin.u32 v18, $0xFFE;
	v22 =	vand.u32 $0xFFF, v10;
	v23 =	vld [tilespmem:s29+$0x30]  }
0x158: {  	v21 =	vadd.s32 $0x1, v21;
	v24 =	vmin.u32 v22, $0xFFE;
	v25 =	vand.u32 $0xFFF, v13;
	v11 =	vld.idx.msk [tilespmem:v11+s26+$0x0], $0xffff  }
0x159: {  	s30 =	sadd.s32 $0x80, s30;
	v26 =	vand.u32 $0xFFF, v15;
	v24 =	vadd.s32 $0x1, v24;
	v27 =	vmin.u32 v25, $0xFFE;
	v14 =	vld.idx.msk [tilespmem:v14+s26+$0x0], $0xffff  }
0x15a: {  	s6 =	sadd.s32 $0x80, s6;
	v15 =	vshra.s32 v15, $0xC;
	v28 =	vmin.u32 v26, $0xFFE;
	v27 =	vadd.s32 $0x1, v27;
	v29 =	vld [tilespmem:s30+$0x30]  }
0x15b: {  	v30 =	vshra.s32 v7, $0xC;
	v31 =	vshra.s32 v8, $0xC;
	v28 =	vadd.s32 $0x1, v28;
	v7 =	vld [tilespmem:s6+$0x30]  }
0x15c: {  	v5 =	vshra.s32 v5, $0xC;
	v32 =	vshra.s32 v9, $0xC;
	v33 =	vshra.s32 v10, $0xC;
	v16 =	vld.idx.msk [tilespmem:v16+s26+$0x0], $0xffff  }
0x15d: {  	vm1 =	vlt.s32 v5, $0xFFE;
	v13 =	vshra.s32 v13, $0xC;
	vm0 =	vlt.s32 v15, $0xFFE;
	v34 =	vld.idx.msk [tilespmem:v3+s26+$0x0], $0xffff  }
0x15e: {  	vm2 =	vlt.s32 v12, $0xFFE;
	v9 =	vadd.s32 v0, v5;
	v3 =	vnsel vm1, $0xFFE, v5;
	v35 =	vld.idx.msk [tilespmem:v4+s26+$0x0], $0xffff  }
0x15f: {  	v4 =	vmul.f32 v20, v11;
	v10 =	vmul.f32 v23, v14;
	v3 =	vadd.s32 v2, v3;
	v8 =	vld.idx.msk [tilespmem:v21+s26+$0x0], $0xffff  }
0x160: {  	vm1 =	vlt.s32 v30, $0xFFE;
	v11 =	vmul.f32 v29, v11;
	v20 =	vld.idx.msk [tilespmem:v28+s26+$0x0], $0xffff;
	v7 =	vmul.f32 v7, v14  }
0x161: {  	vm3 =	vlt.s32 v31, $0xFFE;
	vm4 =	vlt.s32 v32, $0xFFE;
	v10 =	vadd.f32 v10, v4;
	v5 =	vld.idx.msk [tilespmem:v24+s26+$0x0], $0xffff  }
0x162: {  	vm5 =	vlt.s32 v33, $0xFFE;
	vm6 =	vlt.s32 v13, $0xFFE;
	v4 =	vld.idx.msk [tilespmem:v27+s26+$0x0], $0xffff;
	v7 =	vadd.f32 v7, v11  }
0x163: {  	v21 =	vnsel vm1, $0xFFE, v30;
	v14 =	vnsel vm2, $0xFFE, v12;
	v11 =	vnsel vm0, $0xFFE, v15;
	[tilespmem:v9+s0+$0x0] =	vst.idx.add.f32.msk $0xffff, v10  }
0x164: {  	v23 =	vnsel vm4, $0xFFE, v32;
	v24 =	vnsel vm5, $0xFFE, v33;
	v9 =	vnsel vm3, $0xFFE, v31;
	[tilespmem:v3+s0+$0x0] =	vst.idx.add.f32.msk $0xffff, v7  }
0x165: {  	v14 =	vadd.s32 v2, v14;
	v11 =	vadd.s32 v2, v11;
	v3 =	vnsel vm6, $0xFFE, v13;
	v26 =	vld.idx.msk [tilespmem:v26+s26+$0x0], $0xffff  }
0x166: {  	v10 =	vadd.s32 v2, v21;
	v9 =	vadd.s32 v2, v9;
	v27 =	vld.idx.msk [tilespmem:v6+s26+$0x0], $0xffff;
	v6 =	vadd.s32 v2, v23  }
0x167: {  	v15 =	vadd.s32 v0, v15;
	v7 =	vadd.s32 v2, v24;
	v3 =	vadd.s32 v2, v3;
	v17 =	vld.idx.msk [tilespmem:v17+s26+$0x0], $0xffff  }
0x168: {  	v12 =	vadd.s32 v0, v12;
	v21 =	vadd.s32 v0, v30;
	v23 =	vadd.s32 v0, v31;
	v19 =	vld.idx.msk [tilespmem:v19+s26+$0x0], $0xffff  }
0x169: {  	v28 =	vadd.s32 v0, v33;
	v24 =	vadd.s32 v0, v32;
	v13 =	vadd.s32 v0, v13;
	v18 =	vld.idx.msk [tilespmem:v18+s26+$0x0], $0xffff  }
0x16a: {  	v22 =	vld.idx.msk [tilespmem:v22+s26+$0x0], $0xffff  }
0x16b: {  	v25 =	vld.idx.msk [tilespmem:v25+s26+$0x0], $0xffff  }
0x16c: {  	v29 =	vld [tilespmem:s5+$0xFFFFFFC0]  }
0x16d: {  	v30 =	vld [tilespmem:s29+$0xFFFFFFC0]  }
0x16e: {  	v31 =	vld [tilespmem:s30+$0xFFFFFFC0]  }
0x16f: {  	v32 =	vld [tilespmem:s6+$0xFFFFFFC0]  }
0x170: {  	v33 =	vld [tilespmem:s5+$0xFFFFFFD0]  }
0x171: {  	v29 =	vmul.f32 v29, v26;
	v36 =	vld [tilespmem:s29+$0xFFFFFFD0]  }
0x172: {  	v30 =	vmul.f32 v30, v20;
	v37 =	vld [tilespmem:s30+$0xFFFFFFD0]  }
0x173: {  	v26 =	vmul.f32 v31, v26;
	v31 =	vld [tilespmem:s6+$0xFFFFFFD0]  }
0x174: {  	v29 =	vadd.f32 v30, v29;
	v20 =	vmul.f32 v32, v20;
	v30 =	vld [tilespmem:s5+$0xFFFFFFE0]  }
0x175: {  	v32 =	vmul.f32 v33, v27;
	v33 =	vld [tilespmem:s29+$0xFFFFFFE0]  }
0x176: {  	v20 =	vadd.f32 v20, v26;
	v26 =	vmul.f32 v36, v16;
	v36 =	vld [tilespmem:s30+$0xFFFFFFE0]  }
0x177: {  	v27 =	vmul.f32 v37, v27;
	v37 =	vld [tilespmem:s6+$0xFFFFFFE0]  }
0x178: {  	v26 =	vadd.f32 v26, v32;
	v16 =	vmul.f32 v31, v16;
	v31 =	vld [tilespmem:s5+$0xFFFFFFF0]  }
0x179: {  	v30 =	vmul.f32 v30, v17;
	v32 =	vld [tilespmem:s29+$0xFFFFFFF0]  }
0x17a: {  	v16 =	vadd.f32 v16, v27;
	v27 =	vmul.f32 v33, v34;
	v33 =	vld [tilespmem:s30+$0xFFFFFFF0]  }
0x17b: {  	v17 =	vmul.f32 v36, v17;
	v36 =	vld [tilespmem:s6+$0xFFFFFFF0]  }
0x17c: {  	v27 =	vadd.f32 v27, v30;
	v30 =	vmul.f32 v37, v34;
	v34 =	vld [tilespmem:s5+$0x0]  }
0x17d: {  	v31 =	vmul.f32 v31, v19;
	v37 =	vld [tilespmem:s29+$0x0]  }
0x17e: {  	v17 =	vadd.f32 v30, v17;
	v30 =	vmul.f32 v32, v35;
	v32 =	vld [tilespmem:s30+$0x0]  }
0x17f: {  	v19 =	vmul.f32 v33, v19;
	v33 =	vld [tilespmem:s6+$0x0]  }
0x180: {  	v30 =	vadd.f32 v30, v31;
	v31 =	vmul.f32 v36, v35;
	v35 =	vld [tilespmem:s5+$0x10]  }
0x181: {  	v34 =	vmul.f32 v34, v18;
	v36 =	vld [tilespmem:s29+$0x10]  }
0x182: {  	v19 =	vadd.f32 v31, v19;
	v31 =	vmul.f32 v37, v8;
	v37 =	vld [tilespmem:s30+$0x10]  }
0x183: {  	v18 =	vmul.f32 v32, v18;
	v32 =	vld [tilespmem:s6+$0x10]  }
0x184: {  	v31 =	vadd.f32 v31, v34;
	v8 =	vmul.f32 v33, v8;
	v33 =	vld [tilespmem:s5+$0x20]  }
0x185: {  	v34 =	vmul.f32 v35, v22;
	v35 =	vld [tilespmem:s29+$0x20]  }
0x186: {  	v8 =	vadd.f32 v8, v18;
	v18 =	vmul.f32 v36, v5;
	v36 =	vld [tilespmem:s30+$0x20]  }
0x187: {  	v22 =	vmul.f32 v37, v22;
	v37 =	vld [tilespmem:s6+$0x20]  }
0x188: {  	[tilespmem:v15+s0+$0x0] =	vst.idx.add.f32.msk $0xffff, v29;
	v15 =	vadd.f32 v18, v34;
	v5 =	vmul.f32 v32, v5  }
0x189: {  	[tilespmem:v11+s0+$0x0] =	vst.idx.add.f32.msk $0xffff, v20;
	v11 =	vmul.f32 v33, v25  }
0x18a: {  	[tilespmem:v12+s0+$0x0] =	vst.idx.add.f32.msk $0xffff, v26;
	v5 =	vadd.f32 v5, v22;
	v12 =	vmul.f32 v35, v4  }
0x18b: {  	[tilespmem:v14+s0+$0x0] =	vst.idx.add.f32.msk $0xffff, v16;
	v14 =	vmul.f32 v36, v25  }
0x18c: {  	[tilespmem:v21+s0+$0x0] =	vst.idx.add.f32.msk $0xffff, v27;
	v11 =	vadd.f32 v12, v11;
	v4 =	vmul.f32 v37, v4  }
0x18d: {  	[tilespmem:v10+s0+$0x0] =	vst.idx.add.f32.msk $0xffff, v17  }
0x18e: {  	[tilespmem:v23+s0+$0x0] =	vst.idx.add.f32.msk $0xffff, v30;
	v4 =	vadd.f32 v4, v14  }
0x18f: {  	[tilespmem:v9+s0+$0x0] =	vst.idx.add.f32.msk $0xffff, v19  }
.Ltmp2:
0x190: {  	[tilespmem:v24+s0+$0x0] =	vst.idx.add.f32.msk $0xffff, v31;
	(pc) =	sbr.rel @p0 .LBB2_6-.Ltmp2, $4  }
0x191: {  	[tilespmem:v6+s0+$0x0] =	vst.idx.add.f32.msk $0xffff, v8  }
0x192: {  	[tilespmem:v28+s0+$0x0] =	vst.idx.add.f32.msk $0xffff, v15  }
0x193: {  	[tilespmem:v7+s0+$0x0] =	vst.idx.add.f32.msk $0xffff, v5  }
0x194: {  	s16 =	sadd.s32 $0x80, s16;
	[tilespmem:v13+s0+$0x0] =	vst.idx.add.f32.msk $0xffff, v11  }
0x195: {  	_ =	sdelay $0x3  }
0x196: {  	[tilespmem:v3+s0+$0x0] =	vst.idx.add.f32.msk $0xffff, v4;
	s5 =	simm.s32 $0x16000  }
0x197: {  	[tilespmem:s5], [sflag:$0x2] =	stream.linear.gather [hbm4b:s18+s0], $0x1000, $0x38;
	[tilespmem:$0x1C000] =	vst v63  }
0x198: {  	s6 =	simm.s32 $0x17000  }
0x199: {  	[tilespmem:s6], [sflag:$0x2] =	stream.linear.gather [hbm4b:s19+s0], $0x1000, $0x38;
	[tilespmem:$0x1C000] =	vst v63  }
0x19a: {  	s7 =	simm.s32 $0x18000  }
0x19b: {  	[tilespmem:s7], [sflag:$0x2] =	stream.linear.gather [hbm4b:s20+s0], $0x1000, $0x38;
	[tilespmem:$0x1C000] =	vst v63  }
0x19c: {  	s16 =	simm.s32 $0x19000  }
0x19d: {  	[tilespmem:s16], [sflag:$0x2] =	stream.linear.gather [hbm4b:s21+s0], $0x1000, $0x38;
	[tilespmem:$0x1C000] =	vst v63  }
0x19e: {  	_ = 	snop  }
0x19f: {  	[tilespmem:s2], [sflag:$0x2] =	stream.linear.gather [hbm4b:s22+s0], $0x1000, $0x38;
	[tilespmem:$0x1C000] =	vst v63  }
0x1a0: {  	_ =	swait.ge [sflag:s1], $0x1000  }
0x1a1: {  	[sflag:s1] =	ssyncset.done $0x0  }
0x1a2: {  	[sflag:s1] =	ssyncadd.s32 $0xFFFFF000  }
0x1a3: {  	_ =	swait.ge [sflag:s1], $0x1000  }
0x1a4: {  	[sflag:s1] =	ssyncset.done $0x0  }
0x1a5: {  	[sflag:s1] =	ssyncadd.s32 $0xFFFFF000  }
0x1a6: {  	_ =	swait.ge [sflag:s1], $0x1000  }
0x1a7: {  	[sflag:s1] =	ssyncset.done $0x0  }
0x1a8: {  	[sflag:s1] =	ssyncadd.s32 $0xFFFFF000  }
0x1a9: {  	_ =	swait.ge [sflag:s1], $0x1000  }
0x1aa: {  	[sflag:s1] =	ssyncset.done $0x0  }
0x1ab: {  	[sflag:s1] =	ssyncadd.s32 $0xFFFFF000  }
0x1ac: {  	_ =	swait.ge [sflag:s1], $0x1000  }
0x1ad: {  	[sflag:s1] =	ssyncset.done $0x0  }
0x1ae: {  	s6 =	simm.s32 $0x11040;
	[sflag:s1] =	ssyncadd.s32 $0xFFFFF000  }
0x1af: {  	v3 =	vld [tilespmem:s6+$0x30]  }
0x1b0: {  	v4 =	vld [tilespmem:s6+$0xFFFFFFD0]  }
0x1b1: {  	v5 =	vld [tilespmem:s6+$0xFFFFFFE0]  }
0x1b2: {  	v6 =	vld [tilespmem:s6+$0xFFFFFFF0]  }
0x1b3: {  	v7 =	vld [tilespmem:s6+$0x0]  }
0x1b4: {  	v9 =	vld [tilespmem:s6+$0x10]  }
0x1b5: {  	v11 =	vld [tilespmem:s6+$0xFFFFFFC0]  }
0x1b6: {  	s5 =	simm.s32 $0x12040;
	v13 =	vld [tilespmem:s6+$0x20]  }
0x1b7: {  	s29 =	simm.s32 $0x13040;
	v16 =	vld [tilespmem:s5+$0x30]  }
0x1b8: {  	s30 =	simm.s32 $0x14040;
	v19 =	vld [tilespmem:s29+$0x30]  }
0x1b9: {  	v26 =	vld [tilespmem:s30+$0x30]  }
0x1ba: {  	v53 =	vld [tilespmem:s5+$0xFFFFFFC0]  }
0x1bb: {  	v54 =	vld [tilespmem:s29+$0xFFFFFFC0]  }
0x1bc: {  	v55 =	vld [tilespmem:s30+$0xFFFFFFC0]  }
0x1bd: {  	v57 =	vld [tilespmem:s5+$0xFFFFFFD0]  }
0x1be: {  	v58 =	vld [tilespmem:s29+$0xFFFFFFD0]  }
0x1bf: {  	v59 =	vld [tilespmem:s30+$0xFFFFFFD0]  }
0x1c0: {  	v32 =	vld [tilespmem:s5+$0xFFFFFFE0]  }
0x1c1: {  	v33 =	vld [tilespmem:s29+$0xFFFFFFE0]  }
0x1c2: {  	v34 =	vld [tilespmem:s30+$0xFFFFFFE0]  }
0x1c3: {  	v37 =	vld [tilespmem:s5+$0xFFFFFFF0]  }
0x1c4: {  	v38 =	vld [tilespmem:s29+$0xFFFFFFF0]  }
0x1c5: {  	v62 =	vld [tilespmem:s30+$0xFFFFFFF0]  }
0x1c6: {  	v41 =	vld [tilespmem:s5+$0x0]  }
0x1c7: {  	v46 =	vld [tilespmem:s30+$0x0]  }
0x1c8: {  	v49 =	vld [tilespmem:s5+$0x10]  }
0x1c9: {  	s6 =	simm.s32 $0x15040;
	v50 =	vld [tilespmem:s29+$0x10]  }
0x1ca: {  	v29 =	vld [tilespmem:s6+$0x30]  }
0x1cb: {  	v56 =	vld [tilespmem:s6+$0xFFFFFFC0];
	v8 =	vand.u32 $0xFFF, v3  }
0x1cc: {  	v60 =	vld [tilespmem:s6+$0xFFFFFFD0];
	v12 =	vand.u32 $0xFFF, v4  }
0x1cd: {  	v35 =	vld [tilespmem:s6+$0xFFFFFFE0];
	v15 =	vand.u32 $0xFFF, v5;
	v18 =	vand.u32 $0xFFF, v6;
	v10 =	vmin.u32 v8, $0xFFE  }
0x1ce: {  	v40 =	vld [tilespmem:s6+$0xFFFFFFF0];
	v21 =	vand.u32 $0xFFF, v7;
	v23 =	vand.u32 $0xFFF, v11;
	v10 =	vadd.s32 $0x1, v10  }
0x1cf: {  	v48 =	vld [tilespmem:s6+$0x0];
	v24 =	vand.u32 $0xFFF, v9;
	v28 =	vand.u32 $0xFFF, v13;
	v3 =	vshra.s32 v3, $0xC  }
0x1d0: {  	v11 =	vshra.s32 v11, $0xC;
	v4 =	vshra.s32 v4, $0xC;
	v5 =	vshra.s32 v5, $0xC;
	v8 =	vld.idx.msk [tilespmem:v8+s26+$0x0], $0xffff  }
0x1d1: {  	v6 =	vshra.s32 v6, $0xC;
	v7 =	vshra.s32 v7, $0xC;
	v14 =	vmin.u32 v12, $0xFFE;
	v51 =	vld.idx.msk [tilespmem:v12+s26+$0x0], $0xffff  }
0x1d2: {  	v9 =	vshra.s32 v9, $0xC;
	v17 =	vmin.u32 v15, $0xFFE;
	v14 =	vadd.s32 $0x1, v14;
	v52 =	vld.idx.msk [tilespmem:v15+s26+$0x0], $0xffff  }
0x1d3: {  	v42 =	vshra.s32 v13, $0xC;
	v20 =	vmin.u32 v18, $0xFFE;
	v17 =	vadd.s32 $0x1, v17;
	v10 =	vld.idx.msk [tilespmem:v10+s26+$0x0], $0xffff  }
0x1d4: {  	v22 =	vmin.u32 v21, $0xFFE;
	v25 =	vmin.u32 v23, $0xFFE;
	v20 =	vadd.s32 $0x1, v20;
	v12 =	vld.idx.msk [tilespmem:v18+s26+$0x0], $0xffff  }
0x1d5: {  	v27 =	vmin.u32 v24, $0xFFE;
	v30 =	vmin.u32 v28, $0xFFE;
	v22 =	vadd.s32 $0x1, v22;
	v15 =	vld.idx.msk [tilespmem:v21+s26+$0x0], $0xffff  }
0x1d6: {  	vm0 =	vlt.s32 v3, $0xFFE;
	vm13 =	vlt.s32 v11, $0xFFE;
	v25 =	vadd.s32 $0x1, v25;
	v18 =	vld.idx.msk [tilespmem:v28+s26+$0x0], $0xffff  }
0x1d7: {  	v61 =	vadd.s32 v0, v4;
	v31 =	vnsel vm0, $0xFFE, v3;
	v3 =	vadd.s32 v0, v3;
	v14 =	vld.idx.msk [tilespmem:v14+s26+$0x0], $0xffff  }
0x1d8: {  	vm1 =	vlt.s32 v5, $0xFFE;
	v17 =	vld.idx.msk [tilespmem:v17+s26+$0x0], $0xffff;
	v16 =	vmul.f32 v16, v8;
	v19 =	vmul.f32 v19, v10  }
0x1d9: {  	vm2 =	vlt.s32 v6, $0xFFE;
	vm3 =	vlt.s32 v7, $0xFFE;
	v27 =	vadd.s32 $0x1, v27;
	v20 =	vld.idx.msk [tilespmem:v20+s26+$0x0], $0xffff  }
0x1da: {  	vm4 =	vlt.s32 v9, $0xFFE;
	v30 =	vadd.s32 $0x1, v30;
	v22 =	vld.idx.msk [tilespmem:v22+s26+$0x0], $0xffff;
	v16 =	vadd.f32 v19, v16  }
0x1db: {  	v36 =	vnsel vm13, $0xFFE, v11;
	v11 =	vadd.s32 v0, v11;
	v43 =	vnsel vm1, $0xFFE, v5;
	v25 =	vld.idx.msk [tilespmem:v25+s26+$0x0], $0xffff  }
0x1dc: {  	v44 =	vnsel vm2, $0xFFE, v6;
	v45 =	vnsel vm3, $0xFFE, v7;
	v47 =	vnsel vm4, $0xFFE, v9;
	[tilespmem:v3+s0+$0x0] =	vst.idx.add.f32.msk $0xffff, v16  }
0x1dd: {  	v5 =	vadd.s32 v0, v5;
	v6 =	vadd.s32 v0, v6;
	v7 =	vadd.s32 v0, v7;
	v3 =	vld.idx.msk [tilespmem:v23+s26+$0x0], $0xffff  }
0x1de: {  	v9 =	vadd.s32 v0, v9;
	v31 =	vadd.s32 v2, v31;
	v8 =	vmul.f32 v26, v8;
	v26 =	vld.idx.msk [tilespmem:v27+s26+$0x0], $0xffff  }
0x1df: {  	v36 =	vadd.s32 v2, v36;
	v10 =	vmul.f32 v29, v10;
	v39 =	vmul.f32 v58, v14;
	v58 =	vld [tilespmem:s30+$0x20]  }
0x1e0: {  	v13 =	vadd.s32 v2, v43;
	v32 =	vmul.f32 v32, v52;
	v33 =	vmul.f32 v33, v17;
	v19 =	vld.idx.msk [tilespmem:v30+s26+$0x0], $0xffff  }
0x1e1: {  	v63 =	vmul.f32 v57, v51;
	v8 =	vadd.f32 v10, v8;
	v10 =	vmul.f32 v34, v52;
	v52 =	vld [tilespmem:s6+$0x10]  }
0x1e2: {  	v32 =	vadd.f32 v33, v32;
	v16 =	vld.idx.msk [tilespmem:v24+s26+$0x0], $0xffff;
	v23 =	vmul.f32 v54, v25;
	v21 =	vmul.f32 v53, v3  }
0x1e3: {  	v28 =	vadd.s32 v2, v47;
	v25 =	vmul.f32 v56, v25;
	v56 =	vld [tilespmem:s29+$0x20];
	v3 =	vmul.f32 v55, v3  }
0x1e4: {  	v57 =	vadd.s32 v0, v42;
	[tilespmem:v5+s0+$0x0] =	vst.idx.add.f32.msk $0xffff, v32;
	v21 =	vadd.f32 v23, v21  }
0x1e5: {  	v17 =	vmul.f32 v35, v17;
	[tilespmem:v31+s0+$0x0] =	vst.idx.add.f32.msk $0xffff, v8;
	v3 =	vadd.f32 v25, v3  }
0x1e6: {  	v14 =	vmul.f32 v60, v14;
	v60 =	vmul.f32 v50, v26;
	[tilespmem:v11+s0+$0x0] =	vst.idx.add.f32.msk $0xffff, v21  }
0x1e7: {  	vm14 =	vlt.s32 v4, $0xFFE;
	v10 =	vadd.f32 v17, v10;
	v8 =	vmul.f32 v59, v51;
	[tilespmem:v36+s0+$0x0] =	vst.idx.add.f32.msk $0xffff, v3  }
0x1e8: {  	v54 =	vmul.f32 v37, v12;
	v12 =	vmul.f32 v62, v12;
	v3 =	vnsel vm14, $0xFFE, v4;
	v4 =	vld [tilespmem:s29+$0x0]  }
0x1e9: {  	[tilespmem:v13+s0+$0x0] =	vst.idx.add.f32.msk $0xffff, v10;
	v8 =	vadd.f32 v14, v8;
	v55 =	vmul.f32 v38, v20  }
0x1ea: {  	v51 =	vld [tilespmem:s30+$0x10];
	v20 =	vmul.f32 v40, v20;
	v5 =	vmul.f32 v49, v16;
	v3 =	vadd.s32 v2, v3  }
0x1eb: {  	v59 =	vld [tilespmem:s6+$0x20];
	v23 =	vadd.f32 v39, v63;
	v17 =	vadd.f32 v55, v54;
	v25 =	vmul.f32 v41, v15  }
0x1ec: {  	v53 =	vld [tilespmem:s5+$0x20];
	v12 =	vadd.f32 v20, v12;
	v15 =	vmul.f32 v46, v15;
	v21 =	vadd.s32 v2, v44  }
0x1ed: {  	v5 =	vadd.f32 v60, v5;
	[tilespmem:v61+s0+$0x0] =	vst.idx.add.f32.msk $0xffff, v23;
	v4 =	vmul.f32 v4, v22  }
0x1ee: {  	v63 =	vmul.f32 v56, v19;
	v23 =	vadd.s32 v2, v45;
	[tilespmem:v6+s0+$0x0] =	vst.idx.add.f32.msk $0xffff, v17  }
0x1ef: {  	[tilespmem:v3+s0+$0x0] =	vst.idx.add.f32.msk $0xffff, v8;
	v3 =	vadd.f32 v4, v25;
	v4 =	vmul.f32 v48, v22  }
0x1f0: {  	v61 =	vmul.f32 v51, v16;
	v6 =	vmul.f32 v52, v26;
	[tilespmem:v9+s0+$0x0] =	vst.idx.add.f32.msk $0xffff, v5  }
0x1f1: {  	v62 =	vmul.f32 v53, v18;
	[tilespmem:v21+s0+$0x0] =	vst.idx.add.f32.msk $0xffff, v12;
	v4 =	vadd.f32 v4, v15  }
0x1f2: {  	[tilespmem:v7+s0+$0x0] =	vst.idx.add.f32.msk $0xffff, v3;
	v3 =	vadd.f32 v6, v61;
	v6 =	vmul.f32 v58, v18  }
0x1f3: {  	vm15 =	vlt.s32 v42, $0xFFE;
	v7 =	vadd.f32 v63, v62;
	[tilespmem:v23+s0+$0x0] =	vst.idx.add.f32.msk $0xffff, v4;
	v4 =	vmul.f32 v59, v19  }
0x1f4: {  	v5 =	vnsel vm15, $0xFFE, v42;
	[tilespmem:v28+s0+$0x0] =	vst.idx.add.f32.msk $0xffff, v3  }
0x1f5: {  	s31 =	simm.s32 $0x0;
	s16 =	simm.s32 $0x110C0;
	v3 =	vadd.s32 v2, v5;
	[tilespmem:v57+s0+$0x0] =	vst.idx.add.f32.msk $0xffff, v7;
	v4 =	vadd.f32 v4, v6  }
.LBB2_8:
0x1f6: {  	v5 =	vld [tilespmem:s16+$0x30]  }
0x1f7: {  	s31 =	sadd.s32 $0x8, s31;
	v6 =	vld [tilespmem:s16+$0xFFFFFFD0]  }
0x1f8: {  	p0 =	slt.u32 s31, $0xF8;
	v7 =	vld [tilespmem:s16+$0xFFFFFFE0]  }
0x1f9: {  	v8 =	vld [tilespmem:s16+$0xFFFFFFF0]  }
0x1fa: {  	v9 =	vld [tilespmem:s16+$0x0]  }
0x1fb: {  	v10 =	vld [tilespmem:s16+$0x10];
	v11 =	vand.u32 $0xFFF, v5  }
0x1fc: {  	v12 =	vshra.s32 v6, $0xC;
	v6 =	vand.u32 $0xFFF, v6;
	v13 =	vld [tilespmem:s16+$0x20];
	v14 =	vmin.u32 v11, $0xFFE  }
0x1fd: {  	v15 =	vld [tilespmem:s16+$0xFFFFFFC0];
	v16 =	vmin.u32 v6, $0xFFE;
	v17 =	vand.u32 $0xFFF, v7;
	v14 =	vadd.s32 $0x1, v14  }
0x1fe: {  	s5 =	sadd.s32 $0x80, s5;
	v16 =	vadd.s32 $0x1, v16;
	v18 =	vmin.u32 v17, $0xFFE;
	v19 =	vand.u32 $0xFFF, v8;
	[tilespmem:v3+s0+$0x0] =	vst.idx.add.f32.msk $0xffff, v4  }
0x1ff: {  	s29 =	sadd.s32 $0x80, s29;
	v3 =	vadd.s32 $0x1, v18;
	v4 =	vmin.u32 v19, $0xFFE;
	v18 =	vand.u32 $0xFFF, v9;
	v20 =	vld [tilespmem:s5+$0x30]  }
0x200: {  	v4 =	vadd.s32 $0x1, v4;
	v21 =	vmin.u32 v18, $0xFFE;
	v22 =	vand.u32 $0xFFF, v10;
	v23 =	vld [tilespmem:s29+$0x30]  }
0x201: {  	v21 =	vadd.s32 $0x1, v21;
	v24 =	vmin.u32 v22, $0xFFE;
	v25 =	vand.u32 $0xFFF, v13;
	v11 =	vld.idx.msk [tilespmem:v11+s26+$0x0], $0xffff  }
0x202: {  	s30 =	sadd.s32 $0x80, s30;
	v26 =	vand.u32 $0xFFF, v15;
	v24 =	vadd.s32 $0x1, v24;
	v27 =	vmin.u32 v25, $0xFFE;
	v14 =	vld.idx.msk [tilespmem:v14+s26+$0x0], $0xffff  }
0x203: {  	s6 =	sadd.s32 $0x80, s6;
	v15 =	vshra.s32 v15, $0xC;
	v28 =	vmin.u32 v26, $0xFFE;
	v27 =	vadd.s32 $0x1, v27;
	v29 =	vld [tilespmem:s30+$0x30]  }
0x204: {  	v30 =	vshra.s32 v7, $0xC;
	v31 =	vshra.s32 v8, $0xC;
	v28 =	vadd.s32 $0x1, v28;
	v7 =	vld [tilespmem:s6+$0x30]  }
0x205: {  	v5 =	vshra.s32 v5, $0xC;
	v32 =	vshra.s32 v9, $0xC;
	v33 =	vshra.s32 v10, $0xC;
	v16 =	vld.idx.msk [tilespmem:v16+s26+$0x0], $0xffff  }
0x206: {  	vm1 =	vlt.s32 v5, $0xFFE;
	v13 =	vshra.s32 v13, $0xC;
	vm0 =	vlt.s32 v15, $0xFFE;
	v34 =	vld.idx.msk [tilespmem:v3+s26+$0x0], $0xffff  }
0x207: {  	vm2 =	vlt.s32 v12, $0xFFE;
	v9 =	vadd.s32 v0, v5;
	v3 =	vnsel vm1, $0xFFE, v5;
	v35 =	vld.idx.msk [tilespmem:v4+s26+$0x0], $0xffff  }
0x208: {  	v4 =	vmul.f32 v20, v11;
	v10 =	vmul.f32 v23, v14;
	v3 =	vadd.s32 v2, v3;
	v8 =	vld.idx.msk [tilespmem:v21+s26+$0x0], $0xffff  }
0x209: {  	vm1 =	vlt.s32 v30, $0xFFE;
	v11 =	vmul.f32 v29, v11;
	v20 =	vld.idx.msk [tilespmem:v28+s26+$0x0], $0xffff;
	v7 =	vmul.f32 v7, v14  }
0x20a: {  	vm3 =	vlt.s32 v31, $0xFFE;
	vm4 =	vlt.s32 v32, $0xFFE;
	v10 =	vadd.f32 v10, v4;
	v5 =	vld.idx.msk [tilespmem:v24+s26+$0x0], $0xffff  }
0x20b: {  	vm5 =	vlt.s32 v33, $0xFFE;
	vm6 =	vlt.s32 v13, $0xFFE;
	v4 =	vld.idx.msk [tilespmem:v27+s26+$0x0], $0xffff;
	v7 =	vadd.f32 v7, v11  }
0x20c: {  	v21 =	vnsel vm1, $0xFFE, v30;
	v14 =	vnsel vm2, $0xFFE, v12;
	v11 =	vnsel vm0, $0xFFE, v15;
	[tilespmem:v9+s0+$0x0] =	vst.idx.add.f32.msk $0xffff, v10  }
0x20d: {  	v23 =	vnsel vm4, $0xFFE, v32;
	v24 =	vnsel vm5, $0xFFE, v33;
	v9 =	vnsel vm3, $0xFFE, v31;
	[tilespmem:v3+s0+$0x0] =	vst.idx.add.f32.msk $0xffff, v7  }
0x20e: {  	v14 =	vadd.s32 v2, v14;
	v11 =	vadd.s32 v2, v11;
	v3 =	vnsel vm6, $0xFFE, v13;
	v26 =	vld.idx.msk [tilespmem:v26+s26+$0x0], $0xffff  }
0x20f: {  	v10 =	vadd.s32 v2, v21;
	v9 =	vadd.s32 v2, v9;
	v27 =	vld.idx.msk [tilespmem:v6+s26+$0x0], $0xffff;
	v6 =	vadd.s32 v2, v23  }
0x210: {  	v15 =	vadd.s32 v0, v15;
	v7 =	vadd.s32 v2, v24;
	v3 =	vadd.s32 v2, v3;
	v17 =	vld.idx.msk [tilespmem:v17+s26+$0x0], $0xffff  }
0x211: {  	v12 =	vadd.s32 v0, v12;
	v21 =	vadd.s32 v0, v30;
	v23 =	vadd.s32 v0, v31;
	v19 =	vld.idx.msk [tilespmem:v19+s26+$0x0], $0xffff  }
0x212: {  	v28 =	vadd.s32 v0, v33;
	v24 =	vadd.s32 v0, v32;
	v13 =	vadd.s32 v0, v13;
	v18 =	vld.idx.msk [tilespmem:v18+s26+$0x0], $0xffff  }
0x213: {  	v22 =	vld.idx.msk [tilespmem:v22+s26+$0x0], $0xffff  }
0x214: {  	v25 =	vld.idx.msk [tilespmem:v25+s26+$0x0], $0xffff  }
0x215: {  	v29 =	vld [tilespmem:s5+$0xFFFFFFC0]  }
0x216: {  	v30 =	vld [tilespmem:s29+$0xFFFFFFC0]  }
0x217: {  	v31 =	vld [tilespmem:s30+$0xFFFFFFC0]  }
0x218: {  	v32 =	vld [tilespmem:s6+$0xFFFFFFC0]  }
0x219: {  	v33 =	vld [tilespmem:s5+$0xFFFFFFD0]  }
0x21a: {  	v29 =	vmul.f32 v29, v26;
	v36 =	vld [tilespmem:s29+$0xFFFFFFD0]  }
0x21b: {  	v30 =	vmul.f32 v30, v20;
	v37 =	vld [tilespmem:s30+$0xFFFFFFD0]  }
0x21c: {  	v26 =	vmul.f32 v31, v26;
	v31 =	vld [tilespmem:s6+$0xFFFFFFD0]  }
0x21d: {  	v29 =	vadd.f32 v30, v29;
	v20 =	vmul.f32 v32, v20;
	v30 =	vld [tilespmem:s5+$0xFFFFFFE0]  }
0x21e: {  	v32 =	vmul.f32 v33, v27;
	v33 =	vld [tilespmem:s29+$0xFFFFFFE0]  }
0x21f: {  	v20 =	vadd.f32 v20, v26;
	v26 =	vmul.f32 v36, v16;
	v36 =	vld [tilespmem:s30+$0xFFFFFFE0]  }
0x220: {  	v27 =	vmul.f32 v37, v27;
	v37 =	vld [tilespmem:s6+$0xFFFFFFE0]  }
0x221: {  	v26 =	vadd.f32 v26, v32;
	v16 =	vmul.f32 v31, v16;
	v31 =	vld [tilespmem:s5+$0xFFFFFFF0]  }
0x222: {  	v30 =	vmul.f32 v30, v17;
	v32 =	vld [tilespmem:s29+$0xFFFFFFF0]  }
0x223: {  	v16 =	vadd.f32 v16, v27;
	v27 =	vmul.f32 v33, v34;
	v33 =	vld [tilespmem:s30+$0xFFFFFFF0]  }
0x224: {  	v17 =	vmul.f32 v36, v17;
	v36 =	vld [tilespmem:s6+$0xFFFFFFF0]  }
0x225: {  	v27 =	vadd.f32 v27, v30;
	v30 =	vmul.f32 v37, v34;
	v34 =	vld [tilespmem:s5+$0x0]  }
0x226: {  	v31 =	vmul.f32 v31, v19;
	v37 =	vld [tilespmem:s29+$0x0]  }
0x227: {  	v17 =	vadd.f32 v30, v17;
	v30 =	vmul.f32 v32, v35;
	v32 =	vld [tilespmem:s30+$0x0]  }
0x228: {  	v19 =	vmul.f32 v33, v19;
	v33 =	vld [tilespmem:s6+$0x0]  }
0x229: {  	v30 =	vadd.f32 v30, v31;
	v31 =	vmul.f32 v36, v35;
	v35 =	vld [tilespmem:s5+$0x10]  }
0x22a: {  	v34 =	vmul.f32 v34, v18;
	v36 =	vld [tilespmem:s29+$0x10]  }
0x22b: {  	v19 =	vadd.f32 v31, v19;
	v31 =	vmul.f32 v37, v8;
	v37 =	vld [tilespmem:s30+$0x10]  }
0x22c: {  	v18 =	vmul.f32 v32, v18;
	v32 =	vld [tilespmem:s6+$0x10]  }
0x22d: {  	v31 =	vadd.f32 v31, v34;
	v8 =	vmul.f32 v33, v8;
	v33 =	vld [tilespmem:s5+$0x20]  }
0x22e: {  	v34 =	vmul.f32 v35, v22;
	v35 =	vld [tilespmem:s29+$0x20]  }
0x22f: {  	v8 =	vadd.f32 v8, v18;
	v18 =	vmul.f32 v36, v5;
	v36 =	vld [tilespmem:s30+$0x20]  }
0x230: {  	v22 =	vmul.f32 v37, v22;
	v37 =	vld [tilespmem:s6+$0x20]  }
0x231: {  	[tilespmem:v15+s0+$0x0] =	vst.idx.add.f32.msk $0xffff, v29;
	v15 =	vadd.f32 v18, v34;
	v5 =	vmul.f32 v32, v5  }
0x232: {  	[tilespmem:v11+s0+$0x0] =	vst.idx.add.f32.msk $0xffff, v20;
	v11 =	vmul.f32 v33, v25  }
0x233: {  	[tilespmem:v12+s0+$0x0] =	vst.idx.add.f32.msk $0xffff, v26;
	v5 =	vadd.f32 v5, v22;
	v12 =	vmul.f32 v35, v4  }
0x234: {  	[tilespmem:v14+s0+$0x0] =	vst.idx.add.f32.msk $0xffff, v16;
	v14 =	vmul.f32 v36, v25  }
0x235: {  	[tilespmem:v21+s0+$0x0] =	vst.idx.add.f32.msk $0xffff, v27;
	v11 =	vadd.f32 v12, v11;
	v4 =	vmul.f32 v37, v4  }
0x236: {  	[tilespmem:v10+s0+$0x0] =	vst.idx.add.f32.msk $0xffff, v17  }
0x237: {  	[tilespmem:v23+s0+$0x0] =	vst.idx.add.f32.msk $0xffff, v30;
	v4 =	vadd.f32 v4, v14  }
0x238: {  	[tilespmem:v9+s0+$0x0] =	vst.idx.add.f32.msk $0xffff, v19  }
.Ltmp3:
0x239: {  	[tilespmem:v24+s0+$0x0] =	vst.idx.add.f32.msk $0xffff, v31;
	(pc) =	sbr.rel @p0 .LBB2_8-.Ltmp3, $4  }
0x23a: {  	[tilespmem:v6+s0+$0x0] =	vst.idx.add.f32.msk $0xffff, v8  }
0x23b: {  	[tilespmem:v28+s0+$0x0] =	vst.idx.add.f32.msk $0xffff, v15  }
0x23c: {  	[tilespmem:v7+s0+$0x0] =	vst.idx.add.f32.msk $0xffff, v5  }
0x23d: {  	s16 =	sadd.s32 $0x80, s16;
	[tilespmem:v13+s0+$0x0] =	vst.idx.add.f32.msk $0xffff, v11  }
0x23e: {  	_ =	sdelay $0x3  }
0x23f: {  	[tilespmem:v3+s0+$0x0] =	vst.idx.add.f32.msk $0xffff, v4  }
0x240: {  	_ =	swait.ge [sflag:s3], $0x1000  }
0x241: {  	[sflag:s3] =	ssyncset.done $0x0  }
0x242: {  	[sflag:s3] =	ssyncadd.s32 $0xFFFFF000  }
0x243: {  	_ =	swait.ge [sflag:s3], $0x1000  }
0x244: {  	[sflag:s3] =	ssyncset.done $0x0  }
0x245: {  	[sflag:s3] =	ssyncadd.s32 $0xFFFFF000  }
0x246: {  	_ =	swait.ge [sflag:s3], $0x1000  }
0x247: {  	[sflag:s3] =	ssyncset.done $0x0  }
0x248: {  	[sflag:s3] =	ssyncadd.s32 $0xFFFFF000  }
0x249: {  	_ =	swait.ge [sflag:s3], $0x1000  }
0x24a: {  	[sflag:s3] =	ssyncset.done $0x0  }
0x24b: {  	[sflag:s3] =	ssyncadd.s32 $0xFFFFF000  }
0x24c: {  	_ =	swait.ge [sflag:s3], $0x1000  }
0x24d: {  	[sflag:s3] =	ssyncset.done $0x0  }
0x24e: {  	s6 =	simm.s32 $0x16040;
	[sflag:s3] =	ssyncadd.s32 $0xFFFFF000  }
0x24f: {  	v3 =	vld [tilespmem:s6+$0x30]  }
0x250: {  	v4 =	vld [tilespmem:s6+$0xFFFFFFD0]  }
0x251: {  	v5 =	vld [tilespmem:s6+$0xFFFFFFE0]  }
0x252: {  	v6 =	vld [tilespmem:s6+$0xFFFFFFF0]  }
0x253: {  	v7 =	vld [tilespmem:s6+$0x0]  }
0x254: {  	v9 =	vld [tilespmem:s6+$0x10]  }
0x255: {  	v11 =	vld [tilespmem:s6+$0xFFFFFFC0]  }
0x256: {  	s5 =	simm.s32 $0x17040;
	v13 =	vld [tilespmem:s6+$0x20]  }
0x257: {  	s30 =	simm.s32 $0x18040;
	v16 =	vld [tilespmem:s5+$0x30]  }
0x258: {  	s31 =	simm.s32 $0x19040;
	v19 =	vld [tilespmem:s30+$0x30]  }
0x259: {  	v26 =	vld [tilespmem:s31+$0x30]  }
0x25a: {  	v53 =	vld [tilespmem:s5+$0xFFFFFFC0]  }
0x25b: {  	v54 =	vld [tilespmem:s30+$0xFFFFFFC0]  }
0x25c: {  	v55 =	vld [tilespmem:s31+$0xFFFFFFC0]  }
0x25d: {  	v57 =	vld [tilespmem:s5+$0xFFFFFFD0]  }
0x25e: {  	v58 =	vld [tilespmem:s30+$0xFFFFFFD0]  }
0x25f: {  	v59 =	vld [tilespmem:s31+$0xFFFFFFD0]  }
0x260: {  	v32 =	vld [tilespmem:s5+$0xFFFFFFE0]  }
0x261: {  	v33 =	vld [tilespmem:s30+$0xFFFFFFE0]  }
0x262: {  	v34 =	vld [tilespmem:s31+$0xFFFFFFE0]  }
0x263: {  	v37 =	vld [tilespmem:s5+$0xFFFFFFF0]  }
0x264: {  	v38 =	vld [tilespmem:s30+$0xFFFFFFF0]  }
0x265: {  	v62 =	vld [tilespmem:s31+$0xFFFFFFF0]  }
0x266: {  	v41 =	vld [tilespmem:s5+$0x0]  }
0x267: {  	v46 =	vld [tilespmem:s31+$0x0]  }
0x268: {  	v49 =	vld [tilespmem:s5+$0x10]  }
0x269: {  	s6 =	simm.s32 $0x1A040;
	v50 =	vld [tilespmem:s30+$0x10]  }
0x26a: {  	v29 =	vld [tilespmem:s6+$0x30]  }
0x26b: {  	v56 =	vld [tilespmem:s6+$0xFFFFFFC0];
	v8 =	vand.u32 $0xFFF, v3  }
0x26c: {  	v60 =	vld [tilespmem:s6+$0xFFFFFFD0];
	v12 =	vand.u32 $0xFFF, v4  }
0x26d: {  	v35 =	vld [tilespmem:s6+$0xFFFFFFE0];
	v15 =	vand.u32 $0xFFF, v5;
	v18 =	vand.u32 $0xFFF, v6;
	v10 =	vmin.u32 v8, $0xFFE  }
0x26e: {  	v40 =	vld [tilespmem:s6+$0xFFFFFFF0];
	v21 =	vand.u32 $0xFFF, v7;
	v23 =	vand.u32 $0xFFF, v11;
	v10 =	vadd.s32 $0x1, v10  }
0x26f: {  	v48 =	vld [tilespmem:s6+$0x0];
	v24 =	vand.u32 $0xFFF, v9;
	v28 =	vand.u32 $0xFFF, v13;
	v3 =	vshra.s32 v3, $0xC  }
0x270: {  	v11 =	vshra.s32 v11, $0xC;
	v4 =	vshra.s32 v4, $0xC;
	v5 =	vshra.s32 v5, $0xC;
	v8 =	vld.idx.msk [tilespmem:v8+s26+$0x0], $0xffff  }
0x271: {  	v6 =	vshra.s32 v6, $0xC;
	v7 =	vshra.s32 v7, $0xC;
	v14 =	vmin.u32 v12, $0xFFE;
	v51 =	vld.idx.msk [tilespmem:v12+s26+$0x0], $0xffff  }
0x272: {  	v9 =	vshra.s32 v9, $0xC;
	v17 =	vmin.u32 v15, $0xFFE;
	v14 =	vadd.s32 $0x1, v14;
	v52 =	vld.idx.msk [tilespmem:v15+s26+$0x0], $0xffff  }
0x273: {  	v42 =	vshra.s32 v13, $0xC;
	v20 =	vmin.u32 v18, $0xFFE;
	v17 =	vadd.s32 $0x1, v17;
	v10 =	vld.idx.msk [tilespmem:v10+s26+$0x0], $0xffff  }
0x274: {  	v22 =	vmin.u32 v21, $0xFFE;
	v25 =	vmin.u32 v23, $0xFFE;
	v20 =	vadd.s32 $0x1, v20;
	v12 =	vld.idx.msk [tilespmem:v18+s26+$0x0], $0xffff  }
0x275: {  	v27 =	vmin.u32 v24, $0xFFE;
	v30 =	vmin.u32 v28, $0xFFE;
	v22 =	vadd.s32 $0x1, v22;
	v15 =	vld.idx.msk [tilespmem:v21+s26+$0x0], $0xffff  }
0x276: {  	vm0 =	vlt.s32 v3, $0xFFE;
	vm13 =	vlt.s32 v11, $0xFFE;
	v25 =	vadd.s32 $0x1, v25;
	v18 =	vld.idx.msk [tilespmem:v28+s26+$0x0], $0xffff  }
0x277: {  	v61 =	vadd.s32 v0, v4;
	v31 =	vnsel vm0, $0xFFE, v3;
	v3 =	vadd.s32 v0, v3;
	v14 =	vld.idx.msk [tilespmem:v14+s26+$0x0], $0xffff  }
0x278: {  	vm1 =	vlt.s32 v5, $0xFFE;
	v17 =	vld.idx.msk [tilespmem:v17+s26+$0x0], $0xffff;
	v16 =	vmul.f32 v16, v8;
	v19 =	vmul.f32 v19, v10  }
0x279: {  	vm2 =	vlt.s32 v6, $0xFFE;
	vm3 =	vlt.s32 v7, $0xFFE;
	v27 =	vadd.s32 $0x1, v27;
	v20 =	vld.idx.msk [tilespmem:v20+s26+$0x0], $0xffff  }
0x27a: {  	vm4 =	vlt.s32 v9, $0xFFE;
	v30 =	vadd.s32 $0x1, v30;
	v22 =	vld.idx.msk [tilespmem:v22+s26+$0x0], $0xffff;
	v16 =	vadd.f32 v19, v16  }
0x27b: {  	s29 =	simm.s32 $0x0;
	v36 =	vnsel vm13, $0xFFE, v11;
	v11 =	vadd.s32 v0, v11;
	v43 =	vnsel vm1, $0xFFE, v5;
	v25 =	vld.idx.msk [tilespmem:v25+s26+$0x0], $0xffff  }
0x27c: {  	v44 =	vnsel vm2, $0xFFE, v6;
	v45 =	vnsel vm3, $0xFFE, v7;
	v47 =	vnsel vm4, $0xFFE, v9;
	[tilespmem:v3+s29+$0x0] =	vst.idx.add.f32.msk $0xffff, v16  }
0x27d: {  	v5 =	vadd.s32 v0, v5;
	v6 =	vadd.s32 v0, v6;
	v7 =	vadd.s32 v0, v7;
	v3 =	vld.idx.msk [tilespmem:v23+s26+$0x0], $0xffff  }
0x27e: {  	v9 =	vadd.s32 v0, v9;
	v31 =	vadd.s32 v2, v31;
	v8 =	vmul.f32 v26, v8;
	v26 =	vld.idx.msk [tilespmem:v27+s26+$0x0], $0xffff  }
0x27f: {  	v36 =	vadd.s32 v2, v36;
	v10 =	vmul.f32 v29, v10;
	v39 =	vmul.f32 v58, v14;
	v58 =	vld [tilespmem:s31+$0x20]  }
0x280: {  	v13 =	vadd.s32 v2, v43;
	v32 =	vmul.f32 v32, v52;
	v33 =	vmul.f32 v33, v17;
	v19 =	vld.idx.msk [tilespmem:v30+s26+$0x0], $0xffff  }
0x281: {  	v63 =	vmul.f32 v57, v51;
	v8 =	vadd.f32 v10, v8;
	v10 =	vmul.f32 v34, v52;
	v52 =	vld [tilespmem:s6+$0x10]  }
0x282: {  	v32 =	vadd.f32 v33, v32;
	v16 =	vld.idx.msk [tilespmem:v24+s26+$0x0], $0xffff;
	v23 =	vmul.f32 v54, v25;
	v21 =	vmul.f32 v53, v3  }
0x283: {  	v28 =	vadd.s32 v2, v47;
	v25 =	vmul.f32 v56, v25;
	v56 =	vld [tilespmem:s30+$0x20];
	v3 =	vmul.f32 v55, v3  }
0x284: {  	v57 =	vadd.s32 v0, v42;
	[tilespmem:v5+s29+$0x0] =	vst.idx.add.f32.msk $0xffff, v32;
	v21 =	vadd.f32 v23, v21  }
0x285: {  	v17 =	vmul.f32 v35, v17;
	[tilespmem:v31+s29+$0x0] =	vst.idx.add.f32.msk $0xffff, v8;
	v3 =	vadd.f32 v25, v3  }
0x286: {  	v14 =	vmul.f32 v60, v14;
	v60 =	vmul.f32 v50, v26;
	[tilespmem:v11+s29+$0x0] =	vst.idx.add.f32.msk $0xffff, v21  }
0x287: {  	vm14 =	vlt.s32 v4, $0xFFE;
	v10 =	vadd.f32 v17, v10;
	v8 =	vmul.f32 v59, v51;
	[tilespmem:v36+s29+$0x0] =	vst.idx.add.f32.msk $0xffff, v3  }
0x288: {  	v54 =	vmul.f32 v37, v12;
	v12 =	vmul.f32 v62, v12;
	v3 =	vnsel vm14, $0xFFE, v4;
	v4 =	vld [tilespmem:s30+$0x0]  }
0x289: {  	[tilespmem:v13+s29+$0x0] =	vst.idx.add.f32.msk $0xffff, v10;
	v8 =	vadd.f32 v14, v8;
	v55 =	vmul.f32 v38, v20  }
0x28a: {  	v51 =	vld [tilespmem:s31+$0x10];
	v20 =	vmul.f32 v40, v20;
	v5 =	vmul.f32 v49, v16;
	v3 =	vadd.s32 v2, v3  }
0x28b: {  	v59 =	vld [tilespmem:s6+$0x20];
	v23 =	vadd.f32 v39, v63;
	v17 =	vadd.f32 v55, v54;
	v25 =	vmul.f32 v41, v15  }
0x28c: {  	v53 =	vld [tilespmem:s5+$0x20];
	v12 =	vadd.f32 v20, v12;
	v15 =	vmul.f32 v46, v15;
	v21 =	vadd.s32 v2, v44  }
0x28d: {  	v5 =	vadd.f32 v60, v5;
	[tilespmem:v61+s29+$0x0] =	vst.idx.add.f32.msk $0xffff, v23;
	v4 =	vmul.f32 v4, v22  }
0x28e: {  	v63 =	vmul.f32 v56, v19;
	v23 =	vadd.s32 v2, v45;
	[tilespmem:v6+s29+$0x0] =	vst.idx.add.f32.msk $0xffff, v17  }
0x28f: {  	[tilespmem:v3+s29+$0x0] =	vst.idx.add.f32.msk $0xffff, v8;
	v3 =	vadd.f32 v4, v25;
	v4 =	vmul.f32 v48, v22  }
0x290: {  	v61 =	vmul.f32 v51, v16;
	v6 =	vmul.f32 v52, v26;
	[tilespmem:v9+s29+$0x0] =	vst.idx.add.f32.msk $0xffff, v5  }
0x291: {  	v62 =	vmul.f32 v53, v18;
	[tilespmem:v21+s29+$0x0] =	vst.idx.add.f32.msk $0xffff, v12;
	v4 =	vadd.f32 v4, v15  }
0x292: {  	[tilespmem:v7+s29+$0x0] =	vst.idx.add.f32.msk $0xffff, v3;
	v3 =	vadd.f32 v6, v61;
	v6 =	vmul.f32 v58, v18  }
0x293: {  	vm15 =	vlt.s32 v42, $0xFFE;
	v7 =	vadd.f32 v63, v62;
	[tilespmem:v23+s29+$0x0] =	vst.idx.add.f32.msk $0xffff, v4;
	v4 =	vmul.f32 v59, v19  }
0x294: {  	v5 =	vnsel vm15, $0xFFE, v42;
	[tilespmem:v28+s29+$0x0] =	vst.idx.add.f32.msk $0xffff, v3  }
0x295: {  	s16 =	simm.s32 $0x0;
	s7 =	simm.s32 $0x160C0;
	v3 =	vadd.s32 v2, v5;
	[tilespmem:v57+s29+$0x0] =	vst.idx.add.f32.msk $0xffff, v7;
	v4 =	vadd.f32 v4, v6  }
.LBB2_10:
0x296: {  	v5 =	vld [tilespmem:s7+$0x30]  }
0x297: {  	s16 =	sadd.s32 $0x8, s16;
	v6 =	vld [tilespmem:s7+$0xFFFFFFD0]  }
0x298: {  	p0 =	slt.u32 s16, $0xF8;
	v7 =	vld [tilespmem:s7+$0xFFFFFFE0]  }
0x299: {  	v8 =	vld [tilespmem:s7+$0xFFFFFFF0]  }
0x29a: {  	v9 =	vld [tilespmem:s7+$0x0]  }
0x29b: {  	v10 =	vld [tilespmem:s7+$0x10];
	v11 =	vand.u32 $0xFFF, v5  }
0x29c: {  	v12 =	vshra.s32 v6, $0xC;
	v6 =	vand.u32 $0xFFF, v6;
	v13 =	vld [tilespmem:s7+$0x20];
	v14 =	vmin.u32 v11, $0xFFE  }
0x29d: {  	v15 =	vld [tilespmem:s7+$0xFFFFFFC0];
	v16 =	vmin.u32 v6, $0xFFE;
	v17 =	vand.u32 $0xFFF, v7;
	v14 =	vadd.s32 $0x1, v14  }
0x29e: {  	s5 =	sadd.s32 $0x80, s5;
	v16 =	vadd.s32 $0x1, v16;
	v18 =	vmin.u32 v17, $0xFFE;
	v19 =	vand.u32 $0xFFF, v8;
	[tilespmem:v3+s29+$0x0] =	vst.idx.add.f32.msk $0xffff, v4  }
0x29f: {  	s30 =	sadd.s32 $0x80, s30;
	v3 =	vadd.s32 $0x1, v18;
	v4 =	vmin.u32 v19, $0xFFE;
	v18 =	vand.u32 $0xFFF, v9;
	v20 =	vld [tilespmem:s5+$0x30]  }
0x2a0: {  	v4 =	vadd.s32 $0x1, v4;
	v21 =	vmin.u32 v18, $0xFFE;
	v22 =	vand.u32 $0xFFF, v10;
	v23 =	vld [tilespmem:s30+$0x30]  }
0x2a1: {  	v21 =	vadd.s32 $0x1, v21;
	v24 =	vmin.u32 v22, $0xFFE;
	v25 =	vand.u32 $0xFFF, v13;
	v11 =	vld.idx.msk [tilespmem:v11+s26+$0x0], $0xffff  }
0x2a2: {  	s31 =	sadd.s32 $0x80, s31;
	v26 =	vand.u32 $0xFFF, v15;
	v24 =	vadd.s32 $0x1, v24;
	v27 =	vmin.u32 v25, $0xFFE;
	v14 =	vld.idx.msk [tilespmem:v14+s26+$0x0], $0xffff  }
0x2a3: {  	s6 =	sadd.s32 $0x80, s6;
	v15 =	vshra.s32 v15, $0xC;
	v28 =	vmin.u32 v26, $0xFFE;
	v27 =	vadd.s32 $0x1, v27;
	v29 =	vld [tilespmem:s31+$0x30]  }
0x2a4: {  	v30 =	vshra.s32 v7, $0xC;
	v31 =	vshra.s32 v8, $0xC;
	v28 =	vadd.s32 $0x1, v28;
	v7 =	vld [tilespmem:s6+$0x30]  }
0x2a5: {  	v5 =	vshra.s32 v5, $0xC;
	v32 =	vshra.s32 v9, $0xC;
	v33 =	vshra.s32 v10, $0xC;
	v16 =	vld.idx.msk [tilespmem:v16+s26+$0x0], $0xffff  }
0x2a6: {  	vm1 =	vlt.s32 v5, $0xFFE;
	v13 =	vshra.s32 v13, $0xC;
	vm0 =	vlt.s32 v15, $0xFFE;
	v34 =	vld.idx.msk [tilespmem:v3+s26+$0x0], $0xffff  }
0x2a7: {  	vm2 =	vlt.s32 v12, $0xFFE;
	v9 =	vadd.s32 v0, v5;
	v3 =	vnsel vm1, $0xFFE, v5;
	v35 =	vld.idx.msk [tilespmem:v4+s26+$0x0], $0xffff  }
0x2a8: {  	v4 =	vmul.f32 v20, v11;
	v10 =	vmul.f32 v23, v14;
	v3 =	vadd.s32 v2, v3;
	v8 =	vld.idx.msk [tilespmem:v21+s26+$0x0], $0xffff  }
0x2a9: {  	vm1 =	vlt.s32 v30, $0xFFE;
	v11 =	vmul.f32 v29, v11;
	v20 =	vld.idx.msk [tilespmem:v28+s26+$0x0], $0xffff;
	v7 =	vmul.f32 v7, v14  }
0x2aa: {  	vm3 =	vlt.s32 v31, $0xFFE;
	vm4 =	vlt.s32 v32, $0xFFE;
	v10 =	vadd.f32 v10, v4;
	v5 =	vld.idx.msk [tilespmem:v24+s26+$0x0], $0xffff  }
0x2ab: {  	vm5 =	vlt.s32 v33, $0xFFE;
	vm6 =	vlt.s32 v13, $0xFFE;
	v4 =	vld.idx.msk [tilespmem:v27+s26+$0x0], $0xffff;
	v7 =	vadd.f32 v7, v11  }
0x2ac: {  	v21 =	vnsel vm1, $0xFFE, v30;
	v14 =	vnsel vm2, $0xFFE, v12;
	v11 =	vnsel vm0, $0xFFE, v15;
	[tilespmem:v9+s29+$0x0] =	vst.idx.add.f32.msk $0xffff, v10  }
0x2ad: {  	v23 =	vnsel vm4, $0xFFE, v32;
	v24 =	vnsel vm5, $0xFFE, v33;
	v9 =	vnsel vm3, $0xFFE, v31;
	[tilespmem:v3+s29+$0x0] =	vst.idx.add.f32.msk $0xffff, v7  }
0x2ae: {  	v14 =	vadd.s32 v2, v14;
	v11 =	vadd.s32 v2, v11;
	v3 =	vnsel vm6, $0xFFE, v13;
	v26 =	vld.idx.msk [tilespmem:v26+s26+$0x0], $0xffff  }
0x2af: {  	v10 =	vadd.s32 v2, v21;
	v9 =	vadd.s32 v2, v9;
	v27 =	vld.idx.msk [tilespmem:v6+s26+$0x0], $0xffff;
	v6 =	vadd.s32 v2, v23  }
0x2b0: {  	v15 =	vadd.s32 v0, v15;
	v7 =	vadd.s32 v2, v24;
	v3 =	vadd.s32 v2, v3;
	v17 =	vld.idx.msk [tilespmem:v17+s26+$0x0], $0xffff  }
0x2b1: {  	v12 =	vadd.s32 v0, v12;
	v21 =	vadd.s32 v0, v30;
	v23 =	vadd.s32 v0, v31;
	v19 =	vld.idx.msk [tilespmem:v19+s26+$0x0], $0xffff  }
0x2b2: {  	v28 =	vadd.s32 v0, v33;
	v24 =	vadd.s32 v0, v32;
	v13 =	vadd.s32 v0, v13;
	v18 =	vld.idx.msk [tilespmem:v18+s26+$0x0], $0xffff  }
0x2b3: {  	v22 =	vld.idx.msk [tilespmem:v22+s26+$0x0], $0xffff  }
0x2b4: {  	v25 =	vld.idx.msk [tilespmem:v25+s26+$0x0], $0xffff  }
0x2b5: {  	v29 =	vld [tilespmem:s5+$0xFFFFFFC0]  }
0x2b6: {  	v30 =	vld [tilespmem:s30+$0xFFFFFFC0]  }
0x2b7: {  	v31 =	vld [tilespmem:s31+$0xFFFFFFC0]  }
0x2b8: {  	v32 =	vld [tilespmem:s6+$0xFFFFFFC0]  }
0x2b9: {  	v33 =	vld [tilespmem:s5+$0xFFFFFFD0]  }
0x2ba: {  	v29 =	vmul.f32 v29, v26;
	v36 =	vld [tilespmem:s30+$0xFFFFFFD0]  }
0x2bb: {  	v30 =	vmul.f32 v30, v20;
	v37 =	vld [tilespmem:s31+$0xFFFFFFD0]  }
0x2bc: {  	v26 =	vmul.f32 v31, v26;
	v31 =	vld [tilespmem:s6+$0xFFFFFFD0]  }
0x2bd: {  	v29 =	vadd.f32 v30, v29;
	v20 =	vmul.f32 v32, v20;
	v30 =	vld [tilespmem:s5+$0xFFFFFFE0]  }
0x2be: {  	v32 =	vmul.f32 v33, v27;
	v33 =	vld [tilespmem:s30+$0xFFFFFFE0]  }
0x2bf: {  	v20 =	vadd.f32 v20, v26;
	v26 =	vmul.f32 v36, v16;
	v36 =	vld [tilespmem:s31+$0xFFFFFFE0]  }
0x2c0: {  	v27 =	vmul.f32 v37, v27;
	v37 =	vld [tilespmem:s6+$0xFFFFFFE0]  }
0x2c1: {  	v26 =	vadd.f32 v26, v32;
	v16 =	vmul.f32 v31, v16;
	v31 =	vld [tilespmem:s5+$0xFFFFFFF0]  }
0x2c2: {  	v30 =	vmul.f32 v30, v17;
	v32 =	vld [tilespmem:s30+$0xFFFFFFF0]  }
0x2c3: {  	v16 =	vadd.f32 v16, v27;
	v27 =	vmul.f32 v33, v34;
	v33 =	vld [tilespmem:s31+$0xFFFFFFF0]  }
0x2c4: {  	v17 =	vmul.f32 v36, v17;
	v36 =	vld [tilespmem:s6+$0xFFFFFFF0]  }
0x2c5: {  	v27 =	vadd.f32 v27, v30;
	v30 =	vmul.f32 v37, v34;
	v34 =	vld [tilespmem:s5+$0x0]  }
0x2c6: {  	v31 =	vmul.f32 v31, v19;
	v37 =	vld [tilespmem:s30+$0x0]  }
0x2c7: {  	v17 =	vadd.f32 v30, v17;
	v30 =	vmul.f32 v32, v35;
	v32 =	vld [tilespmem:s31+$0x0]  }
0x2c8: {  	v19 =	vmul.f32 v33, v19;
	v33 =	vld [tilespmem:s6+$0x0]  }
0x2c9: {  	v30 =	vadd.f32 v30, v31;
	v31 =	vmul.f32 v36, v35;
	v35 =	vld [tilespmem:s5+$0x10]  }
0x2ca: {  	v34 =	vmul.f32 v34, v18;
	v36 =	vld [tilespmem:s30+$0x10]  }
0x2cb: {  	v19 =	vadd.f32 v31, v19;
	v31 =	vmul.f32 v37, v8;
	v37 =	vld [tilespmem:s31+$0x10]  }
0x2cc: {  	v18 =	vmul.f32 v32, v18;
	v32 =	vld [tilespmem:s6+$0x10]  }
0x2cd: {  	v31 =	vadd.f32 v31, v34;
	v8 =	vmul.f32 v33, v8;
	v33 =	vld [tilespmem:s5+$0x20]  }
0x2ce: {  	v34 =	vmul.f32 v35, v22;
	v35 =	vld [tilespmem:s30+$0x20]  }
0x2cf: {  	v8 =	vadd.f32 v8, v18;
	v18 =	vmul.f32 v36, v5;
	v36 =	vld [tilespmem:s31+$0x20]  }
0x2d0: {  	v22 =	vmul.f32 v37, v22;
	v37 =	vld [tilespmem:s6+$0x20]  }
0x2d1: {  	[tilespmem:v15+s29+$0x0] =	vst.idx.add.f32.msk $0xffff, v29;
	v15 =	vadd.f32 v18, v34;
	v5 =	vmul.f32 v32, v5  }
0x2d2: {  	[tilespmem:v11+s29+$0x0] =	vst.idx.add.f32.msk $0xffff, v20;
	v11 =	vmul.f32 v33, v25  }
0x2d3: {  	[tilespmem:v12+s29+$0x0] =	vst.idx.add.f32.msk $0xffff, v26;
	v5 =	vadd.f32 v5, v22;
	v12 =	vmul.f32 v35, v4  }
0x2d4: {  	[tilespmem:v14+s29+$0x0] =	vst.idx.add.f32.msk $0xffff, v16;
	v14 =	vmul.f32 v36, v25  }
0x2d5: {  	[tilespmem:v21+s29+$0x0] =	vst.idx.add.f32.msk $0xffff, v27;
	v11 =	vadd.f32 v12, v11;
	v4 =	vmul.f32 v37, v4  }
0x2d6: {  	[tilespmem:v10+s29+$0x0] =	vst.idx.add.f32.msk $0xffff, v17  }
0x2d7: {  	[tilespmem:v23+s29+$0x0] =	vst.idx.add.f32.msk $0xffff, v30;
	v4 =	vadd.f32 v4, v14  }
0x2d8: {  	[tilespmem:v9+s29+$0x0] =	vst.idx.add.f32.msk $0xffff, v19  }
.Ltmp4:
0x2d9: {  	[tilespmem:v24+s29+$0x0] =	vst.idx.add.f32.msk $0xffff, v31;
	(pc) =	sbr.rel @p0 .LBB2_10-.Ltmp4, $4  }
0x2da: {  	[tilespmem:v6+s29+$0x0] =	vst.idx.add.f32.msk $0xffff, v8  }
0x2db: {  	[tilespmem:v28+s29+$0x0] =	vst.idx.add.f32.msk $0xffff, v15  }
0x2dc: {  	[tilespmem:v7+s29+$0x0] =	vst.idx.add.f32.msk $0xffff, v5  }
0x2dd: {  	s7 =	sadd.s32 $0x80, s7;
	[tilespmem:v13+s29+$0x0] =	vst.idx.add.f32.msk $0xffff, v11  }
0x2de: {  	_ =	sdelay $0x3  }
0x2df: {  	[tilespmem:v3+s29+$0x0] =	vst.idx.add.f32.msk $0xffff, v4;
	s5 =	simm.s32 $0x0  }
0x2e0: {  	v3 =	vld [tilespmem:s5+$0x0]  }
0x2e1: {  	v4 =	vld [tilespmem:s5+$0x10]  }
0x2e2: {  	v5 =	vld [tilespmem:s5+$0x1010]  }
0x2e3: {  	v8 =	vld [tilespmem:s5+$0x2010]  }
0x2e4: {  	s6 =	sand.u32 $0xFE0, s29;
	[tilespmem:s5+$0x0] =	vst v1;
	v9 =	vld [tilespmem:s5+$0x3010]  }
0x2e5: {  	v6 =	vld [tilespmem:s6+$0x1000]  }
0x2e6: {  	v11 =	vld [tilespmem:s5+$0x4010]  }
0x2e7: {  	v7 =	vld [tilespmem:s6+$0x2000]  }
0x2e8: {  	[tilespmem:s5+$0x10] =	vst v1;
	v13 =	vld [tilespmem:s5+$0xD010]  }
0x2e9: {  	[tilespmem:s5+$0x1010] =	vst v1;
	v10 =	vld [tilespmem:s6+$0x3000];
	v4 =	vadd.f32 v5, v4  }
0x2ea: {  	[tilespmem:s5+$0x2010] =	vst v1;
	v12 =	vld [tilespmem:s6+$0x4000];
	v3 =	vadd.f32 v6, v3  }
0x2eb: {  	[tilespmem:s5+$0x3010] =	vst v1;
	v62 =	vld [tilespmem:s6+$0x8000];
	v4 =	vadd.f32 v8, v4  }
0x2ec: {  	[tilespmem:s5+$0x4010] =	vst v1;
	v5 =	vld [tilespmem:s5+$0x5010];
	v3 =	vadd.f32 v7, v3  }
0x2ed: {  	[tilespmem:s5+$0xD010] =	vst v1;
	v6 =	vld [tilespmem:s6+$0x5000];
	v4 =	vadd.f32 v9, v4  }
0x2ee: {  	[tilespmem:s6+$0x2000] =	vst v1;
	v7 =	vld [tilespmem:s5+$0x6010];
	v3 =	vadd.f32 v10, v3  }
0x2ef: {  	[tilespmem:s6+$0x1000] =	vst v1;
	v8 =	vld [tilespmem:s6+$0x6000];
	v4 =	vadd.f32 v11, v4  }
0x2f0: {  	[tilespmem:s6+$0x3000] =	vst v1;
	v9 =	vld [tilespmem:s5+$0x7010];
	v3 =	vadd.f32 v12, v3  }
0x2f1: {  	[tilespmem:s6+$0x4000] =	vst v1;
	v10 =	vld [tilespmem:s6+$0x7000];
	v4 =	vadd.f32 v5, v4  }
0x2f2: {  	[tilespmem:s6+$0x8000] =	vst v1;
	v11 =	vld [tilespmem:s5+$0x8010];
	v3 =	vadd.f32 v6, v3  }
0x2f3: {  	v63 =	vld [tilespmem:s6+$0xC000];
	[tilespmem:s6+$0xC000] =	vst v1;
	v4 =	vadd.f32 v7, v4  }
0x2f4: {  	[tilespmem:s5+$0x5010] =	vst v1;
	v5 =	vld [tilespmem:s5+$0x9010];
	v3 =	vadd.f32 v8, v3  }
0x2f5: {  	[tilespmem:s6+$0x5000] =	vst v1;
	v6 =	vld [tilespmem:s6+$0x9000];
	v4 =	vadd.f32 v9, v4  }
0x2f6: {  	[tilespmem:s6+$0x6000] =	vst v1;
	v7 =	vld [tilespmem:s5+$0xA010];
	v3 =	vadd.f32 v10, v3  }
0x2f7: {  	[tilespmem:s5+$0x6010] =	vst v1;
	v8 =	vld [tilespmem:s6+$0xA000];
	v4 =	vadd.f32 v11, v4  }
0x2f8: {  	[tilespmem:s5+$0x7010] =	vst v1;
	v9 =	vld [tilespmem:s5+$0xB010];
	v3 =	vadd.f32 v62, v3  }
0x2f9: {  	[tilespmem:s6+$0x7000] =	vst v1;
	v10 =	vld [tilespmem:s6+$0xB000];
	v4 =	vadd.f32 v5, v4  }
0x2fa: {  	[tilespmem:s5+$0x8010] =	vst v1;
	v11 =	vld [tilespmem:s5+$0xC010];
	v3 =	vadd.f32 v6, v3  }
0x2fb: {  	[tilespmem:s5+$0x9010] =	vst v1;
	v4 =	vadd.f32 v7, v4  }
0x2fc: {  	[tilespmem:s6+$0x9000] =	vst v1;
	v5 =	vadd.f32 v8, v3  }
0x2fd: {  	[tilespmem:s5+$0xA010] =	vst v1;
	v8 =	vld [tilespmem:s6+$0xD000];
	v4 =	vadd.f32 v9, v4  }
0x2fe: {  	[tilespmem:s6+$0xA000] =	vst v1;
	v3 =	vld [tilespmem:s5+$0xE010];
	v5 =	vadd.f32 v10, v5  }
0x2ff: {  	[tilespmem:s5+$0xB010] =	vst v1;
	v6 =	vld [tilespmem:s6+$0xE000];
	v7 =	vadd.f32 v11, v4  }
0x300: {  	[tilespmem:s6+$0xB000] =	vst v1;
	v4 =	vld [tilespmem:s5+$0xF010];
	v9 =	vadd.f32 v63, v5  }
0x301: {  	[tilespmem:s5+$0xC010] =	vst v1;
	v5 =	vld [tilespmem:s6+$0xF000];
	v7 =	vadd.f32 v13, v7  }
0x302: {  	s7 =	simm.s32 $0x0;
	s16 =	simm.s32 $0x80;
	[tilespmem:s5+$0xE010] =	vst v1;
	v8 =	vadd.f32 v8, v9  }
.LBB2_12:
0x303: {  	s30 =	sshra.s32 s16, $0x2;
	v3 =	vadd.f32 v3, v7;
	[tilespmem:s5+$0xF010] =	vst v1  }
0x304: {  	v7 =	vld [tilespmem:s30+$0x0];
	[tilespmem:s30+$0x0] =	vst v1;
	v6 =	vadd.f32 v6, v8  }
0x305: {  	s7 =	sadd.s32 $0x2, s7;
	s29 =	sadd.s32 $0x20, s29;
	v8 =	vld [tilespmem:s30+$0x10];
	[tilespmem:s6+$0xD000] =	vst v1;
	v3 =	vadd.f32 v4, v3  }
0x306: {  	s31 =	sand.u32 $0xFE0, s29;
	p0 =	slt.u32 s7, $0xFE;
	v4 =	vld [tilespmem:s30+$0x1010];
	[tilespmem:s6+$0xE000] =	vst v1;
	v5 =	vadd.f32 v5, v6  }
0x307: {  	v6 =	vld [tilespmem:s31+$0x1000];
	[tilespmem:s6+$0xF000] =	vst v1;
	s6 =	smov.u32 s31  }
0x308: {  	v9 =	vld [tilespmem:s30+$0x2010];
	[tilespmem:s5+$0x1B000] =	vst v5  }
0x309: {  	v5 =	vld [tilespmem:s6+$0x2000];
	[tilespmem:s6+$0x2000] =	vst v1  }
0x30a: {  	[tilespmem:s6+$0x1000] =	vst v1;
	v10 =	vld [tilespmem:s30+$0x3010]  }
0x30b: {  	v11 =	vld [tilespmem:s6+$0x3000];
	[tilespmem:s6+$0x3000] =	vst v1;
	v4 =	vadd.f32 v4, v8  }
0x30c: {  	v6 =	vadd.f32 v6, v7;
	v7 =	vld [tilespmem:s30+$0x4010];
	[tilespmem:s5+$0x1B010] =	vst v3;
	s5 =	smov.u32 s30  }
0x30d: {  	v3 =	vld [tilespmem:s6+$0x4000];
	[tilespmem:s6+$0x4000] =	vst v1;
	v4 =	vadd.f32 v9, v4  }
0x30e: {  	v5 =	vadd.f32 v5, v6;
	[tilespmem:s5+$0x10] =	vst v1;
	v6 =	vld [tilespmem:s5+$0x5010]  }
0x30f: {  	v8 =	vld [tilespmem:s6+$0x5000];
	[tilespmem:s6+$0x5000] =	vst v1;
	v4 =	vadd.f32 v10, v4  }
0x310: {  	v5 =	vadd.f32 v11, v5;
	[tilespmem:s5+$0x1010] =	vst v1;
	v9 =	vld [tilespmem:s5+$0x6010]  }
0x311: {  	v10 =	vld [tilespmem:s6+$0x6000];
	[tilespmem:s6+$0x6000] =	vst v1;
	v4 =	vadd.f32 v7, v4  }
0x312: {  	v3 =	vadd.f32 v3, v5;
	[tilespmem:s5+$0x2010] =	vst v1;
	v5 =	vld [tilespmem:s5+$0x7010]  }
0x313: {  	v7 =	vld [tilespmem:s6+$0x7000];
	[tilespmem:s6+$0x7000] =	vst v1;
	v4 =	vadd.f32 v6, v4  }
0x314: {  	v3 =	vadd.f32 v8, v3;
	[tilespmem:s5+$0x3010] =	vst v1;
	v6 =	vld [tilespmem:s5+$0x8010]  }
0x315: {  	v8 =	vld [tilespmem:s6+$0x8000];
	[tilespmem:s6+$0x8000] =	vst v1;
	v4 =	vadd.f32 v9, v4  }
0x316: {  	v3 =	vadd.f32 v10, v3;
	[tilespmem:s5+$0x4010] =	vst v1;
	v9 =	vld [tilespmem:s5+$0x9010]  }
0x317: {  	v10 =	vld [tilespmem:s6+$0x9000];
	[tilespmem:s6+$0x9000] =	vst v1;
	v4 =	vadd.f32 v5, v4  }
0x318: {  	v3 =	vadd.f32 v7, v3;
	[tilespmem:s5+$0x5010] =	vst v1;
	v5 =	vld [tilespmem:s5+$0xA010]  }
0x319: {  	v7 =	vld [tilespmem:s6+$0xA000];
	[tilespmem:s6+$0xA000] =	vst v1;
	v4 =	vadd.f32 v6, v4  }
0x31a: {  	v3 =	vadd.f32 v8, v3;
	[tilespmem:s5+$0x6010] =	vst v1;
	v6 =	vld [tilespmem:s5+$0xB010]  }
0x31b: {  	v8 =	vld [tilespmem:s6+$0xB000];
	[tilespmem:s6+$0xB000] =	vst v1;
	v4 =	vadd.f32 v9, v4  }
0x31c: {  	v3 =	vadd.f32 v10, v3;
	[tilespmem:s5+$0x7010] =	vst v1;
	v9 =	vld [tilespmem:s5+$0xC010]  }
0x31d: {  	v10 =	vld [tilespmem:s6+$0xC000];
	[tilespmem:s6+$0xC000] =	vst v1;
	v4 =	vadd.f32 v5, v4  }
0x31e: {  	v3 =	vadd.f32 v7, v3;
	[tilespmem:s5+$0x8010] =	vst v1;
	v7 =	vld [tilespmem:s5+$0xD010]  }
0x31f: {  	v11 =	vld [tilespmem:s6+$0xD000];
	[tilespmem:s5+$0x9010] =	vst v1;
	v4 =	vadd.f32 v6, v4  }
.Ltmp5:
0x320: {  	v5 =	vadd.f32 v8, v3;
	[tilespmem:s5+$0xA010] =	vst v1;
	v3 =	vld [tilespmem:s5+$0xE010];
	(pc) =	sbr.rel @p0 .LBB2_12-.Ltmp5, $4  }
0x321: {  	v6 =	vld [tilespmem:s6+$0xE000];
	[tilespmem:s5+$0xB010] =	vst v1;
	v8 =	vadd.f32 v9, v4  }
0x322: {  	v9 =	vadd.f32 v10, v5;
	[tilespmem:s5+$0xC010] =	vst v1;
	v4 =	vld [tilespmem:s5+$0xF010]  }
0x323: {  	v5 =	vld [tilespmem:s6+$0xF000];
	v7 =	vadd.f32 v7, v8;
	[tilespmem:s5+$0xD010] =	vst v1  }
0x324: {  	s16 =	sadd.s32 $0x80, s16;
	v8 =	vadd.f32 v11, v9;
	[tilespmem:s5+$0xE010] =	vst v1  }
0x325: {  	[tilespmem:s5+$0xF010] =	vst v1;
	v3 =	vadd.f32 v3, v7  }
0x326: {  	[tilespmem:s6+$0xD000] =	vst v1;
	v6 =	vadd.f32 v6, v8  }
0x327: {  	[tilespmem:s6+$0xE000] =	vst v1;
	v3 =	vadd.f32 v4, v3  }
0x328: {  	[tilespmem:s6+$0xF000] =	vst v1;
	s4 =	sadd.s32 $0x1, s4;
	v5 =	vadd.f32 v5, v6  }
0x329: {  	p0 =	sne.s32 s4, s25;
	[tilespmem:s5+$0x1B010] =	vst v3  }
.Ltmp6:
0x32a: {  	s31 =	simm.s32 $0x1B000;
	[tilespmem:s5+$0x1B000] =	vst v5;
	(pc) =	sbr.rel @p0 .LBB2_1-.Ltmp6, $4  }
0x32b: {  	[hbm4b:s24+s0] =	stream.linear.scatter [tilespmem:s31], [sflag:$0x3], $0x1000, $0x38;
	[tilespmem:$0x1C000] =	vst v63  }
0x32c: {  	_ =	swait.ge [sflag:s28], $0x1000  }
0x32d: {  	[sflag:s28] =	ssyncset.done $0x0  }
0x32e: {  	s7 =	simm.s32 $0x11000;
	[sflag:s28] =	ssyncadd.s32 $0xFFFFF000  }
0x32f: {  	_ =	sfence.sel $0x180000  }
0x330: {  	[bflag:$0x0] =	sbarrier.arrive $0xFFFF  }
0x331: {  	_ =	strace $0x9000004A  }
0x332: {  	s0 =	stileid.u32;
	[bflag:$0x2] =	sbarrier.arrive $0xFFFF  }
0x333: {  	p0 =	sne.s32 s0, $0x0;
	s0 =	rddreg [dreg:$0x2]  }
0x334: {  	s0 =	sadd.s32 @!p0 $0x100000, s0  }
0x335: {  	[sflag:s0] =	ssyncadd.tile.s32 @!p0 $0x1;
	_ =	shalt  }
.Lfunc_end2:
_tile_overlayer_lowered:
.L_overlay_start_2:
0x336: {  	(tag) =	ssettag $0x2  }
0x337: {  	s0 =	rddreg [dreg:$0x0];
	s2 =	stileid.u32  }
0x338: {  	s1 =	rddreg [dreg:$0x1];
	p0 =	sne.s32 s2, $0x0  }
0x339: {  	s3 =	rddreg [dreg:$0x2];
	[bflag:$0x3] =	sbarrier.arrive $0xFFFF;
	s2 =	simm.s32 @!p0 $0x1C03  }
0x33a: {  	[timem:s3], [sflag:s2] =	dma.local @!p0 [hbm:s0], s1  }
0x33b: {  	s0 =	simm.s32 @!p0 $0x3  }
0x33c: {  	_ =	swait.ge @!p0 [sflag:s0], s1  }
0x33d: {  	s1 =	ssub.s32 @!p0 $0x0, s1;
	[sflag:s0] =	ssyncset.done @!p0 $0x0  }
0x33e: {  	[sflag:s0] =	ssyncadd.s32 @!p0 s1  }
0x33f: {  	[bflag:$0x3] =	sbarrier.arrive $0xFFFF  }
0x340: {  	_ =	shalt  }

</sc_bundles>
